<compile_context>
chip_gen: v7x
topology: tpu7x:2x2x1
jax: 0.10.2.dev20260603
libtpu: 0.0.44.dev20260713+nightly
codegen_flags: <defaults>
</compile_context>

<pallas_src>
import functools

import jax
import jax.numpy as jnp
from jax import lax
from jax.experimental import pallas as pl
from jax.experimental.pallas import tpu as pltpu
from jax.experimental.pallas import tpu_sc as plsc

_NC = 2
_NS = 16
_CHUNK = 80
_GRP = 2


def _sc_segsum(xf, src_flat, dst_flat, zeros_rows, n_nodes, feat):
    num_edges = src_flat.shape[0]
    e_tile = num_edges // (_NC * _NS)
    n_chunks = e_tile // _CHUNK
    n_groups = n_chunks // _GRP
    n_tail = n_chunks - n_groups * _GRP
    mesh = plsc.VectorSubcoreMesh(
        core_axis_name="c", subcore_axis_name="s",
        num_cores=_NC, num_subcores=_NS)

    @functools.partial(
        pl.kernel,
        out_type=jax.ShapeDtypeStruct((_NC, n_nodes, feat), jnp.float32),
        mesh=mesh,
        scratch_types=[
            pltpu.VMEM_SHARED((n_nodes, feat), jnp.float32),
            pltpu.VMEM((4 * _GRP, _CHUNK), jnp.int32),
            pltpu.VMEM((4 * _GRP, _CHUNK), jnp.int32),
            pltpu.VMEM((2 * _GRP, _CHUNK, feat), jnp.float32),
            pltpu.SemaphoreType.DMA, pltpu.SemaphoreType.DMA,
            pltpu.SemaphoreType.DMA, pltpu.SemaphoreType.DMA,
            pltpu.SemaphoreType.DMA, pltpu.SemaphoreType.DMA,
        ],
    )
    def k(x_hbm, src_hbm, dst_hbm, z_hbm, out_hbm, agg,
          src_v, dst_v, bufs, isem0, isem1, gsem0, gsem1, ssem0, ssem1):
        c = lax.axis_index("c")
        s = lax.axis_index("s")
        base = (c * _NS + s) * e_tile

        def fetch_idx(g, isem):
            r = (g % 4) * _GRP
            for b in range(_GRP):
                off = base + (g * _GRP + b) * _CHUNK
                pltpu.async_copy(src_hbm.at[pl.ds(off, _CHUNK)],
                                 src_v.at[r + b], isem)
                pltpu.async_copy(dst_hbm.at[pl.ds(off, _CHUNK)],
                                 dst_v.at[r + b], isem)

        def wait_idx(g, isem):
            r = (g % 4) * _GRP
            for b in range(_GRP):
                pltpu.make_async_copy(src_hbm.at[pl.ds(base, _CHUNK)],
                                      src_v.at[r + b], isem).wait()
                pltpu.make_async_copy(dst_hbm.at[pl.ds(base, _CHUNK)],
                                      dst_v.at[r + b], isem).wait()

        def fire_rows(g, gsem):
            ri = (g % 4) * _GRP
            rb = (g % 2) * _GRP
            for b in range(_GRP):
                pltpu.async_copy(x_hbm.at[src_v.at[ri + b]],
                                 bufs.at[rb + b], gsem)

        def wait_rows(g, gsem):
            ri = (g % 4) * _GRP
            rb = (g % 2) * _GRP
            for b in range(_GRP):
                pltpu.make_async_copy(x_hbm.at[src_v.at[ri + b]],
                                      bufs.at[rb + b], gsem).wait()

        def fire_scatters(g, ssem):
            ri = (g % 4) * _GRP
            rb = (g % 2) * _GRP
            for b in range(_GRP):
                pltpu.async_copy(bufs.at[rb + b],
                                 agg.at[dst_v.at[ri + b]], ssem, add=True)

        def wait_scatters(g, ssem):
            ri = (g % 4) * _GRP
            rb = (g % 2) * _GRP
            for b in range(_GRP):
                pltpu.make_async_copy(bufs.at[rb + b],
                                      agg.at[dst_v.at[ri + b]], ssem).wait()

        fetch_idx(0, isem0)
        fetch_idx(1, isem1)

        @pl.when(s < n_nodes // 1000)
        def _zero():
            zbase = pl.multiple_of(s * 1000, 8)
            pltpu.sync_copy(z_hbm, agg.at[pl.ds(zbase, 1000)])

        wait_idx(0, isem0)
        fire_rows(0, gsem0)
        plsc.subcore_barrier()

        def group_body(g, carry):
            def run(gsem, ssem, gsem_o, ssem_o, isem_n, isem_n2):
                wait_rows(g, gsem)
                fire_scatters(g, ssem)

                @pl.when(g >= 1)
                def _free_other():
                    wait_scatters(g - 1, ssem_o)

                @pl.when(g + 1 < n_groups)
                def _next_rows():
                    wait_idx(g + 1, isem_n)
                    fire_rows(g + 1, gsem_o)

                @pl.when(g + 2 < n_groups)
                def _next_idx():
                    fetch_idx(g + 2, isem_n2)

            @pl.when(g % 2 == 0)
            def _even():
                run(gsem0, ssem0, gsem1, ssem1, isem1, isem0)

            @pl.when(g % 2 == 1)
            def _odd():
                run(gsem1, ssem1, gsem0, ssem0, isem0, isem1)

            return carry

        lax.fori_loop(0, n_groups, group_body, 0)
        last = n_groups - 1
        wait_scatters(last, ssem1 if last % 2 == 1 else ssem0)
        for t in range(n_tail):
            off = base + (n_groups * _GRP + t) * _CHUNK
            pltpu.sync_copy(src_hbm.at[pl.ds(off, _CHUNK)], src_v.at[0])
            pltpu.sync_copy(dst_hbm.at[pl.ds(off, _CHUNK)], dst_v.at[0])
            pltpu.sync_copy(x_hbm.at[src_v.at[0]], bufs.at[0])
            pltpu.sync_copy(bufs.at[0], agg.at[dst_v.at[0]], add=True)
        plsc.subcore_barrier()

        @pl.when(s < n_nodes // 1000)
        def _writeback():
            wbase = pl.multiple_of(s * 1000, 8)
            pltpu.sync_copy(agg.at[pl.ds(wbase, 1000)],
                            out_hbm.at[c, pl.ds(wbase, 1000)])

    return k(xf, src_flat, dst_flat, zeros_rows)


def _tc_root(h, w_root_t, bias, blk=1000):
    n, feat = h.shape

    def body(h_ref, w_ref, b_ref, o_ref):
        o_ref[...] = jnp.dot(h_ref[...], w_ref[...],
                             preferred_element_type=jnp.float32) + b_ref[...]

    return pl.pallas_call(
        body,
        grid=(n // blk,),
        in_specs=[
            pl.BlockSpec((blk, feat), lambda i: (i, 0)),
            pl.BlockSpec((feat, feat), lambda i: (0, 0)),
            pl.BlockSpec((1, feat), lambda i: (0, 0)),
        ],
        out_specs=pl.BlockSpec((blk, feat), lambda i: (i, 0)),
        out_shape=jax.ShapeDtypeStruct((n, feat), jnp.float32),
    )(h, w_root_t, bias.reshape(1, feat))


def _tc_combine(agg2, r, w_rel_t, blk=1000):
    n, feat = r.shape

    def body(a0_ref, a1_ref, r_ref, w_ref, o_ref):
        acc = jnp.dot(a0_ref[0] + a1_ref[0], w_ref[...],
                      preferred_element_type=jnp.float32)
        o_ref[...] = jnp.maximum(acc + r_ref[...], 0.0)

    return pl.pallas_call(
        body,
        grid=(n // blk,),
        in_specs=[
            pl.BlockSpec((1, blk, feat), lambda i: (0, i, 0)),
            pl.BlockSpec((1, blk, feat), lambda i: (1, i, 0)),
            pl.BlockSpec((blk, feat), lambda i: (i, 0)),
            pl.BlockSpec((feat, feat), lambda i: (0, 0)),
        ],
        out_specs=pl.BlockSpec((blk, feat), lambda i: (i, 0)),
        out_shape=jax.ShapeDtypeStruct((n, feat), jnp.float32),
    )(agg2, agg2, r, w_rel_t)


def _tc_combine_pool_linear(agg2, r, w_rel_t, batch_r, w_lin_t_pad, b_lin_pad,
                            num_graphs, blk=1000):
    n, feat = r.shape
    nblk = n // blk

    def body(a0_ref, a1_ref, r_ref, w_ref, bid_ref, wl_ref, bl_ref,
             o_ref, sums, counts):
        i = pl.program_id(0)

        @pl.when(i == 0)
        def _init():
            sums[...] = jnp.zeros_like(sums)
            counts[...] = jnp.zeros_like(counts)

        h_blk = jnp.dot(a0_ref[0] + a1_ref[0], w_ref[...],
                        preferred_element_type=jnp.float32) + r_ref[...]

        bid = bid_ref[0]
        gids = lax.broadcasted_iota(jnp.int32, (num_graphs, blk), 0)
        onehot_t = (gids == bid).astype(jnp.float32)
        sums[...] += lax.dot_general(
            onehot_t, h_blk, (((1,), (0,)), ((), ())),
            preferred_element_type=jnp.float32)
        counts[...] += lax.dot_general(
            onehot_t, jnp.ones((blk, 8), jnp.float32),
            (((1,), (0,)), ((), ())), preferred_element_type=jnp.float32)

        @pl.when(i == nblk - 1)
        def _fin():
            mean = sums[...] / jnp.maximum(counts[...][:, 0:1], 1.0)
            o_ref[...] = jnp.dot(mean, wl_ref[...],
                                 preferred_element_type=jnp.float32) + bl_ref[...]

    return pl.pallas_call(
        body,
        grid=(nblk,),
        in_specs=[
            pl.BlockSpec((1, blk, feat), lambda i: (0, i, 0)),
            pl.BlockSpec((1, blk, feat), lambda i: (1, i, 0)),
            pl.BlockSpec((blk, feat), lambda i: (i, 0)),
            pl.BlockSpec((feat, feat), lambda i: (0, 0)),
            pl.BlockSpec((1, 1, blk), lambda i: (i, 0, 0)),
            pl.BlockSpec((feat, feat), lambda i: (0, 0)),
            pl.BlockSpec((1, feat), lambda i: (0, 0)),
        ],
        out_specs=pl.BlockSpec((num_graphs, feat), lambda i: (0, 0)),
        out_shape=jax.ShapeDtypeStruct((num_graphs, feat), jnp.float32),
        scratch_shapes=[
            pltpu.VMEM((num_graphs, feat), jnp.float32),
            pltpu.VMEM((num_graphs, 8), jnp.float32),
        ],
    )(agg2, agg2, r, w_rel_t, batch_r, w_lin_t_pad, b_lin_pad.reshape(1, feat))


def kernel(x, edge_index, edge_attr, batch, W1_rel, b1_rel, W1_root,
           W2_rel, b2_rel, W2_root, W3_rel, b3_rel, W3_root, W_lin, b_lin):
    del edge_attr
    n, feat = x.shape
    num_graphs = 512
    n_classes = W_lin.shape[0]

    src_flat = edge_index[0]
    dst_flat = edge_index[1]
    zeros_rows = jnp.zeros((1000, feat), jnp.float32)
    batch_r = batch.reshape(n // 1000, 1, 1000)

    w_lin_t_pad = jnp.zeros((feat, feat), jnp.float32).at[:, :n_classes].set(W_lin.T)
    b_lin_pad = jnp.zeros((feat,), jnp.float32).at[:n_classes].set(b_lin)

    h = x
    for w_rel, b_rel, w_root, layer in (
            (W1_rel, b1_rel, W1_root, 1),
            (W2_rel, b2_rel, W2_root, 2),
            (W3_rel, b3_rel, W3_root, 3)):
        r = _tc_root(h, w_root.T, b_rel)
        agg2 = _sc_segsum(h, src_flat, dst_flat, zeros_rows, n, feat)
        if layer < 3:
            h = _tc_combine(agg2, r, w_rel.T)
        else:
            pooled = _tc_combine_pool_linear(
                agg2, r, w_rel.T, batch_r, w_lin_t_pad, b_lin_pad, num_graphs)

    return pooled[:, :n_classes]

# --- scband reference (transcript-rebuilt; emitter-appended) ---
"""Pipeline reference for scband-gnn-14431090114715 (READ-ONLY COPY).

The authoritative reference and input builder live on the scoring server;
editing this copy changes nothing except your own understanding.
"""

import jax, jax.numpy as jnp
import numpy as np

N = 10000
E = 320000
D = 128
H = 128
C = 10
G = 512


def setup_inputs(seed: int = 0) -> dict:
    key = jax.random.key(seed)
    ks = jax.random.split(key, 16)
    s = 1.0 / np.sqrt(D)
    inp = {
        'x': jax.random.normal(ks[0], (N, D), dtype=jnp.float32),
        'edge_index': jax.random.randint(ks[1], (2, E), 0, N, dtype=jnp.int32),
        'edge_attr': jax.random.normal(ks[2], (E, 4), dtype=jnp.float32),
        'batch': jnp.sort(jax.random.randint(ks[3], (N,), 0, G, dtype=jnp.int32)),
        'W1_rel': jax.random.normal(ks[4], (H, D), dtype=jnp.float32) * s,
        'b1_rel': jnp.zeros((H,), dtype=jnp.float32),
        'W1_root': jax.random.normal(ks[5], (H, D), dtype=jnp.float32) * s,
        'W2_rel': jax.random.normal(ks[6], (H, H), dtype=jnp.float32) * s,
        'b2_rel': jnp.zeros((H,), dtype=jnp.float32),
        'W2_root': jax.random.normal(ks[7], (H, H), dtype=jnp.float32) * s,
        'W3_rel': jax.random.normal(ks[8], (H, H), dtype=jnp.float32) * s,
        'b3_rel': jnp.zeros((H,), dtype=jnp.float32),
        'W3_root': jax.random.normal(ks[9], (H, H), dtype=jnp.float32) * s,
        'W_lin': jax.random.normal(ks[10], (C, H), dtype=jnp.float32) * s,
        'b_lin': jnp.zeros((C,), dtype=jnp.float32),
    }
    return inp


def _graph_conv(x, edge_index, W_rel, b_rel, W_root):
    # PyG GraphConv (aggr='add'): out_i = W_rel @ (sum_{j in N(i)} x_j) + b_rel + W_root @ x_i
    src = edge_index[0]
    dst = edge_index[1]
    msg = jnp.take(x, src, axis=0)
    agg = jax.ops.segment_sum(msg, dst, num_segments=x.shape[0])
    return agg @ W_rel.T + b_rel + x @ W_root.T


def _global_mean_pool(x, batch, num_graphs):
    sums = jax.ops.segment_sum(x, batch, num_segments=num_graphs)
    counts = jax.ops.segment_sum(jnp.ones((x.shape[0],), dtype=x.dtype), batch, num_segments=num_graphs)
    return sums / jnp.maximum(counts, 1.0)[:, None]


def reference(x, edge_index, edge_attr, batch, W1_rel, b1_rel, W1_root, W2_rel, b2_rel, W2_root, W3_rel, b3_rel, W3_root, W_lin, b_lin):
    h = _graph_conv(x, edge_index, W1_rel, b1_rel, W1_root)
    h = jax.nn.relu(h)
    h = _graph_conv(h, edge_index, W2_rel, b2_rel, W2_root)
    h = jax.nn.relu(h)
    h = _graph_conv(h, edge_index, W3_rel, b3_rel, W3_root)
    h = _global_mean_pool(h, batch, G)
    # dropout in eval mode (identity)
    out = h @ W_lin.T + b_lin
    return out

if __name__ == "__main__":
    import jax
    _d = setup_inputs()
    print(jax.jit(kernel)(*tuple(_d.values())))

</pallas_src>

<mosaic_0001>
#map = affine_map<(d0, d1) -> (0, 0)>
#map1 = affine_map<(d0, d1) -> (0)>
#map2 = affine_map<(d0, d1) -> (0, 0, 0)>
module attributes {stable_mosaic.version = 14 : i64} {
  func.func @k(%arg0: i32, %arg1: i32, %arg2: memref<10000x128xf32, #tpu.memory_space<hbm>>, %arg3: memref<320000xi32, #tpu.memory_space<hbm>>, %arg4: memref<320000xi32, #tpu.memory_space<hbm>>, %arg5: memref<1000x128xf32, #tpu.memory_space<hbm>>, %arg6: memref<2x10000x128xf32, #tpu.memory_space<hbm>>, %arg7: memref<10000x128xf32, #tpu.memory_space<vmem_shared>>, %arg8: memref<8x80xi32, #tpu.memory_space<vmem>>, %arg9: memref<8x80xi32, #tpu.memory_space<vmem>>, %arg10: memref<4x80x128xf32, #tpu.memory_space<vmem>>, %arg11: memref<!tpu.dma_semaphore, #tpu.memory_space<semaphore_mem>>, %arg12: memref<!tpu.dma_semaphore, #tpu.memory_space<semaphore_mem>>, %arg13: memref<!tpu.dma_semaphore, #tpu.memory_space<semaphore_mem>>, %arg14: memref<!tpu.dma_semaphore, #tpu.memory_space<semaphore_mem>>, %arg15: memref<!tpu.dma_semaphore, #tpu.memory_space<semaphore_mem>>, %arg16: memref<!tpu.dma_semaphore, #tpu.memory_space<semaphore_mem>>) attributes {dimension_semantics = [#tpu.dimension_semantics<core_parallel>, #tpu.dimension_semantics<subcore_parallel>], iteration_bounds = array<i64: 2, 16>, scalar_prefetch = 0 : i64, scratch_operands = 10 : i64, tpu.core_type = #tpu.core_type<sc_vector_subcore>, window_params = [{transform_indices = #map}, {transform_indices = #map1}, {transform_indices = #map1}, {transform_indices = #map}, {transform_indices = #map2}]} {
    %mul3A = arith.constant 16 : i32
    %mul3A_0 = arith.muli %arg0, %mul3A : i32
    %add3A = arith.addi %mul3A_0, %arg1 : i32
    %mul3A_1 = arith.constant 10000 : i32
    %mul3A_2 = arith.muli %add3A, %mul3A_1 : i32
    %add3A_3 = arith.constant 0 : i32
    %add3A_4 = arith.addi %mul3A_2, %add3A_3 : i32
    %dma_start3A = arith.constant 0 : i32
    %dma_start3A_5 = arith.constant 0 : i32
    %dma_start3A_6 = tpu.memref_slice %arg8[%dma_start3A, %dma_start3A_5] : memref<8x80xi32, #tpu.memory_space<vmem>> -> memref<1x80xi32, #tpu.memory_space<vmem>>
    %dma_start3A_7 = tpu.memref_squeeze %dma_start3A_6 : memref<1x80xi32, #tpu.memory_space<vmem>> -> memref<80xi32, #tpu.memory_space<vmem>>
    %dma_start3A_8 = tpu.memref_slice %arg3[%add3A_4] : memref<320000xi32, #tpu.memory_space<hbm>> -> memref<80xi32, #tpu.memory_space<hbm>>
    %dma_start3A_9 = arith.constant 0 : i32
    %dma_start3A_10 = tpu.memref_slice %arg8[%dma_start3A, %dma_start3A_9] : memref<8x80xi32, #tpu.memory_space<vmem>> -> memref<1x80xi32, #tpu.memory_space<vmem>>
    %dma_start3A_11 = tpu.memref_squeeze %dma_start3A_10 : memref<1x80xi32, #tpu.memory_space<vmem>> -> memref<80xi32, #tpu.memory_space<vmem>>
    %dma_start3A_12 = tpu.memref_slice %arg3[%add3A_4] : memref<320000xi32, #tpu.memory_space<hbm>> -> memref<80xi32, #tpu.memory_space<hbm>>
    tpu.enqueue_dma source(%dma_start3A_12 : memref<80xi32, #tpu.memory_space<hbm>>) target(%dma_start3A_11 : memref<80xi32, #tpu.memory_space<vmem>>) target_semaphore(%arg11 : memref<!tpu.dma_semaphore, #tpu.memory_space<semaphore_mem>>)
    %dma_start3A_13 = arith.constant 0 : i32
    %dma_start3A_14 = arith.constant 0 : i32
    %dma_start3A_15 = tpu.memref_slice %arg9[%dma_start3A_13, %dma_start3A_14] : memref<8x80xi32, #tpu.memory_space<vmem>> -> memref<1x80xi32, #tpu.memory_space<vmem>>
    %dma_start3A_16 = tpu.memref_squeeze %dma_start3A_15 : memref<1x80xi32, #tpu.memory_space<vmem>> -> memref<80xi32, #tpu.memory_space<vmem>>
    %dma_start3A_17 = tpu.memref_slice %arg4[%add3A_4] : memref<320000xi32, #tpu.memory_space<hbm>> -> memref<80xi32, #tpu.memory_space<hbm>>
    %dma_start3A_18 = arith.constant 0 : i32
    %dma_start3A_19 = tpu.memref_slice %arg9[%dma_start3A_13, %dma_start3A_18] : memref<8x80xi32, #tpu.memory_space<vmem>> -> memref<1x80xi32, #tpu.memory_space<vmem>>
    %dma_start3A_20 = tpu.memref_squeeze %dma_start3A_19 : memref<1x80xi32, #tpu.memory_space<vmem>> -> memref<80xi32, #tpu.memory_space<vmem>>
    %dma_start3A_21 = tpu.memref_slice %arg4[%add3A_4] : memref<320000xi32, #tpu.memory_space<hbm>> -> memref<80xi32, #tpu.memory_space<hbm>>
    tpu.enqueue_dma source(%dma_start3A_21 : memref<80xi32, #tpu.memory_space<hbm>>) target(%dma_start3A_20 : memref<80xi32, #tpu.memory_space<vmem>>) target_semaphore(%arg11 : memref<!tpu.dma_semaphore, #tpu.memory_space<semaphore_mem>>)
    %add3A_22 = arith.constant 80 : i32
    %add3A_23 = arith.addi %mul3A_2, %add3A_22 : i32
    %dma_start3A_24 = arith.constant 1 : i32
    %dma_start3A_25 = arith.constant 0 : i32
    %dma_start3A_26 = tpu.memref_slice %arg8[%dma_start3A_24, %dma_start3A_25] : memref<8x80xi32, #tpu.memory_space<vmem>> -> memref<1x80xi32, #tpu.memory_space<vmem>>
    %dma_start3A_27 = tpu.memref_squeeze %dma_start3A_26 : memref<1x80xi32, #tpu.memory_space<vmem>> -> memref<80xi32, #tpu.memory_space<vmem>>
    %dma_start3A_28 = tpu.memref_slice %arg3[%add3A_23] : memref<320000xi32, #tpu.memory_space<hbm>> -> memref<80xi32, #tpu.memory_space<hbm>>
    %dma_start3A_29 = arith.constant 0 : i32
    %dma_start3A_30 = tpu.memref_slice %arg8[%dma_start3A_24, %dma_start3A_29] : memref<8x80xi32, #tpu.memory_space<vmem>> -> memref<1x80xi32, #tpu.memory_space<vmem>>
    %dma_start3A_31 = tpu.memref_squeeze %dma_start3A_30 : memref<1x80xi32, #tpu.memory_space<vmem>> -> memref<80xi32, #tpu.memory_space<vmem>>
    %dma_start3A_32 = tpu.memref_slice %arg3[%add3A_23] : memref<320000xi32, #tpu.memory_space<hbm>> -> memref<80xi32, #tpu.memory_space<hbm>>
    tpu.enqueue_dma source(%dma_start3A_32 : memref<80xi32, #tpu.memory_space<hbm>>) target(%dma_start3A_31 : memref<80xi32, #tpu.memory_space<vmem>>) target_semaphore(%arg11 : memref<!tpu.dma_semaphore, #tpu.memory_space<semaphore_mem>>)
    %dma_start3A_33 = arith.constant 1 : i32
    %dma_start3A_34 = arith.constant 0 : i32
    %dma_start3A_35 = tpu.memref_slice %arg9[%dma_start3A_33, %dma_start3A_34] : memref<8x80xi32, #tpu.memory_space<vmem>> -> memref<1x80xi32, #tpu.memory_space<vmem>>
    %dma_start3A_36 = tpu.memref_squeeze %dma_start3A_35 : memref<1x80xi32, #tpu.memory_space<vmem>> -> memref<80xi32, #tpu.memory_space<vmem>>
    %dma_start3A_37 = tpu.memref_slice %arg4[%add3A_23] : memref<320000xi32, #tpu.memory_space<hbm>> -> memref<80xi32, #tpu.memory_space<hbm>>
    %dma_start3A_38 = arith.constant 0 : i32
    %dma_start3A_39 = tpu.memref_slice %arg9[%dma_start3A_33, %dma_start3A_38] : memref<8x80xi32, #tpu.memory_space<vmem>> -> memref<1x80xi32, #tpu.memory_space<vmem>>
    %dma_start3A_40 = tpu.memref_squeeze %dma_start3A_39 : memref<1x80xi32, #tpu.memory_space<vmem>> -> memref<80xi32, #tpu.memory_space<vmem>>
    %dma_start3A_41 = tpu.memref_slice %arg4[%add3A_23] : memref<320000xi32, #tpu.memory_space<hbm>> -> memref<80xi32, #tpu.memory_space<hbm>>
    tpu.enqueue_dma source(%dma_start3A_41 : memref<80xi32, #tpu.memory_space<hbm>>) target(%dma_start3A_40 : memref<80xi32, #tpu.memory_space<vmem>>) target_semaphore(%arg11 : memref<!tpu.dma_semaphore, #tpu.memory_space<semaphore_mem>>)
    %add3A_42 = arith.constant 160 : i32
    %add3A_43 = arith.addi %mul3A_2, %add3A_42 : i32
    %dma_start3A_44 = arith.constant 2 : i32
    %dma_start3A_45 = arith.constant 0 : i32
    %dma_start3A_46 = tpu.memref_slice %arg8[%dma_start3A_44, %dma_start3A_45] : memref<8x80xi32, #tpu.memory_space<vmem>> -> memref<1x80xi32, #tpu.memory_space<vmem>>
    %dma_start3A_47 = tpu.memref_squeeze %dma_start3A_46 : memref<1x80xi32, #tpu.memory_space<vmem>> -> memref<80xi32, #tpu.memory_space<vmem>>
    %dma_start3A_48 = tpu.memref_slice %arg3[%add3A_43] : memref<320000xi32, #tpu.memory_space<hbm>> -> memref<80xi32, #tpu.memory_space<hbm>>
    %dma_start3A_49 = arith.constant 0 : i32
    %dma_start3A_50 = tpu.memref_slice %arg8[%dma_start3A_44, %dma_start3A_49] : memref<8x80xi32, #tpu.memory_space<vmem>> -> memref<1x80xi32, #tpu.memory_space<vmem>>
    %dma_start3A_51 = tpu.memref_squeeze %dma_start3A_50 : memref<1x80xi32, #tpu.memory_space<vmem>> -> memref<80xi32, #tpu.memory_space<vmem>>
    %dma_start3A_52 = tpu.memref_slice %arg3[%add3A_43] : memref<320000xi32, #tpu.memory_space<hbm>> -> memref<80xi32, #tpu.memory_space<hbm>>
    tpu.enqueue_dma source(%dma_start3A_52 : memref<80xi32, #tpu.memory_space<hbm>>) target(%dma_start3A_51 : memref<80xi32, #tpu.memory_space<vmem>>) target_semaphore(%arg12 : memref<!tpu.dma_semaphore, #tpu.memory_space<semaphore_mem>>)
    %dma_start3A_53 = arith.constant 2 : i32
    %dma_start3A_54 = arith.constant 0 : i32
    %dma_start3A_55 = tpu.memref_slice %arg9[%dma_start3A_53, %dma_start3A_54] : memref<8x80xi32, #tpu.memory_space<vmem>> -> memref<1x80xi32, #tpu.memory_space<vmem>>
    %dma_start3A_56 = tpu.memref_squeeze %dma_start3A_55 : memref<1x80xi32, #tpu.memory_space<vmem>> -> memref<80xi32, #tpu.memory_space<vmem>>
    %dma_start3A_57 = tpu.memref_slice %arg4[%add3A_43] : memref<320000xi32, #tpu.memory_space<hbm>> -> memref<80xi32, #tpu.memory_space<hbm>>
    %dma_start3A_58 = arith.constant 0 : i32
    %dma_start3A_59 = tpu.memref_slice %arg9[%dma_start3A_53, %dma_start3A_58] : memref<8x80xi32, #tpu.memory_space<vmem>> -> memref<1x80xi32, #tpu.memory_space<vmem>>
    %dma_start3A_60 = tpu.memref_squeeze %dma_start3A_59 : memref<1x80xi32, #tpu.memory_space<vmem>> -> memref<80xi32, #tpu.memory_space<vmem>>
    %dma_start3A_61 = tpu.memref_slice %arg4[%add3A_43] : memref<320000xi32, #tpu.memory_space<hbm>> -> memref<80xi32, #tpu.memory_space<hbm>>
    tpu.enqueue_dma source(%dma_start3A_61 : memref<80xi32, #tpu.memory_space<hbm>>) target(%dma_start3A_60 : memref<80xi32, #tpu.memory_space<vmem>>) target_semaphore(%arg12 : memref<!tpu.dma_semaphore, #tpu.memory_space<semaphore_mem>>)
    %add3A_62 = arith.constant 240 : i32
    %add3A_63 = arith.addi %mul3A_2, %add3A_62 : i32
    %dma_start3A_64 = arith.constant 3 : i32
    %dma_start3A_65 = arith.constant 0 : i32
    %dma_start3A_66 = tpu.memref_slice %arg8[%dma_start3A_64, %dma_start3A_65] : memref<8x80xi32, #tpu.memory_space<vmem>> -> memref<1x80xi32, #tpu.memory_space<vmem>>
    %dma_start3A_67 = tpu.memref_squeeze %dma_start3A_66 : memref<1x80xi32, #tpu.memory_space<vmem>> -> memref<80xi32, #tpu.memory_space<vmem>>
    %dma_start3A_68 = tpu.memref_slice %arg3[%add3A_63] : memref<320000xi32, #tpu.memory_space<hbm>> -> memref<80xi32, #tpu.memory_space<hbm>>
    %dma_start3A_69 = arith.constant 0 : i32
    %dma_start3A_70 = tpu.memref_slice %arg8[%dma_start3A_64, %dma_start3A_69] : memref<8x80xi32, #tpu.memory_space<vmem>> -> memref<1x80xi32, #tpu.memory_space<vmem>>
    %dma_start3A_71 = tpu.memref_squeeze %dma_start3A_70 : memref<1x80xi32, #tpu.memory_space<vmem>> -> memref<80xi32, #tpu.memory_space<vmem>>
    %dma_start3A_72 = tpu.memref_slice %arg3[%add3A_63] : memref<320000xi32, #tpu.memory_space<hbm>> -> memref<80xi32, #tpu.memory_space<hbm>>
    tpu.enqueue_dma source(%dma_start3A_72 : memref<80xi32, #tpu.memory_space<hbm>>) target(%dma_start3A_71 : memref<80xi32, #tpu.memory_space<vmem>>) target_semaphore(%arg12 : memref<!tpu.dma_semaphore, #tpu.memory_space<semaphore_mem>>)
    %dma_start3A_73 = arith.constant 3 : i32
    %dma_start3A_74 = arith.constant 0 : i32
    %dma_start3A_75 = tpu.memref_slice %arg9[%dma_start3A_73, %dma_start3A_74] : memref<8x80xi32, #tpu.memory_space<vmem>> -> memref<1x80xi32, #tpu.memory_space<vmem>>
    %dma_start3A_76 = tpu.memref_squeeze %dma_start3A_75 : memref<1x80xi32, #tpu.memory_space<vmem>> -> memref<80xi32, #tpu.memory_space<vmem>>
    %dma_start3A_77 = tpu.memref_slice %arg4[%add3A_63] : memref<320000xi32, #tpu.memory_space<hbm>> -> memref<80xi32, #tpu.memory_space<hbm>>
    %dma_start3A_78 = arith.constant 0 : i32
    %dma_start3A_79 = tpu.memref_slice %arg9[%dma_start3A_73, %dma_start3A_78] : memref<8x80xi32, #tpu.memory_space<vmem>> -> memref<1x80xi32, #tpu.memory_space<vmem>>
    %dma_start3A_80 = tpu.memref_squeeze %dma_start3A_79 : memref<1x80xi32, #tpu.memory_space<vmem>> -> memref<80xi32, #tpu.memory_space<vmem>>
    %dma_start3A_81 = tpu.memref_slice %arg4[%add3A_63] : memref<320000xi32, #tpu.memory_space<hbm>> -> memref<80xi32, #tpu.memory_space<hbm>>
    tpu.enqueue_dma source(%dma_start3A_81 : memref<80xi32, #tpu.memory_space<hbm>>) target(%dma_start3A_80 : memref<80xi32, #tpu.memory_space<vmem>>) target_semaphore(%arg12 : memref<!tpu.dma_semaphore, #tpu.memory_space<semaphore_mem>>)
    %lt3A = arith.constant 10 : i32
    %lt3A_82 = arith.cmpi slt, %arg1, %lt3A : i32
    %convert_element_type3A = arith.extui %lt3A_82 : i1 to i32
    %cond3A = arith.constant 0 : i32
    %cond3A_83 = arith.cmpi ne, %convert_element_type3A, %cond3A : i32
    scf.if %cond3A_83 {
      %mul3A_185 = arith.constant 1000 : i32
      %mul3A_186 = arith.muli %arg1, %mul3A_185 : i32
      %multiple_of3A = tpu.assume_multiple %mul3A_186, 8 : i32
      "tpu.region"() ({
        %run_scoped3A_187 = tpu.sem_alloc : memref<!tpu.dma_semaphore, #tpu.memory_space<semaphore_mem>>
        %dma_start3A_188 = arith.constant 0 : i32
        %dma_start3A_189 = tpu.memref_slice %arg7[%multiple_of3A, %dma_start3A_188] : memref<10000x128xf32, #tpu.memory_space<vmem_shared>> -> memref<1000x128xf32, #tpu.memory_space<vmem_shared>>
        tpu.enqueue_dma source(%arg5 : memref<1000x128xf32, #tpu.memory_space<hbm>>) target(%dma_start3A_189 : memref<1000x128xf32, #tpu.memory_space<vmem_shared>>) target_semaphore(%run_scoped3A_187 : memref<!tpu.dma_semaphore, #tpu.memory_space<semaphore_mem>>)
        %dma_wait3A_190 = arith.constant 0 : i32
        %dma_wait3A_191 = tpu.memref_slice %arg7[%multiple_of3A, %dma_wait3A_190] : memref<10000x128xf32, #tpu.memory_space<vmem_shared>> -> memref<1000x128xf32, #tpu.memory_space<vmem_shared>>
        tpu.wait_dma2 semaphore(%run_scoped3A_187 : memref<!tpu.dma_semaphore, #tpu.memory_space<semaphore_mem>>) src(%arg5 : memref<1000x128xf32, #tpu.memory_space<hbm>>) dst(%dma_wait3A_191 : memref<1000x128xf32, #tpu.memory_space<vmem_shared>>)
        tpu.yield
      }) : () -> ()
    } else {
    }
    %dma_wait3A = arith.constant 0 : i32
    %dma_wait3A_84 = arith.constant 0 : i32
    %dma_wait3A_85 = tpu.memref_slice %arg8[%dma_wait3A, %dma_wait3A_84] : memref<8x80xi32, #tpu.memory_space<vmem>> -> memref<1x80xi32, #tpu.memory_space<vmem>>
    %dma_wait3A_86 = tpu.memref_squeeze %dma_wait3A_85 : memref<1x80xi32, #tpu.memory_space<vmem>> -> memref<80xi32, #tpu.memory_space<vmem>>
    %dma_wait3A_87 = tpu.memref_slice %arg3[%mul3A_2] : memref<320000xi32, #tpu.memory_space<hbm>> -> memref<80xi32, #tpu.memory_space<hbm>>
    %dma_wait3A_88 = arith.constant 0 : i32
    %dma_wait3A_89 = tpu.memref_slice %arg8[%dma_wait3A, %dma_wait3A_88] : memref<8x80xi32, #tpu.memory_space<vmem>> -> memref<1x80xi32, #tpu.memory_space<vmem>>
    %dma_wait3A_90 = tpu.memref_squeeze %dma_wait3A_89 : memref<1x80xi32, #tpu.memory_space<vmem>> -> memref<80xi32, #tpu.memory_space<vmem>>
    %dma_wait3A_91 = tpu.memref_slice %arg3[%mul3A_2] : memref<320000xi32, #tpu.memory_space<hbm>> -> memref<80xi32, #tpu.memory_space<hbm>>
    tpu.wait_dma2 semaphore(%arg11 : memref<!tpu.dma_semaphore, #tpu.memory_space<semaphore_mem>>) src(%dma_wait3A_91 : memref<80xi32, #tpu.memory_space<hbm>>) dst(%dma_wait3A_90 : memref<80xi32, #tpu.memory_space<vmem>>)
    %dma_wait3A_92 = arith.constant 0 : i32
    %dma_wait3A_93 = arith.constant 0 : i32
    %dma_wait3A_94 = tpu.memref_slice %arg9[%dma_wait3A_92, %dma_wait3A_93] : memref<8x80xi32, #tpu.memory_space<vmem>> -> memref<1x80xi32, #tpu.memory_space<vmem>>
    %dma_wait3A_95 = tpu.memref_squeeze %dma_wait3A_94 : memref<1x80xi32, #tpu.memory_space<vmem>> -> memref<80xi32, #tpu.memory_space<vmem>>
    %dma_wait3A_96 = tpu.memref_slice %arg4[%mul3A_2] : memref<320000xi32, #tpu.memory_space<hbm>> -> memref<80xi32, #tpu.memory_space<hbm>>
    %dma_wait3A_97 = arith.constant 0 : i32
    %dma_wait3A_98 = tpu.memref_slice %arg9[%dma_wait3A_92, %dma_wait3A_97] : memref<8x80xi32, #tpu.memory_space<vmem>> -> memref<1x80xi32, #tpu.memory_space<vmem>>
    %dma_wait3A_99 = tpu.memref_squeeze %dma_wait3A_98 : memref<1x80xi32, #tpu.memory_space<vmem>> -> memref<80xi32, #tpu.memory_space<vmem>>
    %dma_wait3A_100 = tpu.memref_slice %arg4[%mul3A_2] : memref<320000xi32, #tpu.memory_space<hbm>> -> memref<80xi32, #tpu.memory_space<hbm>>
    tpu.wait_dma2 semaphore(%arg11 : memref<!tpu.dma_semaphore, #tpu.memory_space<semaphore_mem>>) src(%dma_wait3A_100 : memref<80xi32, #tpu.memory_space<hbm>>) dst(%dma_wait3A_99 : memref<80xi32, #tpu.memory_space<vmem>>)
    %dma_wait3A_101 = arith.constant 1 : i32
    %dma_wait3A_102 = arith.constant 0 : i32
    %dma_wait3A_103 = tpu.memref_slice %arg8[%dma_wait3A_101, %dma_wait3A_102] : memref<8x80xi32, #tpu.memory_space<vmem>> -> memref<1x80xi32, #tpu.memory_space<vmem>>
    %dma_wait3A_104 = tpu.memref_squeeze %dma_wait3A_103 : memref<1x80xi32, #tpu.memory_space<vmem>> -> memref<80xi32, #tpu.memory_space<vmem>>
    %dma_wait3A_105 = tpu.memref_slice %arg3[%mul3A_2] : memref<320000xi32, #tpu.memory_space<hbm>> -> memref<80xi32, #tpu.memory_space<hbm>>
    %dma_wait3A_106 = arith.constant 0 : i32
    %dma_wait3A_107 = tpu.memref_slice %arg8[%dma_wait3A_101, %dma_wait3A_106] : memref<8x80xi32, #tpu.memory_space<vmem>> -> memref<1x80xi32, #tpu.memory_space<vmem>>
    %dma_wait3A_108 = tpu.memref_squeeze %dma_wait3A_107 : memref<1x80xi32, #tpu.memory_space<vmem>> -> memref<80xi32, #tpu.memory_space<vmem>>
    %dma_wait3A_109 = tpu.memref_slice %arg3[%mul3A_2] : memref<320000xi32, #tpu.memory_space<hbm>> -> memref<80xi32, #tpu.memory_space<hbm>>
    tpu.wait_dma2 semaphore(%arg11 : memref<!tpu.dma_semaphore, #tpu.memory_space<semaphore_mem>>) src(%dma_wait3A_109 : memref<80xi32, #tpu.memory_space<hbm>>) dst(%dma_wait3A_108 : memref<80xi32, #tpu.memory_space<vmem>>)
    %dma_wait3A_110 = arith.constant 1 : i32
    %dma_wait3A_111 = arith.constant 0 : i32
    %dma_wait3A_112 = tpu.memref_slice %arg9[%dma_wait3A_110, %dma_wait3A_111] : memref<8x80xi32, #tpu.memory_space<vmem>> -> memref<1x80xi32, #tpu.memory_space<vmem>>
    %dma_wait3A_113 = tpu.memref_squeeze %dma_wait3A_112 : memref<1x80xi32, #tpu.memory_space<vmem>> -> memref<80xi32, #tpu.memory_space<vmem>>
    %dma_wait3A_114 = tpu.memref_slice %arg4[%mul3A_2] : memref<320000xi32, #tpu.memory_space<hbm>> -> memref<80xi32, #tpu.memory_space<hbm>>
    %dma_wait3A_115 = arith.constant 0 : i32
    %dma_wait3A_116 = tpu.memref_slice %arg9[%dma_wait3A_110, %dma_wait3A_115] : memref<8x80xi32, #tpu.memory_space<vmem>> -> memref<1x80xi32, #tpu.memory_space<vmem>>
    %dma_wait3A_117 = tpu.memref_squeeze %dma_wait3A_116 : memref<1x80xi32, #tpu.memory_space<vmem>> -> memref<80xi32, #tpu.memory_space<vmem>>
    %dma_wait3A_118 = tpu.memref_slice %arg4[%mul3A_2] : memref<320000xi32, #tpu.memory_space<hbm>> -> memref<80xi32, #tpu.memory_space<hbm>>
    tpu.wait_dma2 semaphore(%arg11 : memref<!tpu.dma_semaphore, #tpu.memory_space<semaphore_mem>>) src(%dma_wait3A_118 : memref<80xi32, #tpu.memory_space<hbm>>) dst(%dma_wait3A_117 : memref<80xi32, #tpu.memory_space<vmem>>)
    %dma_start3A_119 = arith.constant 0 : i32
    %dma_start3A_120 = arith.constant 0 : i32
    %dma_start3A_121 = arith.constant 0 : i32
    %dma_start3A_122 = arith.constant 0 : i32
    %dma_start3A_123 = tpu.memref_slice %arg10[%dma_start3A_120, %dma_start3A_121, %dma_start3A_122] : memref<4x80x128xf32, #tpu.memory_space<vmem>> -> memref<1x80x128xf32, #tpu.memory_space<vmem>>
    %dma_start3A_124 = tpu.memref_squeeze %dma_start3A_123 : memref<1x80x128xf32, #tpu.memory_space<vmem>> -> memref<80x128xf32, #tpu.memory_space<vmem>>
    %dma_start3A_125 = arith.constant 0 : i32
    %dma_start3A_126 = tpu.memref_slice %arg8[%dma_start3A_119, %dma_start3A_125] : memref<8x80xi32, #tpu.memory_space<vmem>> -> memref<1x80xi32, #tpu.memory_space<vmem>>
    %dma_start3A_127 = tpu.memref_squeeze %dma_start3A_126 : memref<1x80xi32, #tpu.memory_space<vmem>> -> memref<80xi32, #tpu.memory_space<vmem>>
    %dma_start3A_128 = arith.constant 0 : i32
    %dma_start3A_129 = arith.constant 0 : i32
    %dma_start3A_130 = tpu.memref_slice %arg2[%dma_start3A_128, %dma_start3A_129] : memref<10000x128xf32, #tpu.memory_space<hbm>> -> memref<10000x128xf32, #tpu.memory_space<hbm>>
    tpu.enqueue_indirect_dma source(%dma_start3A_130 : memref<10000x128xf32, #tpu.memory_space<hbm>>) target(%dma_start3A_124 : memref<80x128xf32, #tpu.memory_space<vmem>>) offsets(%dma_start3A_127 : memref<80xi32, #tpu.memory_space<vmem>>) semaphore(%arg13 : memref<!tpu.dma_semaphore, #tpu.memory_space<semaphore_mem>>)
    %dma_start3A_131 = arith.constant 1 : i32
    %dma_start3A_132 = arith.constant 1 : i32
    %dma_start3A_133 = arith.constant 0 : i32
    %dma_start3A_134 = arith.constant 0 : i32
    %dma_start3A_135 = tpu.memref_slice %arg10[%dma_start3A_132, %dma_start3A_133, %dma_start3A_134] : memref<4x80x128xf32, #tpu.memory_space<vmem>> -> memref<1x80x128xf32, #tpu.memory_space<vmem>>
    %dma_start3A_136 = tpu.memref_squeeze %dma_start3A_135 : memref<1x80x128xf32, #tpu.memory_space<vmem>> -> memref<80x128xf32, #tpu.memory_space<vmem>>
    %dma_start3A_137 = arith.constant 0 : i32
    %dma_start3A_138 = tpu.memref_slice %arg8[%dma_start3A_131, %dma_start3A_137] : memref<8x80xi32, #tpu.memory_space<vmem>> -> memref<1x80xi32, #tpu.memory_space<vmem>>
    %dma_start3A_139 = tpu.memref_squeeze %dma_start3A_138 : memref<1x80xi32, #tpu.memory_space<vmem>> -> memref<80xi32, #tpu.memory_space<vmem>>
    %dma_start3A_140 = arith.constant 0 : i32
    %dma_start3A_141 = arith.constant 0 : i32
    %dma_start3A_142 = tpu.memref_slice %arg2[%dma_start3A_140, %dma_start3A_141] : memref<10000x128xf32, #tpu.memory_space<hbm>> -> memref<10000x128xf32, #tpu.memory_space<hbm>>
    tpu.enqueue_indirect_dma source(%dma_start3A_142 : memref<10000x128xf32, #tpu.memory_space<hbm>>) target(%dma_start3A_136 : memref<80x128xf32, #tpu.memory_space<vmem>>) offsets(%dma_start3A_139 : memref<80xi32, #tpu.memory_space<vmem>>) semaphore(%arg13 : memref<!tpu.dma_semaphore, #tpu.memory_space<semaphore_mem>>)
    %barrier3A = arith.constant 0 : index
    tpu.barrier barrier_id(%barrier3A)
    %scan3A = arith.constant 0 : i32
    %scan3A_143 = arith.constant 0 : i32
    %scan3A_144 = arith.constant 62 : i32
    %scan3A_145 = arith.addi %scan3A_143, %scan3A_144 : i32
    %scan3A_146 = arith.constant 1 : i32
    scf.for %scan3A_185 = %scan3A_143 to %scan3A_145 step %scan3A_146  : i32 {
      %jit3A = arith.constant 2 : i32
      %eq3A = arith.constant 0 : i32
      %eq3A_186 = arith.cmpi eq, %jit3A, %eq3A : i32
      %jit3A_187 = arith.constant 1 : i32
      %select_n3A = arith.select %eq3A_186, %jit3A_187, %jit3A : i32
      %rem3A = arith.remsi %scan3A_185, %select_n3A : i32
      %ne3A = arith.constant 0 : i32
      %ne3A_188 = arith.cmpi ne, %rem3A, %ne3A : i32
      %lt3A_189 = arith.constant 0 : i32
      %lt3A_190 = arith.cmpi slt, %rem3A, %lt3A_189 : i32
      %lt3A_191 = arith.constant 0 : i32
      %lt3A_192 = arith.cmpi slt, %select_n3A, %lt3A_191 : i32
      %ne3A_193 = arith.xori %lt3A_190, %lt3A_192 : i1
      %and3A = arith.andi %ne3A_193, %ne3A_188 : i1
      %add3A_194 = arith.addi %rem3A, %select_n3A : i32
      %select_n3A_195 = arith.select %and3A, %add3A_194, %rem3A : i32
      %eq3A_196 = arith.constant 0 : i32
      %eq3A_197 = arith.cmpi eq, %select_n3A_195, %eq3A_196 : i32
      %convert_element_type3A_198 = arith.extui %eq3A_197 : i1 to i32
      %cond3A_199 = arith.constant 0 : i32
      %cond3A_200 = arith.cmpi ne, %convert_element_type3A_198, %cond3A_199 : i32
      scf.if %cond3A_200 {
        %jit3A_222 = arith.constant 4 : i32
        %eq3A_223 = arith.constant 0 : i32
        %eq3A_224 = arith.cmpi eq, %jit3A_222, %eq3A_223 : i32
        %jit3A_225 = arith.constant 1 : i32
        %select_n3A_226 = arith.select %eq3A_224, %jit3A_225, %jit3A_222 : i32
        %rem3A_227 = arith.remsi %scan3A_185, %select_n3A_226 : i32
        %ne3A_228 = arith.constant 0 : i32
        %ne3A_229 = arith.cmpi ne, %rem3A_227, %ne3A_228 : i32
        %lt3A_230 = arith.constant 0 : i32
        %lt3A_231 = arith.cmpi slt, %rem3A_227, %lt3A_230 : i32
        %lt3A_232 = arith.constant 0 : i32
        %lt3A_233 = arith.cmpi slt, %select_n3A_226, %lt3A_232 : i32
        %ne3A_234 = arith.xori %lt3A_231, %lt3A_233 : i1
        %and3A_235 = arith.andi %ne3A_234, %ne3A_229 : i1
        %add3A_236 = arith.addi %rem3A_227, %select_n3A_226 : i32
        %select_n3A_237 = arith.select %and3A_235, %add3A_236, %rem3A_227 : i32
        %mul3A_238 = arith.constant 2 : i32
        %mul3A_239 = arith.muli %select_n3A_237, %mul3A_238 : i32
        %jit3A_240 = arith.constant 2 : i32
        %eq3A_241 = arith.constant 0 : i32
        %eq3A_242 = arith.cmpi eq, %jit3A_240, %eq3A_241 : i32
        %jit3A_243 = arith.constant 1 : i32
        %select_n3A_244 = arith.select %eq3A_242, %jit3A_243, %jit3A_240 : i32
        %rem3A_245 = arith.remsi %scan3A_185, %select_n3A_244 : i32
        %ne3A_246 = arith.constant 0 : i32
        %ne3A_247 = arith.cmpi ne, %rem3A_245, %ne3A_246 : i32
        %lt3A_248 = arith.constant 0 : i32
        %lt3A_249 = arith.cmpi slt, %rem3A_245, %lt3A_248 : i32
        %lt3A_250 = arith.constant 0 : i32
        %lt3A_251 = arith.cmpi slt, %select_n3A_244, %lt3A_250 : i32
        %ne3A_252 = arith.xori %lt3A_249, %lt3A_251 : i1
        %and3A_253 = arith.andi %ne3A_252, %ne3A_247 : i1
        %add3A_254 = arith.addi %rem3A_245, %select_n3A_244 : i32
        %select_n3A_255 = arith.select %and3A_253, %add3A_254, %rem3A_245 : i32
        %mul3A_256 = arith.constant 2 : i32
        %mul3A_257 = arith.muli %select_n3A_255, %mul3A_256 : i32
        %add3A_258 = arith.constant 0 : i32
        %add3A_259 = arith.addi %mul3A_239, %add3A_258 : i32
        %add3A_260 = arith.constant 0 : i32
        %add3A_261 = arith.addi %mul3A_257, %add3A_260 : i32
        %dma_wait3A_262 = arith.constant 0 : i32
        %dma_wait3A_263 = arith.constant 0 : i32
        %dma_wait3A_264 = tpu.memref_slice %arg10[%add3A_261, %dma_wait3A_262, %dma_wait3A_263] : memref<4x80x128xf32, #tpu.memory_space<vmem>> -> memref<1x80x128xf32, #tpu.memory_space<vmem>>
        %dma_wait3A_265 = tpu.memref_squeeze %dma_wait3A_264 : memref<1x80x128xf32, #tpu.memory_space<vmem>> -> memref<80x128xf32, #tpu.memory_space<vmem>>
        %dma_wait3A_266 = arith.constant 0 : i32
        %dma_wait3A_267 = tpu.memref_slice %arg8[%add3A_259, %dma_wait3A_266] : memref<8x80xi32, #tpu.memory_space<vmem>> -> memref<1x80xi32, #tpu.memory_space<vmem>>
        %dma_wait3A_268 = tpu.memref_squeeze %dma_wait3A_267 : memref<1x80xi32, #tpu.memory_space<vmem>> -> memref<80xi32, #tpu.memory_space<vmem>>
        %dma_wait3A_269 = arith.constant 0 : i32
        %dma_wait3A_270 = arith.constant 0 : i32
        %dma_wait3A_271 = tpu.memref_slice %arg2[%dma_wait3A_269, %dma_wait3A_270] : memref<10000x128xf32, #tpu.memory_space<hbm>> -> memref<10000x128xf32, #tpu.memory_space<hbm>>
        tpu.wait_indirect_dma semaphore(%arg13 : memref<!tpu.dma_semaphore, #tpu.memory_space<semaphore_mem>>) src(%dma_wait3A_271 : memref<10000x128xf32, #tpu.memory_space<hbm>>) dst(%dma_wait3A_265 : memref<80x128xf32, #tpu.memory_space<vmem>>)
        %add3A_272 = arith.constant 1 : i32
        %add3A_273 = arith.addi %mul3A_239, %add3A_272 : i32
        %add3A_274 = arith.constant 1 : i32
        %add3A_275 = arith.addi %mul3A_257, %add3A_274 : i32
        %dma_wait3A_276 = arith.constant 0 : i32
        %dma_wait3A_277 = arith.constant 0 : i32
        %dma_wait3A_278 = tpu.memref_slice %arg10[%add3A_275, %dma_wait3A_276, %dma_wait3A_277] : memref<4x80x128xf32, #tpu.memory_space<vmem>> -> memref<1x80x128xf32, #tpu.memory_space<vmem>>
        %dma_wait3A_279 = tpu.memref_squeeze %dma_wait3A_278 : memref<1x80x128xf32, #tpu.memory_space<vmem>> -> memref<80x128xf32, #tpu.memory_space<vmem>>
        %dma_wait3A_280 = arith.constant 0 : i32
        %dma_wait3A_281 = tpu.memref_slice %arg8[%add3A_273, %dma_wait3A_280] : memref<8x80xi32, #tpu.memory_space<vmem>> -> memref<1x80xi32, #tpu.memory_space<vmem>>
        %dma_wait3A_282 = tpu.memref_squeeze %dma_wait3A_281 : memref<1x80xi32, #tpu.memory_space<vmem>> -> memref<80xi32, #tpu.memory_space<vmem>>
        %dma_wait3A_283 = arith.constant 0 : i32
        %dma_wait3A_284 = arith.constant 0 : i32
        %dma_wait3A_285 = tpu.memref_slice %arg2[%dma_wait3A_283, %dma_wait3A_284] : memref<10000x128xf32, #tpu.memory_space<hbm>> -> memref<10000x128xf32, #tpu.memory_space<hbm>>
        tpu.wait_indirect_dma semaphore(%arg13 : memref<!tpu.dma_semaphore, #tpu.memory_space<semaphore_mem>>) src(%dma_wait3A_285 : memref<10000x128xf32, #tpu.memory_space<hbm>>) dst(%dma_wait3A_279 : memref<80x128xf32, #tpu.memory_space<vmem>>)
        %jit3A_286 = arith.constant 4 : i32
        %eq3A_287 = arith.constant 0 : i32
        %eq3A_288 = arith.cmpi eq, %jit3A_286, %eq3A_287 : i32
        %jit3A_289 = arith.constant 1 : i32
        %select_n3A_290 = arith.select %eq3A_288, %jit3A_289, %jit3A_286 : i32
        %rem3A_291 = arith.remsi %scan3A_185, %select_n3A_290 : i32
        %ne3A_292 = arith.constant 0 : i32
        %ne3A_293 = arith.cmpi ne, %rem3A_291, %ne3A_292 : i32
        %lt3A_294 = arith.constant 0 : i32
        %lt3A_295 = arith.cmpi slt, %rem3A_291, %lt3A_294 : i32
        %lt3A_296 = arith.constant 0 : i32
        %lt3A_297 = arith.cmpi slt, %select_n3A_290, %lt3A_296 : i32
        %ne3A_298 = arith.xori %lt3A_295, %lt3A_297 : i1
        %and3A_299 = arith.andi %ne3A_298, %ne3A_293 : i1
        %add3A_300 = arith.addi %rem3A_291, %select_n3A_290 : i32
        %select_n3A_301 = arith.select %and3A_299, %add3A_300, %rem3A_291 : i32
        %mul3A_302 = arith.constant 2 : i32
        %mul3A_303 = arith.muli %select_n3A_301, %mul3A_302 : i32
        %jit3A_304 = arith.constant 2 : i32
        %eq3A_305 = arith.constant 0 : i32
        %eq3A_306 = arith.cmpi eq, %jit3A_304, %eq3A_305 : i32
        %jit3A_307 = arith.constant 1 : i32
        %select_n3A_308 = arith.select %eq3A_306, %jit3A_307, %jit3A_304 : i32
        %rem3A_309 = arith.remsi %scan3A_185, %select_n3A_308 : i32
        %ne3A_310 = arith.constant 0 : i32
        %ne3A_311 = arith.cmpi ne, %rem3A_309, %ne3A_310 : i32
        %lt3A_312 = arith.constant 0 : i32
        %lt3A_313 = arith.cmpi slt, %rem3A_309, %lt3A_312 : i32
        %lt3A_314 = arith.constant 0 : i32
        %lt3A_315 = arith.cmpi slt, %select_n3A_308, %lt3A_314 : i32
        %ne3A_316 = arith.xori %lt3A_313, %lt3A_315 : i1
        %and3A_317 = arith.andi %ne3A_316, %ne3A_311 : i1
        %add3A_318 = arith.addi %rem3A_309, %select_n3A_308 : i32
        %select_n3A_319 = arith.select %and3A_317, %add3A_318, %rem3A_309 : i32
        %mul3A_320 = arith.constant 2 : i32
        %mul3A_321 = arith.muli %select_n3A_319, %mul3A_320 : i32
        %add3A_322 = arith.constant 0 : i32
        %add3A_323 = arith.addi %mul3A_321, %add3A_322 : i32
        %add3A_324 = arith.constant 0 : i32
        %add3A_325 = arith.addi %mul3A_303, %add3A_324 : i32
        %dma_start3A_326 = arith.constant 0 : i32
        %dma_start3A_327 = arith.constant 0 : i32
        %dma_start3A_328 = tpu.memref_slice %arg10[%add3A_323, %dma_start3A_326, %dma_start3A_327] : memref<4x80x128xf32, #tpu.memory_space<vmem>> -> memref<1x80x128xf32, #tpu.memory_space<vmem>>
        %dma_start3A_329 = tpu.memref_squeeze %dma_start3A_328 : memref<1x80x128xf32, #tpu.memory_space<vmem>> -> memref<80x128xf32, #tpu.memory_space<vmem>>
        %dma_start3A_330 = arith.constant 0 : i32
        %dma_start3A_331 = tpu.memref_slice %arg9[%add3A_325, %dma_start3A_330] : memref<8x80xi32, #tpu.memory_space<vmem>> -> memref<1x80xi32, #tpu.memory_space<vmem>>
        %dma_start3A_332 = tpu.memref_squeeze %dma_start3A_331 : memref<1x80xi32, #tpu.memory_space<vmem>> -> memref<80xi32, #tpu.memory_space<vmem>>
        %dma_start3A_333 = arith.constant 0 : i32
        %dma_start3A_334 = arith.constant 0 : i32
        %dma_start3A_335 = tpu.memref_slice %arg7[%dma_start3A_333, %dma_start3A_334] : memref<10000x128xf32, #tpu.memory_space<vmem_shared>> -> memref<10000x128xf32, #tpu.memory_space<vmem_shared>>
        tpu.enqueue_indirect_dma source(%dma_start3A_329 : memref<80x128xf32, #tpu.memory_space<vmem>>) target(%dma_start3A_335 : memref<10000x128xf32, #tpu.memory_space<vmem_shared>>) offsets(%dma_start3A_332 : memref<80xi32, #tpu.memory_space<vmem>>) semaphore(%arg15 : memref<!tpu.dma_semaphore, #tpu.memory_space<semaphore_mem>>) {add = true}
        %add3A_336 = arith.constant 1 : i32
        %add3A_337 = arith.addi %mul3A_321, %add3A_336 : i32
        %add3A_338 = arith.constant 1 : i32
        %add3A_339 = arith.addi %mul3A_303, %add3A_338 : i32
        %dma_start3A_340 = arith.constant 0 : i32
        %dma_start3A_341 = arith.constant 0 : i32
        %dma_start3A_342 = tpu.memref_slice %arg10[%add3A_337, %dma_start3A_340, %dma_start3A_341] : memref<4x80x128xf32, #tpu.memory_space<vmem>> -> memref<1x80x128xf32, #tpu.memory_space<vmem>>
        %dma_start3A_343 = tpu.memref_squeeze %dma_start3A_342 : memref<1x80x128xf32, #tpu.memory_space<vmem>> -> memref<80x128xf32, #tpu.memory_space<vmem>>
        %dma_start3A_344 = arith.constant 0 : i32
        %dma_start3A_345 = tpu.memref_slice %arg9[%add3A_339, %dma_start3A_344] : memref<8x80xi32, #tpu.memory_space<vmem>> -> memref<1x80xi32, #tpu.memory_space<vmem>>
        %dma_start3A_346 = tpu.memref_squeeze %dma_start3A_345 : memref<1x80xi32, #tpu.memory_space<vmem>> -> memref<80xi32, #tpu.memory_space<vmem>>
        %dma_start3A_347 = arith.constant 0 : i32
        %dma_start3A_348 = arith.constant 0 : i32
        %dma_start3A_349 = tpu.memref_slice %arg7[%dma_start3A_347, %dma_start3A_348] : memref<10000x128xf32, #tpu.memory_space<vmem_shared>> -> memref<10000x128xf32, #tpu.memory_space<vmem_shared>>
        tpu.enqueue_indirect_dma source(%dma_start3A_343 : memref<80x128xf32, #tpu.memory_space<vmem>>) target(%dma_start3A_349 : memref<10000x128xf32, #tpu.memory_space<vmem_shared>>) offsets(%dma_start3A_346 : memref<80xi32, #tpu.memory_space<vmem>>) semaphore(%arg15 : memref<!tpu.dma_semaphore, #tpu.memory_space<semaphore_mem>>) {add = true}
        %ge3A = arith.constant 1 : i32
        %ge3A_350 = arith.cmpi sge, %scan3A_185, %ge3A : i32
        %convert_element_type3A_351 = arith.extui %ge3A_350 : i1 to i32
        %cond3A_352 = arith.constant 0 : i32
        %cond3A_353 = arith.cmpi ne, %convert_element_type3A_351, %cond3A_352 : i32
        scf.if %cond3A_353 {
          %sub3A = arith.constant 1 : i32
          %sub3A_368 = arith.subi %scan3A_185, %sub3A : i32
          %jit3A_369 = arith.constant 4 : i32
          %eq3A_370 = arith.constant 0 : i32
          %eq3A_371 = arith.cmpi eq, %jit3A_369, %eq3A_370 : i32
          %jit3A_372 = arith.constant 1 : i32
          %select_n3A_373 = arith.select %eq3A_371, %jit3A_372, %jit3A_369 : i32
          %rem3A_374 = arith.remsi %sub3A_368, %select_n3A_373 : i32
          %ne3A_375 = arith.constant 0 : i32
          %ne3A_376 = arith.cmpi ne, %rem3A_374, %ne3A_375 : i32
          %lt3A_377 = arith.constant 0 : i32
          %lt3A_378 = arith.cmpi slt, %rem3A_374, %lt3A_377 : i32
          %lt3A_379 = arith.constant 0 : i32
          %lt3A_380 = arith.cmpi slt, %select_n3A_373, %lt3A_379 : i32
          %ne3A_381 = arith.xori %lt3A_378, %lt3A_380 : i1
          %and3A_382 = arith.andi %ne3A_381, %ne3A_376 : i1
          %add3A_383 = arith.addi %rem3A_374, %select_n3A_373 : i32
          %select_n3A_384 = arith.select %and3A_382, %add3A_383, %rem3A_374 : i32
          %mul3A_385 = arith.constant 2 : i32
          %mul3A_386 = arith.muli %select_n3A_384, %mul3A_385 : i32
          %jit3A_387 = arith.constant 2 : i32
          %eq3A_388 = arith.constant 0 : i32
          %eq3A_389 = arith.cmpi eq, %jit3A_387, %eq3A_388 : i32
          %jit3A_390 = arith.constant 1 : i32
          %select_n3A_391 = arith.select %eq3A_389, %jit3A_390, %jit3A_387 : i32
          %rem3A_392 = arith.remsi %sub3A_368, %select_n3A_391 : i32
          %ne3A_393 = arith.constant 0 : i32
          %ne3A_394 = arith.cmpi ne, %rem3A_392, %ne3A_393 : i32
          %lt3A_395 = arith.constant 0 : i32
          %lt3A_396 = arith.cmpi slt, %rem3A_392, %lt3A_395 : i32
          %lt3A_397 = arith.constant 0 : i32
          %lt3A_398 = arith.cmpi slt, %select_n3A_391, %lt3A_397 : i32
          %ne3A_399 = arith.xori %lt3A_396, %lt3A_398 : i1
          %and3A_400 = arith.andi %ne3A_399, %ne3A_394 : i1
          %add3A_401 = arith.addi %rem3A_392, %select_n3A_391 : i32
          %select_n3A_402 = arith.select %and3A_400, %add3A_401, %rem3A_392 : i32
          %mul3A_403 = arith.constant 2 : i32
          %mul3A_404 = arith.muli %select_n3A_402, %mul3A_403 : i32
          %add3A_405 = arith.constant 0 : i32
          %add3A_406 = arith.addi %mul3A_404, %add3A_405 : i32
          %add3A_407 = arith.constant 0 : i32
          %add3A_408 = arith.addi %mul3A_386, %add3A_407 : i32
          %dma_wait3A_409 = arith.constant 0 : i32
          %dma_wait3A_410 = arith.constant 0 : i32
          %dma_wait3A_411 = tpu.memref_slice %arg10[%add3A_406, %dma_wait3A_409, %dma_wait3A_410] : memref<4x80x128xf32, #tpu.memory_space<vmem>> -> memref<1x80x128xf32, #tpu.memory_space<vmem>>
          %dma_wait3A_412 = tpu.memref_squeeze %dma_wait3A_411 : memref<1x80x128xf32, #tpu.memory_space<vmem>> -> memref<80x128xf32, #tpu.memory_space<vmem>>
          %dma_wait3A_413 = arith.constant 0 : i32
          %dma_wait3A_414 = tpu.memref_slice %arg9[%add3A_408, %dma_wait3A_413] : memref<8x80xi32, #tpu.memory_space<vmem>> -> memref<1x80xi32, #tpu.memory_space<vmem>>
          %dma_wait3A_415 = tpu.memref_squeeze %dma_wait3A_414 : memref<1x80xi32, #tpu.memory_space<vmem>> -> memref<80xi32, #tpu.memory_space<vmem>>
          %dma_wait3A_416 = arith.constant 0 : i32
          %dma_wait3A_417 = arith.constant 0 : i32
          %dma_wait3A_418 = tpu.memref_slice %arg7[%dma_wait3A_416, %dma_wait3A_417] : memref<10000x128xf32, #tpu.memory_space<vmem_shared>> -> memref<10000x128xf32, #tpu.memory_space<vmem_shared>>
          tpu.wait_indirect_dma semaphore(%arg16 : memref<!tpu.dma_semaphore, #tpu.memory_space<semaphore_mem>>) src(%dma_wait3A_412 : memref<80x128xf32, #tpu.memory_space<vmem>>) dst(%dma_wait3A_418 : memref<10000x128xf32, #tpu.memory_space<vmem_shared>>)
          %add3A_419 = arith.constant 1 : i32
          %add3A_420 = arith.addi %mul3A_404, %add3A_419 : i32
          %add3A_421 = arith.constant 1 : i32
          %add3A_422 = arith.addi %mul3A_386, %add3A_421 : i32
          %dma_wait3A_423 = arith.constant 0 : i32
          %dma_wait3A_424 = arith.constant 0 : i32
          %dma_wait3A_425 = tpu.memref_slice %arg10[%add3A_420, %dma_wait3A_423, %dma_wait3A_424] : memref<4x80x128xf32, #tpu.memory_space<vmem>> -> memref<1x80x128xf32, #tpu.memory_space<vmem>>
          %dma_wait3A_426 = tpu.memref_squeeze %dma_wait3A_425 : memref<1x80x128xf32, #tpu.memory_space<vmem>> -> memref<80x128xf32, #tpu.memory_space<vmem>>
          %dma_wait3A_427 = arith.constant 0 : i32
          %dma_wait3A_428 = tpu.memref_slice %arg9[%add3A_422, %dma_wait3A_427] : memref<8x80xi32, #tpu.memory_space<vmem>> -> memref<1x80xi32, #tpu.memory_space<vmem>>
          %dma_wait3A_429 = tpu.memref_squeeze %dma_wait3A_428 : memref<1x80xi32, #tpu.memory_space<vmem>> -> memref<80xi32, #tpu.memory_space<vmem>>
          %dma_wait3A_430 = arith.constant 0 : i32
          %dma_wait3A_431 = arith.constant 0 : i32
          %dma_wait3A_432 = tpu.memref_slice %arg7[%dma_wait3A_430, %dma_wait3A_431] : memref<10000x128xf32, #tpu.memory_space<vmem_shared>> -> memref<10000x128xf32, #tpu.memory_space<vmem_shared>>
          tpu.wait_indirect_dma semaphore(%arg16 : memref<!tpu.dma_semaphore, #tpu.memory_space<semaphore_mem>>) src(%dma_wait3A_426 : memref<80x128xf32, #tpu.memory_space<vmem>>) dst(%dma_wait3A_432 : memref<10000x128xf32, #tpu.memory_space<vmem_shared>>)
        } else {
        }
        %add3A_354 = arith.constant 1 : i32
        %add3A_355 = arith.addi %scan3A_185, %add3A_354 : i32
        %lt3A_356 = arith.constant 62 : i32
        %lt3A_357 = arith.cmpi slt, %add3A_355, %lt3A_356 : i32
        %convert_element_type3A_358 = arith.extui %lt3A_357 : i1 to i32
        %cond3A_359 = arith.constant 0 : i32
        %cond3A_360 = arith.cmpi ne, %convert_element_type3A_358, %cond3A_359 : i32
        scf.if %cond3A_360 {
          %add3A_368 = arith.constant 1 : i32
          %add3A_369 = arith.addi %scan3A_185, %add3A_368 : i32
          %jit3A_370 = arith.constant 4 : i32
          %eq3A_371 = arith.constant 0 : i32
          %eq3A_372 = arith.cmpi eq, %jit3A_370, %eq3A_371 : i32
          %jit3A_373 = arith.constant 1 : i32
          %select_n3A_374 = arith.select %eq3A_372, %jit3A_373, %jit3A_370 : i32
          %rem3A_375 = arith.remsi %add3A_369, %select_n3A_374 : i32
          %ne3A_376 = arith.constant 0 : i32
          %ne3A_377 = arith.cmpi ne, %rem3A_375, %ne3A_376 : i32
          %lt3A_378 = arith.constant 0 : i32
          %lt3A_379 = arith.cmpi slt, %rem3A_375, %lt3A_378 : i32
          %lt3A_380 = arith.constant 0 : i32
          %lt3A_381 = arith.cmpi slt, %select_n3A_374, %lt3A_380 : i32
          %ne3A_382 = arith.xori %lt3A_379, %lt3A_381 : i1
          %and3A_383 = arith.andi %ne3A_382, %ne3A_377 : i1
          %add3A_384 = arith.addi %rem3A_375, %select_n3A_374 : i32
          %select_n3A_385 = arith.select %and3A_383, %add3A_384, %rem3A_375 : i32
          %mul3A_386 = arith.constant 2 : i32
          %mul3A_387 = arith.muli %select_n3A_385, %mul3A_386 : i32
          %add3A_388 = arith.constant 0 : i32
          %add3A_389 = arith.addi %mul3A_387, %add3A_388 : i32
          %dma_wait3A_390 = arith.constant 0 : i32
          %dma_wait3A_391 = tpu.memref_slice %arg8[%add3A_389, %dma_wait3A_390] : memref<8x80xi32, #tpu.memory_space<vmem>> -> memref<1x80xi32, #tpu.memory_space<vmem>>
          %dma_wait3A_392 = tpu.memref_squeeze %dma_wait3A_391 : memref<1x80xi32, #tpu.memory_space<vmem>> -> memref<80xi32, #tpu.memory_space<vmem>>
          %dma_wait3A_393 = tpu.memref_slice %arg3[%mul3A_2] : memref<320000xi32, #tpu.memory_space<hbm>> -> memref<80xi32, #tpu.memory_space<hbm>>
          %dma_wait3A_394 = arith.constant 0 : i32
          %dma_wait3A_395 = tpu.memref_slice %arg8[%add3A_389, %dma_wait3A_394] : memref<8x80xi32, #tpu.memory_space<vmem>> -> memref<1x80xi32, #tpu.memory_space<vmem>>
          %dma_wait3A_396 = tpu.memref_squeeze %dma_wait3A_395 : memref<1x80xi32, #tpu.memory_space<vmem>> -> memref<80xi32, #tpu.memory_space<vmem>>
          %dma_wait3A_397 = tpu.memref_slice %arg3[%mul3A_2] : memref<320000xi32, #tpu.memory_space<hbm>> -> memref<80xi32, #tpu.memory_space<hbm>>
          tpu.wait_dma2 semaphore(%arg12 : memref<!tpu.dma_semaphore, #tpu.memory_space<semaphore_mem>>) src(%dma_wait3A_397 : memref<80xi32, #tpu.memory_space<hbm>>) dst(%dma_wait3A_396 : memref<80xi32, #tpu.memory_space<vmem>>)
          %add3A_398 = arith.constant 0 : i32
          %add3A_399 = arith.addi %mul3A_387, %add3A_398 : i32
          %dma_wait3A_400 = arith.constant 0 : i32
          %dma_wait3A_401 = tpu.memref_slice %arg9[%add3A_399, %dma_wait3A_400] : memref<8x80xi32, #tpu.memory_space<vmem>> -> memref<1x80xi32, #tpu.memory_space<vmem>>
          %dma_wait3A_402 = tpu.memref_squeeze %dma_wait3A_401 : memref<1x80xi32, #tpu.memory_space<vmem>> -> memref<80xi32, #tpu.memory_space<vmem>>
          %dma_wait3A_403 = tpu.memref_slice %arg4[%mul3A_2] : memref<320000xi32, #tpu.memory_space<hbm>> -> memref<80xi32, #tpu.memory_space<hbm>>
          %dma_wait3A_404 = arith.constant 0 : i32
          %dma_wait3A_405 = tpu.memref_slice %arg9[%add3A_399, %dma_wait3A_404] : memref<8x80xi32, #tpu.memory_space<vmem>> -> memref<1x80xi32, #tpu.memory_space<vmem>>
          %dma_wait3A_406 = tpu.memref_squeeze %dma_wait3A_405 : memref<1x80xi32, #tpu.memory_space<vmem>> -> memref<80xi32, #tpu.memory_space<vmem>>
          %dma_wait3A_407 = tpu.memref_slice %arg4[%mul3A_2] : memref<320000xi32, #tpu.memory_space<hbm>> -> memref<80xi32, #tpu.memory_space<hbm>>
          tpu.wait_dma2 semaphore(%arg12 : memref<!tpu.dma_semaphore, #tpu.memory_space<semaphore_mem>>) src(%dma_wait3A_407 : memref<80xi32, #tpu.memory_space<hbm>>) dst(%dma_wait3A_406 : memref<80xi32, #tpu.memory_space<vmem>>)
          %add3A_408 = arith.constant 1 : i32
          %add3A_409 = arith.addi %mul3A_387, %add3A_408 : i32
          %dma_wait3A_410 = arith.constant 0 : i32
          %dma_wait3A_411 = tpu.memref_slice %arg8[%add3A_409, %dma_wait3A_410] : memref<8x80xi32, #tpu.memory_space<vmem>> -> memref<1x80xi32, #tpu.memory_space<vmem>>
          %dma_wait3A_412 = tpu.memref_squeeze %dma_wait3A_411 : memref<1x80xi32, #tpu.memory_space<vmem>> -> memref<80xi32, #tpu.memory_space<vmem>>
          %dma_wait3A_413 = tpu.memref_slice %arg3[%mul3A_2] : memref<320000xi32, #tpu.memory_space<hbm>> -> memref<80xi32, #tpu.memory_space<hbm>>
          %dma_wait3A_414 = arith.constant 0 : i32
          %dma_wait3A_415 = tpu.memref_slice %arg8[%add3A_409, %dma_wait3A_414] : memref<8x80xi32, #tpu.memory_space<vmem>> -> memref<1x80xi32, #tpu.memory_space<vmem>>
          %dma_wait3A_416 = tpu.memref_squeeze %dma_wait3A_415 : memref<1x80xi32, #tpu.memory_space<vmem>> -> memref<80xi32, #tpu.memory_space<vmem>>
          %dma_wait3A_417 = tpu.memref_slice %arg3[%mul3A_2] : memref<320000xi32, #tpu.memory_space<hbm>> -> memref<80xi32, #tpu.memory_space<hbm>>
          tpu.wait_dma2 semaphore(%arg12 : memref<!tpu.dma_semaphore, #tpu.memory_space<semaphore_mem>>) src(%dma_wait3A_417 : memref<80xi32, #tpu.memory_space<hbm>>) dst(%dma_wait3A_416 : memref<80xi32, #tpu.memory_space<vmem>>)
          %add3A_418 = arith.constant 1 : i32
          %add3A_419 = arith.addi %mul3A_387, %add3A_418 : i32
          %dma_wait3A_420 = arith.constant 0 : i32
          %dma_wait3A_421 = tpu.memref_slice %arg9[%add3A_419, %dma_wait3A_420] : memref<8x80xi32, #tpu.memory_space<vmem>> -> memref<1x80xi32, #tpu.memory_space<vmem>>
          %dma_wait3A_422 = tpu.memref_squeeze %dma_wait3A_421 : memref<1x80xi32, #tpu.memory_space<vmem>> -> memref<80xi32, #tpu.memory_space<vmem>>
          %dma_wait3A_423 = tpu.memref_slice %arg4[%mul3A_2] : memref<320000xi32, #tpu.memory_space<hbm>> -> memref<80xi32, #tpu.memory_space<hbm>>
          %dma_wait3A_424 = arith.constant 0 : i32
          %dma_wait3A_425 = tpu.memref_slice %arg9[%add3A_419, %dma_wait3A_424] : memref<8x80xi32, #tpu.memory_space<vmem>> -> memref<1x80xi32, #tpu.memory_space<vmem>>
          %dma_wait3A_426 = tpu.memref_squeeze %dma_wait3A_425 : memref<1x80xi32, #tpu.memory_space<vmem>> -> memref<80xi32, #tpu.memory_space<vmem>>
          %dma_wait3A_427 = tpu.memref_slice %arg4[%mul3A_2] : memref<320000xi32, #tpu.memory_space<hbm>> -> memref<80xi32, #tpu.memory_space<hbm>>
          tpu.wait_dma2 semaphore(%arg12 : memref<!tpu.dma_semaphore, #tpu.memory_space<semaphore_mem>>) src(%dma_wait3A_427 : memref<80xi32, #tpu.memory_space<hbm>>) dst(%dma_wait3A_426 : memref<80xi32, #tpu.memory_space<vmem>>)
          %add3A_428 = arith.constant 1 : i32
          %add3A_429 = arith.addi %scan3A_185, %add3A_428 : i32
          %jit3A_430 = arith.constant 4 : i32
          %eq3A_431 = arith.constant 0 : i32
          %eq3A_432 = arith.cmpi eq, %jit3A_430, %eq3A_431 : i32
          %jit3A_433 = arith.constant 1 : i32
          %select_n3A_434 = arith.select %eq3A_432, %jit3A_433, %jit3A_430 : i32
          %rem3A_435 = arith.remsi %add3A_429, %select_n3A_434 : i32
          %ne3A_436 = arith.constant 0 : i32
          %ne3A_437 = arith.cmpi ne, %rem3A_435, %ne3A_436 : i32
          %lt3A_438 = arith.constant 0 : i32
          %lt3A_439 = arith.cmpi slt, %rem3A_435, %lt3A_438 : i32
          %lt3A_440 = arith.constant 0 : i32
          %lt3A_441 = arith.cmpi slt, %select_n3A_434, %lt3A_440 : i32
          %ne3A_442 = arith.xori %lt3A_439, %lt3A_441 : i1
          %and3A_443 = arith.andi %ne3A_442, %ne3A_437 : i1
          %add3A_444 = arith.addi %rem3A_435, %select_n3A_434 : i32
          %select_n3A_445 = arith.select %and3A_443, %add3A_444, %rem3A_435 : i32
          %mul3A_446 = arith.constant 2 : i32
          %mul3A_447 = arith.muli %select_n3A_445, %mul3A_446 : i32
          %jit3A_448 = arith.constant 2 : i32
          %eq3A_449 = arith.constant 0 : i32
          %eq3A_450 = arith.cmpi eq, %jit3A_448, %eq3A_449 : i32
          %jit3A_451 = arith.constant 1 : i32
          %select_n3A_452 = arith.select %eq3A_450, %jit3A_451, %jit3A_448 : i32
          %rem3A_453 = arith.remsi %add3A_429, %select_n3A_452 : i32
          %ne3A_454 = arith.constant 0 : i32
          %ne3A_455 = arith.cmpi ne, %rem3A_453, %ne3A_454 : i32
          %lt3A_456 = arith.constant 0 : i32
          %lt3A_457 = arith.cmpi slt, %rem3A_453, %lt3A_456 : i32
          %lt3A_458 = arith.constant 0 : i32
          %lt3A_459 = arith.cmpi slt, %select_n3A_452, %lt3A_458 : i32
          %ne3A_460 = arith.xori %lt3A_457, %lt3A_459 : i1
          %and3A_461 = arith.andi %ne3A_460, %ne3A_455 : i1
          %add3A_462 = arith.addi %rem3A_453, %select_n3A_452 : i32
          %select_n3A_463 = arith.select %and3A_461, %add3A_462, %rem3A_453 : i32
          %mul3A_464 = arith.constant 2 : i32
          %mul3A_465 = arith.muli %select_n3A_463, %mul3A_464 : i32
          %add3A_466 = arith.constant 0 : i32
          %add3A_467 = arith.addi %mul3A_447, %add3A_466 : i32
          %add3A_468 = arith.constant 0 : i32
          %add3A_469 = arith.addi %mul3A_465, %add3A_468 : i32
          %dma_start3A_470 = arith.constant 0 : i32
          %dma_start3A_471 = arith.constant 0 : i32
          %dma_start3A_472 = tpu.memref_slice %arg10[%add3A_469, %dma_start3A_470, %dma_start3A_471] : memref<4x80x128xf32, #tpu.memory_space<vmem>> -> memref<1x80x128xf32, #tpu.memory_space<vmem>>
          %dma_start3A_473 = tpu.memref_squeeze %dma_start3A_472 : memref<1x80x128xf32, #tpu.memory_space<vmem>> -> memref<80x128xf32, #tpu.memory_space<vmem>>
          %dma_start3A_474 = arith.constant 0 : i32
          %dma_start3A_475 = tpu.memref_slice %arg8[%add3A_467, %dma_start3A_474] : memref<8x80xi32, #tpu.memory_space<vmem>> -> memref<1x80xi32, #tpu.memory_space<vmem>>
          %dma_start3A_476 = tpu.memref_squeeze %dma_start3A_475 : memref<1x80xi32, #tpu.memory_space<vmem>> -> memref<80xi32, #tpu.memory_space<vmem>>
          %dma_start3A_477 = arith.constant 0 : i32
          %dma_start3A_478 = arith.constant 0 : i32
          %dma_start3A_479 = tpu.memref_slice %arg2[%dma_start3A_477, %dma_start3A_478] : memref<10000x128xf32, #tpu.memory_space<hbm>> -> memref<10000x128xf32, #tpu.memory_space<hbm>>
          tpu.enqueue_indirect_dma source(%dma_start3A_479 : memref<10000x128xf32, #tpu.memory_space<hbm>>) target(%dma_start3A_473 : memref<80x128xf32, #tpu.memory_space<vmem>>) offsets(%dma_start3A_476 : memref<80xi32, #tpu.memory_space<vmem>>) semaphore(%arg14 : memref<!tpu.dma_semaphore, #tpu.memory_space<semaphore_mem>>)
          %add3A_480 = arith.constant 1 : i32
          %add3A_481 = arith.addi %mul3A_447, %add3A_480 : i32
          %add3A_482 = arith.constant 1 : i32
          %add3A_483 = arith.addi %mul3A_465, %add3A_482 : i32
          %dma_start3A_484 = arith.constant 0 : i32
          %dma_start3A_485 = arith.constant 0 : i32
          %dma_start3A_486 = tpu.memref_slice %arg10[%add3A_483, %dma_start3A_484, %dma_start3A_485] : memref<4x80x128xf32, #tpu.memory_space<vmem>> -> memref<1x80x128xf32, #tpu.memory_space<vmem>>
          %dma_start3A_487 = tpu.memref_squeeze %dma_start3A_486 : memref<1x80x128xf32, #tpu.memory_space<vmem>> -> memref<80x128xf32, #tpu.memory_space<vmem>>
          %dma_start3A_488 = arith.constant 0 : i32
          %dma_start3A_489 = tpu.memref_slice %arg8[%add3A_481, %dma_start3A_488] : memref<8x80xi32, #tpu.memory_space<vmem>> -> memref<1x80xi32, #tpu.memory_space<vmem>>
          %dma_start3A_490 = tpu.memref_squeeze %dma_start3A_489 : memref<1x80xi32, #tpu.memory_space<vmem>> -> memref<80xi32, #tpu.memory_space<vmem>>
          %dma_start3A_491 = arith.constant 0 : i32
          %dma_start3A_492 = arith.constant 0 : i32
          %dma_start3A_493 = tpu.memref_slice %arg2[%dma_start3A_491, %dma_start3A_492] : memref<10000x128xf32, #tpu.memory_space<hbm>> -> memref<10000x128xf32, #tpu.memory_space<hbm>>
          tpu.enqueue_indirect_dma source(%dma_start3A_493 : memref<10000x128xf32, #tpu.memory_space<hbm>>) target(%dma_start3A_487 : memref<80x128xf32, #tpu.memory_space<vmem>>) offsets(%dma_start3A_490 : memref<80xi32, #tpu.memory_space<vmem>>) semaphore(%arg14 : memref<!tpu.dma_semaphore, #tpu.memory_space<semaphore_mem>>)
        } else {
        }
        %add3A_361 = arith.constant 2 : i32
        %add3A_362 = arith.addi %scan3A_185, %add3A_361 : i32
        %lt3A_363 = arith.constant 62 : i32
        %lt3A_364 = arith.cmpi slt, %add3A_362, %lt3A_363 : i32
        %convert_element_type3A_365 = arith.extui %lt3A_364 : i1 to i32
        %cond3A_366 = arith.constant 0 : i32
        %cond3A_367 = arith.cmpi ne, %convert_element_type3A_365, %cond3A_366 : i32
        scf.if %cond3A_367 {
          %add3A_368 = arith.constant 2 : i32
          %add3A_369 = arith.addi %scan3A_185, %add3A_368 : i32
          %jit3A_370 = arith.constant 4 : i32
          %eq3A_371 = arith.constant 0 : i32
          %eq3A_372 = arith.cmpi eq, %jit3A_370, %eq3A_371 : i32
          %jit3A_373 = arith.constant 1 : i32
          %select_n3A_374 = arith.select %eq3A_372, %jit3A_373, %jit3A_370 : i32
          %rem3A_375 = arith.remsi %add3A_369, %select_n3A_374 : i32
          %ne3A_376 = arith.constant 0 : i32
          %ne3A_377 = arith.cmpi ne, %rem3A_375, %ne3A_376 : i32
          %lt3A_378 = arith.constant 0 : i32
          %lt3A_379 = arith.cmpi slt, %rem3A_375, %lt3A_378 : i32
          %lt3A_380 = arith.constant 0 : i32
          %lt3A_381 = arith.cmpi slt, %select_n3A_374, %lt3A_380 : i32
          %ne3A_382 = arith.xori %lt3A_379, %lt3A_381 : i1
          %and3A_383 = arith.andi %ne3A_382, %ne3A_377 : i1
          %add3A_384 = arith.addi %rem3A_375, %select_n3A_374 : i32
          %select_n3A_385 = arith.select %and3A_383, %add3A_384, %rem3A_375 : i32
          %mul3A_386 = arith.constant 2 : i32
          %mul3A_387 = arith.muli %select_n3A_385, %mul3A_386 : i32
          %mul3A_388 = arith.constant 2 : i32
          %mul3A_389 = arith.muli %add3A_369, %mul3A_388 : i32
          %add3A_390 = arith.constant 0 : i32
          %add3A_391 = arith.addi %mul3A_389, %add3A_390 : i32
          %mul3A_392 = arith.constant 80 : i32
          %mul3A_393 = arith.muli %add3A_391, %mul3A_392 : i32
          %add3A_394 = arith.addi %mul3A_2, %mul3A_393 : i32
          %add3A_395 = arith.constant 0 : i32
          %add3A_396 = arith.addi %mul3A_387, %add3A_395 : i32
          %dma_start3A_397 = arith.constant 0 : i32
          %dma_start3A_398 = tpu.memref_slice %arg8[%add3A_396, %dma_start3A_397] : memref<8x80xi32, #tpu.memory_space<vmem>> -> memref<1x80xi32, #tpu.memory_space<vmem>>
          %dma_start3A_399 = tpu.memref_squeeze %dma_start3A_398 : memref<1x80xi32, #tpu.memory_space<vmem>> -> memref<80xi32, #tpu.memory_space<vmem>>
          %dma_start3A_400 = tpu.memref_slice %arg3[%add3A_394] : memref<320000xi32, #tpu.memory_space<hbm>> -> memref<80xi32, #tpu.memory_space<hbm>>
          %dma_start3A_401 = arith.constant 0 : i32
          %dma_start3A_402 = tpu.memref_slice %arg8[%add3A_396, %dma_start3A_401] : memref<8x80xi32, #tpu.memory_space<vmem>> -> memref<1x80xi32, #tpu.memory_space<vmem>>
          %dma_start3A_403 = tpu.memref_squeeze %dma_start3A_402 : memref<1x80xi32, #tpu.memory_space<vmem>> -> memref<80xi32, #tpu.memory_space<vmem>>
          %dma_start3A_404 = tpu.memref_slice %arg3[%add3A_394] : memref<320000xi32, #tpu.memory_space<hbm>> -> memref<80xi32, #tpu.memory_space<hbm>>
          tpu.enqueue_dma source(%dma_start3A_404 : memref<80xi32, #tpu.memory_space<hbm>>) target(%dma_start3A_403 : memref<80xi32, #tpu.memory_space<vmem>>) target_semaphore(%arg11 : memref<!tpu.dma_semaphore, #tpu.memory_space<semaphore_mem>>)
          %add3A_405 = arith.constant 0 : i32
          %add3A_406 = arith.addi %mul3A_387, %add3A_405 : i32
          %dma_start3A_407 = arith.constant 0 : i32
          %dma_start3A_408 = tpu.memref_slice %arg9[%add3A_406, %dma_start3A_407] : memref<8x80xi32, #tpu.memory_space<vmem>> -> memref<1x80xi32, #tpu.memory_space<vmem>>
          %dma_start3A_409 = tpu.memref_squeeze %dma_start3A_408 : memref<1x80xi32, #tpu.memory_space<vmem>> -> memref<80xi32, #tpu.memory_space<vmem>>
          %dma_start3A_410 = tpu.memref_slice %arg4[%add3A_394] : memref<320000xi32, #tpu.memory_space<hbm>> -> memref<80xi32, #tpu.memory_space<hbm>>
          %dma_start3A_411 = arith.constant 0 : i32
          %dma_start3A_412 = tpu.memref_slice %arg9[%add3A_406, %dma_start3A_411] : memref<8x80xi32, #tpu.memory_space<vmem>> -> memref<1x80xi32, #tpu.memory_space<vmem>>
          %dma_start3A_413 = tpu.memref_squeeze %dma_start3A_412 : memref<1x80xi32, #tpu.memory_space<vmem>> -> memref<80xi32, #tpu.memory_space<vmem>>
          %dma_start3A_414 = tpu.memref_slice %arg4[%add3A_394] : memref<320000xi32, #tpu.memory_space<hbm>> -> memref<80xi32, #tpu.memory_space<hbm>>
          tpu.enqueue_dma source(%dma_start3A_414 : memref<80xi32, #tpu.memory_space<hbm>>) target(%dma_start3A_413 : memref<80xi32, #tpu.memory_space<vmem>>) target_semaphore(%arg11 : memref<!tpu.dma_semaphore, #tpu.memory_space<semaphore_mem>>)
          %mul3A_415 = arith.constant 2 : i32
          %mul3A_416 = arith.muli %add3A_369, %mul3A_415 : i32
          %add3A_417 = arith.constant 1 : i32
          %add3A_418 = arith.addi %mul3A_416, %add3A_417 : i32
          %mul3A_419 = arith.constant 80 : i32
          %mul3A_420 = arith.muli %add3A_418, %mul3A_419 : i32
          %add3A_421 = arith.addi %mul3A_2, %mul3A_420 : i32
          %add3A_422 = arith.constant 1 : i32
          %add3A_423 = arith.addi %mul3A_387, %add3A_422 : i32
          %dma_start3A_424 = arith.constant 0 : i32
          %dma_start3A_425 = tpu.memref_slice %arg8[%add3A_423, %dma_start3A_424] : memref<8x80xi32, #tpu.memory_space<vmem>> -> memref<1x80xi32, #tpu.memory_space<vmem>>
          %dma_start3A_426 = tpu.memref_squeeze %dma_start3A_425 : memref<1x80xi32, #tpu.memory_space<vmem>> -> memref<80xi32, #tpu.memory_space<vmem>>
          %dma_start3A_427 = tpu.memref_slice %arg3[%add3A_421] : memref<320000xi32, #tpu.memory_space<hbm>> -> memref<80xi32, #tpu.memory_space<hbm>>
          %dma_start3A_428 = arith.constant 0 : i32
          %dma_start3A_429 = tpu.memref_slice %arg8[%add3A_423, %dma_start3A_428] : memref<8x80xi32, #tpu.memory_space<vmem>> -> memref<1x80xi32, #tpu.memory_space<vmem>>
          %dma_start3A_430 = tpu.memref_squeeze %dma_start3A_429 : memref<1x80xi32, #tpu.memory_space<vmem>> -> memref<80xi32, #tpu.memory_space<vmem>>
          %dma_start3A_431 = tpu.memref_slice %arg3[%add3A_421] : memref<320000xi32, #tpu.memory_space<hbm>> -> memref<80xi32, #tpu.memory_space<hbm>>
          tpu.enqueue_dma source(%dma_start3A_431 : memref<80xi32, #tpu.memory_space<hbm>>) target(%dma_start3A_430 : memref<80xi32, #tpu.memory_space<vmem>>) target_semaphore(%arg11 : memref<!tpu.dma_semaphore, #tpu.memory_space<semaphore_mem>>)
          %add3A_432 = arith.constant 1 : i32
          %add3A_433 = arith.addi %mul3A_387, %add3A_432 : i32
          %dma_start3A_434 = arith.constant 0 : i32
          %dma_start3A_435 = tpu.memref_slice %arg9[%add3A_433, %dma_start3A_434] : memref<8x80xi32, #tpu.memory_space<vmem>> -> memref<1x80xi32, #tpu.memory_space<vmem>>
          %dma_start3A_436 = tpu.memref_squeeze %dma_start3A_435 : memref<1x80xi32, #tpu.memory_space<vmem>> -> memref<80xi32, #tpu.memory_space<vmem>>
          %dma_start3A_437 = tpu.memref_slice %arg4[%add3A_421] : memref<320000xi32, #tpu.memory_space<hbm>> -> memref<80xi32, #tpu.memory_space<hbm>>
          %dma_start3A_438 = arith.constant 0 : i32
          %dma_start3A_439 = tpu.memref_slice %arg9[%add3A_433, %dma_start3A_438] : memref<8x80xi32, #tpu.memory_space<vmem>> -> memref<1x80xi32, #tpu.memory_space<vmem>>
          %dma_start3A_440 = tpu.memref_squeeze %dma_start3A_439 : memref<1x80xi32, #tpu.memory_space<vmem>> -> memref<80xi32, #tpu.memory_space<vmem>>
          %dma_start3A_441 = tpu.memref_slice %arg4[%add3A_421] : memref<320000xi32, #tpu.memory_space<hbm>> -> memref<80xi32, #tpu.memory_space<hbm>>
          tpu.enqueue_dma source(%dma_start3A_441 : memref<80xi32, #tpu.memory_space<hbm>>) target(%dma_start3A_440 : memref<80xi32, #tpu.memory_space<vmem>>) target_semaphore(%arg11 : memref<!tpu.dma_semaphore, #tpu.memory_space<semaphore_mem>>)
        } else {
        }
      } else {
      }
      %jit3A_201 = arith.constant 2 : i32
      %eq3A_202 = arith.constant 0 : i32
      %eq3A_203 = arith.cmpi eq, %jit3A_201, %eq3A_202 : i32
      %jit3A_204 = arith.constant 1 : i32
      %select_n3A_205 = arith.select %eq3A_203, %jit3A_204, %jit3A_201 : i32
      %rem3A_206 = arith.remsi %scan3A_185, %select_n3A_205 : i32
      %ne3A_207 = arith.constant 0 : i32
      %ne3A_208 = arith.cmpi ne, %rem3A_206, %ne3A_207 : i32
      %lt3A_209 = arith.constant 0 : i32
      %lt3A_210 = arith.cmpi slt, %rem3A_206, %lt3A_209 : i32
      %lt3A_211 = arith.constant 0 : i32
      %lt3A_212 = arith.cmpi slt, %select_n3A_205, %lt3A_211 : i32
      %ne3A_213 = arith.xori %lt3A_210, %lt3A_212 : i1
      %and3A_214 = arith.andi %ne3A_213, %ne3A_208 : i1
      %add3A_215 = arith.addi %rem3A_206, %select_n3A_205 : i32
      %select_n3A_216 = arith.select %and3A_214, %add3A_215, %rem3A_206 : i32
      %eq3A_217 = arith.constant 1 : i32
      %eq3A_218 = arith.cmpi eq, %select_n3A_216, %eq3A_217 : i32
      %convert_element_type3A_219 = arith.extui %eq3A_218 : i1 to i32
      %cond3A_220 = arith.constant 0 : i32
      %cond3A_221 = arith.cmpi ne, %convert_element_type3A_219, %cond3A_220 : i32
      scf.if %cond3A_221 {
        %jit3A_222 = arith.constant 4 : i32
        %eq3A_223 = arith.constant 0 : i32
        %eq3A_224 = arith.cmpi eq, %jit3A_222, %eq3A_223 : i32
        %jit3A_225 = arith.constant 1 : i32
        %select_n3A_226 = arith.select %eq3A_224, %jit3A_225, %jit3A_222 : i32
        %rem3A_227 = arith.remsi %scan3A_185, %select_n3A_226 : i32
        %ne3A_228 = arith.constant 0 : i32
        %ne3A_229 = arith.cmpi ne, %rem3A_227, %ne3A_228 : i32
        %lt3A_230 = arith.constant 0 : i32
        %lt3A_231 = arith.cmpi slt, %rem3A_227, %lt3A_230 : i32
        %lt3A_232 = arith.constant 0 : i32
        %lt3A_233 = arith.cmpi slt, %select_n3A_226, %lt3A_232 : i32
        %ne3A_234 = arith.xori %lt3A_231, %lt3A_233 : i1
        %and3A_235 = arith.andi %ne3A_234, %ne3A_229 : i1
        %add3A_236 = arith.addi %rem3A_227, %select_n3A_226 : i32
        %select_n3A_237 = arith.select %and3A_235, %add3A_236, %rem3A_227 : i32
        %mul3A_238 = arith.constant 2 : i32
        %mul3A_239 = arith.muli %select_n3A_237, %mul3A_238 : i32
        %jit3A_240 = arith.constant 2 : i32
        %eq3A_241 = arith.constant 0 : i32
        %eq3A_242 = arith.cmpi eq, %jit3A_240, %eq3A_241 : i32
        %jit3A_243 = arith.constant 1 : i32
        %select_n3A_244 = arith.select %eq3A_242, %jit3A_243, %jit3A_240 : i32
        %rem3A_245 = arith.remsi %scan3A_185, %select_n3A_244 : i32
        %ne3A_246 = arith.constant 0 : i32
        %ne3A_247 = arith.cmpi ne, %rem3A_245, %ne3A_246 : i32
        %lt3A_248 = arith.constant 0 : i32
        %lt3A_249 = arith.cmpi slt, %rem3A_245, %lt3A_248 : i32
        %lt3A_250 = arith.constant 0 : i32
        %lt3A_251 = arith.cmpi slt, %select_n3A_244, %lt3A_250 : i32
        %ne3A_252 = arith.xori %lt3A_249, %lt3A_251 : i1
        %and3A_253 = arith.andi %ne3A_252, %ne3A_247 : i1
        %add3A_254 = arith.addi %rem3A_245, %select_n3A_244 : i32
        %select_n3A_255 = arith.select %and3A_253, %add3A_254, %rem3A_245 : i32
        %mul3A_256 = arith.constant 2 : i32
        %mul3A_257 = arith.muli %select_n3A_255, %mul3A_256 : i32
        %add3A_258 = arith.constant 0 : i32
        %add3A_259 = arith.addi %mul3A_239, %add3A_258 : i32
        %add3A_260 = arith.constant 0 : i32
        %add3A_261 = arith.addi %mul3A_257, %add3A_260 : i32
        %dma_wait3A_262 = arith.constant 0 : i32
        %dma_wait3A_263 = arith.constant 0 : i32
        %dma_wait3A_264 = tpu.memref_slice %arg10[%add3A_261, %dma_wait3A_262, %dma_wait3A_263] : memref<4x80x128xf32, #tpu.memory_space<vmem>> -> memref<1x80x128xf32, #tpu.memory_space<vmem>>
        %dma_wait3A_265 = tpu.memref_squeeze %dma_wait3A_264 : memref<1x80x128xf32, #tpu.memory_space<vmem>> -> memref<80x128xf32, #tpu.memory_space<vmem>>
        %dma_wait3A_266 = arith.constant 0 : i32
        %dma_wait3A_267 = tpu.memref_slice %arg8[%add3A_259, %dma_wait3A_266] : memref<8x80xi32, #tpu.memory_space<vmem>> -> memref<1x80xi32, #tpu.memory_space<vmem>>
        %dma_wait3A_268 = tpu.memref_squeeze %dma_wait3A_267 : memref<1x80xi32, #tpu.memory_space<vmem>> -> memref<80xi32, #tpu.memory_space<vmem>>
        %dma_wait3A_269 = arith.constant 0 : i32
        %dma_wait3A_270 = arith.constant 0 : i32
        %dma_wait3A_271 = tpu.memref_slice %arg2[%dma_wait3A_269, %dma_wait3A_270] : memref<10000x128xf32, #tpu.memory_space<hbm>> -> memref<10000x128xf32, #tpu.memory_space<hbm>>
        tpu.wait_indirect_dma semaphore(%arg14 : memref<!tpu.dma_semaphore, #tpu.memory_space<semaphore_mem>>) src(%dma_wait3A_271 : memref<10000x128xf32, #tpu.memory_space<hbm>>) dst(%dma_wait3A_265 : memref<80x128xf32, #tpu.memory_space<vmem>>)
        %add3A_272 = arith.constant 1 : i32
        %add3A_273 = arith.addi %mul3A_239, %add3A_272 : i32
        %add3A_274 = arith.constant 1 : i32
        %add3A_275 = arith.addi %mul3A_257, %add3A_274 : i32
        %dma_wait3A_276 = arith.constant 0 : i32
        %dma_wait3A_277 = arith.constant 0 : i32
        %dma_wait3A_278 = tpu.memref_slice %arg10[%add3A_275, %dma_wait3A_276, %dma_wait3A_277] : memref<4x80x128xf32, #tpu.memory_space<vmem>> -> memref<1x80x128xf32, #tpu.memory_space<vmem>>
        %dma_wait3A_279 = tpu.memref_squeeze %dma_wait3A_278 : memref<1x80x128xf32, #tpu.memory_space<vmem>> -> memref<80x128xf32, #tpu.memory_space<vmem>>
        %dma_wait3A_280 = arith.constant 0 : i32
        %dma_wait3A_281 = tpu.memref_slice %arg8[%add3A_273, %dma_wait3A_280] : memref<8x80xi32, #tpu.memory_space<vmem>> -> memref<1x80xi32, #tpu.memory_space<vmem>>
        %dma_wait3A_282 = tpu.memref_squeeze %dma_wait3A_281 : memref<1x80xi32, #tpu.memory_space<vmem>> -> memref<80xi32, #tpu.memory_space<vmem>>
        %dma_wait3A_283 = arith.constant 0 : i32
        %dma_wait3A_284 = arith.constant 0 : i32
        %dma_wait3A_285 = tpu.memref_slice %arg2[%dma_wait3A_283, %dma_wait3A_284] : memref<10000x128xf32, #tpu.memory_space<hbm>> -> memref<10000x128xf32, #tpu.memory_space<hbm>>
        tpu.wait_indirect_dma semaphore(%arg14 : memref<!tpu.dma_semaphore, #tpu.memory_space<semaphore_mem>>) src(%dma_wait3A_285 : memref<10000x128xf32, #tpu.memory_space<hbm>>) dst(%dma_wait3A_279 : memref<80x128xf32, #tpu.memory_space<vmem>>)
        %jit3A_286 = arith.constant 4 : i32
        %eq3A_287 = arith.constant 0 : i32
        %eq3A_288 = arith.cmpi eq, %jit3A_286, %eq3A_287 : i32
        %jit3A_289 = arith.constant 1 : i32
        %select_n3A_290 = arith.select %eq3A_288, %jit3A_289, %jit3A_286 : i32
        %rem3A_291 = arith.remsi %scan3A_185, %select_n3A_290 : i32
        %ne3A_292 = arith.constant 0 : i32
        %ne3A_293 = arith.cmpi ne, %rem3A_291, %ne3A_292 : i32
        %lt3A_294 = arith.constant 0 : i32
        %lt3A_295 = arith.cmpi slt, %rem3A_291, %lt3A_294 : i32
        %lt3A_296 = arith.constant 0 : i32
        %lt3A_297 = arith.cmpi slt, %select_n3A_290, %lt3A_296 : i32
        %ne3A_298 = arith.xori %lt3A_295, %lt3A_297 : i1
        %and3A_299 = arith.andi %ne3A_298, %ne3A_293 : i1
        %add3A_300 = arith.addi %rem3A_291, %select_n3A_290 : i32
        %select_n3A_301 = arith.select %and3A_299, %add3A_300, %rem3A_291 : i32
        %mul3A_302 = arith.constant 2 : i32
        %mul3A_303 = arith.muli %select_n3A_301, %mul3A_302 : i32
        %jit3A_304 = arith.constant 2 : i32
        %eq3A_305 = arith.constant 0 : i32
        %eq3A_306 = arith.cmpi eq, %jit3A_304, %eq3A_305 : i32
        %jit3A_307 = arith.constant 1 : i32
        %select_n3A_308 = arith.select %eq3A_306, %jit3A_307, %jit3A_304 : i32
        %rem3A_309 = arith.remsi %scan3A_185, %select_n3A_308 : i32
        %ne3A_310 = arith.constant 0 : i32
        %ne3A_311 = arith.cmpi ne, %rem3A_309, %ne3A_310 : i32
        %lt3A_312 = arith.constant 0 : i32
        %lt3A_313 = arith.cmpi slt, %rem3A_309, %lt3A_312 : i32
        %lt3A_314 = arith.constant 0 : i32
        %lt3A_315 = arith.cmpi slt, %select_n3A_308, %lt3A_314 : i32
        %ne3A_316 = arith.xori %lt3A_313, %lt3A_315 : i1
        %and3A_317 = arith.andi %ne3A_316, %ne3A_311 : i1
        %add3A_318 = arith.addi %rem3A_309, %select_n3A_308 : i32
        %select_n3A_319 = arith.select %and3A_317, %add3A_318, %rem3A_309 : i32
        %mul3A_320 = arith.constant 2 : i32
        %mul3A_321 = arith.muli %select_n3A_319, %mul3A_320 : i32
        %add3A_322 = arith.constant 0 : i32
        %add3A_323 = arith.addi %mul3A_321, %add3A_322 : i32
        %add3A_324 = arith.constant 0 : i32
        %add3A_325 = arith.addi %mul3A_303, %add3A_324 : i32
        %dma_start3A_326 = arith.constant 0 : i32
        %dma_start3A_327 = arith.constant 0 : i32
        %dma_start3A_328 = tpu.memref_slice %arg10[%add3A_323, %dma_start3A_326, %dma_start3A_327] : memref<4x80x128xf32, #tpu.memory_space<vmem>> -> memref<1x80x128xf32, #tpu.memory_space<vmem>>
        %dma_start3A_329 = tpu.memref_squeeze %dma_start3A_328 : memref<1x80x128xf32, #tpu.memory_space<vmem>> -> memref<80x128xf32, #tpu.memory_space<vmem>>
        %dma_start3A_330 = arith.constant 0 : i32
        %dma_start3A_331 = tpu.memref_slice %arg9[%add3A_325, %dma_start3A_330] : memref<8x80xi32, #tpu.memory_space<vmem>> -> memref<1x80xi32, #tpu.memory_space<vmem>>
        %dma_start3A_332 = tpu.memref_squeeze %dma_start3A_331 : memref<1x80xi32, #tpu.memory_space<vmem>> -> memref<80xi32, #tpu.memory_space<vmem>>
        %dma_start3A_333 = arith.constant 0 : i32
        %dma_start3A_334 = arith.constant 0 : i32
        %dma_start3A_335 = tpu.memref_slice %arg7[%dma_start3A_333, %dma_start3A_334] : memref<10000x128xf32, #tpu.memory_space<vmem_shared>> -> memref<10000x128xf32, #tpu.memory_space<vmem_shared>>
        tpu.enqueue_indirect_dma source(%dma_start3A_329 : memref<80x128xf32, #tpu.memory_space<vmem>>) target(%dma_start3A_335 : memref<10000x128xf32, #tpu.memory_space<vmem_shared>>) offsets(%dma_start3A_332 : memref<80xi32, #tpu.memory_space<vmem>>) semaphore(%arg16 : memref<!tpu.dma_semaphore, #tpu.memory_space<semaphore_mem>>) {add = true}
        %add3A_336 = arith.constant 1 : i32
        %add3A_337 = arith.addi %mul3A_321, %add3A_336 : i32
        %add3A_338 = arith.constant 1 : i32
        %add3A_339 = arith.addi %mul3A_303, %add3A_338 : i32
        %dma_start3A_340 = arith.constant 0 : i32
        %dma_start3A_341 = arith.constant 0 : i32
        %dma_start3A_342 = tpu.memref_slice %arg10[%add3A_337, %dma_start3A_340, %dma_start3A_341] : memref<4x80x128xf32, #tpu.memory_space<vmem>> -> memref<1x80x128xf32, #tpu.memory_space<vmem>>
        %dma_start3A_343 = tpu.memref_squeeze %dma_start3A_342 : memref<1x80x128xf32, #tpu.memory_space<vmem>> -> memref<80x128xf32, #tpu.memory_space<vmem>>
        %dma_start3A_344 = arith.constant 0 : i32
        %dma_start3A_345 = tpu.memref_slice %arg9[%add3A_339, %dma_start3A_344] : memref<8x80xi32, #tpu.memory_space<vmem>> -> memref<1x80xi32, #tpu.memory_space<vmem>>
        %dma_start3A_346 = tpu.memref_squeeze %dma_start3A_345 : memref<1x80xi32, #tpu.memory_space<vmem>> -> memref<80xi32, #tpu.memory_space<vmem>>
        %dma_start3A_347 = arith.constant 0 : i32
        %dma_start3A_348 = arith.constant 0 : i32
        %dma_start3A_349 = tpu.memref_slice %arg7[%dma_start3A_347, %dma_start3A_348] : memref<10000x128xf32, #tpu.memory_space<vmem_shared>> -> memref<10000x128xf32, #tpu.memory_space<vmem_shared>>
        tpu.enqueue_indirect_dma source(%dma_start3A_343 : memref<80x128xf32, #tpu.memory_space<vmem>>) target(%dma_start3A_349 : memref<10000x128xf32, #tpu.memory_space<vmem_shared>>) offsets(%dma_start3A_346 : memref<80xi32, #tpu.memory_space<vmem>>) semaphore(%arg16 : memref<!tpu.dma_semaphore, #tpu.memory_space<semaphore_mem>>) {add = true}
        %ge3A = arith.constant 1 : i32
        %ge3A_350 = arith.cmpi sge, %scan3A_185, %ge3A : i32
        %convert_element_type3A_351 = arith.extui %ge3A_350 : i1 to i32
        %cond3A_352 = arith.constant 0 : i32
        %cond3A_353 = arith.cmpi ne, %convert_element_type3A_351, %cond3A_352 : i32
        scf.if %cond3A_353 {
          %sub3A = arith.constant 1 : i32
          %sub3A_368 = arith.subi %scan3A_185, %sub3A : i32
          %jit3A_369 = arith.constant 4 : i32
          %eq3A_370 = arith.constant 0 : i32
          %eq3A_371 = arith.cmpi eq, %jit3A_369, %eq3A_370 : i32
          %jit3A_372 = arith.constant 1 : i32
          %select_n3A_373 = arith.select %eq3A_371, %jit3A_372, %jit3A_369 : i32
          %rem3A_374 = arith.remsi %sub3A_368, %select_n3A_373 : i32
          %ne3A_375 = arith.constant 0 : i32
          %ne3A_376 = arith.cmpi ne, %rem3A_374, %ne3A_375 : i32
          %lt3A_377 = arith.constant 0 : i32
          %lt3A_378 = arith.cmpi slt, %rem3A_374, %lt3A_377 : i32
          %lt3A_379 = arith.constant 0 : i32
          %lt3A_380 = arith.cmpi slt, %select_n3A_373, %lt3A_379 : i32
          %ne3A_381 = arith.xori %lt3A_378, %lt3A_380 : i1
          %and3A_382 = arith.andi %ne3A_381, %ne3A_376 : i1
          %add3A_383 = arith.addi %rem3A_374, %select_n3A_373 : i32
          %select_n3A_384 = arith.select %and3A_382, %add3A_383, %rem3A_374 : i32
          %mul3A_385 = arith.constant 2 : i32
          %mul3A_386 = arith.muli %select_n3A_384, %mul3A_385 : i32
          %jit3A_387 = arith.constant 2 : i32
          %eq3A_388 = arith.constant 0 : i32
          %eq3A_389 = arith.cmpi eq, %jit3A_387, %eq3A_388 : i32
          %jit3A_390 = arith.constant 1 : i32
          %select_n3A_391 = arith.select %eq3A_389, %jit3A_390, %jit3A_387 : i32
          %rem3A_392 = arith.remsi %sub3A_368, %select_n3A_391 : i32
          %ne3A_393 = arith.constant 0 : i32
          %ne3A_394 = arith.cmpi ne, %rem3A_392, %ne3A_393 : i32
          %lt3A_395 = arith.constant 0 : i32
          %lt3A_396 = arith.cmpi slt, %rem3A_392, %lt3A_395 : i32
          %lt3A_397 = arith.constant 0 : i32
          %lt3A_398 = arith.cmpi slt, %select_n3A_391, %lt3A_397 : i32
          %ne3A_399 = arith.xori %lt3A_396, %lt3A_398 : i1
          %and3A_400 = arith.andi %ne3A_399, %ne3A_394 : i1
          %add3A_401 = arith.addi %rem3A_392, %select_n3A_391 : i32
          %select_n3A_402 = arith.select %and3A_400, %add3A_401, %rem3A_392 : i32
          %mul3A_403 = arith.constant 2 : i32
          %mul3A_404 = arith.muli %select_n3A_402, %mul3A_403 : i32
          %add3A_405 = arith.constant 0 : i32
          %add3A_406 = arith.addi %mul3A_404, %add3A_405 : i32
          %add3A_407 = arith.constant 0 : i32
          %add3A_408 = arith.addi %mul3A_386, %add3A_407 : i32
          %dma_wait3A_409 = arith.constant 0 : i32
          %dma_wait3A_410 = arith.constant 0 : i32
          %dma_wait3A_411 = tpu.memref_slice %arg10[%add3A_406, %dma_wait3A_409, %dma_wait3A_410] : memref<4x80x128xf32, #tpu.memory_space<vmem>> -> memref<1x80x128xf32, #tpu.memory_space<vmem>>
          %dma_wait3A_412 = tpu.memref_squeeze %dma_wait3A_411 : memref<1x80x128xf32, #tpu.memory_space<vmem>> -> memref<80x128xf32, #tpu.memory_space<vmem>>
          %dma_wait3A_413 = arith.constant 0 : i32
          %dma_wait3A_414 = tpu.memref_slice %arg9[%add3A_408, %dma_wait3A_413] : memref<8x80xi32, #tpu.memory_space<vmem>> -> memref<1x80xi32, #tpu.memory_space<vmem>>
          %dma_wait3A_415 = tpu.memref_squeeze %dma_wait3A_414 : memref<1x80xi32, #tpu.memory_space<vmem>> -> memref<80xi32, #tpu.memory_space<vmem>>
          %dma_wait3A_416 = arith.constant 0 : i32
          %dma_wait3A_417 = arith.constant 0 : i32
          %dma_wait3A_418 = tpu.memref_slice %arg7[%dma_wait3A_416, %dma_wait3A_417] : memref<10000x128xf32, #tpu.memory_space<vmem_shared>> -> memref<10000x128xf32, #tpu.memory_space<vmem_shared>>
          tpu.wait_indirect_dma semaphore(%arg15 : memref<!tpu.dma_semaphore, #tpu.memory_space<semaphore_mem>>) src(%dma_wait3A_412 : memref<80x128xf32, #tpu.memory_space<vmem>>) dst(%dma_wait3A_418 : memref<10000x128xf32, #tpu.memory_space<vmem_shared>>)
          %add3A_419 = arith.constant 1 : i32
          %add3A_420 = arith.addi %mul3A_404, %add3A_419 : i32
          %add3A_421 = arith.constant 1 : i32
          %add3A_422 = arith.addi %mul3A_386, %add3A_421 : i32
          %dma_wait3A_423 = arith.constant 0 : i32
          %dma_wait3A_424 = arith.constant 0 : i32
          %dma_wait3A_425 = tpu.memref_slice %arg10[%add3A_420, %dma_wait3A_423, %dma_wait3A_424] : memref<4x80x128xf32, #tpu.memory_space<vmem>> -> memref<1x80x128xf32, #tpu.memory_space<vmem>>
          %dma_wait3A_426 = tpu.memref_squeeze %dma_wait3A_425 : memref<1x80x128xf32, #tpu.memory_space<vmem>> -> memref<80x128xf32, #tpu.memory_space<vmem>>
          %dma_wait3A_427 = arith.constant 0 : i32
          %dma_wait3A_428 = tpu.memref_slice %arg9[%add3A_422, %dma_wait3A_427] : memref<8x80xi32, #tpu.memory_space<vmem>> -> memref<1x80xi32, #tpu.memory_space<vmem>>
          %dma_wait3A_429 = tpu.memref_squeeze %dma_wait3A_428 : memref<1x80xi32, #tpu.memory_space<vmem>> -> memref<80xi32, #tpu.memory_space<vmem>>
          %dma_wait3A_430 = arith.constant 0 : i32
          %dma_wait3A_431 = arith.constant 0 : i32
          %dma_wait3A_432 = tpu.memref_slice %arg7[%dma_wait3A_430, %dma_wait3A_431] : memref<10000x128xf32, #tpu.memory_space<vmem_shared>> -> memref<10000x128xf32, #tpu.memory_space<vmem_shared>>
          tpu.wait_indirect_dma semaphore(%arg15 : memref<!tpu.dma_semaphore, #tpu.memory_space<semaphore_mem>>) src(%dma_wait3A_426 : memref<80x128xf32, #tpu.memory_space<vmem>>) dst(%dma_wait3A_432 : memref<10000x128xf32, #tpu.memory_space<vmem_shared>>)
        } else {
        }
        %add3A_354 = arith.constant 1 : i32
        %add3A_355 = arith.addi %scan3A_185, %add3A_354 : i32
        %lt3A_356 = arith.constant 62 : i32
        %lt3A_357 = arith.cmpi slt, %add3A_355, %lt3A_356 : i32
        %convert_element_type3A_358 = arith.extui %lt3A_357 : i1 to i32
        %cond3A_359 = arith.constant 0 : i32
        %cond3A_360 = arith.cmpi ne, %convert_element_type3A_358, %cond3A_359 : i32
        scf.if %cond3A_360 {
          %add3A_368 = arith.constant 1 : i32
          %add3A_369 = arith.addi %scan3A_185, %add3A_368 : i32
          %jit3A_370 = arith.constant 4 : i32
          %eq3A_371 = arith.constant 0 : i32
          %eq3A_372 = arith.cmpi eq, %jit3A_370, %eq3A_371 : i32
          %jit3A_373 = arith.constant 1 : i32
          %select_n3A_374 = arith.select %eq3A_372, %jit3A_373, %jit3A_370 : i32
          %rem3A_375 = arith.remsi %add3A_369, %select_n3A_374 : i32
          %ne3A_376 = arith.constant 0 : i32
          %ne3A_377 = arith.cmpi ne, %rem3A_375, %ne3A_376 : i32
          %lt3A_378 = arith.constant 0 : i32
          %lt3A_379 = arith.cmpi slt, %rem3A_375, %lt3A_378 : i32
          %lt3A_380 = arith.constant 0 : i32
          %lt3A_381 = arith.cmpi slt, %select_n3A_374, %lt3A_380 : i32
          %ne3A_382 = arith.xori %lt3A_379, %lt3A_381 : i1
          %and3A_383 = arith.andi %ne3A_382, %ne3A_377 : i1
          %add3A_384 = arith.addi %rem3A_375, %select_n3A_374 : i32
          %select_n3A_385 = arith.select %and3A_383, %add3A_384, %rem3A_375 : i32
          %mul3A_386 = arith.constant 2 : i32
          %mul3A_387 = arith.muli %select_n3A_385, %mul3A_386 : i32
          %add3A_388 = arith.constant 0 : i32
          %add3A_389 = arith.addi %mul3A_387, %add3A_388 : i32
          %dma_wait3A_390 = arith.constant 0 : i32
          %dma_wait3A_391 = tpu.memref_slice %arg8[%add3A_389, %dma_wait3A_390] : memref<8x80xi32, #tpu.memory_space<vmem>> -> memref<1x80xi32, #tpu.memory_space<vmem>>
          %dma_wait3A_392 = tpu.memref_squeeze %dma_wait3A_391 : memref<1x80xi32, #tpu.memory_space<vmem>> -> memref<80xi32, #tpu.memory_space<vmem>>
          %dma_wait3A_393 = tpu.memref_slice %arg3[%mul3A_2] : memref<320000xi32, #tpu.memory_space<hbm>> -> memref<80xi32, #tpu.memory_space<hbm>>
          %dma_wait3A_394 = arith.constant 0 : i32
          %dma_wait3A_395 = tpu.memref_slice %arg8[%add3A_389, %dma_wait3A_394] : memref<8x80xi32, #tpu.memory_space<vmem>> -> memref<1x80xi32, #tpu.memory_space<vmem>>
          %dma_wait3A_396 = tpu.memref_squeeze %dma_wait3A_395 : memref<1x80xi32, #tpu.memory_space<vmem>> -> memref<80xi32, #tpu.memory_space<vmem>>
          %dma_wait3A_397 = tpu.memref_slice %arg3[%mul3A_2] : memref<320000xi32, #tpu.memory_space<hbm>> -> memref<80xi32, #tpu.memory_space<hbm>>
          tpu.wait_dma2 semaphore(%arg11 : memref<!tpu.dma_semaphore, #tpu.memory_space<semaphore_mem>>) src(%dma_wait3A_397 : memref<80xi32, #tpu.memory_space<hbm>>) dst(%dma_wait3A_396 : memref<80xi32, #tpu.memory_space<vmem>>)
          %add3A_398 = arith.constant 0 : i32
          %add3A_399 = arith.addi %mul3A_387, %add3A_398 : i32
          %dma_wait3A_400 = arith.constant 0 : i32
          %dma_wait3A_401 = tpu.memref_slice %arg9[%add3A_399, %dma_wait3A_400] : memref<8x80xi32, #tpu.memory_space<vmem>> -> memref<1x80xi32, #tpu.memory_space<vmem>>
          %dma_wait3A_402 = tpu.memref_squeeze %dma_wait3A_401 : memref<1x80xi32, #tpu.memory_space<vmem>> -> memref<80xi32, #tpu.memory_space<vmem>>
          %dma_wait3A_403 = tpu.memref_slice %arg4[%mul3A_2] : memref<320000xi32, #tpu.memory_space<hbm>> -> memref<80xi32, #tpu.memory_space<hbm>>
          %dma_wait3A_404 = arith.constant 0 : i32
          %dma_wait3A_405 = tpu.memref_slice %arg9[%add3A_399, %dma_wait3A_404] : memref<8x80xi32, #tpu.memory_space<vmem>> -> memref<1x80xi32, #tpu.memory_space<vmem>>
          %dma_wait3A_406 = tpu.memref_squeeze %dma_wait3A_405 : memref<1x80xi32, #tpu.memory_space<vmem>> -> memref<80xi32, #tpu.memory_space<vmem>>
          %dma_wait3A_407 = tpu.memref_slice %arg4[%mul3A_2] : memref<320000xi32, #tpu.memory_space<hbm>> -> memref<80xi32, #tpu.memory_space<hbm>>
          tpu.wait_dma2 semaphore(%arg11 : memref<!tpu.dma_semaphore, #tpu.memory_space<semaphore_mem>>) src(%dma_wait3A_407 : memref<80xi32, #tpu.memory_space<hbm>>) dst(%dma_wait3A_406 : memref<80xi32, #tpu.memory_space<vmem>>)
          %add3A_408 = arith.constant 1 : i32
          %add3A_409 = arith.addi %mul3A_387, %add3A_408 : i32
          %dma_wait3A_410 = arith.constant 0 : i32
          %dma_wait3A_411 = tpu.memref_slice %arg8[%add3A_409, %dma_wait3A_410] : memref<8x80xi32, #tpu.memory_space<vmem>> -> memref<1x80xi32, #tpu.memory_space<vmem>>
          %dma_wait3A_412 = tpu.memref_squeeze %dma_wait3A_411 : memref<1x80xi32, #tpu.memory_space<vmem>> -> memref<80xi32, #tpu.memory_space<vmem>>
          %dma_wait3A_413 = tpu.memref_slice %arg3[%mul3A_2] : memref<320000xi32, #tpu.memory_space<hbm>> -> memref<80xi32, #tpu.memory_space<hbm>>
          %dma_wait3A_414 = arith.constant 0 : i32
          %dma_wait3A_415 = tpu.memref_slice %arg8[%add3A_409, %dma_wait3A_414] : memref<8x80xi32, #tpu.memory_space<vmem>> -> memref<1x80xi32, #tpu.memory_space<vmem>>
          %dma_wait3A_416 = tpu.memref_squeeze %dma_wait3A_415 : memref<1x80xi32, #tpu.memory_space<vmem>> -> memref<80xi32, #tpu.memory_space<vmem>>
          %dma_wait3A_417 = tpu.memref_slice %arg3[%mul3A_2] : memref<320000xi32, #tpu.memory_space<hbm>> -> memref<80xi32, #tpu.memory_space<hbm>>
          tpu.wait_dma2 semaphore(%arg11 : memref<!tpu.dma_semaphore, #tpu.memory_space<semaphore_mem>>) src(%dma_wait3A_417 : memref<80xi32, #tpu.memory_space<hbm>>) dst(%dma_wait3A_416 : memref<80xi32, #tpu.memory_space<vmem>>)
          %add3A_418 = arith.constant 1 : i32
          %add3A_419 = arith.addi %mul3A_387, %add3A_418 : i32
          %dma_wait3A_420 = arith.constant 0 : i32
          %dma_wait3A_421 = tpu.memref_slice %arg9[%add3A_419, %dma_wait3A_420] : memref<8x80xi32, #tpu.memory_space<vmem>> -> memref<1x80xi32, #tpu.memory_space<vmem>>
          %dma_wait3A_422 = tpu.memref_squeeze %dma_wait3A_421 : memref<1x80xi32, #tpu.memory_space<vmem>> -> memref<80xi32, #tpu.memory_space<vmem>>
          %dma_wait3A_423 = tpu.memref_slice %arg4[%mul3A_2] : memref<320000xi32, #tpu.memory_space<hbm>> -> memref<80xi32, #tpu.memory_space<hbm>>
          %dma_wait3A_424 = arith.constant 0 : i32
          %dma_wait3A_425 = tpu.memref_slice %arg9[%add3A_419, %dma_wait3A_424] : memref<8x80xi32, #tpu.memory_space<vmem>> -> memref<1x80xi32, #tpu.memory_space<vmem>>
          %dma_wait3A_426 = tpu.memref_squeeze %dma_wait3A_425 : memref<1x80xi32, #tpu.memory_space<vmem>> -> memref<80xi32, #tpu.memory_space<vmem>>
          %dma_wait3A_427 = tpu.memref_slice %arg4[%mul3A_2] : memref<320000xi32, #tpu.memory_space<hbm>> -> memref<80xi32, #tpu.memory_space<hbm>>
          tpu.wait_dma2 semaphore(%arg11 : memref<!tpu.dma_semaphore, #tpu.memory_space<semaphore_mem>>) src(%dma_wait3A_427 : memref<80xi32, #tpu.memory_space<hbm>>) dst(%dma_wait3A_426 : memref<80xi32, #tpu.memory_space<vmem>>)
          %add3A_428 = arith.constant 1 : i32
          %add3A_429 = arith.addi %scan3A_185, %add3A_428 : i32
          %jit3A_430 = arith.constant 4 : i32
          %eq3A_431 = arith.constant 0 : i32
          %eq3A_432 = arith.cmpi eq, %jit3A_430, %eq3A_431 : i32
          %jit3A_433 = arith.constant 1 : i32
          %select_n3A_434 = arith.select %eq3A_432, %jit3A_433, %jit3A_430 : i32
          %rem3A_435 = arith.remsi %add3A_429, %select_n3A_434 : i32
          %ne3A_436 = arith.constant 0 : i32
          %ne3A_437 = arith.cmpi ne, %rem3A_435, %ne3A_436 : i32
          %lt3A_438 = arith.constant 0 : i32
          %lt3A_439 = arith.cmpi slt, %rem3A_435, %lt3A_438 : i32
          %lt3A_440 = arith.constant 0 : i32
          %lt3A_441 = arith.cmpi slt, %select_n3A_434, %lt3A_440 : i32
          %ne3A_442 = arith.xori %lt3A_439, %lt3A_441 : i1
          %and3A_443 = arith.andi %ne3A_442, %ne3A_437 : i1
          %add3A_444 = arith.addi %rem3A_435, %select_n3A_434 : i32
          %select_n3A_445 = arith.select %and3A_443, %add3A_444, %rem3A_435 : i32
          %mul3A_446 = arith.constant 2 : i32
          %mul3A_447 = arith.muli %select_n3A_445, %mul3A_446 : i32
          %jit3A_448 = arith.constant 2 : i32
          %eq3A_449 = arith.constant 0 : i32
          %eq3A_450 = arith.cmpi eq, %jit3A_448, %eq3A_449 : i32
          %jit3A_451 = arith.constant 1 : i32
          %select_n3A_452 = arith.select %eq3A_450, %jit3A_451, %jit3A_448 : i32
          %rem3A_453 = arith.remsi %add3A_429, %select_n3A_452 : i32
          %ne3A_454 = arith.constant 0 : i32
          %ne3A_455 = arith.cmpi ne, %rem3A_453, %ne3A_454 : i32
          %lt3A_456 = arith.constant 0 : i32
          %lt3A_457 = arith.cmpi slt, %rem3A_453, %lt3A_456 : i32
          %lt3A_458 = arith.constant 0 : i32
          %lt3A_459 = arith.cmpi slt, %select_n3A_452, %lt3A_458 : i32
          %ne3A_460 = arith.xori %lt3A_457, %lt3A_459 : i1
          %and3A_461 = arith.andi %ne3A_460, %ne3A_455 : i1
          %add3A_462 = arith.addi %rem3A_453, %select_n3A_452 : i32
          %select_n3A_463 = arith.select %and3A_461, %add3A_462, %rem3A_453 : i32
          %mul3A_464 = arith.constant 2 : i32
          %mul3A_465 = arith.muli %select_n3A_463, %mul3A_464 : i32
          %add3A_466 = arith.constant 0 : i32
          %add3A_467 = arith.addi %mul3A_447, %add3A_466 : i32
          %add3A_468 = arith.constant 0 : i32
          %add3A_469 = arith.addi %mul3A_465, %add3A_468 : i32
          %dma_start3A_470 = arith.constant 0 : i32
          %dma_start3A_471 = arith.constant 0 : i32
          %dma_start3A_472 = tpu.memref_slice %arg10[%add3A_469, %dma_start3A_470, %dma_start3A_471] : memref<4x80x128xf32, #tpu.memory_space<vmem>> -> memref<1x80x128xf32, #tpu.memory_space<vmem>>
          %dma_start3A_473 = tpu.memref_squeeze %dma_start3A_472 : memref<1x80x128xf32, #tpu.memory_space<vmem>> -> memref<80x128xf32, #tpu.memory_space<vmem>>
          %dma_start3A_474 = arith.constant 0 : i32
          %dma_start3A_475 = tpu.memref_slice %arg8[%add3A_467, %dma_start3A_474] : memref<8x80xi32, #tpu.memory_space<vmem>> -> memref<1x80xi32, #tpu.memory_space<vmem>>
          %dma_start3A_476 = tpu.memref_squeeze %dma_start3A_475 : memref<1x80xi32, #tpu.memory_space<vmem>> -> memref<80xi32, #tpu.memory_space<vmem>>
          %dma_start3A_477 = arith.constant 0 : i32
          %dma_start3A_478 = arith.constant 0 : i32
          %dma_start3A_479 = tpu.memref_slice %arg2[%dma_start3A_477, %dma_start3A_478] : memref<10000x128xf32, #tpu.memory_space<hbm>> -> memref<10000x128xf32, #tpu.memory_space<hbm>>
          tpu.enqueue_indirect_dma source(%dma_start3A_479 : memref<10000x128xf32, #tpu.memory_space<hbm>>) target(%dma_start3A_473 : memref<80x128xf32, #tpu.memory_space<vmem>>) offsets(%dma_start3A_476 : memref<80xi32, #tpu.memory_space<vmem>>) semaphore(%arg13 : memref<!tpu.dma_semaphore, #tpu.memory_space<semaphore_mem>>)
          %add3A_480 = arith.constant 1 : i32
          %add3A_481 = arith.addi %mul3A_447, %add3A_480 : i32
          %add3A_482 = arith.constant 1 : i32
          %add3A_483 = arith.addi %mul3A_465, %add3A_482 : i32
          %dma_start3A_484 = arith.constant 0 : i32
          %dma_start3A_485 = arith.constant 0 : i32
          %dma_start3A_486 = tpu.memref_slice %arg10[%add3A_483, %dma_start3A_484, %dma_start3A_485] : memref<4x80x128xf32, #tpu.memory_space<vmem>> -> memref<1x80x128xf32, #tpu.memory_space<vmem>>
          %dma_start3A_487 = tpu.memref_squeeze %dma_start3A_486 : memref<1x80x128xf32, #tpu.memory_space<vmem>> -> memref<80x128xf32, #tpu.memory_space<vmem>>
          %dma_start3A_488 = arith.constant 0 : i32
          %dma_start3A_489 = tpu.memref_slice %arg8[%add3A_481, %dma_start3A_488] : memref<8x80xi32, #tpu.memory_space<vmem>> -> memref<1x80xi32, #tpu.memory_space<vmem>>
          %dma_start3A_490 = tpu.memref_squeeze %dma_start3A_489 : memref<1x80xi32, #tpu.memory_space<vmem>> -> memref<80xi32, #tpu.memory_space<vmem>>
          %dma_start3A_491 = arith.constant 0 : i32
          %dma_start3A_492 = arith.constant 0 : i32
          %dma_start3A_493 = tpu.memref_slice %arg2[%dma_start3A_491, %dma_start3A_492] : memref<10000x128xf32, #tpu.memory_space<hbm>> -> memref<10000x128xf32, #tpu.memory_space<hbm>>
          tpu.enqueue_indirect_dma source(%dma_start3A_493 : memref<10000x128xf32, #tpu.memory_space<hbm>>) target(%dma_start3A_487 : memref<80x128xf32, #tpu.memory_space<vmem>>) offsets(%dma_start3A_490 : memref<80xi32, #tpu.memory_space<vmem>>) semaphore(%arg13 : memref<!tpu.dma_semaphore, #tpu.memory_space<semaphore_mem>>)
        } else {
        }
        %add3A_361 = arith.constant 2 : i32
        %add3A_362 = arith.addi %scan3A_185, %add3A_361 : i32
        %lt3A_363 = arith.constant 62 : i32
        %lt3A_364 = arith.cmpi slt, %add3A_362, %lt3A_363 : i32
        %convert_element_type3A_365 = arith.extui %lt3A_364 : i1 to i32
        %cond3A_366 = arith.constant 0 : i32
        %cond3A_367 = arith.cmpi ne, %convert_element_type3A_365, %cond3A_366 : i32
        scf.if %cond3A_367 {
          %add3A_368 = arith.constant 2 : i32
          %add3A_369 = arith.addi %scan3A_185, %add3A_368 : i32
          %jit3A_370 = arith.constant 4 : i32
          %eq3A_371 = arith.constant 0 : i32
          %eq3A_372 = arith.cmpi eq, %jit3A_370, %eq3A_371 : i32
          %jit3A_373 = arith.constant 1 : i32
          %select_n3A_374 = arith.select %eq3A_372, %jit3A_373, %jit3A_370 : i32
          %rem3A_375 = arith.remsi %add3A_369, %select_n3A_374 : i32
          %ne3A_376 = arith.constant 0 : i32
          %ne3A_377 = arith.cmpi ne, %rem3A_375, %ne3A_376 : i32
          %lt3A_378 = arith.constant 0 : i32
          %lt3A_379 = arith.cmpi slt, %rem3A_375, %lt3A_378 : i32
          %lt3A_380 = arith.constant 0 : i32
          %lt3A_381 = arith.cmpi slt, %select_n3A_374, %lt3A_380 : i32
          %ne3A_382 = arith.xori %lt3A_379, %lt3A_381 : i1
          %and3A_383 = arith.andi %ne3A_382, %ne3A_377 : i1
          %add3A_384 = arith.addi %rem3A_375, %select_n3A_374 : i32
          %select_n3A_385 = arith.select %and3A_383, %add3A_384, %rem3A_375 : i32
          %mul3A_386 = arith.constant 2 : i32
          %mul3A_387 = arith.muli %select_n3A_385, %mul3A_386 : i32
          %mul3A_388 = arith.constant 2 : i32
          %mul3A_389 = arith.muli %add3A_369, %mul3A_388 : i32
          %add3A_390 = arith.constant 0 : i32
          %add3A_391 = arith.addi %mul3A_389, %add3A_390 : i32
          %mul3A_392 = arith.constant 80 : i32
          %mul3A_393 = arith.muli %add3A_391, %mul3A_392 : i32
          %add3A_394 = arith.addi %mul3A_2, %mul3A_393 : i32
          %add3A_395 = arith.constant 0 : i32
          %add3A_396 = arith.addi %mul3A_387, %add3A_395 : i32
          %dma_start3A_397 = arith.constant 0 : i32
          %dma_start3A_398 = tpu.memref_slice %arg8[%add3A_396, %dma_start3A_397] : memref<8x80xi32, #tpu.memory_space<vmem>> -> memref<1x80xi32, #tpu.memory_space<vmem>>
          %dma_start3A_399 = tpu.memref_squeeze %dma_start3A_398 : memref<1x80xi32, #tpu.memory_space<vmem>> -> memref<80xi32, #tpu.memory_space<vmem>>
          %dma_start3A_400 = tpu.memref_slice %arg3[%add3A_394] : memref<320000xi32, #tpu.memory_space<hbm>> -> memref<80xi32, #tpu.memory_space<hbm>>
          %dma_start3A_401 = arith.constant 0 : i32
          %dma_start3A_402 = tpu.memref_slice %arg8[%add3A_396, %dma_start3A_401] : memref<8x80xi32, #tpu.memory_space<vmem>> -> memref<1x80xi32, #tpu.memory_space<vmem>>
          %dma_start3A_403 = tpu.memref_squeeze %dma_start3A_402 : memref<1x80xi32, #tpu.memory_space<vmem>> -> memref<80xi32, #tpu.memory_space<vmem>>
          %dma_start3A_404 = tpu.memref_slice %arg3[%add3A_394] : memref<320000xi32, #tpu.memory_space<hbm>> -> memref<80xi32, #tpu.memory_space<hbm>>
          tpu.enqueue_dma source(%dma_start3A_404 : memref<80xi32, #tpu.memory_space<hbm>>) target(%dma_start3A_403 : memref<80xi32, #tpu.memory_space<vmem>>) target_semaphore(%arg12 : memref<!tpu.dma_semaphore, #tpu.memory_space<semaphore_mem>>)
          %add3A_405 = arith.constant 0 : i32
          %add3A_406 = arith.addi %mul3A_387, %add3A_405 : i32
          %dma_start3A_407 = arith.constant 0 : i32
          %dma_start3A_408 = tpu.memref_slice %arg9[%add3A_406, %dma_start3A_407] : memref<8x80xi32, #tpu.memory_space<vmem>> -> memref<1x80xi32, #tpu.memory_space<vmem>>
          %dma_start3A_409 = tpu.memref_squeeze %dma_start3A_408 : memref<1x80xi32, #tpu.memory_space<vmem>> -> memref<80xi32, #tpu.memory_space<vmem>>
          %dma_start3A_410 = tpu.memref_slice %arg4[%add3A_394] : memref<320000xi32, #tpu.memory_space<hbm>> -> memref<80xi32, #tpu.memory_space<hbm>>
          %dma_start3A_411 = arith.constant 0 : i32
          %dma_start3A_412 = tpu.memref_slice %arg9[%add3A_406, %dma_start3A_411] : memref<8x80xi32, #tpu.memory_space<vmem>> -> memref<1x80xi32, #tpu.memory_space<vmem>>
          %dma_start3A_413 = tpu.memref_squeeze %dma_start3A_412 : memref<1x80xi32, #tpu.memory_space<vmem>> -> memref<80xi32, #tpu.memory_space<vmem>>
          %dma_start3A_414 = tpu.memref_slice %arg4[%add3A_394] : memref<320000xi32, #tpu.memory_space<hbm>> -> memref<80xi32, #tpu.memory_space<hbm>>
          tpu.enqueue_dma source(%dma_start3A_414 : memref<80xi32, #tpu.memory_space<hbm>>) target(%dma_start3A_413 : memref<80xi32, #tpu.memory_space<vmem>>) target_semaphore(%arg12 : memref<!tpu.dma_semaphore, #tpu.memory_space<semaphore_mem>>)
          %mul3A_415 = arith.constant 2 : i32
          %mul3A_416 = arith.muli %add3A_369, %mul3A_415 : i32
          %add3A_417 = arith.constant 1 : i32
          %add3A_418 = arith.addi %mul3A_416, %add3A_417 : i32
          %mul3A_419 = arith.constant 80 : i32
          %mul3A_420 = arith.muli %add3A_418, %mul3A_419 : i32
          %add3A_421 = arith.addi %mul3A_2, %mul3A_420 : i32
          %add3A_422 = arith.constant 1 : i32
          %add3A_423 = arith.addi %mul3A_387, %add3A_422 : i32
          %dma_start3A_424 = arith.constant 0 : i32
          %dma_start3A_425 = tpu.memref_slice %arg8[%add3A_423, %dma_start3A_424] : memref<8x80xi32, #tpu.memory_space<vmem>> -> memref<1x80xi32, #tpu.memory_space<vmem>>
          %dma_start3A_426 = tpu.memref_squeeze %dma_start3A_425 : memref<1x80xi32, #tpu.memory_space<vmem>> -> memref<80xi32, #tpu.memory_space<vmem>>
          %dma_start3A_427 = tpu.memref_slice %arg3[%add3A_421] : memref<320000xi32, #tpu.memory_space<hbm>> -> memref<80xi32, #tpu.memory_space<hbm>>
          %dma_start3A_428 = arith.constant 0 : i32
          %dma_start3A_429 = tpu.memref_slice %arg8[%add3A_423, %dma_start3A_428] : memref<8x80xi32, #tpu.memory_space<vmem>> -> memref<1x80xi32, #tpu.memory_space<vmem>>
          %dma_start3A_430 = tpu.memref_squeeze %dma_start3A_429 : memref<1x80xi32, #tpu.memory_space<vmem>> -> memref<80xi32, #tpu.memory_space<vmem>>
          %dma_start3A_431 = tpu.memref_slice %arg3[%add3A_421] : memref<320000xi32, #tpu.memory_space<hbm>> -> memref<80xi32, #tpu.memory_space<hbm>>
          tpu.enqueue_dma source(%dma_start3A_431 : memref<80xi32, #tpu.memory_space<hbm>>) target(%dma_start3A_430 : memref<80xi32, #tpu.memory_space<vmem>>) target_semaphore(%arg12 : memref<!tpu.dma_semaphore, #tpu.memory_space<semaphore_mem>>)
          %add3A_432 = arith.constant 1 : i32
          %add3A_433 = arith.addi %mul3A_387, %add3A_432 : i32
          %dma_start3A_434 = arith.constant 0 : i32
          %dma_start3A_435 = tpu.memref_slice %arg9[%add3A_433, %dma_start3A_434] : memref<8x80xi32, #tpu.memory_space<vmem>> -> memref<1x80xi32, #tpu.memory_space<vmem>>
          %dma_start3A_436 = tpu.memref_squeeze %dma_start3A_435 : memref<1x80xi32, #tpu.memory_space<vmem>> -> memref<80xi32, #tpu.memory_space<vmem>>
          %dma_start3A_437 = tpu.memref_slice %arg4[%add3A_421] : memref<320000xi32, #tpu.memory_space<hbm>> -> memref<80xi32, #tpu.memory_space<hbm>>
          %dma_start3A_438 = arith.constant 0 : i32
          %dma_start3A_439 = tpu.memref_slice %arg9[%add3A_433, %dma_start3A_438] : memref<8x80xi32, #tpu.memory_space<vmem>> -> memref<1x80xi32, #tpu.memory_space<vmem>>
          %dma_start3A_440 = tpu.memref_squeeze %dma_start3A_439 : memref<1x80xi32, #tpu.memory_space<vmem>> -> memref<80xi32, #tpu.memory_space<vmem>>
          %dma_start3A_441 = tpu.memref_slice %arg4[%add3A_421] : memref<320000xi32, #tpu.memory_space<hbm>> -> memref<80xi32, #tpu.memory_space<hbm>>
          tpu.enqueue_dma source(%dma_start3A_441 : memref<80xi32, #tpu.memory_space<hbm>>) target(%dma_start3A_440 : memref<80xi32, #tpu.memory_space<vmem>>) target_semaphore(%arg12 : memref<!tpu.dma_semaphore, #tpu.memory_space<semaphore_mem>>)
        } else {
        }
      } else {
      }
    }
    %scan3A_147 = arith.constant 62 : i32
    %dma_wait3A_148 = arith.constant 2 : i32
    %dma_wait3A_149 = arith.constant 2 : i32
    %dma_wait3A_150 = arith.constant 0 : i32
    %dma_wait3A_151 = arith.constant 0 : i32
    %dma_wait3A_152 = tpu.memref_slice %arg10[%dma_wait3A_148, %dma_wait3A_150, %dma_wait3A_151] : memref<4x80x128xf32, #tpu.memory_space<vmem>> -> memref<1x80x128xf32, #tpu.memory_space<vmem>>
    %dma_wait3A_153 = tpu.memref_squeeze %dma_wait3A_152 : memref<1x80x128xf32, #tpu.memory_space<vmem>> -> memref<80x128xf32, #tpu.memory_space<vmem>>
    %dma_wait3A_154 = arith.constant 0 : i32
    %dma_wait3A_155 = tpu.memref_slice %arg9[%dma_wait3A_149, %dma_wait3A_154] : memref<8x80xi32, #tpu.memory_space<vmem>> -> memref<1x80xi32, #tpu.memory_space<vmem>>
    %dma_wait3A_156 = tpu.memref_squeeze %dma_wait3A_155 : memref<1x80xi32, #tpu.memory_space<vmem>> -> memref<80xi32, #tpu.memory_space<vmem>>
    %dma_wait3A_157 = arith.constant 0 : i32
    %dma_wait3A_158 = arith.constant 0 : i32
    %dma_wait3A_159 = tpu.memref_slice %arg7[%dma_wait3A_157, %dma_wait3A_158] : memref<10000x128xf32, #tpu.memory_space<vmem_shared>> -> memref<10000x128xf32, #tpu.memory_space<vmem_shared>>
    tpu.wait_indirect_dma semaphore(%arg16 : memref<!tpu.dma_semaphore, #tpu.memory_space<semaphore_mem>>) src(%dma_wait3A_153 : memref<80x128xf32, #tpu.memory_space<vmem>>) dst(%dma_wait3A_159 : memref<10000x128xf32, #tpu.memory_space<vmem_shared>>)
    %dma_wait3A_160 = arith.constant 3 : i32
    %dma_wait3A_161 = arith.constant 3 : i32
    %dma_wait3A_162 = arith.constant 0 : i32
    %dma_wait3A_163 = arith.constant 0 : i32
    %dma_wait3A_164 = tpu.memref_slice %arg10[%dma_wait3A_160, %dma_wait3A_162, %dma_wait3A_163] : memref<4x80x128xf32, #tpu.memory_space<vmem>> -> memref<1x80x128xf32, #tpu.memory_space<vmem>>
    %dma_wait3A_165 = tpu.memref_squeeze %dma_wait3A_164 : memref<1x80x128xf32, #tpu.memory_space<vmem>> -> memref<80x128xf32, #tpu.memory_space<vmem>>
    %dma_wait3A_166 = arith.constant 0 : i32
    %dma_wait3A_167 = tpu.memref_slice %arg9[%dma_wait3A_161, %dma_wait3A_166] : memref<8x80xi32, #tpu.memory_space<vmem>> -> memref<1x80xi32, #tpu.memory_space<vmem>>
    %dma_wait3A_168 = tpu.memref_squeeze %dma_wait3A_167 : memref<1x80xi32, #tpu.memory_space<vmem>> -> memref<80xi32, #tpu.memory_space<vmem>>
    %dma_wait3A_169 = arith.constant 0 : i32
    %dma_wait3A_170 = arith.constant 0 : i32
    %dma_wait3A_171 = tpu.memref_slice %arg7[%dma_wait3A_169, %dma_wait3A_170] : memref<10000x128xf32, #tpu.memory_space<vmem_shared>> -> memref<10000x128xf32, #tpu.memory_space<vmem_shared>>
    tpu.wait_indirect_dma semaphore(%arg16 : memref<!tpu.dma_semaphore, #tpu.memory_space<semaphore_mem>>) src(%dma_wait3A_165 : memref<80x128xf32, #tpu.memory_space<vmem>>) dst(%dma_wait3A_171 : memref<10000x128xf32, #tpu.memory_space<vmem_shared>>)
    %add3A_172 = arith.constant 9920 : i32
    %add3A_173 = arith.addi %mul3A_2, %add3A_172 : i32
    %run_scoped3A = arith.constant 0 : i32
    "tpu.region"() ({
      %run_scoped3A_185 = tpu.sem_alloc : memref<!tpu.dma_semaphore, #tpu.memory_space<semaphore_mem>>
      %dma_start3A_186 = arith.constant 0 : i32
      %dma_start3A_187 = tpu.memref_slice %arg8[%run_scoped3A, %dma_start3A_186] : memref<8x80xi32, #tpu.memory_space<vmem>> -> memref<1x80xi32, #tpu.memory_space<vmem>>
      %dma_start3A_188 = tpu.memref_squeeze %dma_start3A_187 : memref<1x80xi32, #tpu.memory_space<vmem>> -> memref<80xi32, #tpu.memory_space<vmem>>
      %dma_start3A_189 = tpu.memref_slice %arg3[%add3A_173] : memref<320000xi32, #tpu.memory_space<hbm>> -> memref<80xi32, #tpu.memory_space<hbm>>
      %dma_start3A_190 = arith.constant 0 : i32
      %dma_start3A_191 = tpu.memref_slice %arg8[%run_scoped3A, %dma_start3A_190] : memref<8x80xi32, #tpu.memory_space<vmem>> -> memref<1x80xi32, #tpu.memory_space<vmem>>
      %dma_start3A_192 = tpu.memref_squeeze %dma_start3A_191 : memref<1x80xi32, #tpu.memory_space<vmem>> -> memref<80xi32, #tpu.memory_space<vmem>>
      %dma_start3A_193 = tpu.memref_slice %arg3[%add3A_173] : memref<320000xi32, #tpu.memory_space<hbm>> -> memref<80xi32, #tpu.memory_space<hbm>>
      tpu.enqueue_dma source(%dma_start3A_193 : memref<80xi32, #tpu.memory_space<hbm>>) target(%dma_start3A_192 : memref<80xi32, #tpu.memory_space<vmem>>) target_semaphore(%run_scoped3A_185 : memref<!tpu.dma_semaphore, #tpu.memory_space<semaphore_mem>>)
      %dma_wait3A_194 = arith.constant 0 : i32
      %dma_wait3A_195 = tpu.memref_slice %arg8[%run_scoped3A, %dma_wait3A_194] : memref<8x80xi32, #tpu.memory_space<vmem>> -> memref<1x80xi32, #tpu.memory_space<vmem>>
      %dma_wait3A_196 = tpu.memref_squeeze %dma_wait3A_195 : memref<1x80xi32, #tpu.memory_space<vmem>> -> memref<80xi32, #tpu.memory_space<vmem>>
      %dma_wait3A_197 = tpu.memref_slice %arg3[%add3A_173] : memref<320000xi32, #tpu.memory_space<hbm>> -> memref<80xi32, #tpu.memory_space<hbm>>
      %dma_wait3A_198 = arith.constant 0 : i32
      %dma_wait3A_199 = tpu.memref_slice %arg8[%run_scoped3A, %dma_wait3A_198] : memref<8x80xi32, #tpu.memory_space<vmem>> -> memref<1x80xi32, #tpu.memory_space<vmem>>
      %dma_wait3A_200 = tpu.memref_squeeze %dma_wait3A_199 : memref<1x80xi32, #tpu.memory_space<vmem>> -> memref<80xi32, #tpu.memory_space<vmem>>
      %dma_wait3A_201 = tpu.memref_slice %arg3[%add3A_173] : memref<320000xi32, #tpu.memory_space<hbm>> -> memref<80xi32, #tpu.memory_space<hbm>>
      tpu.wait_dma2 semaphore(%run_scoped3A_185 : memref<!tpu.dma_semaphore, #tpu.memory_space<semaphore_mem>>) src(%dma_wait3A_201 : memref<80xi32, #tpu.memory_space<hbm>>) dst(%dma_wait3A_200 : memref<80xi32, #tpu.memory_space<vmem>>)
      tpu.yield
    }) : () -> ()
    %run_scoped3A_174 = arith.constant 0 : i32
    "tpu.region"() ({
      %run_scoped3A_185 = tpu.sem_alloc : memref<!tpu.dma_semaphore, #tpu.memory_space<semaphore_mem>>
      %dma_start3A_186 = arith.constant 0 : i32
      %dma_start3A_187 = tpu.memref_slice %arg9[%run_scoped3A_174, %dma_start3A_186] : memref<8x80xi32, #tpu.memory_space<vmem>> -> memref<1x80xi32, #tpu.memory_space<vmem>>
      %dma_start3A_188 = tpu.memref_squeeze %dma_start3A_187 : memref<1x80xi32, #tpu.memory_space<vmem>> -> memref<80xi32, #tpu.memory_space<vmem>>
      %dma_start3A_189 = tpu.memref_slice %arg4[%add3A_173] : memref<320000xi32, #tpu.memory_space<hbm>> -> memref<80xi32, #tpu.memory_space<hbm>>
      %dma_start3A_190 = arith.constant 0 : i32
      %dma_start3A_191 = tpu.memref_slice %arg9[%run_scoped3A_174, %dma_start3A_190] : memref<8x80xi32, #tpu.memory_space<vmem>> -> memref<1x80xi32, #tpu.memory_space<vmem>>
      %dma_start3A_192 = tpu.memref_squeeze %dma_start3A_191 : memref<1x80xi32, #tpu.memory_space<vmem>> -> memref<80xi32, #tpu.memory_space<vmem>>
      %dma_start3A_193 = tpu.memref_slice %arg4[%add3A_173] : memref<320000xi32, #tpu.memory_space<hbm>> -> memref<80xi32, #tpu.memory_space<hbm>>
      tpu.enqueue_dma source(%dma_start3A_193 : memref<80xi32, #tpu.memory_space<hbm>>) target(%dma_start3A_192 : memref<80xi32, #tpu.memory_space<vmem>>) target_semaphore(%run_scoped3A_185 : memref<!tpu.dma_semaphore, #tpu.memory_space<semaphore_mem>>)
      %dma_wait3A_194 = arith.constant 0 : i32
      %dma_wait3A_195 = tpu.memref_slice %arg9[%run_scoped3A_174, %dma_wait3A_194] : memref<8x80xi32, #tpu.memory_space<vmem>> -> memref<1x80xi32, #tpu.memory_space<vmem>>
      %dma_wait3A_196 = tpu.memref_squeeze %dma_wait3A_195 : memref<1x80xi32, #tpu.memory_space<vmem>> -> memref<80xi32, #tpu.memory_space<vmem>>
      %dma_wait3A_197 = tpu.memref_slice %arg4[%add3A_173] : memref<320000xi32, #tpu.memory_space<hbm>> -> memref<80xi32, #tpu.memory_space<hbm>>
      %dma_wait3A_198 = arith.constant 0 : i32
      %dma_wait3A_199 = tpu.memref_slice %arg9[%run_scoped3A_174, %dma_wait3A_198] : memref<8x80xi32, #tpu.memory_space<vmem>> -> memref<1x80xi32, #tpu.memory_space<vmem>>
      %dma_wait3A_200 = tpu.memref_squeeze %dma_wait3A_199 : memref<1x80xi32, #tpu.memory_space<vmem>> -> memref<80xi32, #tpu.memory_space<vmem>>
      %dma_wait3A_201 = tpu.memref_slice %arg4[%add3A_173] : memref<320000xi32, #tpu.memory_space<hbm>> -> memref<80xi32, #tpu.memory_space<hbm>>
      tpu.wait_dma2 semaphore(%run_scoped3A_185 : memref<!tpu.dma_semaphore, #tpu.memory_space<semaphore_mem>>) src(%dma_wait3A_201 : memref<80xi32, #tpu.memory_space<hbm>>) dst(%dma_wait3A_200 : memref<80xi32, #tpu.memory_space<vmem>>)
      tpu.yield
    }) : () -> ()
    %run_scoped3A_175 = arith.constant 0 : i32
    %run_scoped3A_176 = arith.constant 0 : i32
    "tpu.region"() ({
      %run_scoped3A_185 = tpu.sem_alloc : memref<!tpu.dma_semaphore, #tpu.memory_space<semaphore_mem>>
      %dma_start3A_186 = arith.constant 0 : i32
      %dma_start3A_187 = arith.constant 0 : i32
      %dma_start3A_188 = tpu.memref_slice %arg10[%run_scoped3A_176, %dma_start3A_186, %dma_start3A_187] : memref<4x80x128xf32, #tpu.memory_space<vmem>> -> memref<1x80x128xf32, #tpu.memory_space<vmem>>
      %dma_start3A_189 = tpu.memref_squeeze %dma_start3A_188 : memref<1x80x128xf32, #tpu.memory_space<vmem>> -> memref<80x128xf32, #tpu.memory_space<vmem>>
      %dma_start3A_190 = arith.constant 0 : i32
      %dma_start3A_191 = tpu.memref_slice %arg8[%run_scoped3A_175, %dma_start3A_190] : memref<8x80xi32, #tpu.memory_space<vmem>> -> memref<1x80xi32, #tpu.memory_space<vmem>>
      %dma_start3A_192 = tpu.memref_squeeze %dma_start3A_191 : memref<1x80xi32, #tpu.memory_space<vmem>> -> memref<80xi32, #tpu.memory_space<vmem>>
      %dma_start3A_193 = arith.constant 0 : i32
      %dma_start3A_194 = arith.constant 0 : i32
      %dma_start3A_195 = tpu.memref_slice %arg2[%dma_start3A_193, %dma_start3A_194] : memref<10000x128xf32, #tpu.memory_space<hbm>> -> memref<10000x128xf32, #tpu.memory_space<hbm>>
      tpu.enqueue_indirect_dma source(%dma_start3A_195 : memref<10000x128xf32, #tpu.memory_space<hbm>>) target(%dma_start3A_189 : memref<80x128xf32, #tpu.memory_space<vmem>>) offsets(%dma_start3A_192 : memref<80xi32, #tpu.memory_space<vmem>>) semaphore(%run_scoped3A_185 : memref<!tpu.dma_semaphore, #tpu.memory_space<semaphore_mem>>)
      %dma_wait3A_196 = arith.constant 0 : i32
      %dma_wait3A_197 = arith.constant 0 : i32
      %dma_wait3A_198 = tpu.memref_slice %arg10[%run_scoped3A_176, %dma_wait3A_196, %dma_wait3A_197] : memref<4x80x128xf32, #tpu.memory_space<vmem>> -> memref<1x80x128xf32, #tpu.memory_space<vmem>>
      %dma_wait3A_199 = tpu.memref_squeeze %dma_wait3A_198 : memref<1x80x128xf32, #tpu.memory_space<vmem>> -> memref<80x128xf32, #tpu.memory_space<vmem>>
      %dma_wait3A_200 = arith.constant 0 : i32
      %dma_wait3A_201 = tpu.memref_slice %arg8[%run_scoped3A_175, %dma_wait3A_200] : memref<8x80xi32, #tpu.memory_space<vmem>> -> memref<1x80xi32, #tpu.memory_space<vmem>>
      %dma_wait3A_202 = tpu.memref_squeeze %dma_wait3A_201 : memref<1x80xi32, #tpu.memory_space<vmem>> -> memref<80xi32, #tpu.memory_space<vmem>>
      %dma_wait3A_203 = arith.constant 0 : i32
      %dma_wait3A_204 = arith.constant 0 : i32
      %dma_wait3A_205 = tpu.memref_slice %arg2[%dma_wait3A_203, %dma_wait3A_204] : memref<10000x128xf32, #tpu.memory_space<hbm>> -> memref<10000x128xf32, #tpu.memory_space<hbm>>
      tpu.wait_indirect_dma semaphore(%run_scoped3A_185 : memref<!tpu.dma_semaphore, #tpu.memory_space<semaphore_mem>>) src(%dma_wait3A_205 : memref<10000x128xf32, #tpu.memory_space<hbm>>) dst(%dma_wait3A_199 : memref<80x128xf32, #tpu.memory_space<vmem>>)
      tpu.yield
    }) : () -> ()
    %run_scoped3A_177 = arith.constant 0 : i32
    %run_scoped3A_178 = arith.constant 0 : i32
    "tpu.region"() ({
      %run_scoped3A_185 = tpu.sem_alloc : memref<!tpu.dma_semaphore, #tpu.memory_space<semaphore_mem>>
      %dma_start3A_186 = arith.constant 0 : i32
      %dma_start3A_187 = arith.constant 0 : i32
      %dma_start3A_188 = tpu.memref_slice %arg10[%run_scoped3A_177, %dma_start3A_186, %dma_start3A_187] : memref<4x80x128xf32, #tpu.memory_space<vmem>> -> memref<1x80x128xf32, #tpu.memory_space<vmem>>
      %dma_start3A_189 = tpu.memref_squeeze %dma_start3A_188 : memref<1x80x128xf32, #tpu.memory_space<vmem>> -> memref<80x128xf32, #tpu.memory_space<vmem>>
      %dma_start3A_190 = arith.constant 0 : i32
      %dma_start3A_191 = tpu.memref_slice %arg9[%run_scoped3A_178, %dma_start3A_190] : memref<8x80xi32, #tpu.memory_space<vmem>> -> memref<1x80xi32, #tpu.memory_space<vmem>>
      %dma_start3A_192 = tpu.memref_squeeze %dma_start3A_191 : memref<1x80xi32, #tpu.memory_space<vmem>> -> memref<80xi32, #tpu.memory_space<vmem>>
      %dma_start3A_193 = arith.constant 0 : i32
      %dma_start3A_194 = arith.constant 0 : i32
      %dma_start3A_195 = tpu.memref_slice %arg7[%dma_start3A_193, %dma_start3A_194] : memref<10000x128xf32, #tpu.memory_space<vmem_shared>> -> memref<10000x128xf32, #tpu.memory_space<vmem_shared>>
      tpu.enqueue_indirect_dma source(%dma_start3A_189 : memref<80x128xf32, #tpu.memory_space<vmem>>) target(%dma_start3A_195 : memref<10000x128xf32, #tpu.memory_space<vmem_shared>>) offsets(%dma_start3A_192 : memref<80xi32, #tpu.memory_space<vmem>>) semaphore(%run_scoped3A_185 : memref<!tpu.dma_semaphore, #tpu.memory_space<semaphore_mem>>) {add = true}
      %dma_wait3A_196 = arith.constant 0 : i32
      %dma_wait3A_197 = arith.constant 0 : i32
      %dma_wait3A_198 = tpu.memref_slice %arg10[%run_scoped3A_177, %dma_wait3A_196, %dma_wait3A_197] : memref<4x80x128xf32, #tpu.memory_space<vmem>> -> memref<1x80x128xf32, #tpu.memory_space<vmem>>
      %dma_wait3A_199 = tpu.memref_squeeze %dma_wait3A_198 : memref<1x80x128xf32, #tpu.memory_space<vmem>> -> memref<80x128xf32, #tpu.memory_space<vmem>>
      %dma_wait3A_200 = arith.constant 0 : i32
      %dma_wait3A_201 = tpu.memref_slice %arg9[%run_scoped3A_178, %dma_wait3A_200] : memref<8x80xi32, #tpu.memory_space<vmem>> -> memref<1x80xi32, #tpu.memory_space<vmem>>
      %dma_wait3A_202 = tpu.memref_squeeze %dma_wait3A_201 : memref<1x80xi32, #tpu.memory_space<vmem>> -> memref<80xi32, #tpu.memory_space<vmem>>
      %dma_wait3A_203 = arith.constant 0 : i32
      %dma_wait3A_204 = arith.constant 0 : i32
      %dma_wait3A_205 = tpu.memref_slice %arg7[%dma_wait3A_203, %dma_wait3A_204] : memref<10000x128xf32, #tpu.memory_space<vmem_shared>> -> memref<10000x128xf32, #tpu.memory_space<vmem_shared>>
      tpu.wait_indirect_dma semaphore(%run_scoped3A_185 : memref<!tpu.dma_semaphore, #tpu.memory_space<semaphore_mem>>) src(%dma_wait3A_199 : memref<80x128xf32, #tpu.memory_space<vmem>>) dst(%dma_wait3A_205 : memref<10000x128xf32, #tpu.memory_space<vmem_shared>>)
      tpu.yield
    }) : () -> ()
    %barrier3A_179 = arith.constant 0 : index
    tpu.barrier barrier_id(%barrier3A_179)
    %lt3A_180 = arith.constant 10 : i32
    %lt3A_181 = arith.cmpi slt, %arg1, %lt3A_180 : i32
    %convert_element_type3A_182 = arith.extui %lt3A_181 : i1 to i32
    %cond3A_183 = arith.constant 0 : i32
    %cond3A_184 = arith.cmpi ne, %convert_element_type3A_182, %cond3A_183 : i32
    scf.if %cond3A_184 {
      %mul3A_185 = arith.constant 1000 : i32
      %mul3A_186 = arith.muli %arg1, %mul3A_185 : i32
      %multiple_of3A = tpu.assume_multiple %mul3A_186, 8 : i32
      "tpu.region"() ({
        %run_scoped3A_187 = tpu.sem_alloc : memref<!tpu.dma_semaphore, #tpu.memory_space<semaphore_mem>>
        %dma_start3A_188 = arith.constant 0 : i32
        %dma_start3A_189 = tpu.memref_slice %arg6[%arg0, %multiple_of3A, %dma_start3A_188] : memref<2x10000x128xf32, #tpu.memory_space<hbm>> -> memref<1x1000x128xf32, #tpu.memory_space<hbm>>
        %dma_start3A_190 = tpu.memref_squeeze %dma_start3A_189 : memref<1x1000x128xf32, #tpu.memory_space<hbm>> -> memref<1000x128xf32, #tpu.memory_space<hbm>>
        %dma_start3A_191 = arith.constant 0 : i32
        %dma_start3A_192 = tpu.memref_slice %arg7[%multiple_of3A, %dma_start3A_191] : memref<10000x128xf32, #tpu.memory_space<vmem_shared>> -> memref<1000x128xf32, #tpu.memory_space<vmem_shared>>
        tpu.enqueue_dma source(%dma_start3A_192 : memref<1000x128xf32, #tpu.memory_space<vmem_shared>>) target(%dma_start3A_190 : memref<1000x128xf32, #tpu.memory_space<hbm>>) target_semaphore(%run_scoped3A_187 : memref<!tpu.dma_semaphore, #tpu.memory_space<semaphore_mem>>)
        %dma_wait3A_193 = arith.constant 0 : i32
        %dma_wait3A_194 = tpu.memref_slice %arg6[%arg0, %multiple_of3A, %dma_wait3A_193] : memref<2x10000x128xf32, #tpu.memory_space<hbm>> -> memref<1x1000x128xf32, #tpu.memory_space<hbm>>
        %dma_wait3A_195 = tpu.memref_squeeze %dma_wait3A_194 : memref<1x1000x128xf32, #tpu.memory_space<hbm>> -> memref<1000x128xf32, #tpu.memory_space<hbm>>
        %dma_wait3A_196 = arith.constant 0 : i32
        %dma_wait3A_197 = tpu.memref_slice %arg7[%multiple_of3A, %dma_wait3A_196] : memref<10000x128xf32, #tpu.memory_space<vmem_shared>> -> memref<1000x128xf32, #tpu.memory_space<vmem_shared>>
        tpu.wait_dma2 semaphore(%run_scoped3A_187 : memref<!tpu.dma_semaphore, #tpu.memory_space<semaphore_mem>>) src(%dma_wait3A_197 : memref<1000x128xf32, #tpu.memory_space<vmem_shared>>) dst(%dma_wait3A_195 : memref<1000x128xf32, #tpu.memory_space<hbm>>)
        tpu.yield
      }) : () -> ()
    } else {
    }
    return
  }
}

#map = affine_map<(d0, d1) -> (0, 0)>
#map1 = affine_map<(d0, d1) -> (0)>
#map2 = affine_map<(d0, d1) -> (0, 0, 0)>
module attributes {stable_mosaic.version = 14 : i64} {
  func.func @k(%arg0: i32, %arg1: i32, %arg2: memref<10000x128xf32, #tpu.memory_space<hbm>>, %arg3: memref<320000xi32, #tpu.memory_space<hbm>>, %arg4: memref<320000xi32, #tpu.memory_space<hbm>>, %arg5: memref<1000x128xf32, #tpu.memory_space<hbm>>, %arg6: memref<2x10000x128xf32, #tpu.memory_space<hbm>>, %arg7: memref<10000x128xf32, #tpu.memory_space<vmem_shared>>, %arg8: memref<8x80xi32, #tpu.memory_space<vmem>>, %arg9: memref<8x80xi32, #tpu.memory_space<vmem>>, %arg10: memref<4x80x128xf32, #tpu.memory_space<vmem>>, %arg11: memref<!tpu.dma_semaphore, #tpu.memory_space<semaphore_mem>>, %arg12: memref<!tpu.dma_semaphore, #tpu.memory_space<semaphore_mem>>, %arg13: memref<!tpu.dma_semaphore, #tpu.memory_space<semaphore_mem>>, %arg14: memref<!tpu.dma_semaphore, #tpu.memory_space<semaphore_mem>>, %arg15: memref<!tpu.dma_semaphore, #tpu.memory_space<semaphore_mem>>, %arg16: memref<!tpu.dma_semaphore, #tpu.memory_space<semaphore_mem>>) attributes {dimension_semantics = [#tpu.dimension_semantics<core_parallel>, #tpu.dimension_semantics<subcore_parallel>], iteration_bounds = array<i64: 2, 16>, scalar_prefetch = 0 : i64, scratch_operands = 10 : i64, tpu.core_type = #tpu.core_type<sc_vector_subcore>, window_params = [{transform_indices = #map}, {transform_indices = #map1}, {transform_indices = #map1}, {transform_indices = #map}, {transform_indices = #map2}]} {
    %mul3A = arith.constant 16 : i32
    %mul3A_0 = arith.muli %arg0, %mul3A : i32
    %add3A = arith.addi %mul3A_0, %arg1 : i32
    %mul3A_1 = arith.constant 10000 : i32
    %mul3A_2 = arith.muli %add3A, %mul3A_1 : i32
    %add3A_3 = arith.constant 0 : i32
    %add3A_4 = arith.addi %mul3A_2, %add3A_3 : i32
    %dma_start3A = arith.constant 0 : i32
    %dma_start3A_5 = arith.constant 0 : i32
    %dma_start3A_6 = tpu.memref_slice %arg8[%dma_start3A, %dma_start3A_5] : memref<8x80xi32, #tpu.memory_space<vmem>> -> memref<1x80xi32, #tpu.memory_space<vmem>>
    %dma_start3A_7 = tpu.memref_squeeze %dma_start3A_6 : memref<1x80xi32, #tpu.memory_space<vmem>> -> memref<80xi32, #tpu.memory_space<vmem>>
    %dma_start3A_8 = tpu.memref_slice %arg3[%add3A_4] : memref<320000xi32, #tpu.memory_space<hbm>> -> memref<80xi32, #tpu.memory_space<hbm>>
    %dma_start3A_9 = arith.constant 0 : i32
    %dma_start3A_10 = tpu.memref_slice %arg8[%dma_start3A, %dma_start3A_9] : memref<8x80xi32, #tpu.memory_space<vmem>> -> memref<1x80xi32, #tpu.memory_space<vmem>>
    %dma_start3A_11 = tpu.memref_squeeze %dma_start3A_10 : memref<1x80xi32, #tpu.memory_space<vmem>> -> memref<80xi32, #tpu.memory_space<vmem>>
    %dma_start3A_12 = tpu.memref_slice %arg3[%add3A_4] : memref<320000xi32, #tpu.memory_space<hbm>> -> memref<80xi32, #tpu.memory_space<hbm>>
    tpu.enqueue_dma source(%dma_start3A_12 : memref<80xi32, #tpu.memory_space<hbm>>) target(%dma_start3A_11 : memref<80xi32, #tpu.memory_space<vmem>>) target_semaphore(%arg11 : memref<!tpu.dma_semaphore, #tpu.memory_space<semaphore_mem>>)
    %dma_start3A_13 = arith.constant 0 : i32
    %dma_start3A_14 = arith.constant 0 : i32
    %dma_start3A_15 = tpu.memref_slice %arg9[%dma_start3A_13, %dma_start3A_14] : memref<8x80xi32, #tpu.memory_space<vmem>> -> memref<1x80xi32, #tpu.memory_space<vmem>>
    %dma_start3A_16 = tpu.memref_squeeze %dma_start3A_15 : memref<1x80xi32, #tpu.memory_space<vmem>> -> memref<80xi32, #tpu.memory_space<vmem>>
    %dma_start3A_17 = tpu.memref_slice %arg4[%add3A_4] : memref<320000xi32, #tpu.memory_space<hbm>> -> memref<80xi32, #tpu.memory_space<hbm>>
    %dma_start3A_18 = arith.constant 0 : i32
    %dma_start3A_19 = tpu.memref_slice %arg9[%dma_start3A_13, %dma_start3A_18] : memref<8x80xi32, #tpu.memory_space<vmem>> -> memref<1x80xi32, #tpu.memory_space<vmem>>
    %dma_start3A_20 = tpu.memref_squeeze %dma_start3A_19 : memref<1x80xi32, #tpu.memory_space<vmem>> -> memref<80xi32, #tpu.memory_space<vmem>>
    %dma_start3A_21 = tpu.memref_slice %arg4[%add3A_4] : memref<320000xi32, #tpu.memory_space<hbm>> -> memref<80xi32, #tpu.memory_space<hbm>>
    tpu.enqueue_dma source(%dma_start3A_21 : memref<80xi32, #tpu.memory_space<hbm>>) target(%dma_start3A_20 : memref<80xi32, #tpu.memory_space<vmem>>) target_semaphore(%arg11 : memref<!tpu.dma_semaphore, #tpu.memory_space<semaphore_mem>>)
    %add3A_22 = arith.constant 80 : i32
    %add3A_23 = arith.addi %mul3A_2, %add3A_22 : i32
    %dma_start3A_24 = arith.constant 1 : i32
    %dma_start3A_25 = arith.constant 0 : i32
    %dma_start3A_26 = tpu.memref_slice %arg8[%dma_start3A_24, %dma_start3A_25] : memref<8x80xi32, #tpu.memory_space<vmem>> -> memref<1x80xi32, #tpu.memory_space<vmem>>
    %dma_start3A_27 = tpu.memref_squeeze %dma_start3A_26 : memref<1x80xi32, #tpu.memory_space<vmem>> -> memref<80xi32, #tpu.memory_space<vmem>>
    %dma_start3A_28 = tpu.memref_slice %arg3[%add3A_23] : memref<320000xi32, #tpu.memory_space<hbm>> -> memref<80xi32, #tpu.memory_space<hbm>>
    %dma_start3A_29 = arith.constant 0 : i32
    %dma_start3A_30 = tpu.memref_slice %arg8[%dma_start3A_24, %dma_start3A_29] : memref<8x80xi32, #tpu.memory_space<vmem>> -> memref<1x80xi32, #tpu.memory_space<vmem>>
    %dma_start3A_31 = tpu.memref_squeeze %dma_start3A_30 : memref<1x80xi32, #tpu.memory_space<vmem>> -> memref<80xi32, #tpu.memory_space<vmem>>
    %dma_start3A_32 = tpu.memref_slice %arg3[%add3A_23] : memref<320000xi32, #tpu.memory_space<hbm>> -> memref<80xi32, #tpu.memory_space<hbm>>
    tpu.enqueue_dma source(%dma_start3A_32 : memref<80xi32, #tpu.memory_space<hbm>>) target(%dma_start3A_31 : memref<80xi32, #tpu.memory_space<vmem>>) target_semaphore(%arg11 : memref<!tpu.dma_semaphore, #tpu.memory_space<semaphore_mem>>)
    %dma_start3A_33 = arith.constant 1 : i32
    %dma_start3A_34 = arith.constant 0 : i32
    %dma_start3A_35 = tpu.memref_slice %arg9[%dma_start3A_33, %dma_start3A_34] : memref<8x80xi32, #tpu.memory_space<vmem>> -> memref<1x80xi32, #tpu.memory_space<vmem>>
    %dma_start3A_36 = tpu.memref_squeeze %dma_start3A_35 : memref<1x80xi32, #tpu.memory_space<vmem>> -> memref<80xi32, #tpu.memory_space<vmem>>
    %dma_start3A_37 = tpu.memref_slice %arg4[%add3A_23] : memref<320000xi32, #tpu.memory_space<hbm>> -> memref<80xi32, #tpu.memory_space<hbm>>
    %dma_start3A_38 = arith.constant 0 : i32
    %dma_start3A_39 = tpu.memref_slice %arg9[%dma_start3A_33, %dma_start3A_38] : memref<8x80xi32, #tpu.memory_space<vmem>> -> memref<1x80xi32, #tpu.memory_space<vmem>>
    %dma_start3A_40 = tpu.memref_squeeze %dma_start3A_39 : memref<1x80xi32, #tpu.memory_space<vmem>> -> memref<80xi32, #tpu.memory_space<vmem>>
    %dma_start3A_41 = tpu.memref_slice %arg4[%add3A_23] : memref<320000xi32, #tpu.memory_space<hbm>> -> memref<80xi32, #tpu.memory_space<hbm>>
    tpu.enqueue_dma source(%dma_start3A_41 : memref<80xi32, #tpu.memory_space<hbm>>) target(%dma_start3A_40 : memref<80xi32, #tpu.memory_space<vmem>>) target_semaphore(%arg11 : memref<!tpu.dma_semaphore, #tpu.memory_space<semaphore_mem>>)
    %add3A_42 = arith.constant 160 : i32
    %add3A_43 = arith.addi %mul3A_2, %add3A_42 : i32
    %dma_start3A_44 = arith.constant 2 : i32
    %dma_start3A_45 = arith.constant 0 : i32
    %dma_start3A_46 = tpu.memref_slice %arg8[%dma_start3A_44, %dma_start3A_45] : memref<8x80xi32, #tpu.memory_space<vmem>> -> memref<1x80xi32, #tpu.memory_space<vmem>>
    %dma_start3A_47 = tpu.memref_squeeze %dma_start3A_46 : memref<1x80xi32, #tpu.memory_space<vmem>> -> memref<80xi32, #tpu.memory_space<vmem>>
    %dma_start3A_48 = tpu.memref_slice %arg3[%add3A_43] : memref<320000xi32, #tpu.memory_space<hbm>> -> memref<80xi32, #tpu.memory_space<hbm>>
    %dma_start3A_49 = arith.constant 0 : i32
    %dma_start3A_50 = tpu.memref_slice %arg8[%dma_start3A_44, %dma_start3A_49] : memref<8x80xi32, #tpu.memory_space<vmem>> -> memref<1x80xi32, #tpu.memory_space<vmem>>
    %dma_start3A_51 = tpu.memref_squeeze %dma_start3A_50 : memref<1x80xi32, #tpu.memory_space<vmem>> -> memref<80xi32, #tpu.memory_space<vmem>>
    %dma_start3A_52 = tpu.memref_slice %arg3[%add3A_43] : memref<320000xi32, #tpu.memory_space<hbm>> -> memref<80xi32, #tpu.memory_space<hbm>>
    tpu.enqueue_dma source(%dma_start3A_52 : memref<80xi32, #tpu.memory_space<hbm>>) target(%dma_start3A_51 : memref<80xi32, #tpu.memory_space<vmem>>) target_semaphore(%arg12 : memref<!tpu.dma_semaphore, #tpu.memory_space<semaphore_mem>>)
    %dma_start3A_53 = arith.constant 2 : i32
    %dma_start3A_54 = arith.constant 0 : i32
    %dma_start3A_55 = tpu.memref_slice %arg9[%dma_start3A_53, %dma_start3A_54] : memref<8x80xi32, #tpu.memory_space<vmem>> -> memref<1x80xi32, #tpu.memory_space<vmem>>
    %dma_start3A_56 = tpu.memref_squeeze %dma_start3A_55 : memref<1x80xi32, #tpu.memory_space<vmem>> -> memref<80xi32, #tpu.memory_space<vmem>>
    %dma_start3A_57 = tpu.memref_slice %arg4[%add3A_43] : memref<320000xi32, #tpu.memory_space<hbm>> -> memref<80xi32, #tpu.memory_space<hbm>>
    %dma_start3A_58 = arith.constant 0 : i32
    %dma_start3A_59 = tpu.memref_slice %arg9[%dma_start3A_53, %dma_start3A_58] : memref<8x80xi32, #tpu.memory_space<vmem>> -> memref<1x80xi32, #tpu.memory_space<vmem>>
    %dma_start3A_60 = tpu.memref_squeeze %dma_start3A_59 : memref<1x80xi32, #tpu.memory_space<vmem>> -> memref<80xi32, #tpu.memory_space<vmem>>
    %dma_start3A_61 = tpu.memref_slice %arg4[%add3A_43] : memref<320000xi32, #tpu.memory_space<hbm>> -> memref<80xi32, #tpu.memory_space<hbm>>
    tpu.enqueue_dma source(%dma_start3A_61 : memref<80xi32, #tpu.memory_space<hbm>>) target(%dma_start3A_60 : memref<80xi32, #tpu.memory_space<vmem>>) target_semaphore(%arg12 : memref<!tpu.dma_semaphore, #tpu.memory_space<semaphore_mem>>)
    %add3A_62 = arith.constant 240 : i32
    %add3A_63 = arith.addi %mul3A_2, %add3A_62 : i32
    %dma_start3A_64 = arith.constant 3 : i32
    %dma_start3A_65 = arith.constant 0 : i32
    %dma_start3A_66 = tpu.memref_slice %arg8[%dma_start3A_64, %dma_start3A_65] : memref<8x80xi32, #tpu.memory_space<vmem>> -> memref<1x80xi32, #tpu.memory_space<vmem>>
    %dma_start3A_67 = tpu.memref_squeeze %dma_start3A_66 : memref<1x80xi32, #tpu.memory_space<vmem>> -> memref<80xi32, #tpu.memory_space<vmem>>
    %dma_start3A_68 = tpu.memref_slice %arg3[%add3A_63] : memref<320000xi32, #tpu.memory_space<hbm>> -> memref<80xi32, #tpu.memory_space<hbm>>
    %dma_start3A_69 = arith.constant 0 : i32
    %dma_start3A_70 = tpu.memref_slice %arg8[%dma_start3A_64, %dma_start3A_69] : memref<8x80xi32, #tpu.memory_space<vmem>> -> memref<1x80xi32, #tpu.memory_space<vmem>>
    %dma_start3A_71 = tpu.memref_squeeze %dma_start3A_70 : memref<1x80xi32, #tpu.memory_space<vmem>> -> memref<80xi32, #tpu.memory_space<vmem>>
    %dma_start3A_72 = tpu.memref_slice %arg3[%add3A_63] : memref<320000xi32, #tpu.memory_space<hbm>> -> memref<80xi32, #tpu.memory_space<hbm>>
    tpu.enqueue_dma source(%dma_start3A_72 : memref<80xi32, #tpu.memory_space<hbm>>) target(%dma_start3A_71 : memref<80xi32, #tpu.memory_space<vmem>>) target_semaphore(%arg12 : memref<!tpu.dma_semaphore, #tpu.memory_space<semaphore_mem>>)
    %dma_start3A_73 = arith.constant 3 : i32
    %dma_start3A_74 = arith.constant 0 : i32
    %dma_start3A_75 = tpu.memref_slice %arg9[%dma_start3A_73, %dma_start3A_74] : memref<8x80xi32, #tpu.memory_space<vmem>> -> memref<1x80xi32, #tpu.memory_space<vmem>>
    %dma_start3A_76 = tpu.memref_squeeze %dma_start3A_75 : memref<1x80xi32, #tpu.memory_space<vmem>> -> memref<80xi32, #tpu.memory_space<vmem>>
    %dma_start3A_77 = tpu.memref_slice %arg4[%add3A_63] : memref<320000xi32, #tpu.memory_space<hbm>> -> memref<80xi32, #tpu.memory_space<hbm>>
    %dma_start3A_78 = arith.constant 0 : i32
    %dma_start3A_79 = tpu.memref_slice %arg9[%dma_start3A_73, %dma_start3A_78] : memref<8x80xi32, #tpu.memory_space<vmem>> -> memref<1x80xi32, #tpu.memory_space<vmem>>
    %dma_start3A_80 = tpu.memref_squeeze %dma_start3A_79 : memref<1x80xi32, #tpu.memory_space<vmem>> -> memref<80xi32, #tpu.memory_space<vmem>>
    %dma_start3A_81 = tpu.memref_slice %arg4[%add3A_63] : memref<320000xi32, #tpu.memory_space<hbm>> -> memref<80xi32, #tpu.memory_space<hbm>>
    tpu.enqueue_dma source(%dma_start3A_81 : memref<80xi32, #tpu.memory_space<hbm>>) target(%dma_start3A_80 : memref<80xi32, #tpu.memory_space<vmem>>) target_semaphore(%arg12 : memref<!tpu.dma_semaphore, #tpu.memory_space<semaphore_mem>>)
    %lt3A = arith.constant 10 : i32
    %lt3A_82 = arith.cmpi slt, %arg1, %lt3A : i32
    %convert_element_type3A = arith.extui %lt3A_82 : i1 to i32
    %cond3A = arith.constant 0 : i32
    %cond3A_83 = arith.cmpi ne, %convert_element_type3A, %cond3A : i32
    scf.if %cond3A_83 {
      %mul3A_185 = arith.constant 1000 : i32
      %mul3A_186 = arith.muli %arg1, %mul3A_185 : i32
      %multiple_of3A = tpu.assume_multiple %mul3A_186, 8 : i32
      "tpu.region"() ({
        %run_scoped3A_187 = tpu.sem_alloc : memref<!tpu.dma_semaphore, #tpu.memory_space<semaphore_mem>>
        %dma_start3A_188 = arith.constant 0 : i32
        %dma_start3A_189 = tpu.memref_slice %arg7[%multiple_of3A, %dma_start3A_188] : memref<10000x128xf32, #tpu.memory_space<vmem_shared>> -> memref<1000x128xf32, #tpu.memory_space<vmem_shared>>
        tpu.enqueue_dma source(%arg5 : memref<1000x128xf32, #tpu.memory_space<hbm>>) target(%dma_start3A_189 : memref<1000x128xf32, #tpu.memory_space<vmem_shared>>) target_semaphore(%run_scoped3A_187 : memref<!tpu.dma_semaphore, #tpu.memory_space<semaphore_mem>>)
        %dma_wait3A_190 = arith.constant 0 : i32
        %dma_wait3A_191 = tpu.memref_slice %arg7[%multiple_of3A, %dma_wait3A_190] : memref<10000x128xf32, #tpu.memory_space<vmem_shared>> -> memref<1000x128xf32, #tpu.memory_space<vmem_shared>>
        tpu.wait_dma2 semaphore(%run_scoped3A_187 : memref<!tpu.dma_semaphore, #tpu.memory_space<semaphore_mem>>) src(%arg5 : memref<1000x128xf32, #tpu.memory_space<hbm>>) dst(%dma_wait3A_191 : memref<1000x128xf32, #tpu.memory_space<vmem_shared>>)
        tpu.yield
      }) : () -> ()
    } else {
    }
    %dma_wait3A = arith.constant 0 : i32
    %dma_wait3A_84 = arith.constant 0 : i32
    %dma_wait3A_85 = tpu.memref_slice %arg8[%dma_wait3A, %dma_wait3A_84] : memref<8x80xi32, #tpu.memory_space<vmem>> -> memref<1x80xi32, #tpu.memory_space<vmem>>
    %dma_wait3A_86 = tpu.memref_squeeze %dma_wait3A_85 : memref<1x80xi32, #tpu.memory_space<vmem>> -> memref<80xi32, #tpu.memory_space<vmem>>
    %dma_wait3A_87 = tpu.memref_slice %arg3[%mul3A_2] : memref<320000xi32, #tpu.memory_space<hbm>> -> memref<80xi32, #tpu.memory_space<hbm>>
    %dma_wait3A_88 = arith.constant 0 : i32
    %dma_wait3A_89 = tpu.memref_slice %arg8[%dma_wait3A, %dma_wait3A_88] : memref<8x80xi32, #tpu.memory_space<vmem>> -> memref<1x80xi32, #tpu.memory_space<vmem>>
    %dma_wait3A_90 = tpu.memref_squeeze %dma_wait3A_89 : memref<1x80xi32, #tpu.memory_space<vmem>> -> memref<80xi32, #tpu.memory_space<vmem>>
    %dma_wait3A_91 = tpu.memref_slice %arg3[%mul3A_2] : memref<320000xi32, #tpu.memory_space<hbm>> -> memref<80xi32, #tpu.memory_space<hbm>>
    tpu.wait_dma2 semaphore(%arg11 : memref<!tpu.dma_semaphore, #tpu.memory_space<semaphore_mem>>) src(%dma_wait3A_91 : memref<80xi32, #tpu.memory_space<hbm>>) dst(%dma_wait3A_90 : memref<80xi32, #tpu.memory_space<vmem>>)
    %dma_wait3A_92 = arith.constant 0 : i32
    %dma_wait3A_93 = arith.constant 0 : i32
    %dma_wait3A_94 = tpu.memref_slice %arg9[%dma_wait3A_92, %dma_wait3A_93] : memref<8x80xi32, #tpu.memory_space<vmem>> -> memref<1x80xi32, #tpu.memory_space<vmem>>
    %dma_wait3A_95 = tpu.memref_squeeze %dma_wait3A_94 : memref<1x80xi32, #tpu.memory_space<vmem>> -> memref<80xi32, #tpu.memory_space<vmem>>
    %dma_wait3A_96 = tpu.memref_slice %arg4[%mul3A_2] : memref<320000xi32, #tpu.memory_space<hbm>> -> memref<80xi32, #tpu.memory_space<hbm>>
    %dma_wait3A_97 = arith.constant 0 : i32
    %dma_wait3A_98 = tpu.memref_slice %arg9[%dma_wait3A_92, %dma_wait3A_97] : memref<8x80xi32, #tpu.memory_space<vmem>> -> memref<1x80xi32, #tpu.memory_space<vmem>>
    %dma_wait3A_99 = tpu.memref_squeeze %dma_wait3A_98 : memref<1x80xi32, #tpu.memory_space<vmem>> -> memref<80xi32, #tpu.memory_space<vmem>>
    %dma_wait3A_100 = tpu.memref_slice %arg4[%mul3A_2] : memref<320000xi32, #tpu.memory_space<hbm>> -> memref<80xi32, #tpu.memory_space<hbm>>
    tpu.wait_dma2 semaphore(%arg11 : memref<!tpu.dma_semaphore, #tpu.memory_space<semaphore_mem>>) src(%dma_wait3A_100 : memref<80xi32, #tpu.memory_space<hbm>>) dst(%dma_wait3A_99 : memref<80xi32, #tpu.memory_space<vmem>>)
    %dma_wait3A_101 = arith.constant 1 : i32
    %dma_wait3A_102 = arith.constant 0 : i32
    %dma_wait3A_103 = tpu.memref_slice %arg8[%dma_wait3A_101, %dma_wait3A_102] : memref<8x80xi32, #tpu.memory_space<vmem>> -> memref<1x80xi32, #tpu.memory_space<vmem>>
    %dma_wait3A_104 = tpu.memref_squeeze %dma_wait3A_103 : memref<1x80xi32, #tpu.memory_space<vmem>> -> memref<80xi32, #tpu.memory_space<vmem>>
    %dma_wait3A_105 = tpu.memref_slice %arg3[%mul3A_2] : memref<320000xi32, #tpu.memory_space<hbm>> -> memref<80xi32, #tpu.memory_space<hbm>>
    %dma_wait3A_106 = arith.constant 0 : i32
    %dma_wait3A_107 = tpu.memref_slice %arg8[%dma_wait3A_101, %dma_wait3A_106] : memref<8x80xi32, #tpu.memory_space<vmem>> -> memref<1x80xi32, #tpu.memory_space<vmem>>
    %dma_wait3A_108 = tpu.memref_squeeze %dma_wait3A_107 : memref<1x80xi32, #tpu.memory_space<vmem>> -> memref<80xi32, #tpu.memory_space<vmem>>
    %dma_wait3A_109 = tpu.memref_slice %arg3[%mul3A_2] : memref<320000xi32, #tpu.memory_space<hbm>> -> memref<80xi32, #tpu.memory_space<hbm>>
    tpu.wait_dma2 semaphore(%arg11 : memref<!tpu.dma_semaphore, #tpu.memory_space<semaphore_mem>>) src(%dma_wait3A_109 : memref<80xi32, #tpu.memory_space<hbm>>) dst(%dma_wait3A_108 : memref<80xi32, #tpu.memory_space<vmem>>)
    %dma_wait3A_110 = arith.constant 1 : i32
    %dma_wait3A_111 = arith.constant 0 : i32
    %dma_wait3A_112 = tpu.memref_slice %arg9[%dma_wait3A_110, %dma_wait3A_111] : memref<8x80xi32, #tpu.memory_space<vmem>> -> memref<1x80xi32, #tpu.memory_space<vmem>>
    %dma_wait3A_113 = tpu.memref_squeeze %dma_wait3A_112 : memref<1x80xi32, #tpu.memory_space<vmem>> -> memref<80xi32, #tpu.memory_space<vmem>>
    %dma_wait3A_114 = tpu.memref_slice %arg4[%mul3A_2] : memref<320000xi32, #tpu.memory_space<hbm>> -> memref<80xi32, #tpu.memory_space<hbm>>
    %dma_wait3A_115 = arith.constant 0 : i32
    %dma_wait3A_116 = tpu.memref_slice %arg9[%dma_wait3A_110, %dma_wait3A_115] : memref<8x80xi32, #tpu.memory_space<vmem>> -> memref<1x80xi32, #tpu.memory_space<vmem>>
    %dma_wait3A_117 = tpu.memref_squeeze %dma_wait3A_116 : memref<1x80xi32, #tpu.memory_space<vmem>> -> memref<80xi32, #tpu.memory_space<vmem>>
    %dma_wait3A_118 = tpu.memref_slice %arg4[%mul3A_2] : memref<320000xi32, #tpu.memory_space<hbm>> -> memref<80xi32, #tpu.memory_space<hbm>>
    tpu.wait_dma2 semaphore(%arg11 : memref<!tpu.dma_semaphore, #tpu.memory_space<semaphore_mem>>) src(%dma_wait3A_118 : memref<80xi32, #tpu.memory_space<hbm>>) dst(%dma_wait3A_117 : memref<80xi32, #tpu.memory_space<vmem>>)
    %dma_start3A_119 = arith.constant 0 : i32
    %dma_start3A_120 = arith.constant 0 : i32
    %dma_start3A_121 = arith.constant 0 : i32
    %dma_start3A_122 = arith.constant 0 : i32
    %dma_start3A_123 = tpu.memref_slice %arg10[%dma_start3A_120, %dma_start3A_121, %dma_start3A_122] : memref<4x80x128xf32, #tpu.memory_space<vmem>> -> memref<1x80x128xf32, #tpu.memory_space<vmem>>
    %dma_start3A_124 = tpu.memref_squeeze %dma_start3A_123 : memref<1x80x128xf32, #tpu.memory_space<vmem>> -> memref<80x128xf32, #tpu.memory_space<vmem>>
    %dma_start3A_125 = arith.constant 0 : i32
    %dma_start3A_126 = tpu.memref_slice %arg8[%dma_start3A_119, %dma_start3A_125] : memref<8x80xi32, #tpu.memory_space<vmem>> -> memref<1x80xi32, #tpu.memory_space<vmem>>
    %dma_start3A_127 = tpu.memref_squeeze %dma_start3A_126 : memref<1x80xi32, #tpu.memory_space<vmem>> -> memref<80xi32, #tpu.memory_space<vmem>>
    %dma_start3A_128 = arith.constant 0 : i32
    %dma_start3A_129 = arith.constant 0 : i32
    %dma_start3A_130 = tpu.memref_slice %arg2[%dma_start3A_128, %dma_start3A_129] : memref<10000x128xf32, #tpu.memory_space<hbm>> -> memref<10000x128xf32, #tpu.memory_space<hbm>>
    tpu.enqueue_indirect_dma source(%dma_start3A_130 : memref<10000x128xf32, #tpu.memory_space<hbm>>) target(%dma_start3A_124 : memref<80x128xf32, #tpu.memory_space<vmem>>) offsets(%dma_start3A_127 : memref<80xi32, #tpu.memory_space<vmem>>) semaphore(%arg13 : memref<!tpu.dma_semaphore, #tpu.memory_space<semaphore_mem>>)
    %dma_start3A_131 = arith.constant 1 : i32
    %dma_start3A_132 = arith.constant 1 : i32
    %dma_start3A_133 = arith.constant 0 : i32
    %dma_start3A_134 = arith.constant 0 : i32
    %dma_start3A_135 = tpu.memref_slice %arg10[%dma_start3A_132, %dma_start3A_133, %dma_start3A_134] : memref<4x80x128xf32, #tpu.memory_space<vmem>> -> memref<1x80x128xf32, #tpu.memory_space<vmem>>
    %dma_start3A_136 = tpu.memref_squeeze %dma_start3A_135 : memref<1x80x128xf32, #tpu.memory_space<vmem>> -> memref<80x128xf32, #tpu.memory_space<vmem>>
    %dma_start3A_137 = arith.constant 0 : i32
    %dma_start3A_138 = tpu.memref_slice %arg8[%dma_start3A_131, %dma_start3A_137] : memref<8x80xi32, #tpu.memory_space<vmem>> -> memref<1x80xi32, #tpu.memory_space<vmem>>
    %dma_start3A_139 = tpu.memref_squeeze %dma_start3A_138 : memref<1x80xi32, #tpu.memory_space<vmem>> -> memref<80xi32, #tpu.memory_space<vmem>>
    %dma_start3A_140 = arith.constant 0 : i32
    %dma_start3A_141 = arith.constant 0 : i32
    %dma_start3A_142 = tpu.memref_slice %arg2[%dma_start3A_140, %dma_start3A_141] : memref<10000x128xf32, #tpu.memory_space<hbm>> -> memref<10000x128xf32, #tpu.memory_space<hbm>>
    tpu.enqueue_indirect_dma source(%dma_start3A_142 : memref<10000x128xf32, #tpu.memory_space<hbm>>) target(%dma_start3A_136 : memref<80x128xf32, #tpu.memory_space<vmem>>) offsets(%dma_start3A_139 : memref<80xi32, #tpu.memory_space<vmem>>) semaphore(%arg13 : memref<!tpu.dma_semaphore, #tpu.memory_space<semaphore_mem>>)
    %barrier3A = arith.constant 0 : index
    tpu.barrier barrier_id(%barrier3A)
    %scan3A = arith.constant 0 : i32
    %scan3A_143 = arith.constant 0 : i32
    %scan3A_144 = arith.constant 62 : i32
    %scan3A_145 = arith.addi %scan3A_143, %scan3A_144 : i32
    %scan3A_146 = arith.constant 1 : i32
    scf.for %scan3A_185 = %scan3A_143 to %scan3A_145 step %scan3A_146  : i32 {
      %jit3A = arith.constant 2 : i32
      %eq3A = arith.constant 0 : i32
      %eq3A_186 = arith.cmpi eq, %jit3A, %eq3A : i32
      %jit3A_187 = arith.constant 1 : i32
      %select_n3A = arith.select %eq3A_186, %jit3A_187, %jit3A : i32
      %rem3A = arith.remsi %scan3A_185, %select_n3A : i32
      %ne3A = arith.constant 0 : i32
      %ne3A_188 = arith.cmpi ne, %rem3A, %ne3A : i32
      %lt3A_189 = arith.constant 0 : i32
      %lt3A_190 = arith.cmpi slt, %rem3A, %lt3A_189 : i32
      %lt3A_191 = arith.constant 0 : i32
      %lt3A_192 = arith.cmpi slt, %select_n3A, %lt3A_191 : i32
      %ne3A_193 = arith.xori %lt3A_190, %lt3A_192 : i1
      %and3A = arith.andi %ne3A_193, %ne3A_188 : i1
      %add3A_194 = arith.addi %rem3A, %select_n3A : i32
      %select_n3A_195 = arith.select %and3A, %add3A_194, %rem3A : i32
      %eq3A_196 = arith.constant 0 : i32
      %eq3A_197 = arith.cmpi eq, %select_n3A_195, %eq3A_196 : i32
      %convert_element_type3A_198 = arith.extui %eq3A_197 : i1 to i32
      %cond3A_199 = arith.constant 0 : i32
      %cond3A_200 = arith.cmpi ne, %convert_element_type3A_198, %cond3A_199 : i32
      scf.if %cond3A_200 {
        %jit3A_222 = arith.constant 4 : i32
        %eq3A_223 = arith.constant 0 : i32
        %eq3A_224 = arith.cmpi eq, %jit3A_222, %eq3A_223 : i32
        %jit3A_225 = arith.constant 1 : i32
        %select_n3A_226 = arith.select %eq3A_224, %jit3A_225, %jit3A_222 : i32
        %rem3A_227 = arith.remsi %scan3A_185, %select_n3A_226 : i32
        %ne3A_228 = arith.constant 0 : i32
        %ne3A_229 = arith.cmpi ne, %rem3A_227, %ne3A_228 : i32
        %lt3A_230 = arith.constant 0 : i32
        %lt3A_231 = arith.cmpi slt, %rem3A_227, %lt3A_230 : i32
        %lt3A_232 = arith.constant 0 : i32
        %lt3A_233 = arith.cmpi slt, %select_n3A_226, %lt3A_232 : i32
        %ne3A_234 = arith.xori %lt3A_231, %lt3A_233 : i1
        %and3A_235 = arith.andi %ne3A_234, %ne3A_229 : i1
        %add3A_236 = arith.addi %rem3A_227, %select_n3A_226 : i32
        %select_n3A_237 = arith.select %and3A_235, %add3A_236, %rem3A_227 : i32
        %mul3A_238 = arith.constant 2 : i32
        %mul3A_239 = arith.muli %select_n3A_237, %mul3A_238 : i32
        %jit3A_240 = arith.constant 2 : i32
        %eq3A_241 = arith.constant 0 : i32
        %eq3A_242 = arith.cmpi eq, %jit3A_240, %eq3A_241 : i32
        %jit3A_243 = arith.constant 1 : i32
        %select_n3A_244 = arith.select %eq3A_242, %jit3A_243, %jit3A_240 : i32
        %rem3A_245 = arith.remsi %scan3A_185, %select_n3A_244 : i32
        %ne3A_246 = arith.constant 0 : i32
        %ne3A_247 = arith.cmpi ne, %rem3A_245, %ne3A_246 : i32
        %lt3A_248 = arith.constant 0 : i32
        %lt3A_249 = arith.cmpi slt, %rem3A_245, %lt3A_248 : i32
        %lt3A_250 = arith.constant 0 : i32
        %lt3A_251 = arith.cmpi slt, %select_n3A_244, %lt3A_250 : i32
        %ne3A_252 = arith.xori %lt3A_249, %lt3A_251 : i1
        %and3A_253 = arith.andi %ne3A_252, %ne3A_247 : i1
        %add3A_254 = arith.addi %rem3A_245, %select_n3A_244 : i32
        %select_n3A_255 = arith.select %and3A_253, %add3A_254, %rem3A_245 : i32
        %mul3A_256 = arith.constant 2 : i32
        %mul3A_257 = arith.muli %select_n3A_255, %mul3A_256 : i32
        %add3A_258 = arith.constant 0 : i32
        %add3A_259 = arith.addi %mul3A_239, %add3A_258 : i32
        %add3A_260 = arith.constant 0 : i32
        %add3A_261 = arith.addi %mul3A_257, %add3A_260 : i32
        %dma_wait3A_262 = arith.constant 0 : i32
        %dma_wait3A_263 = arith.constant 0 : i32
        %dma_wait3A_264 = tpu.memref_slice %arg10[%add3A_261, %dma_wait3A_262, %dma_wait3A_263] : memref<4x80x128xf32, #tpu.memory_space<vmem>> -> memref<1x80x128xf32, #tpu.memory_space<vmem>>
        %dma_wait3A_265 = tpu.memref_squeeze %dma_wait3A_264 : memref<1x80x128xf32, #tpu.memory_space<vmem>> -> memref<80x128xf32, #tpu.memory_space<vmem>>
        %dma_wait3A_266 = arith.constant 0 : i32
        %dma_wait3A_267 = tpu.memref_slice %arg8[%add3A_259, %dma_wait3A_266] : memref<8x80xi32, #tpu.memory_space<vmem>> -> memref<1x80xi32, #tpu.memory_space<vmem>>
        %dma_wait3A_268 = tpu.memref_squeeze %dma_wait3A_267 : memref<1x80xi32, #tpu.memory_space<vmem>> -> memref<80xi32, #tpu.memory_space<vmem>>
        %dma_wait3A_269 = arith.constant 0 : i32
        %dma_wait3A_270 = arith.constant 0 : i32
        %dma_wait3A_271 = tpu.memref_slice %arg2[%dma_wait3A_269, %dma_wait3A_270] : memref<10000x128xf32, #tpu.memory_space<hbm>> -> memref<10000x128xf32, #tpu.memory_space<hbm>>
        tpu.wait_indirect_dma semaphore(%arg13 : memref<!tpu.dma_semaphore, #tpu.memory_space<semaphore_mem>>) src(%dma_wait3A_271 : memref<10000x128xf32, #tpu.memory_space<hbm>>) dst(%dma_wait3A_265 : memref<80x128xf32, #tpu.memory_space<vmem>>)
        %add3A_272 = arith.constant 1 : i32
        %add3A_273 = arith.addi %mul3A_239, %add3A_272 : i32
        %add3A_274 = arith.constant 1 : i32
        %add3A_275 = arith.addi %mul3A_257, %add3A_274 : i32
        %dma_wait3A_276 = arith.constant 0 : i32
        %dma_wait3A_277 = arith.constant 0 : i32
        %dma_wait3A_278 = tpu.memref_slice %arg10[%add3A_275, %dma_wait3A_276, %dma_wait3A_277] : memref<4x80x128xf32, #tpu.memory_space<vmem>> -> memref<1x80x128xf32, #tpu.memory_space<vmem>>
        %dma_wait3A_279 = tpu.memref_squeeze %dma_wait3A_278 : memref<1x80x128xf32, #tpu.memory_space<vmem>> -> memref<80x128xf32, #tpu.memory_space<vmem>>
        %dma_wait3A_280 = arith.constant 0 : i32
        %dma_wait3A_281 = tpu.memref_slice %arg8[%add3A_273, %dma_wait3A_280] : memref<8x80xi32, #tpu.memory_space<vmem>> -> memref<1x80xi32, #tpu.memory_space<vmem>>
        %dma_wait3A_282 = tpu.memref_squeeze %dma_wait3A_281 : memref<1x80xi32, #tpu.memory_space<vmem>> -> memref<80xi32, #tpu.memory_space<vmem>>
        %dma_wait3A_283 = arith.constant 0 : i32
        %dma_wait3A_284 = arith.constant 0 : i32
        %dma_wait3A_285 = tpu.memref_slice %arg2[%dma_wait3A_283, %dma_wait3A_284] : memref<10000x128xf32, #tpu.memory_space<hbm>> -> memref<10000x128xf32, #tpu.memory_space<hbm>>
        tpu.wait_indirect_dma semaphore(%arg13 : memref<!tpu.dma_semaphore, #tpu.memory_space<semaphore_mem>>) src(%dma_wait3A_285 : memref<10000x128xf32, #tpu.memory_space<hbm>>) dst(%dma_wait3A_279 : memref<80x128xf32, #tpu.memory_space<vmem>>)
        %jit3A_286 = arith.constant 4 : i32
        %eq3A_287 = arith.constant 0 : i32
        %eq3A_288 = arith.cmpi eq, %jit3A_286, %eq3A_287 : i32
        %jit3A_289 = arith.constant 1 : i32
        %select_n3A_290 = arith.select %eq3A_288, %jit3A_289, %jit3A_286 : i32
        %rem3A_291 = arith.remsi %scan3A_185, %select_n3A_290 : i32
        %ne3A_292 = arith.constant 0 : i32
        %ne3A_293 = arith.cmpi ne, %rem3A_291, %ne3A_292 : i32
        %lt3A_294 = arith.constant 0 : i32
        %lt3A_295 = arith.cmpi slt, %rem3A_291, %lt3A_294 : i32
        %lt3A_296 = arith.constant 0 : i32
        %lt3A_297 = arith.cmpi slt, %select_n3A_290, %lt3A_296 : i32
        %ne3A_298 = arith.xori %lt3A_295, %lt3A_297 : i1
        %and3A_299 = arith.andi %ne3A_298, %ne3A_293 : i1
        %add3A_300 = arith.addi %rem3A_291, %select_n3A_290 : i32
        %select_n3A_301 = arith.select %and3A_299, %add3A_300, %rem3A_291 : i32
        %mul3A_302 = arith.constant 2 : i32
        %mul3A_303 = arith.muli %select_n3A_301, %mul3A_302 : i32
        %jit3A_304 = arith.constant 2 : i32
        %eq3A_305 = arith.constant 0 : i32
        %eq3A_306 = arith.cmpi eq, %jit3A_304, %eq3A_305 : i32
        %jit3A_307 = arith.constant 1 : i32
        %select_n3A_308 = arith.select %eq3A_306, %jit3A_307, %jit3A_304 : i32
        %rem3A_309 = arith.remsi %scan3A_185, %select_n3A_308 : i32
        %ne3A_310 = arith.constant 0 : i32
        %ne3A_311 = arith.cmpi ne, %rem3A_309, %ne3A_310 : i32
        %lt3A_312 = arith.constant 0 : i32
        %lt3A_313 = arith.cmpi slt, %rem3A_309, %lt3A_312 : i32
        %lt3A_314 = arith.constant 0 : i32
        %lt3A_315 = arith.cmpi slt, %select_n3A_308, %lt3A_314 : i32
        %ne3A_316 = arith.xori %lt3A_313, %lt3A_315 : i1
        %and3A_317 = arith.andi %ne3A_316, %ne3A_311 : i1
        %add3A_318 = arith.addi %rem3A_309, %select_n3A_308 : i32
        %select_n3A_319 = arith.select %and3A_317, %add3A_318, %rem3A_309 : i32
        %mul3A_320 = arith.constant 2 : i32
        %mul3A_321 = arith.muli %select_n3A_319, %mul3A_320 : i32
        %add3A_322 = arith.constant 0 : i32
        %add3A_323 = arith.addi %mul3A_321, %add3A_322 : i32
        %add3A_324 = arith.constant 0 : i32
        %add3A_325 = arith.addi %mul3A_303, %add3A_324 : i32
        %dma_start3A_326 = arith.constant 0 : i32
        %dma_start3A_327 = arith.constant 0 : i32
        %dma_start3A_328 = tpu.memref_slice %arg10[%add3A_323, %dma_start3A_326, %dma_start3A_327] : memref<4x80x128xf32, #tpu.memory_space<vmem>> -> memref<1x80x128xf32, #tpu.memory_space<vmem>>
        %dma_start3A_329 = tpu.memref_squeeze %dma_start3A_328 : memref<1x80x128xf32, #tpu.memory_space<vmem>> -> memref<80x128xf32, #tpu.memory_space<vmem>>
        %dma_start3A_330 = arith.constant 0 : i32
        %dma_start3A_331 = tpu.memref_slice %arg9[%add3A_325, %dma_start3A_330] : memref<8x80xi32, #tpu.memory_space<vmem>> -> memref<1x80xi32, #tpu.memory_space<vmem>>
        %dma_start3A_332 = tpu.memref_squeeze %dma_start3A_331 : memref<1x80xi32, #tpu.memory_space<vmem>> -> memref<80xi32, #tpu.memory_space<vmem>>
        %dma_start3A_333 = arith.constant 0 : i32
        %dma_start3A_334 = arith.constant 0 : i32
        %dma_start3A_335 = tpu.memref_slice %arg7[%dma_start3A_333, %dma_start3A_334] : memref<10000x128xf32, #tpu.memory_space<vmem_shared>> -> memref<10000x128xf32, #tpu.memory_space<vmem_shared>>
        tpu.enqueue_indirect_dma source(%dma_start3A_329 : memref<80x128xf32, #tpu.memory_space<vmem>>) target(%dma_start3A_335 : memref<10000x128xf32, #tpu.memory_space<vmem_shared>>) offsets(%dma_start3A_332 : memref<80xi32, #tpu.memory_space<vmem>>) semaphore(%arg15 : memref<!tpu.dma_semaphore, #tpu.memory_space<semaphore_mem>>) {add = true}
        %add3A_336 = arith.constant 1 : i32
        %add3A_337 = arith.addi %mul3A_321, %add3A_336 : i32
        %add3A_338 = arith.constant 1 : i32
        %add3A_339 = arith.addi %mul3A_303, %add3A_338 : i32
        %dma_start3A_340 = arith.constant 0 : i32
        %dma_start3A_341 = arith.constant 0 : i32
        %dma_start3A_342 = tpu.memref_slice %arg10[%add3A_337, %dma_start3A_340, %dma_start3A_341] : memref<4x80x128xf32, #tpu.memory_space<vmem>> -> memref<1x80x128xf32, #tpu.memory_space<vmem>>
        %dma_start3A_343 = tpu.memref_squeeze %dma_start3A_342 : memref<1x80x128xf32, #tpu.memory_space<vmem>> -> memref<80x128xf32, #tpu.memory_space<vmem>>
        %dma_start3A_344 = arith.constant 0 : i32
        %dma_start3A_345 = tpu.memref_slice %arg9[%add3A_339, %dma_start3A_344] : memref<8x80xi32, #tpu.memory_space<vmem>> -> memref<1x80xi32, #tpu.memory_space<vmem>>
        %dma_start3A_346 = tpu.memref_squeeze %dma_start3A_345 : memref<1x80xi32, #tpu.memory_space<vmem>> -> memref<80xi32, #tpu.memory_space<vmem>>
        %dma_start3A_347 = arith.constant 0 : i32
        %dma_start3A_348 = arith.constant 0 : i32
        %dma_start3A_349 = tpu.memref_slice %arg7[%dma_start3A_347, %dma_start3A_348] : memref<10000x128xf32, #tpu.memory_space<vmem_shared>> -> memref<10000x128xf32, #tpu.memory_space<vmem_shared>>
        tpu.enqueue_indirect_dma source(%dma_start3A_343 : memref<80x128xf32, #tpu.memory_space<vmem>>) target(%dma_start3A_349 : memref<10000x128xf32, #tpu.memory_space<vmem_shared>>) offsets(%dma_start3A_346 : memref<80xi32, #tpu.memory_space<vmem>>) semaphore(%arg15 : memref<!tpu.dma_semaphore, #tpu.memory_space<semaphore_mem>>) {add = true}
        %ge3A = arith.constant 1 : i32
        %ge3A_350 = arith.cmpi sge, %scan3A_185, %ge3A : i32
        %convert_element_type3A_351 = arith.extui %ge3A_350 : i1 to i32
        %cond3A_352 = arith.constant 0 : i32
        %cond3A_353 = arith.cmpi ne, %convert_element_type3A_351, %cond3A_352 : i32
        scf.if %cond3A_353 {
          %sub3A = arith.constant 1 : i32
          %sub3A_368 = arith.subi %scan3A_185, %sub3A : i32
          %jit3A_369 = arith.constant 4 : i32
          %eq3A_370 = arith.constant 0 : i32
          %eq3A_371 = arith.cmpi eq, %jit3A_369, %eq3A_370 : i32
          %jit3A_372 = arith.constant 1 : i32
          %select_n3A_373 = arith.select %eq3A_371, %jit3A_372, %jit3A_369 : i32
          %rem3A_374 = arith.remsi %sub3A_368, %select_n3A_373 : i32
          %ne3A_375 = arith.constant 0 : i32
          %ne3A_376 = arith.cmpi ne, %rem3A_374, %ne3A_375 : i32
          %lt3A_377 = arith.constant 0 : i32
          %lt3A_378 = arith.cmpi slt, %rem3A_374, %lt3A_377 : i32
          %lt3A_379 = arith.constant 0 : i32
          %lt3A_380 = arith.cmpi slt, %select_n3A_373, %lt3A_379 : i32
          %ne3A_381 = arith.xori %lt3A_378, %lt3A_380 : i1
          %and3A_382 = arith.andi %ne3A_381, %ne3A_376 : i1
          %add3A_383 = arith.addi %rem3A_374, %select_n3A_373 : i32
          %select_n3A_384 = arith.select %and3A_382, %add3A_383, %rem3A_374 : i32
          %mul3A_385 = arith.constant 2 : i32
          %mul3A_386 = arith.muli %select_n3A_384, %mul3A_385 : i32
          %jit3A_387 = arith.constant 2 : i32
          %eq3A_388 = arith.constant 0 : i32
          %eq3A_389 = arith.cmpi eq, %jit3A_387, %eq3A_388 : i32
          %jit3A_390 = arith.constant 1 : i32
          %select_n3A_391 = arith.select %eq3A_389, %jit3A_390, %jit3A_387 : i32
          %rem3A_392 = arith.remsi %sub3A_368, %select_n3A_391 : i32
          %ne3A_393 = arith.constant 0 : i32
          %ne3A_394 = arith.cmpi ne, %rem3A_392, %ne3A_393 : i32
          %lt3A_395 = arith.constant 0 : i32
          %lt3A_396 = arith.cmpi slt, %rem3A_392, %lt3A_395 : i32
          %lt3A_397 = arith.constant 0 : i32
          %lt3A_398 = arith.cmpi slt, %select_n3A_391, %lt3A_397 : i32
          %ne3A_399 = arith.xori %lt3A_396, %lt3A_398 : i1
          %and3A_400 = arith.andi %ne3A_399, %ne3A_394 : i1
          %add3A_401 = arith.addi %rem3A_392, %select_n3A_391 : i32
          %select_n3A_402 = arith.select %and3A_400, %add3A_401, %rem3A_392 : i32
          %mul3A_403 = arith.constant 2 : i32
          %mul3A_404 = arith.muli %select_n3A_402, %mul3A_403 : i32
          %add3A_405 = arith.constant 0 : i32
          %add3A_406 = arith.addi %mul3A_404, %add3A_405 : i32
          %add3A_407 = arith.constant 0 : i32
          %add3A_408 = arith.addi %mul3A_386, %add3A_407 : i32
          %dma_wait3A_409 = arith.constant 0 : i32
          %dma_wait3A_410 = arith.constant 0 : i32
          %dma_wait3A_411 = tpu.memref_slice %arg10[%add3A_406, %dma_wait3A_409, %dma_wait3A_410] : memref<4x80x128xf32, #tpu.memory_space<vmem>> -> memref<1x80x128xf32, #tpu.memory_space<vmem>>
          %dma_wait3A_412 = tpu.memref_squeeze %dma_wait3A_411 : memref<1x80x128xf32, #tpu.memory_space<vmem>> -> memref<80x128xf32, #tpu.memory_space<vmem>>
          %dma_wait3A_413 = arith.constant 0 : i32
          %dma_wait3A_414 = tpu.memref_slice %arg9[%add3A_408, %dma_wait3A_413] : memref<8x80xi32, #tpu.memory_space<vmem>> -> memref<1x80xi32, #tpu.memory_space<vmem>>
          %dma_wait3A_415 = tpu.memref_squeeze %dma_wait3A_414 : memref<1x80xi32, #tpu.memory_space<vmem>> -> memref<80xi32, #tpu.memory_space<vmem>>
          %dma_wait3A_416 = arith.constant 0 : i32
          %dma_wait3A_417 = arith.constant 0 : i32
          %dma_wait3A_418 = tpu.memref_slice %arg7[%dma_wait3A_416, %dma_wait3A_417] : memref<10000x128xf32, #tpu.memory_space<vmem_shared>> -> memref<10000x128xf32, #tpu.memory_space<vmem_shared>>
          tpu.wait_indirect_dma semaphore(%arg16 : memref<!tpu.dma_semaphore, #tpu.memory_space<semaphore_mem>>) src(%dma_wait3A_412 : memref<80x128xf32, #tpu.memory_space<vmem>>) dst(%dma_wait3A_418 : memref<10000x128xf32, #tpu.memory_space<vmem_shared>>)
          %add3A_419 = arith.constant 1 : i32
          %add3A_420 = arith.addi %mul3A_404, %add3A_419 : i32
          %add3A_421 = arith.constant 1 : i32
          %add3A_422 = arith.addi %mul3A_386, %add3A_421 : i32
          %dma_wait3A_423 = arith.constant 0 : i32
          %dma_wait3A_424 = arith.constant 0 : i32
          %dma_wait3A_425 = tpu.memref_slice %arg10[%add3A_420, %dma_wait3A_423, %dma_wait3A_424] : memref<4x80x128xf32, #tpu.memory_space<vmem>> -> memref<1x80x128xf32, #tpu.memory_space<vmem>>
          %dma_wait3A_426 = tpu.memref_squeeze %dma_wait3A_425 : memref<1x80x128xf32, #tpu.memory_space<vmem>> -> memref<80x128xf32, #tpu.memory_space<vmem>>
          %dma_wait3A_427 = arith.constant 0 : i32
          %dma_wait3A_428 = tpu.memref_slice %arg9[%add3A_422, %dma_wait3A_427] : memref<8x80xi32, #tpu.memory_space<vmem>> -> memref<1x80xi32, #tpu.memory_space<vmem>>
          %dma_wait3A_429 = tpu.memref_squeeze %dma_wait3A_428 : memref<1x80xi32, #tpu.memory_space<vmem>> -> memref<80xi32, #tpu.memory_space<vmem>>
          %dma_wait3A_430 = arith.constant 0 : i32
          %dma_wait3A_431 = arith.constant 0 : i32
          %dma_wait3A_432 = tpu.memref_slice %arg7[%dma_wait3A_430, %dma_wait3A_431] : memref<10000x128xf32, #tpu.memory_space<vmem_shared>> -> memref<10000x128xf32, #tpu.memory_space<vmem_shared>>
          tpu.wait_indirect_dma semaphore(%arg16 : memref<!tpu.dma_semaphore, #tpu.memory_space<semaphore_mem>>) src(%dma_wait3A_426 : memref<80x128xf32, #tpu.memory_space<vmem>>) dst(%dma_wait3A_432 : memref<10000x128xf32, #tpu.memory_space<vmem_shared>>)
        } else {
        }
        %add3A_354 = arith.constant 1 : i32
        %add3A_355 = arith.addi %scan3A_185, %add3A_354 : i32
        %lt3A_356 = arith.constant 62 : i32
        %lt3A_357 = arith.cmpi slt, %add3A_355, %lt3A_356 : i32
        %convert_element_type3A_358 = arith.extui %lt3A_357 : i1 to i32
        %cond3A_359 = arith.constant 0 : i32
        %cond3A_360 = arith.cmpi ne, %convert_element_type3A_358, %cond3A_359 : i32
        scf.if %cond3A_360 {
          %add3A_368 = arith.constant 1 : i32
          %add3A_369 = arith.addi %scan3A_185, %add3A_368 : i32
          %jit3A_370 = arith.constant 4 : i32
          %eq3A_371 = arith.constant 0 : i32
          %eq3A_372 = arith.cmpi eq, %jit3A_370, %eq3A_371 : i32
          %jit3A_373 = arith.constant 1 : i32
          %select_n3A_374 = arith.select %eq3A_372, %jit3A_373, %jit3A_370 : i32
          %rem3A_375 = arith.remsi %add3A_369, %select_n3A_374 : i32
          %ne3A_376 = arith.constant 0 : i32
          %ne3A_377 = arith.cmpi ne, %rem3A_375, %ne3A_376 : i32
          %lt3A_378 = arith.constant 0 : i32
          %lt3A_379 = arith.cmpi slt, %rem3A_375, %lt3A_378 : i32
          %lt3A_380 = arith.constant 0 : i32
          %lt3A_381 = arith.cmpi slt, %select_n3A_374, %lt3A_380 : i32
          %ne3A_382 = arith.xori %lt3A_379, %lt3A_381 : i1
          %and3A_383 = arith.andi %ne3A_382, %ne3A_377 : i1
          %add3A_384 = arith.addi %rem3A_375, %select_n3A_374 : i32
          %select_n3A_385 = arith.select %and3A_383, %add3A_384, %rem3A_375 : i32
          %mul3A_386 = arith.constant 2 : i32
          %mul3A_387 = arith.muli %select_n3A_385, %mul3A_386 : i32
          %add3A_388 = arith.constant 0 : i32
          %add3A_389 = arith.addi %mul3A_387, %add3A_388 : i32
          %dma_wait3A_390 = arith.constant 0 : i32
          %dma_wait3A_391 = tpu.memref_slice %arg8[%add3A_389, %dma_wait3A_390] : memref<8x80xi32, #tpu.memory_space<vmem>> -> memref<1x80xi32, #tpu.memory_space<vmem>>
          %dma_wait3A_392 = tpu.memref_squeeze %dma_wait3A_391 : memref<1x80xi32, #tpu.memory_space<vmem>> -> memref<80xi32, #tpu.memory_space<vmem>>
          %dma_wait3A_393 = tpu.memref_slice %arg3[%mul3A_2] : memref<320000xi32, #tpu.memory_space<hbm>> -> memref<80xi32, #tpu.memory_space<hbm>>
          %dma_wait3A_394 = arith.constant 0 : i32
          %dma_wait3A_395 = tpu.memref_slice %arg8[%add3A_389, %dma_wait3A_394] : memref<8x80xi32, #tpu.memory_space<vmem>> -> memref<1x80xi32, #tpu.memory_space<vmem>>
          %dma_wait3A_396 = tpu.memref_squeeze %dma_wait3A_395 : memref<1x80xi32, #tpu.memory_space<vmem>> -> memref<80xi32, #tpu.memory_space<vmem>>
          %dma_wait3A_397 = tpu.memref_slice %arg3[%mul3A_2] : memref<320000xi32, #tpu.memory_space<hbm>> -> memref<80xi32, #tpu.memory_space<hbm>>
          tpu.wait_dma2 semaphore(%arg12 : memref<!tpu.dma_semaphore, #tpu.memory_space<semaphore_mem>>) src(%dma_wait3A_397 : memref<80xi32, #tpu.memory_space<hbm>>) dst(%dma_wait3A_396 : memref<80xi32, #tpu.memory_space<vmem>>)
          %add3A_398 = arith.constant 0 : i32
          %add3A_399 = arith.addi %mul3A_387, %add3A_398 : i32
          %dma_wait3A_400 = arith.constant 0 : i32
          %dma_wait3A_401 = tpu.memref_slice %arg9[%add3A_399, %dma_wait3A_400] : memref<8x80xi32, #tpu.memory_space<vmem>> -> memref<1x80xi32, #tpu.memory_space<vmem>>
          %dma_wait3A_402 = tpu.memref_squeeze %dma_wait3A_401 : memref<1x80xi32, #tpu.memory_space<vmem>> -> memref<80xi32, #tpu.memory_space<vmem>>
          %dma_wait3A_403 = tpu.memref_slice %arg4[%mul3A_2] : memref<320000xi32, #tpu.memory_space<hbm>> -> memref<80xi32, #tpu.memory_space<hbm>>
          %dma_wait3A_404 = arith.constant 0 : i32
          %dma_wait3A_405 = tpu.memref_slice %arg9[%add3A_399, %dma_wait3A_404] : memref<8x80xi32, #tpu.memory_space<vmem>> -> memref<1x80xi32, #tpu.memory_space<vmem>>
          %dma_wait3A_406 = tpu.memref_squeeze %dma_wait3A_405 : memref<1x80xi32, #tpu.memory_space<vmem>> -> memref<80xi32, #tpu.memory_space<vmem>>
          %dma_wait3A_407 = tpu.memref_slice %arg4[%mul3A_2] : memref<320000xi32, #tpu.memory_space<hbm>> -> memref<80xi32, #tpu.memory_space<hbm>>
          tpu.wait_dma2 semaphore(%arg12 : memref<!tpu.dma_semaphore, #tpu.memory_space<semaphore_mem>>) src(%dma_wait3A_407 : memref<80xi32, #tpu.memory_space<hbm>>) dst(%dma_wait3A_406 : memref<80xi32, #tpu.memory_space<vmem>>)
          %add3A_408 = arith.constant 1 : i32
          %add3A_409 = arith.addi %mul3A_387, %add3A_408 : i32
          %dma_wait3A_410 = arith.constant 0 : i32
          %dma_wait3A_411 = tpu.memref_slice %arg8[%add3A_409, %dma_wait3A_410] : memref<8x80xi32, #tpu.memory_space<vmem>> -> memref<1x80xi32, #tpu.memory_space<vmem>>
          %dma_wait3A_412 = tpu.memref_squeeze %dma_wait3A_411 : memref<1x80xi32, #tpu.memory_space<vmem>> -> memref<80xi32, #tpu.memory_space<vmem>>
          %dma_wait3A_413 = tpu.memref_slice %arg3[%mul3A_2] : memref<320000xi32, #tpu.memory_space<hbm>> -> memref<80xi32, #tpu.memory_space<hbm>>
          %dma_wait3A_414 = arith.constant 0 : i32
          %dma_wait3A_415 = tpu.memref_slice %arg8[%add3A_409, %dma_wait3A_414] : memref<8x80xi32, #tpu.memory_space<vmem>> -> memref<1x80xi32, #tpu.memory_space<vmem>>
          %dma_wait3A_416 = tpu.memref_squeeze %dma_wait3A_415 : memref<1x80xi32, #tpu.memory_space<vmem>> -> memref<80xi32, #tpu.memory_space<vmem>>
          %dma_wait3A_417 = tpu.memref_slice %arg3[%mul3A_2] : memref<320000xi32, #tpu.memory_space<hbm>> -> memref<80xi32, #tpu.memory_space<hbm>>
          tpu.wait_dma2 semaphore(%arg12 : memref<!tpu.dma_semaphore, #tpu.memory_space<semaphore_mem>>) src(%dma_wait3A_417 : memref<80xi32, #tpu.memory_space<hbm>>) dst(%dma_wait3A_416 : memref<80xi32, #tpu.memory_space<vmem>>)
          %add3A_418 = arith.constant 1 : i32
          %add3A_419 = arith.addi %mul3A_387, %add3A_418 : i32
          %dma_wait3A_420 = arith.constant 0 : i32
          %dma_wait3A_421 = tpu.memref_slice %arg9[%add3A_419, %dma_wait3A_420] : memref<8x80xi32, #tpu.memory_space<vmem>> -> memref<1x80xi32, #tpu.memory_space<vmem>>
          %dma_wait3A_422 = tpu.memref_squeeze %dma_wait3A_421 : memref<1x80xi32, #tpu.memory_space<vmem>> -> memref<80xi32, #tpu.memory_space<vmem>>
          %dma_wait3A_423 = tpu.memref_slice %arg4[%mul3A_2] : memref<320000xi32, #tpu.memory_space<hbm>> -> memref<80xi32, #tpu.memory_space<hbm>>
          %dma_wait3A_424 = arith.constant 0 : i32
          %dma_wait3A_425 = tpu.memref_slice %arg9[%add3A_419, %dma_wait3A_424] : memref<8x80xi32, #tpu.memory_space<vmem>> -> memref<1x80xi32, #tpu.memory_space<vmem>>
          %dma_wait3A_426 = tpu.memref_squeeze %dma_wait3A_425 : memref<1x80xi32, #tpu.memory_space<vmem>> -> memref<80xi32, #tpu.memory_space<vmem>>
          %dma_wait3A_427 = tpu.memref_slice %arg4[%mul3A_2] : memref<320000xi32, #tpu.memory_space<hbm>> -> memref<80xi32, #tpu.memory_space<hbm>>
          tpu.wait_dma2 semaphore(%arg12 : memref<!tpu.dma_semaphore, #tpu.memory_space<semaphore_mem>>) src(%dma_wait3A_427 : memref<80xi32, #tpu.memory_space<hbm>>) dst(%dma_wait3A_426 : memref<80xi32, #tpu.memory_space<vmem>>)
          %add3A_428 = arith.constant 1 : i32
          %add3A_429 = arith.addi %scan3A_185, %add3A_428 : i32
          %jit3A_430 = arith.constant 4 : i32
          %eq3A_431 = arith.constant 0 : i32
          %eq3A_432 = arith.cmpi eq, %jit3A_430, %eq3A_431 : i32
          %jit3A_433 = arith.constant 1 : i32
          %select_n3A_434 = arith.select %eq3A_432, %jit3A_433, %jit3A_430 : i32
          %rem3A_435 = arith.remsi %add3A_429, %select_n3A_434 : i32
          %ne3A_436 = arith.constant 0 : i32
          %ne3A_437 = arith.cmpi ne, %rem3A_435, %ne3A_436 : i32
          %lt3A_438 = arith.constant 0 : i32
          %lt3A_439 = arith.cmpi slt, %rem3A_435, %lt3A_438 : i32
          %lt3A_440 = arith.constant 0 : i32
          %lt3A_441 = arith.cmpi slt, %select_n3A_434, %lt3A_440 : i32
          %ne3A_442 = arith.xori %lt3A_439, %lt3A_441 : i1
          %and3A_443 = arith.andi %ne3A_442, %ne3A_437 : i1
          %add3A_444 = arith.addi %rem3A_435, %select_n3A_434 : i32
          %select_n3A_445 = arith.select %and3A_443, %add3A_444, %rem3A_435 : i32
          %mul3A_446 = arith.constant 2 : i32
          %mul3A_447 = arith.muli %select_n3A_445, %mul3A_446 : i32
          %jit3A_448 = arith.constant 2 : i32
          %eq3A_449 = arith.constant 0 : i32
          %eq3A_450 = arith.cmpi eq, %jit3A_448, %eq3A_449 : i32
          %jit3A_451 = arith.constant 1 : i32
          %select_n3A_452 = arith.select %eq3A_450, %jit3A_451, %jit3A_448 : i32
          %rem3A_453 = arith.remsi %add3A_429, %select_n3A_452 : i32
          %ne3A_454 = arith.constant 0 : i32
          %ne3A_455 = arith.cmpi ne, %rem3A_453, %ne3A_454 : i32
          %lt3A_456 = arith.constant 0 : i32
          %lt3A_457 = arith.cmpi slt, %rem3A_453, %lt3A_456 : i32
          %lt3A_458 = arith.constant 0 : i32
          %lt3A_459 = arith.cmpi slt, %select_n3A_452, %lt3A_458 : i32
          %ne3A_460 = arith.xori %lt3A_457, %lt3A_459 : i1
          %and3A_461 = arith.andi %ne3A_460, %ne3A_455 : i1
          %add3A_462 = arith.addi %rem3A_453, %select_n3A_452 : i32
          %select_n3A_463 = arith.select %and3A_461, %add3A_462, %rem3A_453 : i32
          %mul3A_464 = arith.constant 2 : i32
          %mul3A_465 = arith.muli %select_n3A_463, %mul3A_464 : i32
          %add3A_466 = arith.constant 0 : i32
          %add3A_467 = arith.addi %mul3A_447, %add3A_466 : i32
          %add3A_468 = arith.constant 0 : i32
          %add3A_469 = arith.addi %mul3A_465, %add3A_468 : i32
          %dma_start3A_470 = arith.constant 0 : i32
          %dma_start3A_471 = arith.constant 0 : i32
          %dma_start3A_472 = tpu.memref_slice %arg10[%add3A_469, %dma_start3A_470, %dma_start3A_471] : memref<4x80x128xf32, #tpu.memory_space<vmem>> -> memref<1x80x128xf32, #tpu.memory_space<vmem>>
          %dma_start3A_473 = tpu.memref_squeeze %dma_start3A_472 : memref<1x80x128xf32, #tpu.memory_space<vmem>> -> memref<80x128xf32, #tpu.memory_space<vmem>>
          %dma_start3A_474 = arith.constant 0 : i32
          %dma_start3A_475 = tpu.memref_slice %arg8[%add3A_467, %dma_start3A_474] : memref<8x80xi32, #tpu.memory_space<vmem>> -> memref<1x80xi32, #tpu.memory_space<vmem>>
          %dma_start3A_476 = tpu.memref_squeeze %dma_start3A_475 : memref<1x80xi32, #tpu.memory_space<vmem>> -> memref<80xi32, #tpu.memory_space<vmem>>
          %dma_start3A_477 = arith.constant 0 : i32
          %dma_start3A_478 = arith.constant 0 : i32
          %dma_start3A_479 = tpu.memref_slice %arg2[%dma_start3A_477, %dma_start3A_478] : memref<10000x128xf32, #tpu.memory_space<hbm>> -> memref<10000x128xf32, #tpu.memory_space<hbm>>
          tpu.enqueue_indirect_dma source(%dma_start3A_479 : memref<10000x128xf32, #tpu.memory_space<hbm>>) target(%dma_start3A_473 : memref<80x128xf32, #tpu.memory_space<vmem>>) offsets(%dma_start3A_476 : memref<80xi32, #tpu.memory_space<vmem>>) semaphore(%arg14 : memref<!tpu.dma_semaphore, #tpu.memory_space<semaphore_mem>>)
          %add3A_480 = arith.constant 1 : i32
          %add3A_481 = arith.addi %mul3A_447, %add3A_480 : i32
          %add3A_482 = arith.constant 1 : i32
          %add3A_483 = arith.addi %mul3A_465, %add3A_482 : i32
          %dma_start3A_484 = arith.constant 0 : i32
          %dma_start3A_485 = arith.constant 0 : i32
          %dma_start3A_486 = tpu.memref_slice %arg10[%add3A_483, %dma_start3A_484, %dma_start3A_485] : memref<4x80x128xf32, #tpu.memory_space<vmem>> -> memref<1x80x128xf32, #tpu.memory_space<vmem>>
          %dma_start3A_487 = tpu.memref_squeeze %dma_start3A_486 : memref<1x80x128xf32, #tpu.memory_space<vmem>> -> memref<80x128xf32, #tpu.memory_space<vmem>>
          %dma_start3A_488 = arith.constant 0 : i32
          %dma_start3A_489 = tpu.memref_slice %arg8[%add3A_481, %dma_start3A_488] : memref<8x80xi32, #tpu.memory_space<vmem>> -> memref<1x80xi32, #tpu.memory_space<vmem>>
          %dma_start3A_490 = tpu.memref_squeeze %dma_start3A_489 : memref<1x80xi32, #tpu.memory_space<vmem>> -> memref<80xi32, #tpu.memory_space<vmem>>
          %dma_start3A_491 = arith.constant 0 : i32
          %dma_start3A_492 = arith.constant 0 : i32
          %dma_start3A_493 = tpu.memref_slice %arg2[%dma_start3A_491, %dma_start3A_492] : memref<10000x128xf32, #tpu.memory_space<hbm>> -> memref<10000x128xf32, #tpu.memory_space<hbm>>
          tpu.enqueue_indirect_dma source(%dma_start3A_493 : memref<10000x128xf32, #tpu.memory_space<hbm>>) target(%dma_start3A_487 : memref<80x128xf32, #tpu.memory_space<vmem>>) offsets(%dma_start3A_490 : memref<80xi32, #tpu.memory_space<vmem>>) semaphore(%arg14 : memref<!tpu.dma_semaphore, #tpu.memory_space<semaphore_mem>>)
        } else {
        }
        %add3A_361 = arith.constant 2 : i32
        %add3A_362 = arith.addi %scan3A_185, %add3A_361 : i32
        %lt3A_363 = arith.constant 62 : i32
        %lt3A_364 = arith.cmpi slt, %add3A_362, %lt3A_363 : i32
        %convert_element_type3A_365 = arith.extui %lt3A_364 : i1 to i32
        %cond3A_366 = arith.constant 0 : i32
        %cond3A_367 = arith.cmpi ne, %convert_element_type3A_365, %cond3A_366 : i32
        scf.if %cond3A_367 {
          %add3A_368 = arith.constant 2 : i32
          %add3A_369 = arith.addi %scan3A_185, %add3A_368 : i32
          %jit3A_370 = arith.constant 4 : i32
          %eq3A_371 = arith.constant 0 : i32
          %eq3A_372 = arith.cmpi eq, %jit3A_370, %eq3A_371 : i32
          %jit3A_373 = arith.constant 1 : i32
          %select_n3A_374 = arith.select %eq3A_372, %jit3A_373, %jit3A_370 : i32
          %rem3A_375 = arith.remsi %add3A_369, %select_n3A_374 : i32
          %ne3A_376 = arith.constant 0 : i32
          %ne3A_377 = arith.cmpi ne, %rem3A_375, %ne3A_376 : i32
          %lt3A_378 = arith.constant 0 : i32
          %lt3A_379 = arith.cmpi slt, %rem3A_375, %lt3A_378 : i32
          %lt3A_380 = arith.constant 0 : i32
          %lt3A_381 = arith.cmpi slt, %select_n3A_374, %lt3A_380 : i32
          %ne3A_382 = arith.xori %lt3A_379, %lt3A_381 : i1
          %and3A_383 = arith.andi %ne3A_382, %ne3A_377 : i1
          %add3A_384 = arith.addi %rem3A_375, %select_n3A_374 : i32
          %select_n3A_385 = arith.select %and3A_383, %add3A_384, %rem3A_375 : i32
          %mul3A_386 = arith.constant 2 : i32
          %mul3A_387 = arith.muli %select_n3A_385, %mul3A_386 : i32
          %mul3A_388 = arith.constant 2 : i32
          %mul3A_389 = arith.muli %add3A_369, %mul3A_388 : i32
          %add3A_390 = arith.constant 0 : i32
          %add3A_391 = arith.addi %mul3A_389, %add3A_390 : i32
          %mul3A_392 = arith.constant 80 : i32
          %mul3A_393 = arith.muli %add3A_391, %mul3A_392 : i32
          %add3A_394 = arith.addi %mul3A_2, %mul3A_393 : i32
          %add3A_395 = arith.constant 0 : i32
          %add3A_396 = arith.addi %mul3A_387, %add3A_395 : i32
          %dma_start3A_397 = arith.constant 0 : i32
          %dma_start3A_398 = tpu.memref_slice %arg8[%add3A_396, %dma_start3A_397] : memref<8x80xi32, #tpu.memory_space<vmem>> -> memref<1x80xi32, #tpu.memory_space<vmem>>
          %dma_start3A_399 = tpu.memref_squeeze %dma_start3A_398 : memref<1x80xi32, #tpu.memory_space<vmem>> -> memref<80xi32, #tpu.memory_space<vmem>>
          %dma_start3A_400 = tpu.memref_slice %arg3[%add3A_394] : memref<320000xi32, #tpu.memory_space<hbm>> -> memref<80xi32, #tpu.memory_space<hbm>>
          %dma_start3A_401 = arith.constant 0 : i32
          %dma_start3A_402 = tpu.memref_slice %arg8[%add3A_396, %dma_start3A_401] : memref<8x80xi32, #tpu.memory_space<vmem>> -> memref<1x80xi32, #tpu.memory_space<vmem>>
          %dma_start3A_403 = tpu.memref_squeeze %dma_start3A_402 : memref<1x80xi32, #tpu.memory_space<vmem>> -> memref<80xi32, #tpu.memory_space<vmem>>
          %dma_start3A_404 = tpu.memref_slice %arg3[%add3A_394] : memref<320000xi32, #tpu.memory_space<hbm>> -> memref<80xi32, #tpu.memory_space<hbm>>
          tpu.enqueue_dma source(%dma_start3A_404 : memref<80xi32, #tpu.memory_space<hbm>>) target(%dma_start3A_403 : memref<80xi32, #tpu.memory_space<vmem>>) target_semaphore(%arg11 : memref<!tpu.dma_semaphore, #tpu.memory_space<semaphore_mem>>)
          %add3A_405 = arith.constant 0 : i32
          %add3A_406 = arith.addi %mul3A_387, %add3A_405 : i32
          %dma_start3A_407 = arith.constant 0 : i32
          %dma_start3A_408 = tpu.memref_slice %arg9[%add3A_406, %dma_start3A_407] : memref<8x80xi32, #tpu.memory_space<vmem>> -> memref<1x80xi32, #tpu.memory_space<vmem>>
          %dma_start3A_409 = tpu.memref_squeeze %dma_start3A_408 : memref<1x80xi32, #tpu.memory_space<vmem>> -> memref<80xi32, #tpu.memory_space<vmem>>
          %dma_start3A_410 = tpu.memref_slice %arg4[%add3A_394] : memref<320000xi32, #tpu.memory_space<hbm>> -> memref<80xi32, #tpu.memory_space<hbm>>
          %dma_start3A_411 = arith.constant 0 : i32
          %dma_start3A_412 = tpu.memref_slice %arg9[%add3A_406, %dma_start3A_411] : memref<8x80xi32, #tpu.memory_space<vmem>> -> memref<1x80xi32, #tpu.memory_space<vmem>>
          %dma_start3A_413 = tpu.memref_squeeze %dma_start3A_412 : memref<1x80xi32, #tpu.memory_space<vmem>> -> memref<80xi32, #tpu.memory_space<vmem>>
          %dma_start3A_414 = tpu.memref_slice %arg4[%add3A_394] : memref<320000xi32, #tpu.memory_space<hbm>> -> memref<80xi32, #tpu.memory_space<hbm>>
          tpu.enqueue_dma source(%dma_start3A_414 : memref<80xi32, #tpu.memory_space<hbm>>) target(%dma_start3A_413 : memref<80xi32, #tpu.memory_space<vmem>>) target_semaphore(%arg11 : memref<!tpu.dma_semaphore, #tpu.memory_space<semaphore_mem>>)
          %mul3A_415 = arith.constant 2 : i32
          %mul3A_416 = arith.muli %add3A_369, %mul3A_415 : i32
          %add3A_417 = arith.constant 1 : i32
          %add3A_418 = arith.addi %mul3A_416, %add3A_417 : i32
          %mul3A_419 = arith.constant 80 : i32
          %mul3A_420 = arith.muli %add3A_418, %mul3A_419 : i32
          %add3A_421 = arith.addi %mul3A_2, %mul3A_420 : i32
          %add3A_422 = arith.constant 1 : i32
          %add3A_423 = arith.addi %mul3A_387, %add3A_422 : i32
          %dma_start3A_424 = arith.constant 0 : i32
          %dma_start3A_425 = tpu.memref_slice %arg8[%add3A_423, %dma_start3A_424] : memref<8x80xi32, #tpu.memory_space<vmem>> -> memref<1x80xi32, #tpu.memory_space<vmem>>
          %dma_start3A_426 = tpu.memref_squeeze %dma_start3A_425 : memref<1x80xi32, #tpu.memory_space<vmem>> -> memref<80xi32, #tpu.memory_space<vmem>>
          %dma_start3A_427 = tpu.memref_slice %arg3[%add3A_421] : memref<320000xi32, #tpu.memory_space<hbm>> -> memref<80xi32, #tpu.memory_space<hbm>>
          %dma_start3A_428 = arith.constant 0 : i32
          %dma_start3A_429 = tpu.memref_slice %arg8[%add3A_423, %dma_start3A_428] : memref<8x80xi32, #tpu.memory_space<vmem>> -> memref<1x80xi32, #tpu.memory_space<vmem>>
          %dma_start3A_430 = tpu.memref_squeeze %dma_start3A_429 : memref<1x80xi32, #tpu.memory_space<vmem>> -> memref<80xi32, #tpu.memory_space<vmem>>
          %dma_start3A_431 = tpu.memref_slice %arg3[%add3A_421] : memref<320000xi32, #tpu.memory_space<hbm>> -> memref<80xi32, #tpu.memory_space<hbm>>
          tpu.enqueue_dma source(%dma_start3A_431 : memref<80xi32, #tpu.memory_space<hbm>>) target(%dma_start3A_430 : memref<80xi32, #tpu.memory_space<vmem>>) target_semaphore(%arg11 : memref<!tpu.dma_semaphore, #tpu.memory_space<semaphore_mem>>)
          %add3A_432 = arith.constant 1 : i32
          %add3A_433 = arith.addi %mul3A_387, %add3A_432 : i32
          %dma_start3A_434 = arith.constant 0 : i32
          %dma_start3A_435 = tpu.memref_slice %arg9[%add3A_433, %dma_start3A_434] : memref<8x80xi32, #tpu.memory_space<vmem>> -> memref<1x80xi32, #tpu.memory_space<vmem>>
          %dma_start3A_436 = tpu.memref_squeeze %dma_start3A_435 : memref<1x80xi32, #tpu.memory_space<vmem>> -> memref<80xi32, #tpu.memory_space<vmem>>
          %dma_start3A_437 = tpu.memref_slice %arg4[%add3A_421] : memref<320000xi32, #tpu.memory_space<hbm>> -> memref<80xi32, #tpu.memory_space<hbm>>
          %dma_start3A_438 = arith.constant 0 : i32
          %dma_start3A_439 = tpu.memref_slice %arg9[%add3A_433, %dma_start3A_438] : memref<8x80xi32, #tpu.memory_space<vmem>> -> memref<1x80xi32, #tpu.memory_space<vmem>>
          %dma_start3A_440 = tpu.memref_squeeze %dma_start3A_439 : memref<1x80xi32, #tpu.memory_space<vmem>> -> memref<80xi32, #tpu.memory_space<vmem>>
          %dma_start3A_441 = tpu.memref_slice %arg4[%add3A_421] : memref<320000xi32, #tpu.memory_space<hbm>> -> memref<80xi32, #tpu.memory_space<hbm>>
          tpu.enqueue_dma source(%dma_start3A_441 : memref<80xi32, #tpu.memory_space<hbm>>) target(%dma_start3A_440 : memref<80xi32, #tpu.memory_space<vmem>>) target_semaphore(%arg11 : memref<!tpu.dma_semaphore, #tpu.memory_space<semaphore_mem>>)
        } else {
        }
      } else {
      }
      %jit3A_201 = arith.constant 2 : i32
      %eq3A_202 = arith.constant 0 : i32
      %eq3A_203 = arith.cmpi eq, %jit3A_201, %eq3A_202 : i32
      %jit3A_204 = arith.constant 1 : i32
      %select_n3A_205 = arith.select %eq3A_203, %jit3A_204, %jit3A_201 : i32
      %rem3A_206 = arith.remsi %scan3A_185, %select_n3A_205 : i32
      %ne3A_207 = arith.constant 0 : i32
      %ne3A_208 = arith.cmpi ne, %rem3A_206, %ne3A_207 : i32
      %lt3A_209 = arith.constant 0 : i32
      %lt3A_210 = arith.cmpi slt, %rem3A_206, %lt3A_209 : i32
      %lt3A_211 = arith.constant 0 : i32
      %lt3A_212 = arith.cmpi slt, %select_n3A_205, %lt3A_211 : i32
      %ne3A_213 = arith.xori %lt3A_210, %lt3A_212 : i1
      %and3A_214 = arith.andi %ne3A_213, %ne3A_208 : i1
      %add3A_215 = arith.addi %rem3A_206, %select_n3A_205 : i32
      %select_n3A_216 = arith.select %and3A_214, %add3A_215, %rem3A_206 : i32
      %eq3A_217 = arith.constant 1 : i32
      %eq3A_218 = arith.cmpi eq, %select_n3A_216, %eq3A_217 : i32
      %convert_element_type3A_219 = arith.extui %eq3A_218 : i1 to i32
      %cond3A_220 = arith.constant 0 : i32
      %cond3A_221 = arith.cmpi ne, %convert_element_type3A_219, %cond3A_220 : i32
      scf.if %cond3A_221 {
        %jit3A_222 = arith.constant 4 : i32
        %eq3A_223 = arith.constant 0 : i32
        %eq3A_224 = arith.cmpi eq, %jit3A_222, %eq3A_223 : i32
        %jit3A_225 = arith.constant 1 : i32
        %select_n3A_226 = arith.select %eq3A_224, %jit3A_225, %jit3A_222 : i32
        %rem3A_227 = arith.remsi %scan3A_185, %select_n3A_226 : i32
        %ne3A_228 = arith.constant 0 : i32
        %ne3A_229 = arith.cmpi ne, %rem3A_227, %ne3A_228 : i32
        %lt3A_230 = arith.constant 0 : i32
        %lt3A_231 = arith.cmpi slt, %rem3A_227, %lt3A_230 : i32
        %lt3A_232 = arith.constant 0 : i32
        %lt3A_233 = arith.cmpi slt, %select_n3A_226, %lt3A_232 : i32
        %ne3A_234 = arith.xori %lt3A_231, %lt3A_233 : i1
        %and3A_235 = arith.andi %ne3A_234, %ne3A_229 : i1
        %add3A_236 = arith.addi %rem3A_227, %select_n3A_226 : i32
        %select_n3A_237 = arith.select %and3A_235, %add3A_236, %rem3A_227 : i32
        %mul3A_238 = arith.constant 2 : i32
        %mul3A_239 = arith.muli %select_n3A_237, %mul3A_238 : i32
        %jit3A_240 = arith.constant 2 : i32
        %eq3A_241 = arith.constant 0 : i32
        %eq3A_242 = arith.cmpi eq, %jit3A_240, %eq3A_241 : i32
        %jit3A_243 = arith.constant 1 : i32
        %select_n3A_244 = arith.select %eq3A_242, %jit3A_243, %jit3A_240 : i32
        %rem3A_245 = arith.remsi %scan3A_185, %select_n3A_244 : i32
        %ne3A_246 = arith.constant 0 : i32
        %ne3A_247 = arith.cmpi ne, %rem3A_245, %ne3A_246 : i32
        %lt3A_248 = arith.constant 0 : i32
        %lt3A_249 = arith.cmpi slt, %rem3A_245, %lt3A_248 : i32
        %lt3A_250 = arith.constant 0 : i32
        %lt3A_251 = arith.cmpi slt, %select_n3A_244, %lt3A_250 : i32
        %ne3A_252 = arith.xori %lt3A_249, %lt3A_251 : i1
        %and3A_253 = arith.andi %ne3A_252, %ne3A_247 : i1
        %add3A_254 = arith.addi %rem3A_245, %select_n3A_244 : i32
        %select_n3A_255 = arith.select %and3A_253, %add3A_254, %rem3A_245 : i32
        %mul3A_256 = arith.constant 2 : i32
        %mul3A_257 = arith.muli %select_n3A_255, %mul3A_256 : i32
        %add3A_258 = arith.constant 0 : i32
        %add3A_259 = arith.addi %mul3A_239, %add3A_258 : i32
        %add3A_260 = arith.constant 0 : i32
        %add3A_261 = arith.addi %mul3A_257, %add3A_260 : i32
        %dma_wait3A_262 = arith.constant 0 : i32
        %dma_wait3A_263 = arith.constant 0 : i32
        %dma_wait3A_264 = tpu.memref_slice %arg10[%add3A_261, %dma_wait3A_262, %dma_wait3A_263] : memref<4x80x128xf32, #tpu.memory_space<vmem>> -> memref<1x80x128xf32, #tpu.memory_space<vmem>>
        %dma_wait3A_265 = tpu.memref_squeeze %dma_wait3A_264 : memref<1x80x128xf32, #tpu.memory_space<vmem>> -> memref<80x128xf32, #tpu.memory_space<vmem>>
        %dma_wait3A_266 = arith.constant 0 : i32
        %dma_wait3A_267 = tpu.memref_slice %arg8[%add3A_259, %dma_wait3A_266] : memref<8x80xi32, #tpu.memory_space<vmem>> -> memref<1x80xi32, #tpu.memory_space<vmem>>
        %dma_wait3A_268 = tpu.memref_squeeze %dma_wait3A_267 : memref<1x80xi32, #tpu.memory_space<vmem>> -> memref<80xi32, #tpu.memory_space<vmem>>
        %dma_wait3A_269 = arith.constant 0 : i32
        %dma_wait3A_270 = arith.constant 0 : i32
        %dma_wait3A_271 = tpu.memref_slice %arg2[%dma_wait3A_269, %dma_wait3A_270] : memref<10000x128xf32, #tpu.memory_space<hbm>> -> memref<10000x128xf32, #tpu.memory_space<hbm>>
        tpu.wait_indirect_dma semaphore(%arg14 : memref<!tpu.dma_semaphore, #tpu.memory_space<semaphore_mem>>) src(%dma_wait3A_271 : memref<10000x128xf32, #tpu.memory_space<hbm>>) dst(%dma_wait3A_265 : memref<80x128xf32, #tpu.memory_space<vmem>>)
        %add3A_272 = arith.constant 1 : i32
        %add3A_273 = arith.addi %mul3A_239, %add3A_272 : i32
        %add3A_274 = arith.constant 1 : i32
        %add3A_275 = arith.addi %mul3A_257, %add3A_274 : i32
        %dma_wait3A_276 = arith.constant 0 : i32
        %dma_wait3A_277 = arith.constant 0 : i32
        %dma_wait3A_278 = tpu.memref_slice %arg10[%add3A_275, %dma_wait3A_276, %dma_wait3A_277] : memref<4x80x128xf32, #tpu.memory_space<vmem>> -> memref<1x80x128xf32, #tpu.memory_space<vmem>>
        %dma_wait3A_279 = tpu.memref_squeeze %dma_wait3A_278 : memref<1x80x128xf32, #tpu.memory_space<vmem>> -> memref<80x128xf32, #tpu.memory_space<vmem>>
        %dma_wait3A_280 = arith.constant 0 : i32
        %dma_wait3A_281 = tpu.memref_slice %arg8[%add3A_273, %dma_wait3A_280] : memref<8x80xi32, #tpu.memory_space<vmem>> -> memref<1x80xi32, #tpu.memory_space<vmem>>
        %dma_wait3A_282 = tpu.memref_squeeze %dma_wait3A_281 : memref<1x80xi32, #tpu.memory_space<vmem>> -> memref<80xi32, #tpu.memory_space<vmem>>
        %dma_wait3A_283 = arith.constant 0 : i32
        %dma_wait3A_284 = arith.constant 0 : i32
        %dma_wait3A_285 = tpu.memref_slice %arg2[%dma_wait3A_283, %dma_wait3A_284] : memref<10000x128xf32, #tpu.memory_space<hbm>> -> memref<10000x128xf32, #tpu.memory_space<hbm>>
        tpu.wait_indirect_dma semaphore(%arg14 : memref<!tpu.dma_semaphore, #tpu.memory_space<semaphore_mem>>) src(%dma_wait3A_285 : memref<10000x128xf32, #tpu.memory_space<hbm>>) dst(%dma_wait3A_279 : memref<80x128xf32, #tpu.memory_space<vmem>>)
        %jit3A_286 = arith.constant 4 : i32
        %eq3A_287 = arith.constant 0 : i32
        %eq3A_288 = arith.cmpi eq, %jit3A_286, %eq3A_287 : i32
        %jit3A_289 = arith.constant 1 : i32
        %select_n3A_290 = arith.select %eq3A_288, %jit3A_289, %jit3A_286 : i32
        %rem3A_291 = arith.remsi %scan3A_185, %select_n3A_290 : i32
        %ne3A_292 = arith.constant 0 : i32
        %ne3A_293 = arith.cmpi ne, %rem3A_291, %ne3A_292 : i32
        %lt3A_294 = arith.constant 0 : i32
        %lt3A_295 = arith.cmpi slt, %rem3A_291, %lt3A_294 : i32
        %lt3A_296 = arith.constant 0 : i32
        %lt3A_297 = arith.cmpi slt, %select_n3A_290, %lt3A_296 : i32
        %ne3A_298 = arith.xori %lt3A_295, %lt3A_297 : i1
        %and3A_299 = arith.andi %ne3A_298, %ne3A_293 : i1
        %add3A_300 = arith.addi %rem3A_291, %select_n3A_290 : i32
        %select_n3A_301 = arith.select %and3A_299, %add3A_300, %rem3A_291 : i32
        %mul3A_302 = arith.constant 2 : i32
        %mul3A_303 = arith.muli %select_n3A_301, %mul3A_302 : i32
        %jit3A_304 = arith.constant 2 : i32
        %eq3A_305 = arith.constant 0 : i32
        %eq3A_306 = arith.cmpi eq, %jit3A_304, %eq3A_305 : i32
        %jit3A_307 = arith.constant 1 : i32
        %select_n3A_308 = arith.select %eq3A_306, %jit3A_307, %jit3A_304 : i32
        %rem3A_309 = arith.remsi %scan3A_185, %select_n3A_308 : i32
        %ne3A_310 = arith.constant 0 : i32
        %ne3A_311 = arith.cmpi ne, %rem3A_309, %ne3A_310 : i32
        %lt3A_312 = arith.constant 0 : i32
        %lt3A_313 = arith.cmpi slt, %rem3A_309, %lt3A_312 : i32
        %lt3A_314 = arith.constant 0 : i32
        %lt3A_315 = arith.cmpi slt, %select_n3A_308, %lt3A_314 : i32
        %ne3A_316 = arith.xori %lt3A_313, %lt3A_315 : i1
        %and3A_317 = arith.andi %ne3A_316, %ne3A_311 : i1
        %add3A_318 = arith.addi %rem3A_309, %select_n3A_308 : i32
        %select_n3A_319 = arith.select %and3A_317, %add3A_318, %rem3A_309 : i32
        %mul3A_320 = arith.constant 2 : i32
        %mul3A_321 = arith.muli %select_n3A_319, %mul3A_320 : i32
        %add3A_322 = arith.constant 0 : i32
        %add3A_323 = arith.addi %mul3A_321, %add3A_322 : i32
        %add3A_324 = arith.constant 0 : i32
        %add3A_325 = arith.addi %mul3A_303, %add3A_324 : i32
        %dma_start3A_326 = arith.constant 0 : i32
        %dma_start3A_327 = arith.constant 0 : i32
        %dma_start3A_328 = tpu.memref_slice %arg10[%add3A_323, %dma_start3A_326, %dma_start3A_327] : memref<4x80x128xf32, #tpu.memory_space<vmem>> -> memref<1x80x128xf32, #tpu.memory_space<vmem>>
        %dma_start3A_329 = tpu.memref_squeeze %dma_start3A_328 : memref<1x80x128xf32, #tpu.memory_space<vmem>> -> memref<80x128xf32, #tpu.memory_space<vmem>>
        %dma_start3A_330 = arith.constant 0 : i32
        %dma_start3A_331 = tpu.memref_slice %arg9[%add3A_325, %dma_start3A_330] : memref<8x80xi32, #tpu.memory_space<vmem>> -> memref<1x80xi32, #tpu.memory_space<vmem>>
        %dma_start3A_332 = tpu.memref_squeeze %dma_start3A_331 : memref<1x80xi32, #tpu.memory_space<vmem>> -> memref<80xi32, #tpu.memory_space<vmem>>
        %dma_start3A_333 = arith.constant 0 : i32
        %dma_start3A_334 = arith.constant 0 : i32
        %dma_start3A_335 = tpu.memref_slice %arg7[%dma_start3A_333, %dma_start3A_334] : memref<10000x128xf32, #tpu.memory_space<vmem_shared>> -> memref<10000x128xf32, #tpu.memory_space<vmem_shared>>
        tpu.enqueue_indirect_dma source(%dma_start3A_329 : memref<80x128xf32, #tpu.memory_space<vmem>>) target(%dma_start3A_335 : memref<10000x128xf32, #tpu.memory_space<vmem_shared>>) offsets(%dma_start3A_332 : memref<80xi32, #tpu.memory_space<vmem>>) semaphore(%arg16 : memref<!tpu.dma_semaphore, #tpu.memory_space<semaphore_mem>>) {add = true}
        %add3A_336 = arith.constant 1 : i32
        %add3A_337 = arith.addi %mul3A_321, %add3A_336 : i32
        %add3A_338 = arith.constant 1 : i32
        %add3A_339 = arith.addi %mul3A_303, %add3A_338 : i32
        %dma_start3A_340 = arith.constant 0 : i32
        %dma_start3A_341 = arith.constant 0 : i32
        %dma_start3A_342 = tpu.memref_slice %arg10[%add3A_337, %dma_start3A_340, %dma_start3A_341] : memref<4x80x128xf32, #tpu.memory_space<vmem>> -> memref<1x80x128xf32, #tpu.memory_space<vmem>>
        %dma_start3A_343 = tpu.memref_squeeze %dma_start3A_342 : memref<1x80x128xf32, #tpu.memory_space<vmem>> -> memref<80x128xf32, #tpu.memory_space<vmem>>
        %dma_start3A_344 = arith.constant 0 : i32
        %dma_start3A_345 = tpu.memref_slice %arg9[%add3A_339, %dma_start3A_344] : memref<8x80xi32, #tpu.memory_space<vmem>> -> memref<1x80xi32, #tpu.memory_space<vmem>>
        %dma_start3A_346 = tpu.memref_squeeze %dma_start3A_345 : memref<1x80xi32, #tpu.memory_space<vmem>> -> memref<80xi32, #tpu.memory_space<vmem>>
        %dma_start3A_347 = arith.constant 0 : i32
        %dma_start3A_348 = arith.constant 0 : i32
        %dma_start3A_349 = tpu.memref_slice %arg7[%dma_start3A_347, %dma_start3A_348] : memref<10000x128xf32, #tpu.memory_space<vmem_shared>> -> memref<10000x128xf32, #tpu.memory_space<vmem_shared>>
        tpu.enqueue_indirect_dma source(%dma_start3A_343 : memref<80x128xf32, #tpu.memory_space<vmem>>) target(%dma_start3A_349 : memref<10000x128xf32, #tpu.memory_space<vmem_shared>>) offsets(%dma_start3A_346 : memref<80xi32, #tpu.memory_space<vmem>>) semaphore(%arg16 : memref<!tpu.dma_semaphore, #tpu.memory_space<semaphore_mem>>) {add = true}
        %ge3A = arith.constant 1 : i32
        %ge3A_350 = arith.cmpi sge, %scan3A_185, %ge3A : i32
        %convert_element_type3A_351 = arith.extui %ge3A_350 : i1 to i32
        %cond3A_352 = arith.constant 0 : i32
        %cond3A_353 = arith.cmpi ne, %convert_element_type3A_351, %cond3A_352 : i32
        scf.if %cond3A_353 {
          %sub3A = arith.constant 1 : i32
          %sub3A_368 = arith.subi %scan3A_185, %sub3A : i32
          %jit3A_369 = arith.constant 4 : i32
          %eq3A_370 = arith.constant 0 : i32
          %eq3A_371 = arith.cmpi eq, %jit3A_369, %eq3A_370 : i32
          %jit3A_372 = arith.constant 1 : i32
          %select_n3A_373 = arith.select %eq3A_371, %jit3A_372, %jit3A_369 : i32
          %rem3A_374 = arith.remsi %sub3A_368, %select_n3A_373 : i32
          %ne3A_375 = arith.constant 0 : i32
          %ne3A_376 = arith.cmpi ne, %rem3A_374, %ne3A_375 : i32
          %lt3A_377 = arith.constant 0 : i32
          %lt3A_378 = arith.cmpi slt, %rem3A_374, %lt3A_377 : i32
          %lt3A_379 = arith.constant 0 : i32
          %lt3A_380 = arith.cmpi slt, %select_n3A_373, %lt3A_379 : i32
          %ne3A_381 = arith.xori %lt3A_378, %lt3A_380 : i1
          %and3A_382 = arith.andi %ne3A_381, %ne3A_376 : i1
          %add3A_383 = arith.addi %rem3A_374, %select_n3A_373 : i32
          %select_n3A_384 = arith.select %and3A_382, %add3A_383, %rem3A_374 : i32
          %mul3A_385 = arith.constant 2 : i32
          %mul3A_386 = arith.muli %select_n3A_384, %mul3A_385 : i32
          %jit3A_387 = arith.constant 2 : i32
          %eq3A_388 = arith.constant 0 : i32
          %eq3A_389 = arith.cmpi eq, %jit3A_387, %eq3A_388 : i32
          %jit3A_390 = arith.constant 1 : i32
          %select_n3A_391 = arith.select %eq3A_389, %jit3A_390, %jit3A_387 : i32
          %rem3A_392 = arith.remsi %sub3A_368, %select_n3A_391 : i32
          %ne3A_393 = arith.constant 0 : i32
          %ne3A_394 = arith.cmpi ne, %rem3A_392, %ne3A_393 : i32
          %lt3A_395 = arith.constant 0 : i32
          %lt3A_396 = arith.cmpi slt, %rem3A_392, %lt3A_395 : i32
          %lt3A_397 = arith.constant 0 : i32
          %lt3A_398 = arith.cmpi slt, %select_n3A_391, %lt3A_397 : i32
          %ne3A_399 = arith.xori %lt3A_396, %lt3A_398 : i1
          %and3A_400 = arith.andi %ne3A_399, %ne3A_394 : i1
          %add3A_401 = arith.addi %rem3A_392, %select_n3A_391 : i32
          %select_n3A_402 = arith.select %and3A_400, %add3A_401, %rem3A_392 : i32
          %mul3A_403 = arith.constant 2 : i32
          %mul3A_404 = arith.muli %select_n3A_402, %mul3A_403 : i32
          %add3A_405 = arith.constant 0 : i32
          %add3A_406 = arith.addi %mul3A_404, %add3A_405 : i32
          %add3A_407 = arith.constant 0 : i32
          %add3A_408 = arith.addi %mul3A_386, %add3A_407 : i32
          %dma_wait3A_409 = arith.constant 0 : i32
          %dma_wait3A_410 = arith.constant 0 : i32
          %dma_wait3A_411 = tpu.memref_slice %arg10[%add3A_406, %dma_wait3A_409, %dma_wait3A_410] : memref<4x80x128xf32, #tpu.memory_space<vmem>> -> memref<1x80x128xf32, #tpu.memory_space<vmem>>
          %dma_wait3A_412 = tpu.memref_squeeze %dma_wait3A_411 : memref<1x80x128xf32, #tpu.memory_space<vmem>> -> memref<80x128xf32, #tpu.memory_space<vmem>>
          %dma_wait3A_413 = arith.constant 0 : i32
          %dma_wait3A_414 = tpu.memref_slice %arg9[%add3A_408, %dma_wait3A_413] : memref<8x80xi32, #tpu.memory_space<vmem>> -> memref<1x80xi32, #tpu.memory_space<vmem>>
          %dma_wait3A_415 = tpu.memref_squeeze %dma_wait3A_414 : memref<1x80xi32, #tpu.memory_space<vmem>> -> memref<80xi32, #tpu.memory_space<vmem>>
          %dma_wait3A_416 = arith.constant 0 : i32
          %dma_wait3A_417 = arith.constant 0 : i32
          %dma_wait3A_418 = tpu.memref_slice %arg7[%dma_wait3A_416, %dma_wait3A_417] : memref<10000x128xf32, #tpu.memory_space<vmem_shared>> -> memref<10000x128xf32, #tpu.memory_space<vmem_shared>>
          tpu.wait_indirect_dma semaphore(%arg15 : memref<!tpu.dma_semaphore, #tpu.memory_space<semaphore_mem>>) src(%dma_wait3A_412 : memref<80x128xf32, #tpu.memory_space<vmem>>) dst(%dma_wait3A_418 : memref<10000x128xf32, #tpu.memory_space<vmem_shared>>)
          %add3A_419 = arith.constant 1 : i32
          %add3A_420 = arith.addi %mul3A_404, %add3A_419 : i32
          %add3A_421 = arith.constant 1 : i32
          %add3A_422 = arith.addi %mul3A_386, %add3A_421 : i32
          %dma_wait3A_423 = arith.constant 0 : i32
          %dma_wait3A_424 = arith.constant 0 : i32
          %dma_wait3A_425 = tpu.memref_slice %arg10[%add3A_420, %dma_wait3A_423, %dma_wait3A_424] : memref<4x80x128xf32, #tpu.memory_space<vmem>> -> memref<1x80x128xf32, #tpu.memory_space<vmem>>
          %dma_wait3A_426 = tpu.memref_squeeze %dma_wait3A_425 : memref<1x80x128xf32, #tpu.memory_space<vmem>> -> memref<80x128xf32, #tpu.memory_space<vmem>>
          %dma_wait3A_427 = arith.constant 0 : i32
          %dma_wait3A_428 = tpu.memref_slice %arg9[%add3A_422, %dma_wait3A_427] : memref<8x80xi32, #tpu.memory_space<vmem>> -> memref<1x80xi32, #tpu.memory_space<vmem>>
          %dma_wait3A_429 = tpu.memref_squeeze %dma_wait3A_428 : memref<1x80xi32, #tpu.memory_space<vmem>> -> memref<80xi32, #tpu.memory_space<vmem>>
          %dma_wait3A_430 = arith.constant 0 : i32
          %dma_wait3A_431 = arith.constant 0 : i32
          %dma_wait3A_432 = tpu.memref_slice %arg7[%dma_wait3A_430, %dma_wait3A_431] : memref<10000x128xf32, #tpu.memory_space<vmem_shared>> -> memref<10000x128xf32, #tpu.memory_space<vmem_shared>>
          tpu.wait_indirect_dma semaphore(%arg15 : memref<!tpu.dma_semaphore, #tpu.memory_space<semaphore_mem>>) src(%dma_wait3A_426 : memref<80x128xf32, #tpu.memory_space<vmem>>) dst(%dma_wait3A_432 : memref<10000x128xf32, #tpu.memory_space<vmem_shared>>)
        } else {
        }
        %add3A_354 = arith.constant 1 : i32
        %add3A_355 = arith.addi %scan3A_185, %add3A_354 : i32
        %lt3A_356 = arith.constant 62 : i32
        %lt3A_357 = arith.cmpi slt, %add3A_355, %lt3A_356 : i32
        %convert_element_type3A_358 = arith.extui %lt3A_357 : i1 to i32
        %cond3A_359 = arith.constant 0 : i32
        %cond3A_360 = arith.cmpi ne, %convert_element_type3A_358, %cond3A_359 : i32
        scf.if %cond3A_360 {
          %add3A_368 = arith.constant 1 : i32
          %add3A_369 = arith.addi %scan3A_185, %add3A_368 : i32
          %jit3A_370 = arith.constant 4 : i32
          %eq3A_371 = arith.constant 0 : i32
          %eq3A_372 = arith.cmpi eq, %jit3A_370, %eq3A_371 : i32
          %jit3A_373 = arith.constant 1 : i32
          %select_n3A_374 = arith.select %eq3A_372, %jit3A_373, %jit3A_370 : i32
          %rem3A_375 = arith.remsi %add3A_369, %select_n3A_374 : i32
          %ne3A_376 = arith.constant 0 : i32
          %ne3A_377 = arith.cmpi ne, %rem3A_375, %ne3A_376 : i32
          %lt3A_378 = arith.constant 0 : i32
          %lt3A_379 = arith.cmpi slt, %rem3A_375, %lt3A_378 : i32
          %lt3A_380 = arith.constant 0 : i32
          %lt3A_381 = arith.cmpi slt, %select_n3A_374, %lt3A_380 : i32
          %ne3A_382 = arith.xori %lt3A_379, %lt3A_381 : i1
          %and3A_383 = arith.andi %ne3A_382, %ne3A_377 : i1
          %add3A_384 = arith.addi %rem3A_375, %select_n3A_374 : i32
          %select_n3A_385 = arith.select %and3A_383, %add3A_384, %rem3A_375 : i32
          %mul3A_386 = arith.constant 2 : i32
          %mul3A_387 = arith.muli %select_n3A_385, %mul3A_386 : i32
          %add3A_388 = arith.constant 0 : i32
          %add3A_389 = arith.addi %mul3A_387, %add3A_388 : i32
          %dma_wait3A_390 = arith.constant 0 : i32
          %dma_wait3A_391 = tpu.memref_slice %arg8[%add3A_389, %dma_wait3A_390] : memref<8x80xi32, #tpu.memory_space<vmem>> -> memref<1x80xi32, #tpu.memory_space<vmem>>
          %dma_wait3A_392 = tpu.memref_squeeze %dma_wait3A_391 : memref<1x80xi32, #tpu.memory_space<vmem>> -> memref<80xi32, #tpu.memory_space<vmem>>
          %dma_wait3A_393 = tpu.memref_slice %arg3[%mul3A_2] : memref<320000xi32, #tpu.memory_space<hbm>> -> memref<80xi32, #tpu.memory_space<hbm>>
          %dma_wait3A_394 = arith.constant 0 : i32
          %dma_wait3A_395 = tpu.memref_slice %arg8[%add3A_389, %dma_wait3A_394] : memref<8x80xi32, #tpu.memory_space<vmem>> -> memref<1x80xi32, #tpu.memory_space<vmem>>
          %dma_wait3A_396 = tpu.memref_squeeze %dma_wait3A_395 : memref<1x80xi32, #tpu.memory_space<vmem>> -> memref<80xi32, #tpu.memory_space<vmem>>
          %dma_wait3A_397 = tpu.memref_slice %arg3[%mul3A_2] : memref<320000xi32, #tpu.memory_space<hbm>> -> memref<80xi32, #tpu.memory_space<hbm>>
          tpu.wait_dma2 semaphore(%arg11 : memref<!tpu.dma_semaphore, #tpu.memory_space<semaphore_mem>>) src(%dma_wait3A_397 : memref<80xi32, #tpu.memory_space<hbm>>) dst(%dma_wait3A_396 : memref<80xi32, #tpu.memory_space<vmem>>)
          %add3A_398 = arith.constant 0 : i32
          %add3A_399 = arith.addi %mul3A_387, %add3A_398 : i32
          %dma_wait3A_400 = arith.constant 0 : i32
          %dma_wait3A_401 = tpu.memref_slice %arg9[%add3A_399, %dma_wait3A_400] : memref<8x80xi32, #tpu.memory_space<vmem>> -> memref<1x80xi32, #tpu.memory_space<vmem>>
          %dma_wait3A_402 = tpu.memref_squeeze %dma_wait3A_401 : memref<1x80xi32, #tpu.memory_space<vmem>> -> memref<80xi32, #tpu.memory_space<vmem>>
          %dma_wait3A_403 = tpu.memref_slice %arg4[%mul3A_2] : memref<320000xi32, #tpu.memory_space<hbm>> -> memref<80xi32, #tpu.memory_space<hbm>>
          %dma_wait3A_404 = arith.constant 0 : i32
          %dma_wait3A_405 = tpu.memref_slice %arg9[%add3A_399, %dma_wait3A_404] : memref<8x80xi32, #tpu.memory_space<vmem>> -> memref<1x80xi32, #tpu.memory_space<vmem>>
          %dma_wait3A_406 = tpu.memref_squeeze %dma_wait3A_405 : memref<1x80xi32, #tpu.memory_space<vmem>> -> memref<80xi32, #tpu.memory_space<vmem>>
          %dma_wait3A_407 = tpu.memref_slice %arg4[%mul3A_2] : memref<320000xi32, #tpu.memory_space<hbm>> -> memref<80xi32, #tpu.memory_space<hbm>>
          tpu.wait_dma2 semaphore(%arg11 : memref<!tpu.dma_semaphore, #tpu.memory_space<semaphore_mem>>) src(%dma_wait3A_407 : memref<80xi32, #tpu.memory_space<hbm>>) dst(%dma_wait3A_406 : memref<80xi32, #tpu.memory_space<vmem>>)
          %add3A_408 = arith.constant 1 : i32
          %add3A_409 = arith.addi %mul3A_387, %add3A_408 : i32
          %dma_wait3A_410 = arith.constant 0 : i32
          %dma_wait3A_411 = tpu.memref_slice %arg8[%add3A_409, %dma_wait3A_410] : memref<8x80xi32, #tpu.memory_space<vmem>> -> memref<1x80xi32, #tpu.memory_space<vmem>>
          %dma_wait3A_412 = tpu.memref_squeeze %dma_wait3A_411 : memref<1x80xi32, #tpu.memory_space<vmem>> -> memref<80xi32, #tpu.memory_space<vmem>>
          %dma_wait3A_413 = tpu.memref_slice %arg3[%mul3A_2] : memref<320000xi32, #tpu.memory_space<hbm>> -> memref<80xi32, #tpu.memory_space<hbm>>
          %dma_wait3A_414 = arith.constant 0 : i32
          %dma_wait3A_415 = tpu.memref_slice %arg8[%add3A_409, %dma_wait3A_414] : memref<8x80xi32, #tpu.memory_space<vmem>> -> memref<1x80xi32, #tpu.memory_space<vmem>>
          %dma_wait3A_416 = tpu.memref_squeeze %dma_wait3A_415 : memref<1x80xi32, #tpu.memory_space<vmem>> -> memref<80xi32, #tpu.memory_space<vmem>>
          %dma_wait3A_417 = tpu.memref_slice %arg3[%mul3A_2] : memref<320000xi32, #tpu.memory_space<hbm>> -> memref<80xi32, #tpu.memory_space<hbm>>
          tpu.wait_dma2 semaphore(%arg11 : memref<!tpu.dma_semaphore, #tpu.memory_space<semaphore_mem>>) src(%dma_wait3A_417 : memref<80xi32, #tpu.memory_space<hbm>>) dst(%dma_wait3A_416 : memref<80xi32, #tpu.memory_space<vmem>>)
          %add3A_418 = arith.constant 1 : i32
          %add3A_419 = arith.addi %mul3A_387, %add3A_418 : i32
          %dma_wait3A_420 = arith.constant 0 : i32
          %dma_wait3A_421 = tpu.memref_slice %arg9[%add3A_419, %dma_wait3A_420] : memref<8x80xi32, #tpu.memory_space<vmem>> -> memref<1x80xi32, #tpu.memory_space<vmem>>
          %dma_wait3A_422 = tpu.memref_squeeze %dma_wait3A_421 : memref<1x80xi32, #tpu.memory_space<vmem>> -> memref<80xi32, #tpu.memory_space<vmem>>
          %dma_wait3A_423 = tpu.memref_slice %arg4[%mul3A_2] : memref<320000xi32, #tpu.memory_space<hbm>> -> memref<80xi32, #tpu.memory_space<hbm>>
          %dma_wait3A_424 = arith.constant 0 : i32
          %dma_wait3A_425 = tpu.memref_slice %arg9[%add3A_419, %dma_wait3A_424] : memref<8x80xi32, #tpu.memory_space<vmem>> -> memref<1x80xi32, #tpu.memory_space<vmem>>
          %dma_wait3A_426 = tpu.memref_squeeze %dma_wait3A_425 : memref<1x80xi32, #tpu.memory_space<vmem>> -> memref<80xi32, #tpu.memory_space<vmem>>
          %dma_wait3A_427 = tpu.memref_slice %arg4[%mul3A_2] : memref<320000xi32, #tpu.memory_space<hbm>> -> memref<80xi32, #tpu.memory_space<hbm>>
          tpu.wait_dma2 semaphore(%arg11 : memref<!tpu.dma_semaphore, #tpu.memory_space<semaphore_mem>>) src(%dma_wait3A_427 : memref<80xi32, #tpu.memory_space<hbm>>) dst(%dma_wait3A_426 : memref<80xi32, #tpu.memory_space<vmem>>)
          %add3A_428 = arith.constant 1 : i32
          %add3A_429 = arith.addi %scan3A_185, %add3A_428 : i32
          %jit3A_430 = arith.constant 4 : i32
          %eq3A_431 = arith.constant 0 : i32
          %eq3A_432 = arith.cmpi eq, %jit3A_430, %eq3A_431 : i32
          %jit3A_433 = arith.constant 1 : i32
          %select_n3A_434 = arith.select %eq3A_432, %jit3A_433, %jit3A_430 : i32
          %rem3A_435 = arith.remsi %add3A_429, %select_n3A_434 : i32
          %ne3A_436 = arith.constant 0 : i32
          %ne3A_437 = arith.cmpi ne, %rem3A_435, %ne3A_436 : i32
          %lt3A_438 = arith.constant 0 : i32
          %lt3A_439 = arith.cmpi slt, %rem3A_435, %lt3A_438 : i32
          %lt3A_440 = arith.constant 0 : i32
          %lt3A_441 = arith.cmpi slt, %select_n3A_434, %lt3A_440 : i32
          %ne3A_442 = arith.xori %lt3A_439, %lt3A_441 : i1
          %and3A_443 = arith.andi %ne3A_442, %ne3A_437 : i1
          %add3A_444 = arith.addi %rem3A_435, %select_n3A_434 : i32
          %select_n3A_445 = arith.select %and3A_443, %add3A_444, %rem3A_435 : i32
          %mul3A_446 = arith.constant 2 : i32
          %mul3A_447 = arith.muli %select_n3A_445, %mul3A_446 : i32
          %jit3A_448 = arith.constant 2 : i32
          %eq3A_449 = arith.constant 0 : i32
          %eq3A_450 = arith.cmpi eq, %jit3A_448, %eq3A_449 : i32
          %jit3A_451 = arith.constant 1 : i32
          %select_n3A_452 = arith.select %eq3A_450, %jit3A_451, %jit3A_448 : i32
          %rem3A_453 = arith.remsi %add3A_429, %select_n3A_452 : i32
          %ne3A_454 = arith.constant 0 : i32
          %ne3A_455 = arith.cmpi ne, %rem3A_453, %ne3A_454 : i32
          %lt3A_456 = arith.constant 0 : i32
          %lt3A_457 = arith.cmpi slt, %rem3A_453, %lt3A_456 : i32
          %lt3A_458 = arith.constant 0 : i32
          %lt3A_459 = arith.cmpi slt, %select_n3A_452, %lt3A_458 : i32
          %ne3A_460 = arith.xori %lt3A_457, %lt3A_459 : i1
          %and3A_461 = arith.andi %ne3A_460, %ne3A_455 : i1
          %add3A_462 = arith.addi %rem3A_453, %select_n3A_452 : i32
          %select_n3A_463 = arith.select %and3A_461, %add3A_462, %rem3A_453 : i32
          %mul3A_464 = arith.constant 2 : i32
          %mul3A_465 = arith.muli %select_n3A_463, %mul3A_464 : i32
          %add3A_466 = arith.constant 0 : i32
          %add3A_467 = arith.addi %mul3A_447, %add3A_466 : i32
          %add3A_468 = arith.constant 0 : i32
          %add3A_469 = arith.addi %mul3A_465, %add3A_468 : i32
          %dma_start3A_470 = arith.constant 0 : i32
          %dma_start3A_471 = arith.constant 0 : i32
          %dma_start3A_472 = tpu.memref_slice %arg10[%add3A_469, %dma_start3A_470, %dma_start3A_471] : memref<4x80x128xf32, #tpu.memory_space<vmem>> -> memref<1x80x128xf32, #tpu.memory_space<vmem>>
          %dma_start3A_473 = tpu.memref_squeeze %dma_start3A_472 : memref<1x80x128xf32, #tpu.memory_space<vmem>> -> memref<80x128xf32, #tpu.memory_space<vmem>>
          %dma_start3A_474 = arith.constant 0 : i32
          %dma_start3A_475 = tpu.memref_slice %arg8[%add3A_467, %dma_start3A_474] : memref<8x80xi32, #tpu.memory_space<vmem>> -> memref<1x80xi32, #tpu.memory_space<vmem>>
          %dma_start3A_476 = tpu.memref_squeeze %dma_start3A_475 : memref<1x80xi32, #tpu.memory_space<vmem>> -> memref<80xi32, #tpu.memory_space<vmem>>
          %dma_start3A_477 = arith.constant 0 : i32
          %dma_start3A_478 = arith.constant 0 : i32
          %dma_start3A_479 = tpu.memref_slice %arg2[%dma_start3A_477, %dma_start3A_478] : memref<10000x128xf32, #tpu.memory_space<hbm>> -> memref<10000x128xf32, #tpu.memory_space<hbm>>
          tpu.enqueue_indirect_dma source(%dma_start3A_479 : memref<10000x128xf32, #tpu.memory_space<hbm>>) target(%dma_start3A_473 : memref<80x128xf32, #tpu.memory_space<vmem>>) offsets(%dma_start3A_476 : memref<80xi32, #tpu.memory_space<vmem>>) semaphore(%arg13 : memref<!tpu.dma_semaphore, #tpu.memory_space<semaphore_mem>>)
          %add3A_480 = arith.constant 1 : i32
          %add3A_481 = arith.addi %mul3A_447, %add3A_480 : i32
          %add3A_482 = arith.constant 1 : i32
          %add3A_483 = arith.addi %mul3A_465, %add3A_482 : i32
          %dma_start3A_484 = arith.constant 0 : i32
          %dma_start3A_485 = arith.constant 0 : i32
          %dma_start3A_486 = tpu.memref_slice %arg10[%add3A_483, %dma_start3A_484, %dma_start3A_485] : memref<4x80x128xf32, #tpu.memory_space<vmem>> -> memref<1x80x128xf32, #tpu.memory_space<vmem>>
          %dma_start3A_487 = tpu.memref_squeeze %dma_start3A_486 : memref<1x80x128xf32, #tpu.memory_space<vmem>> -> memref<80x128xf32, #tpu.memory_space<vmem>>
          %dma_start3A_488 = arith.constant 0 : i32
          %dma_start3A_489 = tpu.memref_slice %arg8[%add3A_481, %dma_start3A_488] : memref<8x80xi32, #tpu.memory_space<vmem>> -> memref<1x80xi32, #tpu.memory_space<vmem>>
          %dma_start3A_490 = tpu.memref_squeeze %dma_start3A_489 : memref<1x80xi32, #tpu.memory_space<vmem>> -> memref<80xi32, #tpu.memory_space<vmem>>
          %dma_start3A_491 = arith.constant 0 : i32
          %dma_start3A_492 = arith.constant 0 : i32
          %dma_start3A_493 = tpu.memref_slice %arg2[%dma_start3A_491, %dma_start3A_492] : memref<10000x128xf32, #tpu.memory_space<hbm>> -> memref<10000x128xf32, #tpu.memory_space<hbm>>
          tpu.enqueue_indirect_dma source(%dma_start3A_493 : memref<10000x128xf32, #tpu.memory_space<hbm>>) target(%dma_start3A_487 : memref<80x128xf32, #tpu.memory_space<vmem>>) offsets(%dma_start3A_490 : memref<80xi32, #tpu.memory_space<vmem>>) semaphore(%arg13 : memref<!tpu.dma_semaphore, #tpu.memory_space<semaphore_mem>>)
        } else {
        }
        %add3A_361 = arith.constant 2 : i32
        %add3A_362 = arith.addi %scan3A_185, %add3A_361 : i32
        %lt3A_363 = arith.constant 62 : i32
        %lt3A_364 = arith.cmpi slt, %add3A_362, %lt3A_363 : i32
        %convert_element_type3A_365 = arith.extui %lt3A_364 : i1 to i32
        %cond3A_366 = arith.constant 0 : i32
        %cond3A_367 = arith.cmpi ne, %convert_element_type3A_365, %cond3A_366 : i32
        scf.if %cond3A_367 {
          %add3A_368 = arith.constant 2 : i32
          %add3A_369 = arith.addi %scan3A_185, %add3A_368 : i32
          %jit3A_370 = arith.constant 4 : i32
          %eq3A_371 = arith.constant 0 : i32
          %eq3A_372 = arith.cmpi eq, %jit3A_370, %eq3A_371 : i32
          %jit3A_373 = arith.constant 1 : i32
          %select_n3A_374 = arith.select %eq3A_372, %jit3A_373, %jit3A_370 : i32
          %rem3A_375 = arith.remsi %add3A_369, %select_n3A_374 : i32
          %ne3A_376 = arith.constant 0 : i32
          %ne3A_377 = arith.cmpi ne, %rem3A_375, %ne3A_376 : i32
          %lt3A_378 = arith.constant 0 : i32
          %lt3A_379 = arith.cmpi slt, %rem3A_375, %lt3A_378 : i32
          %lt3A_380 = arith.constant 0 : i32
          %lt3A_381 = arith.cmpi slt, %select_n3A_374, %lt3A_380 : i32
          %ne3A_382 = arith.xori %lt3A_379, %lt3A_381 : i1
          %and3A_383 = arith.andi %ne3A_382, %ne3A_377 : i1
          %add3A_384 = arith.addi %rem3A_375, %select_n3A_374 : i32
          %select_n3A_385 = arith.select %and3A_383, %add3A_384, %rem3A_375 : i32
          %mul3A_386 = arith.constant 2 : i32
          %mul3A_387 = arith.muli %select_n3A_385, %mul3A_386 : i32
          %mul3A_388 = arith.constant 2 : i32
          %mul3A_389 = arith.muli %add3A_369, %mul3A_388 : i32
          %add3A_390 = arith.constant 0 : i32
          %add3A_391 = arith.addi %mul3A_389, %add3A_390 : i32
          %mul3A_392 = arith.constant 80 : i32
          %mul3A_393 = arith.muli %add3A_391, %mul3A_392 : i32
          %add3A_394 = arith.addi %mul3A_2, %mul3A_393 : i32
          %add3A_395 = arith.constant 0 : i32
          %add3A_396 = arith.addi %mul3A_387, %add3A_395 : i32
          %dma_start3A_397 = arith.constant 0 : i32
          %dma_start3A_398 = tpu.memref_slice %arg8[%add3A_396, %dma_start3A_397] : memref<8x80xi32, #tpu.memory_space<vmem>> -> memref<1x80xi32, #tpu.memory_space<vmem>>
          %dma_start3A_399 = tpu.memref_squeeze %dma_start3A_398 : memref<1x80xi32, #tpu.memory_space<vmem>> -> memref<80xi32, #tpu.memory_space<vmem>>
          %dma_start3A_400 = tpu.memref_slice %arg3[%add3A_394] : memref<320000xi32, #tpu.memory_space<hbm>> -> memref<80xi32, #tpu.memory_space<hbm>>
          %dma_start3A_401 = arith.constant 0 : i32
          %dma_start3A_402 = tpu.memref_slice %arg8[%add3A_396, %dma_start3A_401] : memref<8x80xi32, #tpu.memory_space<vmem>> -> memref<1x80xi32, #tpu.memory_space<vmem>>
          %dma_start3A_403 = tpu.memref_squeeze %dma_start3A_402 : memref<1x80xi32, #tpu.memory_space<vmem>> -> memref<80xi32, #tpu.memory_space<vmem>>
          %dma_start3A_404 = tpu.memref_slice %arg3[%add3A_394] : memref<320000xi32, #tpu.memory_space<hbm>> -> memref<80xi32, #tpu.memory_space<hbm>>
          tpu.enqueue_dma source(%dma_start3A_404 : memref<80xi32, #tpu.memory_space<hbm>>) target(%dma_start3A_403 : memref<80xi32, #tpu.memory_space<vmem>>) target_semaphore(%arg12 : memref<!tpu.dma_semaphore, #tpu.memory_space<semaphore_mem>>)
          %add3A_405 = arith.constant 0 : i32
          %add3A_406 = arith.addi %mul3A_387, %add3A_405 : i32
          %dma_start3A_407 = arith.constant 0 : i32
          %dma_start3A_408 = tpu.memref_slice %arg9[%add3A_406, %dma_start3A_407] : memref<8x80xi32, #tpu.memory_space<vmem>> -> memref<1x80xi32, #tpu.memory_space<vmem>>
          %dma_start3A_409 = tpu.memref_squeeze %dma_start3A_408 : memref<1x80xi32, #tpu.memory_space<vmem>> -> memref<80xi32, #tpu.memory_space<vmem>>
          %dma_start3A_410 = tpu.memref_slice %arg4[%add3A_394] : memref<320000xi32, #tpu.memory_space<hbm>> -> memref<80xi32, #tpu.memory_space<hbm>>
          %dma_start3A_411 = arith.constant 0 : i32
          %dma_start3A_412 = tpu.memref_slice %arg9[%add3A_406, %dma_start3A_411] : memref<8x80xi32, #tpu.memory_space<vmem>> -> memref<1x80xi32, #tpu.memory_space<vmem>>
          %dma_start3A_413 = tpu.memref_squeeze %dma_start3A_412 : memref<1x80xi32, #tpu.memory_space<vmem>> -> memref<80xi32, #tpu.memory_space<vmem>>
          %dma_start3A_414 = tpu.memref_slice %arg4[%add3A_394] : memref<320000xi32, #tpu.memory_space<hbm>> -> memref<80xi32, #tpu.memory_space<hbm>>
          tpu.enqueue_dma source(%dma_start3A_414 : memref<80xi32, #tpu.memory_space<hbm>>) target(%dma_start3A_413 : memref<80xi32, #tpu.memory_space<vmem>>) target_semaphore(%arg12 : memref<!tpu.dma_semaphore, #tpu.memory_space<semaphore_mem>>)
          %mul3A_415 = arith.constant 2 : i32
          %mul3A_416 = arith.muli %add3A_369, %mul3A_415 : i32
          %add3A_417 = arith.constant 1 : i32
          %add3A_418 = arith.addi %mul3A_416, %add3A_417 : i32
          %mul3A_419 = arith.constant 80 : i32
          %mul3A_420 = arith.muli %add3A_418, %mul3A_419 : i32
          %add3A_421 = arith.addi %mul3A_2, %mul3A_420 : i32
          %add3A_422 = arith.constant 1 : i32
          %add3A_423 = arith.addi %mul3A_387, %add3A_422 : i32
          %dma_start3A_424 = arith.constant 0 : i32
          %dma_start3A_425 = tpu.memref_slice %arg8[%add3A_423, %dma_start3A_424] : memref<8x80xi32, #tpu.memory_space<vmem>> -> memref<1x80xi32, #tpu.memory_space<vmem>>
          %dma_start3A_426 = tpu.memref_squeeze %dma_start3A_425 : memref<1x80xi32, #tpu.memory_space<vmem>> -> memref<80xi32, #tpu.memory_space<vmem>>
          %dma_start3A_427 = tpu.memref_slice %arg3[%add3A_421] : memref<320000xi32, #tpu.memory_space<hbm>> -> memref<80xi32, #tpu.memory_space<hbm>>
          %dma_start3A_428 = arith.constant 0 : i32
          %dma_start3A_429 = tpu.memref_slice %arg8[%add3A_423, %dma_start3A_428] : memref<8x80xi32, #tpu.memory_space<vmem>> -> memref<1x80xi32, #tpu.memory_space<vmem>>
          %dma_start3A_430 = tpu.memref_squeeze %dma_start3A_429 : memref<1x80xi32, #tpu.memory_space<vmem>> -> memref<80xi32, #tpu.memory_space<vmem>>
          %dma_start3A_431 = tpu.memref_slice %arg3[%add3A_421] : memref<320000xi32, #tpu.memory_space<hbm>> -> memref<80xi32, #tpu.memory_space<hbm>>
          tpu.enqueue_dma source(%dma_start3A_431 : memref<80xi32, #tpu.memory_space<hbm>>) target(%dma_start3A_430 : memref<80xi32, #tpu.memory_space<vmem>>) target_semaphore(%arg12 : memref<!tpu.dma_semaphore, #tpu.memory_space<semaphore_mem>>)
          %add3A_432 = arith.constant 1 : i32
          %add3A_433 = arith.addi %mul3A_387, %add3A_432 : i32
          %dma_start3A_434 = arith.constant 0 : i32
          %dma_start3A_435 = tpu.memref_slice %arg9[%add3A_433, %dma_start3A_434] : memref<8x80xi32, #tpu.memory_space<vmem>> -> memref<1x80xi32, #tpu.memory_space<vmem>>
          %dma_start3A_436 = tpu.memref_squeeze %dma_start3A_435 : memref<1x80xi32, #tpu.memory_space<vmem>> -> memref<80xi32, #tpu.memory_space<vmem>>
          %dma_start3A_437 = tpu.memref_slice %arg4[%add3A_421] : memref<320000xi32, #tpu.memory_space<hbm>> -> memref<80xi32, #tpu.memory_space<hbm>>
          %dma_start3A_438 = arith.constant 0 : i32
          %dma_start3A_439 = tpu.memref_slice %arg9[%add3A_433, %dma_start3A_438] : memref<8x80xi32, #tpu.memory_space<vmem>> -> memref<1x80xi32, #tpu.memory_space<vmem>>
          %dma_start3A_440 = tpu.memref_squeeze %dma_start3A_439 : memref<1x80xi32, #tpu.memory_space<vmem>> -> memref<80xi32, #tpu.memory_space<vmem>>
          %dma_start3A_441 = tpu.memref_slice %arg4[%add3A_421] : memref<320000xi32, #tpu.memory_space<hbm>> -> memref<80xi32, #tpu.memory_space<hbm>>
          tpu.enqueue_dma source(%dma_start3A_441 : memref<80xi32, #tpu.memory_space<hbm>>) target(%dma_start3A_440 : memref<80xi32, #tpu.memory_space<vmem>>) target_semaphore(%arg12 : memref<!tpu.dma_semaphore, #tpu.memory_space<semaphore_mem>>)
        } else {
        }
      } else {
      }
    }
    %scan3A_147 = arith.constant 62 : i32
    %dma_wait3A_148 = arith.constant 2 : i32
    %dma_wait3A_149 = arith.constant 2 : i32
    %dma_wait3A_150 = arith.constant 0 : i32
    %dma_wait3A_151 = arith.constant 0 : i32
    %dma_wait3A_152 = tpu.memref_slice %arg10[%dma_wait3A_148, %dma_wait3A_150, %dma_wait3A_151] : memref<4x80x128xf32, #tpu.memory_space<vmem>> -> memref<1x80x128xf32, #tpu.memory_space<vmem>>
    %dma_wait3A_153 = tpu.memref_squeeze %dma_wait3A_152 : memref<1x80x128xf32, #tpu.memory_space<vmem>> -> memref<80x128xf32, #tpu.memory_space<vmem>>
    %dma_wait3A_154 = arith.constant 0 : i32
    %dma_wait3A_155 = tpu.memref_slice %arg9[%dma_wait3A_149, %dma_wait3A_154] : memref<8x80xi32, #tpu.memory_space<vmem>> -> memref<1x80xi32, #tpu.memory_space<vmem>>
    %dma_wait3A_156 = tpu.memref_squeeze %dma_wait3A_155 : memref<1x80xi32, #tpu.memory_space<vmem>> -> memref<80xi32, #tpu.memory_space<vmem>>
    %dma_wait3A_157 = arith.constant 0 : i32
    %dma_wait3A_158 = arith.constant 0 : i32
    %dma_wait3A_159 = tpu.memref_slice %arg7[%dma_wait3A_157, %dma_wait3A_158] : memref<10000x128xf32, #tpu.memory_space<vmem_shared>> -> memref<10000x128xf32, #tpu.memory_space<vmem_shared>>
    tpu.wait_indirect_dma semaphore(%arg16 : memref<!tpu.dma_semaphore, #tpu.memory_space<semaphore_mem>>) src(%dma_wait3A_153 : memref<80x128xf32, #tpu.memory_space<vmem>>) dst(%dma_wait3A_159 : memref<10000x128xf32, #tpu.memory_space<vmem_shared>>)
    %dma_wait3A_160 = arith.constant 3 : i32
    %dma_wait3A_161 = arith.constant 3 : i32
    %dma_wait3A_162 = arith.constant 0 : i32
    %dma_wait3A_163 = arith.constant 0 : i32
    %dma_wait3A_164 = tpu.memref_slice %arg10[%dma_wait3A_160, %dma_wait3A_162, %dma_wait3A_163] : memref<4x80x128xf32, #tpu.memory_space<vmem>> -> memref<1x80x128xf32, #tpu.memory_space<vmem>>
    %dma_wait3A_165 = tpu.memref_squeeze %dma_wait3A_164 : memref<1x80x128xf32, #tpu.memory_space<vmem>> -> memref<80x128xf32, #tpu.memory_space<vmem>>
    %dma_wait3A_166 = arith.constant 0 : i32
    %dma_wait3A_167 = tpu.memref_slice %arg9[%dma_wait3A_161, %dma_wait3A_166] : memref<8x80xi32, #tpu.memory_space<vmem>> -> memref<1x80xi32, #tpu.memory_space<vmem>>
    %dma_wait3A_168 = tpu.memref_squeeze %dma_wait3A_167 : memref<1x80xi32, #tpu.memory_space<vmem>> -> memref<80xi32, #tpu.memory_space<vmem>>
    %dma_wait3A_169 = arith.constant 0 : i32
    %dma_wait3A_170 = arith.constant 0 : i32
    %dma_wait3A_171 = tpu.memref_slice %arg7[%dma_wait3A_169, %dma_wait3A_170] : memref<10000x128xf32, #tpu.memory_space<vmem_shared>> -> memref<10000x128xf32, #tpu.memory_space<vmem_shared>>
    tpu.wait_indirect_dma semaphore(%arg16 : memref<!tpu.dma_semaphore, #tpu.memory_space<semaphore_mem>>) src(%dma_wait3A_165 : memref<80x128xf32, #tpu.memory_space<vmem>>) dst(%dma_wait3A_171 : memref<10000x128xf32, #tpu.memory_space<vmem_shared>>)
    %add3A_172 = arith.constant 9920 : i32
    %add3A_173 = arith.addi %mul3A_2, %add3A_172 : i32
    %run_scoped3A = arith.constant 0 : i32
    "tpu.region"() ({
      %run_scoped3A_185 = tpu.sem_alloc : memref<!tpu.dma_semaphore, #tpu.memory_space<semaphore_mem>>
      %dma_start3A_186 = arith.constant 0 : i32
      %dma_start3A_187 = tpu.memref_slice %arg8[%run_scoped3A, %dma_start3A_186] : memref<8x80xi32, #tpu.memory_space<vmem>> -> memref<1x80xi32, #tpu.memory_space<vmem>>
      %dma_start3A_188 = tpu.memref_squeeze %dma_start3A_187 : memref<1x80xi32, #tpu.memory_space<vmem>> -> memref<80xi32, #tpu.memory_space<vmem>>
      %dma_start3A_189 = tpu.memref_slice %arg3[%add3A_173] : memref<320000xi32, #tpu.memory_space<hbm>> -> memref<80xi32, #tpu.memory_space<hbm>>
      %dma_start3A_190 = arith.constant 0 : i32
      %dma_start3A_191 = tpu.memref_slice %arg8[%run_scoped3A, %dma_start3A_190] : memref<8x80xi32, #tpu.memory_space<vmem>> -> memref<1x80xi32, #tpu.memory_space<vmem>>
      %dma_start3A_192 = tpu.memref_squeeze %dma_start3A_191 : memref<1x80xi32, #tpu.memory_space<vmem>> -> memref<80xi32, #tpu.memory_space<vmem>>
      %dma_start3A_193 = tpu.memref_slice %arg3[%add3A_173] : memref<320000xi32, #tpu.memory_space<hbm>> -> memref<80xi32, #tpu.memory_space<hbm>>
      tpu.enqueue_dma source(%dma_start3A_193 : memref<80xi32, #tpu.memory_space<hbm>>) target(%dma_start3A_192 : memref<80xi32, #tpu.memory_space<vmem>>) target_semaphore(%run_scoped3A_185 : memref<!tpu.dma_semaphore, #tpu.memory_space<semaphore_mem>>)
      %dma_wait3A_194 = arith.constant 0 : i32
      %dma_wait3A_195 = tpu.memref_slice %arg8[%run_scoped3A, %dma_wait3A_194] : memref<8x80xi32, #tpu.memory_space<vmem>> -> memref<1x80xi32, #tpu.memory_space<vmem>>
      %dma_wait3A_196 = tpu.memref_squeeze %dma_wait3A_195 : memref<1x80xi32, #tpu.memory_space<vmem>> -> memref<80xi32, #tpu.memory_space<vmem>>
      %dma_wait3A_197 = tpu.memref_slice %arg3[%add3A_173] : memref<320000xi32, #tpu.memory_space<hbm>> -> memref<80xi32, #tpu.memory_space<hbm>>
      %dma_wait3A_198 = arith.constant 0 : i32
      %dma_wait3A_199 = tpu.memref_slice %arg8[%run_scoped3A, %dma_wait3A_198] : memref<8x80xi32, #tpu.memory_space<vmem>> -> memref<1x80xi32, #tpu.memory_space<vmem>>
      %dma_wait3A_200 = tpu.memref_squeeze %dma_wait3A_199 : memref<1x80xi32, #tpu.memory_space<vmem>> -> memref<80xi32, #tpu.memory_space<vmem>>
      %dma_wait3A_201 = tpu.memref_slice %arg3[%add3A_173] : memref<320000xi32, #tpu.memory_space<hbm>> -> memref<80xi32, #tpu.memory_space<hbm>>
      tpu.wait_dma2 semaphore(%run_scoped3A_185 : memref<!tpu.dma_semaphore, #tpu.memory_space<semaphore_mem>>) src(%dma_wait3A_201 : memref<80xi32, #tpu.memory_space<hbm>>) dst(%dma_wait3A_200 : memref<80xi32, #tpu.memory_space<vmem>>)
      tpu.yield
    }) : () -> ()
    %run_scoped3A_174 = arith.constant 0 : i32
    "tpu.region"() ({
      %run_scoped3A_185 = tpu.sem_alloc : memref<!tpu.dma_semaphore, #tpu.memory_space<semaphore_mem>>
      %dma_start3A_186 = arith.constant 0 : i32
      %dma_start3A_187 = tpu.memref_slice %arg9[%run_scoped3A_174, %dma_start3A_186] : memref<8x80xi32, #tpu.memory_space<vmem>> -> memref<1x80xi32, #tpu.memory_space<vmem>>
      %dma_start3A_188 = tpu.memref_squeeze %dma_start3A_187 : memref<1x80xi32, #tpu.memory_space<vmem>> -> memref<80xi32, #tpu.memory_space<vmem>>
      %dma_start3A_189 = tpu.memref_slice %arg4[%add3A_173] : memref<320000xi32, #tpu.memory_space<hbm>> -> memref<80xi32, #tpu.memory_space<hbm>>
      %dma_start3A_190 = arith.constant 0 : i32
      %dma_start3A_191 = tpu.memref_slice %arg9[%run_scoped3A_174, %dma_start3A_190] : memref<8x80xi32, #tpu.memory_space<vmem>> -> memref<1x80xi32, #tpu.memory_space<vmem>>
      %dma_start3A_192 = tpu.memref_squeeze %dma_start3A_191 : memref<1x80xi32, #tpu.memory_space<vmem>> -> memref<80xi32, #tpu.memory_space<vmem>>
      %dma_start3A_193 = tpu.memref_slice %arg4[%add3A_173] : memref<320000xi32, #tpu.memory_space<hbm>> -> memref<80xi32, #tpu.memory_space<hbm>>
      tpu.enqueue_dma source(%dma_start3A_193 : memref<80xi32, #tpu.memory_space<hbm>>) target(%dma_start3A_192 : memref<80xi32, #tpu.memory_space<vmem>>) target_semaphore(%run_scoped3A_185 : memref<!tpu.dma_semaphore, #tpu.memory_space<semaphore_mem>>)
      %dma_wait3A_194 = arith.constant 0 : i32
      %dma_wait3A_195 = tpu.memref_slice %arg9[%run_scoped3A_174, %dma_wait3A_194] : memref<8x80xi32, #tpu.memory_space<vmem>> -> memref<1x80xi32, #tpu.memory_space<vmem>>
      %dma_wait3A_196 = tpu.memref_squeeze %dma_wait3A_195 : memref<1x80xi32, #tpu.memory_space<vmem>> -> memref<80xi32, #tpu.memory_space<vmem>>
      %dma_wait3A_197 = tpu.memref_slice %arg4[%add3A_173] : memref<320000xi32, #tpu.memory_space<hbm>> -> memref<80xi32, #tpu.memory_space<hbm>>
      %dma_wait3A_198 = arith.constant 0 : i32
      %dma_wait3A_199 = tpu.memref_slice %arg9[%run_scoped3A_174, %dma_wait3A_198] : memref<8x80xi32, #tpu.memory_space<vmem>> -> memref<1x80xi32, #tpu.memory_space<vmem>>
      %dma_wait3A_200 = tpu.memref_squeeze %dma_wait3A_199 : memref<1x80xi32, #tpu.memory_space<vmem>> -> memref<80xi32, #tpu.memory_space<vmem>>
      %dma_wait3A_201 = tpu.memref_slice %arg4[%add3A_173] : memref<320000xi32, #tpu.memory_space<hbm>> -> memref<80xi32, #tpu.memory_space<hbm>>
      tpu.wait_dma2 semaphore(%run_scoped3A_185 : memref<!tpu.dma_semaphore, #tpu.memory_space<semaphore_mem>>) src(%dma_wait3A_201 : memref<80xi32, #tpu.memory_space<hbm>>) dst(%dma_wait3A_200 : memref<80xi32, #tpu.memory_space<vmem>>)
      tpu.yield
    }) : () -> ()
    %run_scoped3A_175 = arith.constant 0 : i32
    %run_scoped3A_176 = arith.constant 0 : i32
    "tpu.region"() ({
      %run_scoped3A_185 = tpu.sem_alloc : memref<!tpu.dma_semaphore, #tpu.memory_space<semaphore_mem>>
      %dma_start3A_186 = arith.constant 0 : i32
      %dma_start3A_187 = arith.constant 0 : i32
      %dma_start3A_188 = tpu.memref_slice %arg10[%run_scoped3A_176, %dma_start3A_186, %dma_start3A_187] : memref<4x80x128xf32, #tpu.memory_space<vmem>> -> memref<1x80x128xf32, #tpu.memory_space<vmem>>
      %dma_start3A_189 = tpu.memref_squeeze %dma_start3A_188 : memref<1x80x128xf32, #tpu.memory_space<vmem>> -> memref<80x128xf32, #tpu.memory_space<vmem>>
      %dma_start3A_190 = arith.constant 0 : i32
      %dma_start3A_191 = tpu.memref_slice %arg8[%run_scoped3A_175, %dma_start3A_190] : memref<8x80xi32, #tpu.memory_space<vmem>> -> memref<1x80xi32, #tpu.memory_space<vmem>>
      %dma_start3A_192 = tpu.memref_squeeze %dma_start3A_191 : memref<1x80xi32, #tpu.memory_space<vmem>> -> memref<80xi32, #tpu.memory_space<vmem>>
      %dma_start3A_193 = arith.constant 0 : i32
      %dma_start3A_194 = arith.constant 0 : i32
      %dma_start3A_195 = tpu.memref_slice %arg2[%dma_start3A_193, %dma_start3A_194] : memref<10000x128xf32, #tpu.memory_space<hbm>> -> memref<10000x128xf32, #tpu.memory_space<hbm>>
      tpu.enqueue_indirect_dma source(%dma_start3A_195 : memref<10000x128xf32, #tpu.memory_space<hbm>>) target(%dma_start3A_189 : memref<80x128xf32, #tpu.memory_space<vmem>>) offsets(%dma_start3A_192 : memref<80xi32, #tpu.memory_space<vmem>>) semaphore(%run_scoped3A_185 : memref<!tpu.dma_semaphore, #tpu.memory_space<semaphore_mem>>)
      %dma_wait3A_196 = arith.constant 0 : i32
      %dma_wait3A_197 = arith.constant 0 : i32
      %dma_wait3A_198 = tpu.memref_slice %arg10[%run_scoped3A_176, %dma_wait3A_196, %dma_wait3A_197] : memref<4x80x128xf32, #tpu.memory_space<vmem>> -> memref<1x80x128xf32, #tpu.memory_space<vmem>>
      %dma_wait3A_199 = tpu.memref_squeeze %dma_wait3A_198 : memref<1x80x128xf32, #tpu.memory_space<vmem>> -> memref<80x128xf32, #tpu.memory_space<vmem>>
      %dma_wait3A_200 = arith.constant 0 : i32
      %dma_wait3A_201 = tpu.memref_slice %arg8[%run_scoped3A_175, %dma_wait3A_200] : memref<8x80xi32, #tpu.memory_space<vmem>> -> memref<1x80xi32, #tpu.memory_space<vmem>>
      %dma_wait3A_202 = tpu.memref_squeeze %dma_wait3A_201 : memref<1x80xi32, #tpu.memory_space<vmem>> -> memref<80xi32, #tpu.memory_space<vmem>>
      %dma_wait3A_203 = arith.constant 0 : i32
      %dma_wait3A_204 = arith.constant 0 : i32
      %dma_wait3A_205 = tpu.memref_slice %arg2[%dma_wait3A_203, %dma_wait3A_204] : memref<10000x128xf32, #tpu.memory_space<hbm>> -> memref<10000x128xf32, #tpu.memory_space<hbm>>
      tpu.wait_indirect_dma semaphore(%run_scoped3A_185 : memref<!tpu.dma_semaphore, #tpu.memory_space<semaphore_mem>>) src(%dma_wait3A_205 : memref<10000x128xf32, #tpu.memory_space<hbm>>) dst(%dma_wait3A_199 : memref<80x128xf32, #tpu.memory_space<vmem>>)
      tpu.yield
    }) : () -> ()
    %run_scoped3A_177 = arith.constant 0 : i32
    %run_scoped3A_178 = arith.constant 0 : i32
    "tpu.region"() ({
      %run_scoped3A_185 = tpu.sem_alloc : memref<!tpu.dma_semaphore, #tpu.memory_space<semaphore_mem>>
      %dma_start3A_186 = arith.constant 0 : i32
      %dma_start3A_187 = arith.constant 0 : i32
      %dma_start3A_188 = tpu.memref_slice %arg10[%run_scoped3A_177, %dma_start3A_186, %dma_start3A_187] : memref<4x80x128xf32, #tpu.memory_space<vmem>> -> memref<1x80x128xf32, #tpu.memory_space<vmem>>
      %dma_start3A_189 = tpu.memref_squeeze %dma_start3A_188 : memref<1x80x128xf32, #tpu.memory_space<vmem>> -> memref<80x128xf32, #tpu.memory_space<vmem>>
      %dma_start3A_190 = arith.constant 0 : i32
      %dma_start3A_191 = tpu.memref_slice %arg9[%run_scoped3A_178, %dma_start3A_190] : memref<8x80xi32, #tpu.memory_space<vmem>> -> memref<1x80xi32, #tpu.memory_space<vmem>>
      %dma_start3A_192 = tpu.memref_squeeze %dma_start3A_191 : memref<1x80xi32, #tpu.memory_space<vmem>> -> memref<80xi32, #tpu.memory_space<vmem>>
      %dma_start3A_193 = arith.constant 0 : i32
      %dma_start3A_194 = arith.constant 0 : i32
      %dma_start3A_195 = tpu.memref_slice %arg7[%dma_start3A_193, %dma_start3A_194] : memref<10000x128xf32, #tpu.memory_space<vmem_shared>> -> memref<10000x128xf32, #tpu.memory_space<vmem_shared>>
      tpu.enqueue_indirect_dma source(%dma_start3A_189 : memref<80x128xf32, #tpu.memory_space<vmem>>) target(%dma_start3A_195 : memref<10000x128xf32, #tpu.memory_space<vmem_shared>>) offsets(%dma_start3A_192 : memref<80xi32, #tpu.memory_space<vmem>>) semaphore(%run_scoped3A_185 : memref<!tpu.dma_semaphore, #tpu.memory_space<semaphore_mem>>) {add = true}
      %dma_wait3A_196 = arith.constant 0 : i32
      %dma_wait3A_197 = arith.constant 0 : i32
      %dma_wait3A_198 = tpu.memref_slice %arg10[%run_scoped3A_177, %dma_wait3A_196, %dma_wait3A_197] : memref<4x80x128xf32, #tpu.memory_space<vmem>> -> memref<1x80x128xf32, #tpu.memory_space<vmem>>
      %dma_wait3A_199 = tpu.memref_squeeze %dma_wait3A_198 : memref<1x80x128xf32, #tpu.memory_space<vmem>> -> memref<80x128xf32, #tpu.memory_space<vmem>>
      %dma_wait3A_200 = arith.constant 0 : i32
      %dma_wait3A_201 = tpu.memref_slice %arg9[%run_scoped3A_178, %dma_wait3A_200] : memref<8x80xi32, #tpu.memory_space<vmem>> -> memref<1x80xi32, #tpu.memory_space<vmem>>
      %dma_wait3A_202 = tpu.memref_squeeze %dma_wait3A_201 : memref<1x80xi32, #tpu.memory_space<vmem>> -> memref<80xi32, #tpu.memory_space<vmem>>
      %dma_wait3A_203 = arith.constant 0 : i32
      %dma_wait3A_204 = arith.constant 0 : i32
      %dma_wait3A_205 = tpu.memref_slice %arg7[%dma_wait3A_203, %dma_wait3A_204] : memref<10000x128xf32, #tpu.memory_space<vmem_shared>> -> memref<10000x128xf32, #tpu.memory_space<vmem_shared>>
      tpu.wait_indirect_dma semaphore(%run_scoped3A_185 : memref<!tpu.dma_semaphore, #tpu.memory_space<semaphore_mem>>) src(%dma_wait3A_199 : memref<80x128xf32, #tpu.memory_space<vmem>>) dst(%dma_wait3A_205 : memref<10000x128xf32, #tpu.memory_space<vmem_shared>>)
      tpu.yield
    }) : () -> ()
    %barrier3A_179 = arith.constant 0 : index
    tpu.barrier barrier_id(%barrier3A_179)
    %lt3A_180 = arith.constant 10 : i32
    %lt3A_181 = arith.cmpi slt, %arg1, %lt3A_180 : i32
    %convert_element_type3A_182 = arith.extui %lt3A_181 : i1 to i32
    %cond3A_183 = arith.constant 0 : i32
    %cond3A_184 = arith.cmpi ne, %convert_element_type3A_182, %cond3A_183 : i32
    scf.if %cond3A_184 {
      %mul3A_185 = arith.constant 1000 : i32
      %mul3A_186 = arith.muli %arg1, %mul3A_185 : i32
      %multiple_of3A = tpu.assume_multiple %mul3A_186, 8 : i32
      "tpu.region"() ({
        %run_scoped3A_187 = tpu.sem_alloc : memref<!tpu.dma_semaphore, #tpu.memory_space<semaphore_mem>>
        %dma_start3A_188 = arith.constant 0 : i32
        %dma_start3A_189 = tpu.memref_slice %arg6[%arg0, %multiple_of3A, %dma_start3A_188] : memref<2x10000x128xf32, #tpu.memory_space<hbm>> -> memref<1x1000x128xf32, #tpu.memory_space<hbm>>
        %dma_start3A_190 = tpu.memref_squeeze %dma_start3A_189 : memref<1x1000x128xf32, #tpu.memory_space<hbm>> -> memref<1000x128xf32, #tpu.memory_space<hbm>>
        %dma_start3A_191 = arith.constant 0 : i32
        %dma_start3A_192 = tpu.memref_slice %arg7[%multiple_of3A, %dma_start3A_191] : memref<10000x128xf32, #tpu.memory_space<vmem_shared>> -> memref<1000x128xf32, #tpu.memory_space<vmem_shared>>
        tpu.enqueue_dma source(%dma_start3A_192 : memref<1000x128xf32, #tpu.memory_space<vmem_shared>>) target(%dma_start3A_190 : memref<1000x128xf32, #tpu.memory_space<hbm>>) target_semaphore(%run_scoped3A_187 : memref<!tpu.dma_semaphore, #tpu.memory_space<semaphore_mem>>)
        %dma_wait3A_193 = arith.constant 0 : i32
        %dma_wait3A_194 = tpu.memref_slice %arg6[%arg0, %multiple_of3A, %dma_wait3A_193] : memref<2x10000x128xf32, #tpu.memory_space<hbm>> -> memref<1x1000x128xf32, #tpu.memory_space<hbm>>
        %dma_wait3A_195 = tpu.memref_squeeze %dma_wait3A_194 : memref<1x1000x128xf32, #tpu.memory_space<hbm>> -> memref<1000x128xf32, #tpu.memory_space<hbm>>
        %dma_wait3A_196 = arith.constant 0 : i32
        %dma_wait3A_197 = tpu.memref_slice %arg7[%multiple_of3A, %dma_wait3A_196] : memref<10000x128xf32, #tpu.memory_space<vmem_shared>> -> memref<1000x128xf32, #tpu.memory_space<vmem_shared>>
        tpu.wait_dma2 semaphore(%run_scoped3A_187 : memref<!tpu.dma_semaphore, #tpu.memory_space<semaphore_mem>>) src(%dma_wait3A_197 : memref<1000x128xf32, #tpu.memory_space<vmem_shared>>) dst(%dma_wait3A_195 : memref<1000x128xf32, #tpu.memory_space<hbm>>)
        tpu.yield
      }) : () -> ()
    } else {
    }
    return
  }
}

#map = affine_map<(d0, d1) -> (0, 0)>
#map1 = affine_map<(d0, d1) -> (0)>
#map2 = affine_map<(d0, d1) -> (0, 0, 0)>
module attributes {stable_mosaic.version = 14 : i64} {
  func.func @k(%arg0: i32, %arg1: i32, %arg2: memref<10000x128xf32, #tpu.memory_space<hbm>>, %arg3: memref<320000xi32, #tpu.memory_space<hbm>>, %arg4: memref<320000xi32, #tpu.memory_space<hbm>>, %arg5: memref<1000x128xf32, #tpu.memory_space<hbm>>, %arg6: memref<2x10000x128xf32, #tpu.memory_space<hbm>>, %arg7: memref<10000x128xf32, #tpu.memory_space<vmem_shared>>, %arg8: memref<8x80xi32, #tpu.memory_space<vmem>>, %arg9: memref<8x80xi32, #tpu.memory_space<vmem>>, %arg10: memref<4x80x128xf32, #tpu.memory_space<vmem>>, %arg11: memref<!tpu.dma_semaphore, #tpu.memory_space<semaphore_mem>>, %arg12: memref<!tpu.dma_semaphore, #tpu.memory_space<semaphore_mem>>, %arg13: memref<!tpu.dma_semaphore, #tpu.memory_space<semaphore_mem>>, %arg14: memref<!tpu.dma_semaphore, #tpu.memory_space<semaphore_mem>>, %arg15: memref<!tpu.dma_semaphore, #tpu.memory_space<semaphore_mem>>, %arg16: memref<!tpu.dma_semaphore, #tpu.memory_space<semaphore_mem>>) attributes {dimension_semantics = [#tpu.dimension_semantics<core_parallel>, #tpu.dimension_semantics<subcore_parallel>], iteration_bounds = array<i64: 2, 16>, scalar_prefetch = 0 : i64, scratch_operands = 10 : i64, tpu.core_type = #tpu.core_type<sc_vector_subcore>, window_params = [{transform_indices = #map}, {transform_indices = #map1}, {transform_indices = #map1}, {transform_indices = #map}, {transform_indices = #map2}]} {
    %mul3A = arith.constant 16 : i32
    %mul3A_0 = arith.muli %arg0, %mul3A : i32
    %add3A = arith.addi %mul3A_0, %arg1 : i32
    %mul3A_1 = arith.constant 10000 : i32
    %mul3A_2 = arith.muli %add3A, %mul3A_1 : i32
    %add3A_3 = arith.constant 0 : i32
    %add3A_4 = arith.addi %mul3A_2, %add3A_3 : i32
    %dma_start3A = arith.constant 0 : i32
    %dma_start3A_5 = arith.constant 0 : i32
    %dma_start3A_6 = tpu.memref_slice %arg8[%dma_start3A, %dma_start3A_5] : memref<8x80xi32, #tpu.memory_space<vmem>> -> memref<1x80xi32, #tpu.memory_space<vmem>>
    %dma_start3A_7 = tpu.memref_squeeze %dma_start3A_6 : memref<1x80xi32, #tpu.memory_space<vmem>> -> memref<80xi32, #tpu.memory_space<vmem>>
    %dma_start3A_8 = tpu.memref_slice %arg3[%add3A_4] : memref<320000xi32, #tpu.memory_space<hbm>> -> memref<80xi32, #tpu.memory_space<hbm>>
    %dma_start3A_9 = arith.constant 0 : i32
    %dma_start3A_10 = tpu.memref_slice %arg8[%dma_start3A, %dma_start3A_9] : memref<8x80xi32, #tpu.memory_space<vmem>> -> memref<1x80xi32, #tpu.memory_space<vmem>>
    %dma_start3A_11 = tpu.memref_squeeze %dma_start3A_10 : memref<1x80xi32, #tpu.memory_space<vmem>> -> memref<80xi32, #tpu.memory_space<vmem>>
    %dma_start3A_12 = tpu.memref_slice %arg3[%add3A_4] : memref<320000xi32, #tpu.memory_space<hbm>> -> memref<80xi32, #tpu.memory_space<hbm>>
    tpu.enqueue_dma source(%dma_start3A_12 : memref<80xi32, #tpu.memory_space<hbm>>) target(%dma_start3A_11 : memref<80xi32, #tpu.memory_space<vmem>>) target_semaphore(%arg11 : memref<!tpu.dma_semaphore, #tpu.memory_space<semaphore_mem>>)
    %dma_start3A_13 = arith.constant 0 : i32
    %dma_start3A_14 = arith.constant 0 : i32
    %dma_start3A_15 = tpu.memref_slice %arg9[%dma_start3A_13, %dma_start3A_14] : memref<8x80xi32, #tpu.memory_space<vmem>> -> memref<1x80xi32, #tpu.memory_space<vmem>>
    %dma_start3A_16 = tpu.memref_squeeze %dma_start3A_15 : memref<1x80xi32, #tpu.memory_space<vmem>> -> memref<80xi32, #tpu.memory_space<vmem>>
    %dma_start3A_17 = tpu.memref_slice %arg4[%add3A_4] : memref<320000xi32, #tpu.memory_space<hbm>> -> memref<80xi32, #tpu.memory_space<hbm>>
    %dma_start3A_18 = arith.constant 0 : i32
    %dma_start3A_19 = tpu.memref_slice %arg9[%dma_start3A_13, %dma_start3A_18] : memref<8x80xi32, #tpu.memory_space<vmem>> -> memref<1x80xi32, #tpu.memory_space<vmem>>
    %dma_start3A_20 = tpu.memref_squeeze %dma_start3A_19 : memref<1x80xi32, #tpu.memory_space<vmem>> -> memref<80xi32, #tpu.memory_space<vmem>>
    %dma_start3A_21 = tpu.memref_slice %arg4[%add3A_4] : memref<320000xi32, #tpu.memory_space<hbm>> -> memref<80xi32, #tpu.memory_space<hbm>>
    tpu.enqueue_dma source(%dma_start3A_21 : memref<80xi32, #tpu.memory_space<hbm>>) target(%dma_start3A_20 : memref<80xi32, #tpu.memory_space<vmem>>) target_semaphore(%arg11 : memref<!tpu.dma_semaphore, #tpu.memory_space<semaphore_mem>>)
    %add3A_22 = arith.constant 80 : i32
    %add3A_23 = arith.addi %mul3A_2, %add3A_22 : i32
    %dma_start3A_24 = arith.constant 1 : i32
    %dma_start3A_25 = arith.constant 0 : i32
    %dma_start3A_26 = tpu.memref_slice %arg8[%dma_start3A_24, %dma_start3A_25] : memref<8x80xi32, #tpu.memory_space<vmem>> -> memref<1x80xi32, #tpu.memory_space<vmem>>
    %dma_start3A_27 = tpu.memref_squeeze %dma_start3A_26 : memref<1x80xi32, #tpu.memory_space<vmem>> -> memref<80xi32, #tpu.memory_space<vmem>>
    %dma_start3A_28 = tpu.memref_slice %arg3[%add3A_23] : memref<320000xi32, #tpu.memory_space<hbm>> -> memref<80xi32, #tpu.memory_space<hbm>>
    %dma_start3A_29 = arith.constant 0 : i32
    %dma_start3A_30 = tpu.memref_slice %arg8[%dma_start3A_24, %dma_start3A_29] : memref<8x80xi32, #tpu.memory_space<vmem>> -> memref<1x80xi32, #tpu.memory_space<vmem>>
    %dma_start3A_31 = tpu.memref_squeeze %dma_start3A_30 : memref<1x80xi32, #tpu.memory_space<vmem>> -> memref<80xi32, #tpu.memory_space<vmem>>
    %dma_start3A_32 = tpu.memref_slice %arg3[%add3A_23] : memref<320000xi32, #tpu.memory_space<hbm>> -> memref<80xi32, #tpu.memory_space<hbm>>
    tpu.enqueue_dma source(%dma_start3A_32 : memref<80xi32, #tpu.memory_space<hbm>>) target(%dma_start3A_31 : memref<80xi32, #tpu.memory_space<vmem>>) target_semaphore(%arg11 : memref<!tpu.dma_semaphore, #tpu.memory_space<semaphore_mem>>)
    %dma_start3A_33 = arith.constant 1 : i32
    %dma_start3A_34 = arith.constant 0 : i32
    %dma_start3A_35 = tpu.memref_slice %arg9[%dma_start3A_33, %dma_start3A_34] : memref<8x80xi32, #tpu.memory_space<vmem>> -> memref<1x80xi32, #tpu.memory_space<vmem>>
    %dma_start3A_36 = tpu.memref_squeeze %dma_start3A_35 : memref<1x80xi32, #tpu.memory_space<vmem>> -> memref<80xi32, #tpu.memory_space<vmem>>
    %dma_start3A_37 = tpu.memref_slice %arg4[%add3A_23] : memref<320000xi32, #tpu.memory_space<hbm>> -> memref<80xi32, #tpu.memory_space<hbm>>
    %dma_start3A_38 = arith.constant 0 : i32
    %dma_start3A_39 = tpu.memref_slice %arg9[%dma_start3A_33, %dma_start3A_38] : memref<8x80xi32, #tpu.memory_space<vmem>> -> memref<1x80xi32, #tpu.memory_space<vmem>>
    %dma_start3A_40 = tpu.memref_squeeze %dma_start3A_39 : memref<1x80xi32, #tpu.memory_space<vmem>> -> memref<80xi32, #tpu.memory_space<vmem>>
    %dma_start3A_41 = tpu.memref_slice %arg4[%add3A_23] : memref<320000xi32, #tpu.memory_space<hbm>> -> memref<80xi32, #tpu.memory_space<hbm>>
    tpu.enqueue_dma source(%dma_start3A_41 : memref<80xi32, #tpu.memory_space<hbm>>) target(%dma_start3A_40 : memref<80xi32, #tpu.memory_space<vmem>>) target_semaphore(%arg11 : memref<!tpu.dma_semaphore, #tpu.memory_space<semaphore_mem>>)
    %add3A_42 = arith.constant 160 : i32
    %add3A_43 = arith.addi %mul3A_2, %add3A_42 : i32
    %dma_start3A_44 = arith.constant 2 : i32
    %dma_start3A_45 = arith.constant 0 : i32
    %dma_start3A_46 = tpu.memref_slice %arg8[%dma_start3A_44, %dma_start3A_45] : memref<8x80xi32, #tpu.memory_space<vmem>> -> memref<1x80xi32, #tpu.memory_space<vmem>>
    %dma_start3A_47 = tpu.memref_squeeze %dma_start3A_46 : memref<1x80xi32, #tpu.memory_space<vmem>> -> memref<80xi32, #tpu.memory_space<vmem>>
    %dma_start3A_48 = tpu.memref_slice %arg3[%add3A_43] : memref<320000xi32, #tpu.memory_space<hbm>> -> memref<80xi32, #tpu.memory_space<hbm>>
    %dma_start3A_49 = arith.constant 0 : i32
    %dma_start3A_50 = tpu.memref_slice %arg8[%dma_start3A_44, %dma_start3A_49] : memref<8x80xi32, #tpu.memory_space<vmem>> -> memref<1x80xi32, #tpu.memory_space<vmem>>
    %dma_start3A_51 = tpu.memref_squeeze %dma_start3A_50 : memref<1x80xi32, #tpu.memory_space<vmem>> -> memref<80xi32, #tpu.memory_space<vmem>>
    %dma_start3A_52 = tpu.memref_slice %arg3[%add3A_43] : memref<320000xi32, #tpu.memory_space<hbm>> -> memref<80xi32, #tpu.memory_space<hbm>>
    tpu.enqueue_dma source(%dma_start3A_52 : memref<80xi32, #tpu.memory_space<hbm>>) target(%dma_start3A_51 : memref<80xi32, #tpu.memory_space<vmem>>) target_semaphore(%arg12 : memref<!tpu.dma_semaphore, #tpu.memory_space<semaphore_mem>>)
    %dma_start3A_53 = arith.constant 2 : i32
    %dma_start3A_54 = arith.constant 0 : i32
    %dma_start3A_55 = tpu.memref_slice %arg9[%dma_start3A_53, %dma_start3A_54] : memref<8x80xi32, #tpu.memory_space<vmem>> -> memref<1x80xi32, #tpu.memory_space<vmem>>
    %dma_start3A_56 = tpu.memref_squeeze %dma_start3A_55 : memref<1x80xi32, #tpu.memory_space<vmem>> -> memref<80xi32, #tpu.memory_space<vmem>>
    %dma_start3A_57 = tpu.memref_slice %arg4[%add3A_43] : memref<320000xi32, #tpu.memory_space<hbm>> -> memref<80xi32, #tpu.memory_space<hbm>>
    %dma_start3A_58 = arith.constant 0 : i32
    %dma_start3A_59 = tpu.memref_slice %arg9[%dma_start3A_53, %dma_start3A_58] : memref<8x80xi32, #tpu.memory_space<vmem>> -> memref<1x80xi32, #tpu.memory_space<vmem>>
    %dma_start3A_60 = tpu.memref_squeeze %dma_start3A_59 : memref<1x80xi32, #tpu.memory_space<vmem>> -> memref<80xi32, #tpu.memory_space<vmem>>
    %dma_start3A_61 = tpu.memref_slice %arg4[%add3A_43] : memref<320000xi32, #tpu.memory_space<hbm>> -> memref<80xi32, #tpu.memory_space<hbm>>
    tpu.enqueue_dma source(%dma_start3A_61 : memref<80xi32, #tpu.memory_space<hbm>>) target(%dma_start3A_60 : memref<80xi32, #tpu.memory_space<vmem>>) target_semaphore(%arg12 : memref<!tpu.dma_semaphore, #tpu.memory_space<semaphore_mem>>)
    %add3A_62 = arith.constant 240 : i32
    %add3A_63 = arith.addi %mul3A_2, %add3A_62 : i32
    %dma_start3A_64 = arith.constant 3 : i32
    %dma_start3A_65 = arith.constant 0 : i32
    %dma_start3A_66 = tpu.memref_slice %arg8[%dma_start3A_64, %dma_start3A_65] : memref<8x80xi32, #tpu.memory_space<vmem>> -> memref<1x80xi32, #tpu.memory_space<vmem>>
    %dma_start3A_67 = tpu.memref_squeeze %dma_start3A_66 : memref<1x80xi32, #tpu.memory_space<vmem>> -> memref<80xi32, #tpu.memory_space<vmem>>
    %dma_start3A_68 = tpu.memref_slice %arg3[%add3A_63] : memref<320000xi32, #tpu.memory_space<hbm>> -> memref<80xi32, #tpu.memory_space<hbm>>
    %dma_start3A_69 = arith.constant 0 : i32
    %dma_start3A_70 = tpu.memref_slice %arg8[%dma_start3A_64, %dma_start3A_69] : memref<8x80xi32, #tpu.memory_space<vmem>> -> memref<1x80xi32, #tpu.memory_space<vmem>>
    %dma_start3A_71 = tpu.memref_squeeze %dma_start3A_70 : memref<1x80xi32, #tpu.memory_space<vmem>> -> memref<80xi32, #tpu.memory_space<vmem>>
    %dma_start3A_72 = tpu.memref_slice %arg3[%add3A_63] : memref<320000xi32, #tpu.memory_space<hbm>> -> memref<80xi32, #tpu.memory_space<hbm>>
    tpu.enqueue_dma source(%dma_start3A_72 : memref<80xi32, #tpu.memory_space<hbm>>) target(%dma_start3A_71 : memref<80xi32, #tpu.memory_space<vmem>>) target_semaphore(%arg12 : memref<!tpu.dma_semaphore, #tpu.memory_space<semaphore_mem>>)
    %dma_start3A_73 = arith.constant 3 : i32
    %dma_start3A_74 = arith.constant 0 : i32
    %dma_start3A_75 = tpu.memref_slice %arg9[%dma_start3A_73, %dma_start3A_74] : memref<8x80xi32, #tpu.memory_space<vmem>> -> memref<1x80xi32, #tpu.memory_space<vmem>>
    %dma_start3A_76 = tpu.memref_squeeze %dma_start3A_75 : memref<1x80xi32, #tpu.memory_space<vmem>> -> memref<80xi32, #tpu.memory_space<vmem>>
    %dma_start3A_77 = tpu.memref_slice %arg4[%add3A_63] : memref<320000xi32, #tpu.memory_space<hbm>> -> memref<80xi32, #tpu.memory_space<hbm>>
    %dma_start3A_78 = arith.constant 0 : i32
    %dma_start3A_79 = tpu.memref_slice %arg9[%dma_start3A_73, %dma_start3A_78] : memref<8x80xi32, #tpu.memory_space<vmem>> -> memref<1x80xi32, #tpu.memory_space<vmem>>
    %dma_start3A_80 = tpu.memref_squeeze %dma_start3A_79 : memref<1x80xi32, #tpu.memory_space<vmem>> -> memref<80xi32, #tpu.memory_space<vmem>>
    %dma_start3A_81 = tpu.memref_slice %arg4[%add3A_63] : memref<320000xi32, #tpu.memory_space<hbm>> -> memref<80xi32, #tpu.memory_space<hbm>>
    tpu.enqueue_dma source(%dma_start3A_81 : memref<80xi32, #tpu.memory_space<hbm>>) target(%dma_start3A_80 : memref<80xi32, #tpu.memory_space<vmem>>) target_semaphore(%arg12 : memref<!tpu.dma_semaphore, #tpu.memory_space<semaphore_mem>>)
    %lt3A = arith.constant 10 : i32
    %lt3A_82 = arith.cmpi slt, %arg1, %lt3A : i32
    %convert_element_type3A = arith.extui %lt3A_82 : i1 to i32
    %cond3A = arith.constant 0 : i32
    %cond3A_83 = arith.cmpi ne, %convert_element_type3A, %cond3A : i32
    scf.if %cond3A_83 {
      %mul3A_185 = arith.constant 1000 : i32
      %mul3A_186 = arith.muli %arg1, %mul3A_185 : i32
      %multiple_of3A = tpu.assume_multiple %mul3A_186, 8 : i32
      "tpu.region"() ({
        %run_scoped3A_187 = tpu.sem_alloc : memref<!tpu.dma_semaphore, #tpu.memory_space<semaphore_mem>>
        %dma_start3A_188 = arith.constant 0 : i32
        %dma_start3A_189 = tpu.memref_slice %arg7[%multiple_of3A, %dma_start3A_188] : memref<10000x128xf32, #tpu.memory_space<vmem_shared>> -> memref<1000x128xf32, #tpu.memory_space<vmem_shared>>
        tpu.enqueue_dma source(%arg5 : memref<1000x128xf32, #tpu.memory_space<hbm>>) target(%dma_start3A_189 : memref<1000x128xf32, #tpu.memory_space<vmem_shared>>) target_semaphore(%run_scoped3A_187 : memref<!tpu.dma_semaphore, #tpu.memory_space<semaphore_mem>>)
        %dma_wait3A_190 = arith.constant 0 : i32
        %dma_wait3A_191 = tpu.memref_slice %arg7[%multiple_of3A, %dma_wait3A_190] : memref<10000x128xf32, #tpu.memory_space<vmem_shared>> -> memref<1000x128xf32, #tpu.memory_space<vmem_shared>>
        tpu.wait_dma2 semaphore(%run_scoped3A_187 : memref<!tpu.dma_semaphore, #tpu.memory_space<semaphore_mem>>) src(%arg5 : memref<1000x128xf32, #tpu.memory_space<hbm>>) dst(%dma_wait3A_191 : memref<1000x128xf32, #tpu.memory_space<vmem_shared>>)
        tpu.yield
      }) : () -> ()
    } else {
    }
    %dma_wait3A = arith.constant 0 : i32
    %dma_wait3A_84 = arith.constant 0 : i32
    %dma_wait3A_85 = tpu.memref_slice %arg8[%dma_wait3A, %dma_wait3A_84] : memref<8x80xi32, #tpu.memory_space<vmem>> -> memref<1x80xi32, #tpu.memory_space<vmem>>
    %dma_wait3A_86 = tpu.memref_squeeze %dma_wait3A_85 : memref<1x80xi32, #tpu.memory_space<vmem>> -> memref<80xi32, #tpu.memory_space<vmem>>
    %dma_wait3A_87 = tpu.memref_slice %arg3[%mul3A_2] : memref<320000xi32, #tpu.memory_space<hbm>> -> memref<80xi32, #tpu.memory_space<hbm>>
    %dma_wait3A_88 = arith.constant 0 : i32
    %dma_wait3A_89 = tpu.memref_slice %arg8[%dma_wait3A, %dma_wait3A_88] : memref<8x80xi32, #tpu.memory_space<vmem>> -> memref<1x80xi32, #tpu.memory_space<vmem>>
    %dma_wait3A_90 = tpu.memref_squeeze %dma_wait3A_89 : memref<1x80xi32, #tpu.memory_space<vmem>> -> memref<80xi32, #tpu.memory_space<vmem>>
    %dma_wait3A_91 = tpu.memref_slice %arg3[%mul3A_2] : memref<320000xi32, #tpu.memory_space<hbm>> -> memref<80xi32, #tpu.memory_space<hbm>>
    tpu.wait_dma2 semaphore(%arg11 : memref<!tpu.dma_semaphore, #tpu.memory_space<semaphore_mem>>) src(%dma_wait3A_91 : memref<80xi32, #tpu.memory_space<hbm>>) dst(%dma_wait3A_90 : memref<80xi32, #tpu.memory_space<vmem>>)
    %dma_wait3A_92 = arith.constant 0 : i32
    %dma_wait3A_93 = arith.constant 0 : i32
    %dma_wait3A_94 = tpu.memref_slice %arg9[%dma_wait3A_92, %dma_wait3A_93] : memref<8x80xi32, #tpu.memory_space<vmem>> -> memref<1x80xi32, #tpu.memory_space<vmem>>
    %dma_wait3A_95 = tpu.memref_squeeze %dma_wait3A_94 : memref<1x80xi32, #tpu.memory_space<vmem>> -> memref<80xi32, #tpu.memory_space<vmem>>
    %dma_wait3A_96 = tpu.memref_slice %arg4[%mul3A_2] : memref<320000xi32, #tpu.memory_space<hbm>> -> memref<80xi32, #tpu.memory_space<hbm>>
    %dma_wait3A_97 = arith.constant 0 : i32
    %dma_wait3A_98 = tpu.memref_slice %arg9[%dma_wait3A_92, %dma_wait3A_97] : memref<8x80xi32, #tpu.memory_space<vmem>> -> memref<1x80xi32, #tpu.memory_space<vmem>>
    %dma_wait3A_99 = tpu.memref_squeeze %dma_wait3A_98 : memref<1x80xi32, #tpu.memory_space<vmem>> -> memref<80xi32, #tpu.memory_space<vmem>>
    %dma_wait3A_100 = tpu.memref_slice %arg4[%mul3A_2] : memref<320000xi32, #tpu.memory_space<hbm>> -> memref<80xi32, #tpu.memory_space<hbm>>
    tpu.wait_dma2 semaphore(%arg11 : memref<!tpu.dma_semaphore, #tpu.memory_space<semaphore_mem>>) src(%dma_wait3A_100 : memref<80xi32, #tpu.memory_space<hbm>>) dst(%dma_wait3A_99 : memref<80xi32, #tpu.memory_space<vmem>>)
    %dma_wait3A_101 = arith.constant 1 : i32
    %dma_wait3A_102 = arith.constant 0 : i32
    %dma_wait3A_103 = tpu.memref_slice %arg8[%dma_wait3A_101, %dma_wait3A_102] : memref<8x80xi32, #tpu.memory_space<vmem>> -> memref<1x80xi32, #tpu.memory_space<vmem>>
    %dma_wait3A_104 = tpu.memref_squeeze %dma_wait3A_103 : memref<1x80xi32, #tpu.memory_space<vmem>> -> memref<80xi32, #tpu.memory_space<vmem>>
    %dma_wait3A_105 = tpu.memref_slice %arg3[%mul3A_2] : memref<320000xi32, #tpu.memory_space<hbm>> -> memref<80xi32, #tpu.memory_space<hbm>>
    %dma_wait3A_106 = arith.constant 0 : i32
    %dma_wait3A_107 = tpu.memref_slice %arg8[%dma_wait3A_101, %dma_wait3A_106] : memref<8x80xi32, #tpu.memory_space<vmem>> -> memref<1x80xi32, #tpu.memory_space<vmem>>
    %dma_wait3A_108 = tpu.memref_squeeze %dma_wait3A_107 : memref<1x80xi32, #tpu.memory_space<vmem>> -> memref<80xi32, #tpu.memory_space<vmem>>
    %dma_wait3A_109 = tpu.memref_slice %arg3[%mul3A_2] : memref<320000xi32, #tpu.memory_space<hbm>> -> memref<80xi32, #tpu.memory_space<hbm>>
    tpu.wait_dma2 semaphore(%arg11 : memref<!tpu.dma_semaphore, #tpu.memory_space<semaphore_mem>>) src(%dma_wait3A_109 : memref<80xi32, #tpu.memory_space<hbm>>) dst(%dma_wait3A_108 : memref<80xi32, #tpu.memory_space<vmem>>)
    %dma_wait3A_110 = arith.constant 1 : i32
    %dma_wait3A_111 = arith.constant 0 : i32
    %dma_wait3A_112 = tpu.memref_slice %arg9[%dma_wait3A_110, %dma_wait3A_111] : memref<8x80xi32, #tpu.memory_space<vmem>> -> memref<1x80xi32, #tpu.memory_space<vmem>>
    %dma_wait3A_113 = tpu.memref_squeeze %dma_wait3A_112 : memref<1x80xi32, #tpu.memory_space<vmem>> -> memref<80xi32, #tpu.memory_space<vmem>>
    %dma_wait3A_114 = tpu.memref_slice %arg4[%mul3A_2] : memref<320000xi32, #tpu.memory_space<hbm>> -> memref<80xi32, #tpu.memory_space<hbm>>
    %dma_wait3A_115 = arith.constant 0 : i32
    %dma_wait3A_116 = tpu.memref_slice %arg9[%dma_wait3A_110, %dma_wait3A_115] : memref<8x80xi32, #tpu.memory_space<vmem>> -> memref<1x80xi32, #tpu.memory_space<vmem>>
    %dma_wait3A_117 = tpu.memref_squeeze %dma_wait3A_116 : memref<1x80xi32, #tpu.memory_space<vmem>> -> memref<80xi32, #tpu.memory_space<vmem>>
    %dma_wait3A_118 = tpu.memref_slice %arg4[%mul3A_2] : memref<320000xi32, #tpu.memory_space<hbm>> -> memref<80xi32, #tpu.memory_space<hbm>>
    tpu.wait_dma2 semaphore(%arg11 : memref<!tpu.dma_semaphore, #tpu.memory_space<semaphore_mem>>) src(%dma_wait3A_118 : memref<80xi32, #tpu.memory_space<hbm>>) dst(%dma_wait3A_117 : memref<80xi32, #tpu.memory_space<vmem>>)
    %dma_start3A_119 = arith.constant 0 : i32
    %dma_start3A_120 = arith.constant 0 : i32
    %dma_start3A_121 = arith.constant 0 : i32
    %dma_start3A_122 = arith.constant 0 : i32
    %dma_start3A_123 = tpu.memref_slice %arg10[%dma_start3A_120, %dma_start3A_121, %dma_start3A_122] : memref<4x80x128xf32, #tpu.memory_space<vmem>> -> memref<1x80x128xf32, #tpu.memory_space<vmem>>
    %dma_start3A_124 = tpu.memref_squeeze %dma_start3A_123 : memref<1x80x128xf32, #tpu.memory_space<vmem>> -> memref<80x128xf32, #tpu.memory_space<vmem>>
    %dma_start3A_125 = arith.constant 0 : i32
    %dma_start3A_126 = tpu.memref_slice %arg8[%dma_start3A_119, %dma_start3A_125] : memref<8x80xi32, #tpu.memory_space<vmem>> -> memref<1x80xi32, #tpu.memory_space<vmem>>
    %dma_start3A_127 = tpu.memref_squeeze %dma_start3A_126 : memref<1x80xi32, #tpu.memory_space<vmem>> -> memref<80xi32, #tpu.memory_space<vmem>>
    %dma_start3A_128 = arith.constant 0 : i32
    %dma_start3A_129 = arith.constant 0 : i32
    %dma_start3A_130 = tpu.memref_slice %arg2[%dma_start3A_128, %dma_start3A_129] : memref<10000x128xf32, #tpu.memory_space<hbm>> -> memref<10000x128xf32, #tpu.memory_space<hbm>>
    tpu.enqueue_indirect_dma source(%dma_start3A_130 : memref<10000x128xf32, #tpu.memory_space<hbm>>) target(%dma_start3A_124 : memref<80x128xf32, #tpu.memory_space<vmem>>) offsets(%dma_start3A_127 : memref<80xi32, #tpu.memory_space<vmem>>) semaphore(%arg13 : memref<!tpu.dma_semaphore, #tpu.memory_space<semaphore_mem>>)
    %dma_start3A_131 = arith.constant 1 : i32
    %dma_start3A_132 = arith.constant 1 : i32
    %dma_start3A_133 = arith.constant 0 : i32
    %dma_start3A_134 = arith.constant 0 : i32
    %dma_start3A_135 = tpu.memref_slice %arg10[%dma_start3A_132, %dma_start3A_133, %dma_start3A_134] : memref<4x80x128xf32, #tpu.memory_space<vmem>> -> memref<1x80x128xf32, #tpu.memory_space<vmem>>
    %dma_start3A_136 = tpu.memref_squeeze %dma_start3A_135 : memref<1x80x128xf32, #tpu.memory_space<vmem>> -> memref<80x128xf32, #tpu.memory_space<vmem>>
    %dma_start3A_137 = arith.constant 0 : i32
    %dma_start3A_138 = tpu.memref_slice %arg8[%dma_start3A_131, %dma_start3A_137] : memref<8x80xi32, #tpu.memory_space<vmem>> -> memref<1x80xi32, #tpu.memory_space<vmem>>
    %dma_start3A_139 = tpu.memref_squeeze %dma_start3A_138 : memref<1x80xi32, #tpu.memory_space<vmem>> -> memref<80xi32, #tpu.memory_space<vmem>>
    %dma_start3A_140 = arith.constant 0 : i32
    %dma_start3A_141 = arith.constant 0 : i32
    %dma_start3A_142 = tpu.memref_slice %arg2[%dma_start3A_140, %dma_start3A_141] : memref<10000x128xf32, #tpu.memory_space<hbm>> -> memref<10000x128xf32, #tpu.memory_space<hbm>>
    tpu.enqueue_indirect_dma source(%dma_start3A_142 : memref<10000x128xf32, #tpu.memory_space<hbm>>) target(%dma_start3A_136 : memref<80x128xf32, #tpu.memory_space<vmem>>) offsets(%dma_start3A_139 : memref<80xi32, #tpu.memory_space<vmem>>) semaphore(%arg13 : memref<!tpu.dma_semaphore, #tpu.memory_space<semaphore_mem>>)
    %barrier3A = arith.constant 0 : index
    tpu.barrier barrier_id(%barrier3A)
    %scan3A = arith.constant 0 : i32
    %scan3A_143 = arith.constant 0 : i32
    %scan3A_144 = arith.constant 62 : i32
    %scan3A_145 = arith.addi %scan3A_143, %scan3A_144 : i32
    %scan3A_146 = arith.constant 1 : i32
    scf.for %scan3A_185 = %scan3A_143 to %scan3A_145 step %scan3A_146  : i32 {
      %jit3A = arith.constant 2 : i32
      %eq3A = arith.constant 0 : i32
      %eq3A_186 = arith.cmpi eq, %jit3A, %eq3A : i32
      %jit3A_187 = arith.constant 1 : i32
      %select_n3A = arith.select %eq3A_186, %jit3A_187, %jit3A : i32
      %rem3A = arith.remsi %scan3A_185, %select_n3A : i32
      %ne3A = arith.constant 0 : i32
      %ne3A_188 = arith.cmpi ne, %rem3A, %ne3A : i32
      %lt3A_189 = arith.constant 0 : i32
      %lt3A_190 = arith.cmpi slt, %rem3A, %lt3A_189 : i32
      %lt3A_191 = arith.constant 0 : i32
      %lt3A_192 = arith.cmpi slt, %select_n3A, %lt3A_191 : i32
      %ne3A_193 = arith.xori %lt3A_190, %lt3A_192 : i1
      %and3A = arith.andi %ne3A_193, %ne3A_188 : i1
      %add3A_194 = arith.addi %rem3A, %select_n3A : i32
      %select_n3A_195 = arith.select %and3A, %add3A_194, %rem3A : i32
      %eq3A_196 = arith.constant 0 : i32
      %eq3A_197 = arith.cmpi eq, %select_n3A_195, %eq3A_196 : i32
      %convert_element_type3A_198 = arith.extui %eq3A_197 : i1 to i32
      %cond3A_199 = arith.constant 0 : i32
      %cond3A_200 = arith.cmpi ne, %convert_element_type3A_198, %cond3A_199 : i32
      scf.if %cond3A_200 {
        %jit3A_222 = arith.constant 4 : i32
        %eq3A_223 = arith.constant 0 : i32
        %eq3A_224 = arith.cmpi eq, %jit3A_222, %eq3A_223 : i32
        %jit3A_225 = arith.constant 1 : i32
        %select_n3A_226 = arith.select %eq3A_224, %jit3A_225, %jit3A_222 : i32
        %rem3A_227 = arith.remsi %scan3A_185, %select_n3A_226 : i32
        %ne3A_228 = arith.constant 0 : i32
        %ne3A_229 = arith.cmpi ne, %rem3A_227, %ne3A_228 : i32
        %lt3A_230 = arith.constant 0 : i32
        %lt3A_231 = arith.cmpi slt, %rem3A_227, %lt3A_230 : i32
        %lt3A_232 = arith.constant 0 : i32
        %lt3A_233 = arith.cmpi slt, %select_n3A_226, %lt3A_232 : i32
        %ne3A_234 = arith.xori %lt3A_231, %lt3A_233 : i1
        %and3A_235 = arith.andi %ne3A_234, %ne3A_229 : i1
        %add3A_236 = arith.addi %rem3A_227, %select_n3A_226 : i32
        %select_n3A_237 = arith.select %and3A_235, %add3A_236, %rem3A_227 : i32
        %mul3A_238 = arith.constant 2 : i32
        %mul3A_239 = arith.muli %select_n3A_237, %mul3A_238 : i32
        %jit3A_240 = arith.constant 2 : i32
        %eq3A_241 = arith.constant 0 : i32
        %eq3A_242 = arith.cmpi eq, %jit3A_240, %eq3A_241 : i32
        %jit3A_243 = arith.constant 1 : i32
        %select_n3A_244 = arith.select %eq3A_242, %jit3A_243, %jit3A_240 : i32
        %rem3A_245 = arith.remsi %scan3A_185, %select_n3A_244 : i32
        %ne3A_246 = arith.constant 0 : i32
        %ne3A_247 = arith.cmpi ne, %rem3A_245, %ne3A_246 : i32
        %lt3A_248 = arith.constant 0 : i32
        %lt3A_249 = arith.cmpi slt, %rem3A_245, %lt3A_248 : i32
        %lt3A_250 = arith.constant 0 : i32
        %lt3A_251 = arith.cmpi slt, %select_n3A_244, %lt3A_250 : i32
        %ne3A_252 = arith.xori %lt3A_249, %lt3A_251 : i1
        %and3A_253 = arith.andi %ne3A_252, %ne3A_247 : i1
        %add3A_254 = arith.addi %rem3A_245, %select_n3A_244 : i32
        %select_n3A_255 = arith.select %and3A_253, %add3A_254, %rem3A_245 : i32
        %mul3A_256 = arith.constant 2 : i32
        %mul3A_257 = arith.muli %select_n3A_255, %mul3A_256 : i32
        %add3A_258 = arith.constant 0 : i32
        %add3A_259 = arith.addi %mul3A_239, %add3A_258 : i32
        %add3A_260 = arith.constant 0 : i32
        %add3A_261 = arith.addi %mul3A_257, %add3A_260 : i32
        %dma_wait3A_262 = arith.constant 0 : i32
        %dma_wait3A_263 = arith.constant 0 : i32
        %dma_wait3A_264 = tpu.memref_slice %arg10[%add3A_261, %dma_wait3A_262, %dma_wait3A_263] : memref<4x80x128xf32, #tpu.memory_space<vmem>> -> memref<1x80x128xf32, #tpu.memory_space<vmem>>
        %dma_wait3A_265 = tpu.memref_squeeze %dma_wait3A_264 : memref<1x80x128xf32, #tpu.memory_space<vmem>> -> memref<80x128xf32, #tpu.memory_space<vmem>>
        %dma_wait3A_266 = arith.constant 0 : i32
        %dma_wait3A_267 = tpu.memref_slice %arg8[%add3A_259, %dma_wait3A_266] : memref<8x80xi32, #tpu.memory_space<vmem>> -> memref<1x80xi32, #tpu.memory_space<vmem>>
        %dma_wait3A_268 = tpu.memref_squeeze %dma_wait3A_267 : memref<1x80xi32, #tpu.memory_space<vmem>> -> memref<80xi32, #tpu.memory_space<vmem>>
        %dma_wait3A_269 = arith.constant 0 : i32
        %dma_wait3A_270 = arith.constant 0 : i32
        %dma_wait3A_271 = tpu.memref_slice %arg2[%dma_wait3A_269, %dma_wait3A_270] : memref<10000x128xf32, #tpu.memory_space<hbm>> -> memref<10000x128xf32, #tpu.memory_space<hbm>>
        tpu.wait_indirect_dma semaphore(%arg13 : memref<!tpu.dma_semaphore, #tpu.memory_space<semaphore_mem>>) src(%dma_wait3A_271 : memref<10000x128xf32, #tpu.memory_space<hbm>>) dst(%dma_wait3A_265 : memref<80x128xf32, #tpu.memory_space<vmem>>)
        %add3A_272 = arith.constant 1 : i32
        %add3A_273 = arith.addi %mul3A_239, %add3A_272 : i32
        %add3A_274 = arith.constant 1 : i32
        %add3A_275 = arith.addi %mul3A_257, %add3A_274 : i32
        %dma_wait3A_276 = arith.constant 0 : i32
        %dma_wait3A_277 = arith.constant 0 : i32
        %dma_wait3A_278 = tpu.memref_slice %arg10[%add3A_275, %dma_wait3A_276, %dma_wait3A_277] : memref<4x80x128xf32, #tpu.memory_space<vmem>> -> memref<1x80x128xf32, #tpu.memory_space<vmem>>
        %dma_wait3A_279 = tpu.memref_squeeze %dma_wait3A_278 : memref<1x80x128xf32, #tpu.memory_space<vmem>> -> memref<80x128xf32, #tpu.memory_space<vmem>>
        %dma_wait3A_280 = arith.constant 0 : i32
        %dma_wait3A_281 = tpu.memref_slice %arg8[%add3A_273, %dma_wait3A_280] : memref<8x80xi32, #tpu.memory_space<vmem>> -> memref<1x80xi32, #tpu.memory_space<vmem>>
        %dma_wait3A_282 = tpu.memref_squeeze %dma_wait3A_281 : memref<1x80xi32, #tpu.memory_space<vmem>> -> memref<80xi32, #tpu.memory_space<vmem>>
        %dma_wait3A_283 = arith.constant 0 : i32
        %dma_wait3A_284 = arith.constant 0 : i32
        %dma_wait3A_285 = tpu.memref_slice %arg2[%dma_wait3A_283, %dma_wait3A_284] : memref<10000x128xf32, #tpu.memory_space<hbm>> -> memref<10000x128xf32, #tpu.memory_space<hbm>>
        tpu.wait_indirect_dma semaphore(%arg13 : memref<!tpu.dma_semaphore, #tpu.memory_space<semaphore_mem>>) src(%dma_wait3A_285 : memref<10000x128xf32, #tpu.memory_space<hbm>>) dst(%dma_wait3A_279 : memref<80x128xf32, #tpu.memory_space<vmem>>)
        %jit3A_286 = arith.constant 4 : i32
        %eq3A_287 = arith.constant 0 : i32
        %eq3A_288 = arith.cmpi eq, %jit3A_286, %eq3A_287 : i32
        %jit3A_289 = arith.constant 1 : i32
        %select_n3A_290 = arith.select %eq3A_288, %jit3A_289, %jit3A_286 : i32
        %rem3A_291 = arith.remsi %scan3A_185, %select_n3A_290 : i32
        %ne3A_292 = arith.constant 0 : i32
        %ne3A_293 = arith.cmpi ne, %rem3A_291, %ne3A_292 : i32
        %lt3A_294 = arith.constant 0 : i32
        %lt3A_295 = arith.cmpi slt, %rem3A_291, %lt3A_294 : i32
        %lt3A_296 = arith.constant 0 : i32
        %lt3A_297 = arith.cmpi slt, %select_n3A_290, %lt3A_296 : i32
        %ne3A_298 = arith.xori %lt3A_295, %lt3A_297 : i1
        %and3A_299 = arith.andi %ne3A_298, %ne3A_293 : i1
        %add3A_300 = arith.addi %rem3A_291, %select_n3A_290 : i32
        %select_n3A_301 = arith.select %and3A_299, %add3A_300, %rem3A_291 : i32
        %mul3A_302 = arith.constant 2 : i32
        %mul3A_303 = arith.muli %select_n3A_301, %mul3A_302 : i32
        %jit3A_304 = arith.constant 2 : i32
        %eq3A_305 = arith.constant 0 : i32
        %eq3A_306 = arith.cmpi eq, %jit3A_304, %eq3A_305 : i32
        %jit3A_307 = arith.constant 1 : i32
        %select_n3A_308 = arith.select %eq3A_306, %jit3A_307, %jit3A_304 : i32
        %rem3A_309 = arith.remsi %scan3A_185, %select_n3A_308 : i32
        %ne3A_310 = arith.constant 0 : i32
        %ne3A_311 = arith.cmpi ne, %rem3A_309, %ne3A_310 : i32
        %lt3A_312 = arith.constant 0 : i32
        %lt3A_313 = arith.cmpi slt, %rem3A_309, %lt3A_312 : i32
        %lt3A_314 = arith.constant 0 : i32
        %lt3A_315 = arith.cmpi slt, %select_n3A_308, %lt3A_314 : i32
        %ne3A_316 = arith.xori %lt3A_313, %lt3A_315 : i1
        %and3A_317 = arith.andi %ne3A_316, %ne3A_311 : i1
        %add3A_318 = arith.addi %rem3A_309, %select_n3A_308 : i32
        %select_n3A_319 = arith.select %and3A_317, %add3A_318, %rem3A_309 : i32
        %mul3A_320 = arith.constant 2 : i32
        %mul3A_321 = arith.muli %select_n3A_319, %mul3A_320 : i32
        %add3A_322 = arith.constant 0 : i32
        %add3A_323 = arith.addi %mul3A_321, %add3A_322 : i32
        %add3A_324 = arith.constant 0 : i32
        %add3A_325 = arith.addi %mul3A_303, %add3A_324 : i32
        %dma_start3A_326 = arith.constant 0 : i32
        %dma_start3A_327 = arith.constant 0 : i32
        %dma_start3A_328 = tpu.memref_slice %arg10[%add3A_323, %dma_start3A_326, %dma_start3A_327] : memref<4x80x128xf32, #tpu.memory_space<vmem>> -> memref<1x80x128xf32, #tpu.memory_space<vmem>>
        %dma_start3A_329 = tpu.memref_squeeze %dma_start3A_328 : memref<1x80x128xf32, #tpu.memory_space<vmem>> -> memref<80x128xf32, #tpu.memory_space<vmem>>
        %dma_start3A_330 = arith.constant 0 : i32
        %dma_start3A_331 = tpu.memref_slice %arg9[%add3A_325, %dma_start3A_330] : memref<8x80xi32, #tpu.memory_space<vmem>> -> memref<1x80xi32, #tpu.memory_space<vmem>>
        %dma_start3A_332 = tpu.memref_squeeze %dma_start3A_331 : memref<1x80xi32, #tpu.memory_space<vmem>> -> memref<80xi32, #tpu.memory_space<vmem>>
        %dma_start3A_333 = arith.constant 0 : i32
        %dma_start3A_334 = arith.constant 0 : i32
        %dma_start3A_335 = tpu.memref_slice %arg7[%dma_start3A_333, %dma_start3A_334] : memref<10000x128xf32, #tpu.memory_space<vmem_shared>> -> memref<10000x128xf32, #tpu.memory_space<vmem_shared>>
        tpu.enqueue_indirect_dma source(%dma_start3A_329 : memref<80x128xf32, #tpu.memory_space<vmem>>) target(%dma_start3A_335 : memref<10000x128xf32, #tpu.memory_space<vmem_shared>>) offsets(%dma_start3A_332 : memref<80xi32, #tpu.memory_space<vmem>>) semaphore(%arg15 : memref<!tpu.dma_semaphore, #tpu.memory_space<semaphore_mem>>) {add = true}
        %add3A_336 = arith.constant 1 : i32
        %add3A_337 = arith.addi %mul3A_321, %add3A_336 : i32
        %add3A_338 = arith.constant 1 : i32
        %add3A_339 = arith.addi %mul3A_303, %add3A_338 : i32
        %dma_start3A_340 = arith.constant 0 : i32
        %dma_start3A_341 = arith.constant 0 : i32
        %dma_start3A_342 = tpu.memref_slice %arg10[%add3A_337, %dma_start3A_340, %dma_start3A_341] : memref<4x80x128xf32, #tpu.memory_space<vmem>> -> memref<1x80x128xf32, #tpu.memory_space<vmem>>
        %dma_start3A_343 = tpu.memref_squeeze %dma_start3A_342 : memref<1x80x128xf32, #tpu.memory_space<vmem>> -> memref<80x128xf32, #tpu.memory_space<vmem>>
        %dma_start3A_344 = arith.constant 0 : i32
        %dma_start3A_345 = tpu.memref_slice %arg9[%add3A_339, %dma_start3A_344] : memref<8x80xi32, #tpu.memory_space<vmem>> -> memref<1x80xi32, #tpu.memory_space<vmem>>
        %dma_start3A_346 = tpu.memref_squeeze %dma_start3A_345 : memref<1x80xi32, #tpu.memory_space<vmem>> -> memref<80xi32, #tpu.memory_space<vmem>>
        %dma_start3A_347 = arith.constant 0 : i32
        %dma_start3A_348 = arith.constant 0 : i32
        %dma_start3A_349 = tpu.memref_slice %arg7[%dma_start3A_347, %dma_start3A_348] : memref<10000x128xf32, #tpu.memory_space<vmem_shared>> -> memref<10000x128xf32, #tpu.memory_space<vmem_shared>>
        tpu.enqueue_indirect_dma source(%dma_start3A_343 : memref<80x128xf32, #tpu.memory_space<vmem>>) target(%dma_start3A_349 : memref<10000x128xf32, #tpu.memory_space<vmem_shared>>) offsets(%dma_start3A_346 : memref<80xi32, #tpu.memory_space<vmem>>) semaphore(%arg15 : memref<!tpu.dma_semaphore, #tpu.memory_space<semaphore_mem>>) {add = true}
        %ge3A = arith.constant 1 : i32
        %ge3A_350 = arith.cmpi sge, %scan3A_185, %ge3A : i32
        %convert_element_type3A_351 = arith.extui %ge3A_350 : i1 to i32
        %cond3A_352 = arith.constant 0 : i32
        %cond3A_353 = arith.cmpi ne, %convert_element_type3A_351, %cond3A_352 : i32
        scf.if %cond3A_353 {
          %sub3A = arith.constant 1 : i32
          %sub3A_368 = arith.subi %scan3A_185, %sub3A : i32
          %jit3A_369 = arith.constant 4 : i32
          %eq3A_370 = arith.constant 0 : i32
          %eq3A_371 = arith.cmpi eq, %jit3A_369, %eq3A_370 : i32
          %jit3A_372 = arith.constant 1 : i32
          %select_n3A_373 = arith.select %eq3A_371, %jit3A_372, %jit3A_369 : i32
          %rem3A_374 = arith.remsi %sub3A_368, %select_n3A_373 : i32
          %ne3A_375 = arith.constant 0 : i32
          %ne3A_376 = arith.cmpi ne, %rem3A_374, %ne3A_375 : i32
          %lt3A_377 = arith.constant 0 : i32
          %lt3A_378 = arith.cmpi slt, %rem3A_374, %lt3A_377 : i32
          %lt3A_379 = arith.constant 0 : i32
          %lt3A_380 = arith.cmpi slt, %select_n3A_373, %lt3A_379 : i32
          %ne3A_381 = arith.xori %lt3A_378, %lt3A_380 : i1
          %and3A_382 = arith.andi %ne3A_381, %ne3A_376 : i1
          %add3A_383 = arith.addi %rem3A_374, %select_n3A_373 : i32
          %select_n3A_384 = arith.select %and3A_382, %add3A_383, %rem3A_374 : i32
          %mul3A_385 = arith.constant 2 : i32
          %mul3A_386 = arith.muli %select_n3A_384, %mul3A_385 : i32
          %jit3A_387 = arith.constant 2 : i32
          %eq3A_388 = arith.constant 0 : i32
          %eq3A_389 = arith.cmpi eq, %jit3A_387, %eq3A_388 : i32
          %jit3A_390 = arith.constant 1 : i32
          %select_n3A_391 = arith.select %eq3A_389, %jit3A_390, %jit3A_387 : i32
          %rem3A_392 = arith.remsi %sub3A_368, %select_n3A_391 : i32
          %ne3A_393 = arith.constant 0 : i32
          %ne3A_394 = arith.cmpi ne, %rem3A_392, %ne3A_393 : i32
          %lt3A_395 = arith.constant 0 : i32
          %lt3A_396 = arith.cmpi slt, %rem3A_392, %lt3A_395 : i32
          %lt3A_397 = arith.constant 0 : i32
          %lt3A_398 = arith.cmpi slt, %select_n3A_391, %lt3A_397 : i32
          %ne3A_399 = arith.xori %lt3A_396, %lt3A_398 : i1
          %and3A_400 = arith.andi %ne3A_399, %ne3A_394 : i1
          %add3A_401 = arith.addi %rem3A_392, %select_n3A_391 : i32
          %select_n3A_402 = arith.select %and3A_400, %add3A_401, %rem3A_392 : i32
          %mul3A_403 = arith.constant 2 : i32
          %mul3A_404 = arith.muli %select_n3A_402, %mul3A_403 : i32
          %add3A_405 = arith.constant 0 : i32
          %add3A_406 = arith.addi %mul3A_404, %add3A_405 : i32
          %add3A_407 = arith.constant 0 : i32
          %add3A_408 = arith.addi %mul3A_386, %add3A_407 : i32
          %dma_wait3A_409 = arith.constant 0 : i32
          %dma_wait3A_410 = arith.constant 0 : i32
          %dma_wait3A_411 = tpu.memref_slice %arg10[%add3A_406, %dma_wait3A_409, %dma_wait3A_410] : memref<4x80x128xf32, #tpu.memory_space<vmem>> -> memref<1x80x128xf32, #tpu.memory_space<vmem>>
          %dma_wait3A_412 = tpu.memref_squeeze %dma_wait3A_411 : memref<1x80x128xf32, #tpu.memory_space<vmem>> -> memref<80x128xf32, #tpu.memory_space<vmem>>
          %dma_wait3A_413 = arith.constant 0 : i32
          %dma_wait3A_414 = tpu.memref_slice %arg9[%add3A_408, %dma_wait3A_413] : memref<8x80xi32, #tpu.memory_space<vmem>> -> memref<1x80xi32, #tpu.memory_space<vmem>>
          %dma_wait3A_415 = tpu.memref_squeeze %dma_wait3A_414 : memref<1x80xi32, #tpu.memory_space<vmem>> -> memref<80xi32, #tpu.memory_space<vmem>>
          %dma_wait3A_416 = arith.constant 0 : i32
          %dma_wait3A_417 = arith.constant 0 : i32
          %dma_wait3A_418 = tpu.memref_slice %arg7[%dma_wait3A_416, %dma_wait3A_417] : memref<10000x128xf32, #tpu.memory_space<vmem_shared>> -> memref<10000x128xf32, #tpu.memory_space<vmem_shared>>
          tpu.wait_indirect_dma semaphore(%arg16 : memref<!tpu.dma_semaphore, #tpu.memory_space<semaphore_mem>>) src(%dma_wait3A_412 : memref<80x128xf32, #tpu.memory_space<vmem>>) dst(%dma_wait3A_418 : memref<10000x128xf32, #tpu.memory_space<vmem_shared>>)
          %add3A_419 = arith.constant 1 : i32
          %add3A_420 = arith.addi %mul3A_404, %add3A_419 : i32
          %add3A_421 = arith.constant 1 : i32
          %add3A_422 = arith.addi %mul3A_386, %add3A_421 : i32
          %dma_wait3A_423 = arith.constant 0 : i32
          %dma_wait3A_424 = arith.constant 0 : i32
          %dma_wait3A_425 = tpu.memref_slice %arg10[%add3A_420, %dma_wait3A_423, %dma_wait3A_424] : memref<4x80x128xf32, #tpu.memory_space<vmem>> -> memref<1x80x128xf32, #tpu.memory_space<vmem>>
          %dma_wait3A_426 = tpu.memref_squeeze %dma_wait3A_425 : memref<1x80x128xf32, #tpu.memory_space<vmem>> -> memref<80x128xf32, #tpu.memory_space<vmem>>
          %dma_wait3A_427 = arith.constant 0 : i32
          %dma_wait3A_428 = tpu.memref_slice %arg9[%add3A_422, %dma_wait3A_427] : memref<8x80xi32, #tpu.memory_space<vmem>> -> memref<1x80xi32, #tpu.memory_space<vmem>>
          %dma_wait3A_429 = tpu.memref_squeeze %dma_wait3A_428 : memref<1x80xi32, #tpu.memory_space<vmem>> -> memref<80xi32, #tpu.memory_space<vmem>>
          %dma_wait3A_430 = arith.constant 0 : i32
          %dma_wait3A_431 = arith.constant 0 : i32
          %dma_wait3A_432 = tpu.memref_slice %arg7[%dma_wait3A_430, %dma_wait3A_431] : memref<10000x128xf32, #tpu.memory_space<vmem_shared>> -> memref<10000x128xf32, #tpu.memory_space<vmem_shared>>
          tpu.wait_indirect_dma semaphore(%arg16 : memref<!tpu.dma_semaphore, #tpu.memory_space<semaphore_mem>>) src(%dma_wait3A_426 : memref<80x128xf32, #tpu.memory_space<vmem>>) dst(%dma_wait3A_432 : memref<10000x128xf32, #tpu.memory_space<vmem_shared>>)
        } else {
        }
        %add3A_354 = arith.constant 1 : i32
        %add3A_355 = arith.addi %scan3A_185, %add3A_354 : i32
        %lt3A_356 = arith.constant 62 : i32
        %lt3A_357 = arith.cmpi slt, %add3A_355, %lt3A_356 : i32
        %convert_element_type3A_358 = arith.extui %lt3A_357 : i1 to i32
        %cond3A_359 = arith.constant 0 : i32
        %cond3A_360 = arith.cmpi ne, %convert_element_type3A_358, %cond3A_359 : i32
        scf.if %cond3A_360 {
          %add3A_368 = arith.constant 1 : i32
          %add3A_369 = arith.addi %scan3A_185, %add3A_368 : i32
          %jit3A_370 = arith.constant 4 : i32
          %eq3A_371 = arith.constant 0 : i32
          %eq3A_372 = arith.cmpi eq, %jit3A_370, %eq3A_371 : i32
          %jit3A_373 = arith.constant 1 : i32
          %select_n3A_374 = arith.select %eq3A_372, %jit3A_373, %jit3A_370 : i32
          %rem3A_375 = arith.remsi %add3A_369, %select_n3A_374 : i32
          %ne3A_376 = arith.constant 0 : i32
          %ne3A_377 = arith.cmpi ne, %rem3A_375, %ne3A_376 : i32
          %lt3A_378 = arith.constant 0 : i32
          %lt3A_379 = arith.cmpi slt, %rem3A_375, %lt3A_378 : i32
          %lt3A_380 = arith.constant 0 : i32
          %lt3A_381 = arith.cmpi slt, %select_n3A_374, %lt3A_380 : i32
          %ne3A_382 = arith.xori %lt3A_379, %lt3A_381 : i1
          %and3A_383 = arith.andi %ne3A_382, %ne3A_377 : i1
          %add3A_384 = arith.addi %rem3A_375, %select_n3A_374 : i32
          %select_n3A_385 = arith.select %and3A_383, %add3A_384, %rem3A_375 : i32
          %mul3A_386 = arith.constant 2 : i32
          %mul3A_387 = arith.muli %select_n3A_385, %mul3A_386 : i32
          %add3A_388 = arith.constant 0 : i32
          %add3A_389 = arith.addi %mul3A_387, %add3A_388 : i32
          %dma_wait3A_390 = arith.constant 0 : i32
          %dma_wait3A_391 = tpu.memref_slice %arg8[%add3A_389, %dma_wait3A_390] : memref<8x80xi32, #tpu.memory_space<vmem>> -> memref<1x80xi32, #tpu.memory_space<vmem>>
          %dma_wait3A_392 = tpu.memref_squeeze %dma_wait3A_391 : memref<1x80xi32, #tpu.memory_space<vmem>> -> memref<80xi32, #tpu.memory_space<vmem>>
          %dma_wait3A_393 = tpu.memref_slice %arg3[%mul3A_2] : memref<320000xi32, #tpu.memory_space<hbm>> -> memref<80xi32, #tpu.memory_space<hbm>>
          %dma_wait3A_394 = arith.constant 0 : i32
          %dma_wait3A_395 = tpu.memref_slice %arg8[%add3A_389, %dma_wait3A_394] : memref<8x80xi32, #tpu.memory_space<vmem>> -> memref<1x80xi32, #tpu.memory_space<vmem>>
          %dma_wait3A_396 = tpu.memref_squeeze %dma_wait3A_395 : memref<1x80xi32, #tpu.memory_space<vmem>> -> memref<80xi32, #tpu.memory_space<vmem>>
          %dma_wait3A_397 = tpu.memref_slice %arg3[%mul3A_2] : memref<320000xi32, #tpu.memory_space<hbm>> -> memref<80xi32, #tpu.memory_space<hbm>>
          tpu.wait_dma2 semaphore(%arg12 : memref<!tpu.dma_semaphore, #tpu.memory_space<semaphore_mem>>) src(%dma_wait3A_397 : memref<80xi32, #tpu.memory_space<hbm>>) dst(%dma_wait3A_396 : memref<80xi32, #tpu.memory_space<vmem>>)
          %add3A_398 = arith.constant 0 : i32
          %add3A_399 = arith.addi %mul3A_387, %add3A_398 : i32
          %dma_wait3A_400 = arith.constant 0 : i32
          %dma_wait3A_401 = tpu.memref_slice %arg9[%add3A_399, %dma_wait3A_400] : memref<8x80xi32, #tpu.memory_space<vmem>> -> memref<1x80xi32, #tpu.memory_space<vmem>>
          %dma_wait3A_402 = tpu.memref_squeeze %dma_wait3A_401 : memref<1x80xi32, #tpu.memory_space<vmem>> -> memref<80xi32, #tpu.memory_space<vmem>>
          %dma_wait3A_403 = tpu.memref_slice %arg4[%mul3A_2] : memref<320000xi32, #tpu.memory_space<hbm>> -> memref<80xi32, #tpu.memory_space<hbm>>
          %dma_wait3A_404 = arith.constant 0 : i32
          %dma_wait3A_405 = tpu.memref_slice %arg9[%add3A_399, %dma_wait3A_404] : memref<8x80xi32, #tpu.memory_space<vmem>> -> memref<1x80xi32, #tpu.memory_space<vmem>>
          %dma_wait3A_406 = tpu.memref_squeeze %dma_wait3A_405 : memref<1x80xi32, #tpu.memory_space<vmem>> -> memref<80xi32, #tpu.memory_space<vmem>>
          %dma_wait3A_407 = tpu.memref_slice %arg4[%mul3A_2] : memref<320000xi32, #tpu.memory_space<hbm>> -> memref<80xi32, #tpu.memory_space<hbm>>
          tpu.wait_dma2 semaphore(%arg12 : memref<!tpu.dma_semaphore, #tpu.memory_space<semaphore_mem>>) src(%dma_wait3A_407 : memref<80xi32, #tpu.memory_space<hbm>>) dst(%dma_wait3A_406 : memref<80xi32, #tpu.memory_space<vmem>>)
          %add3A_408 = arith.constant 1 : i32
          %add3A_409 = arith.addi %mul3A_387, %add3A_408 : i32
          %dma_wait3A_410 = arith.constant 0 : i32
          %dma_wait3A_411 = tpu.memref_slice %arg8[%add3A_409, %dma_wait3A_410] : memref<8x80xi32, #tpu.memory_space<vmem>> -> memref<1x80xi32, #tpu.memory_space<vmem>>
          %dma_wait3A_412 = tpu.memref_squeeze %dma_wait3A_411 : memref<1x80xi32, #tpu.memory_space<vmem>> -> memref<80xi32, #tpu.memory_space<vmem>>
          %dma_wait3A_413 = tpu.memref_slice %arg3[%mul3A_2] : memref<320000xi32, #tpu.memory_space<hbm>> -> memref<80xi32, #tpu.memory_space<hbm>>
          %dma_wait3A_414 = arith.constant 0 : i32
          %dma_wait3A_415 = tpu.memref_slice %arg8[%add3A_409, %dma_wait3A_414] : memref<8x80xi32, #tpu.memory_space<vmem>> -> memref<1x80xi32, #tpu.memory_space<vmem>>
          %dma_wait3A_416 = tpu.memref_squeeze %dma_wait3A_415 : memref<1x80xi32, #tpu.memory_space<vmem>> -> memref<80xi32, #tpu.memory_space<vmem>>
          %dma_wait3A_417 = tpu.memref_slice %arg3[%mul3A_2] : memref<320000xi32, #tpu.memory_space<hbm>> -> memref<80xi32, #tpu.memory_space<hbm>>
          tpu.wait_dma2 semaphore(%arg12 : memref<!tpu.dma_semaphore, #tpu.memory_space<semaphore_mem>>) src(%dma_wait3A_417 : memref<80xi32, #tpu.memory_space<hbm>>) dst(%dma_wait3A_416 : memref<80xi32, #tpu.memory_space<vmem>>)
          %add3A_418 = arith.constant 1 : i32
          %add3A_419 = arith.addi %mul3A_387, %add3A_418 : i32
          %dma_wait3A_420 = arith.constant 0 : i32
          %dma_wait3A_421 = tpu.memref_slice %arg9[%add3A_419, %dma_wait3A_420] : memref<8x80xi32, #tpu.memory_space<vmem>> -> memref<1x80xi32, #tpu.memory_space<vmem>>
          %dma_wait3A_422 = tpu.memref_squeeze %dma_wait3A_421 : memref<1x80xi32, #tpu.memory_space<vmem>> -> memref<80xi32, #tpu.memory_space<vmem>>
          %dma_wait3A_423 = tpu.memref_slice %arg4[%mul3A_2] : memref<320000xi32, #tpu.memory_space<hbm>> -> memref<80xi32, #tpu.memory_space<hbm>>
          %dma_wait3A_424 = arith.constant 0 : i32
          %dma_wait3A_425 = tpu.memref_slice %arg9[%add3A_419, %dma_wait3A_424] : memref<8x80xi32, #tpu.memory_space<vmem>> -> memref<1x80xi32, #tpu.memory_space<vmem>>
          %dma_wait3A_426 = tpu.memref_squeeze %dma_wait3A_425 : memref<1x80xi32, #tpu.memory_space<vmem>> -> memref<80xi32, #tpu.memory_space<vmem>>
          %dma_wait3A_427 = tpu.memref_slice %arg4[%mul3A_2] : memref<320000xi32, #tpu.memory_space<hbm>> -> memref<80xi32, #tpu.memory_space<hbm>>
          tpu.wait_dma2 semaphore(%arg12 : memref<!tpu.dma_semaphore, #tpu.memory_space<semaphore_mem>>) src(%dma_wait3A_427 : memref<80xi32, #tpu.memory_space<hbm>>) dst(%dma_wait3A_426 : memref<80xi32, #tpu.memory_space<vmem>>)
          %add3A_428 = arith.constant 1 : i32
          %add3A_429 = arith.addi %scan3A_185, %add3A_428 : i32
          %jit3A_430 = arith.constant 4 : i32
          %eq3A_431 = arith.constant 0 : i32
          %eq3A_432 = arith.cmpi eq, %jit3A_430, %eq3A_431 : i32
          %jit3A_433 = arith.constant 1 : i32
          %select_n3A_434 = arith.select %eq3A_432, %jit3A_433, %jit3A_430 : i32
          %rem3A_435 = arith.remsi %add3A_429, %select_n3A_434 : i32
          %ne3A_436 = arith.constant 0 : i32
          %ne3A_437 = arith.cmpi ne, %rem3A_435, %ne3A_436 : i32
          %lt3A_438 = arith.constant 0 : i32
          %lt3A_439 = arith.cmpi slt, %rem3A_435, %lt3A_438 : i32
          %lt3A_440 = arith.constant 0 : i32
          %lt3A_441 = arith.cmpi slt, %select_n3A_434, %lt3A_440 : i32
          %ne3A_442 = arith.xori %lt3A_439, %lt3A_441 : i1
          %and3A_443 = arith.andi %ne3A_442, %ne3A_437 : i1
          %add3A_444 = arith.addi %rem3A_435, %select_n3A_434 : i32
          %select_n3A_445 = arith.select %and3A_443, %add3A_444, %rem3A_435 : i32
          %mul3A_446 = arith.constant 2 : i32
          %mul3A_447 = arith.muli %select_n3A_445, %mul3A_446 : i32
          %jit3A_448 = arith.constant 2 : i32
          %eq3A_449 = arith.constant 0 : i32
          %eq3A_450 = arith.cmpi eq, %jit3A_448, %eq3A_449 : i32
          %jit3A_451 = arith.constant 1 : i32
          %select_n3A_452 = arith.select %eq3A_450, %jit3A_451, %jit3A_448 : i32
          %rem3A_453 = arith.remsi %add3A_429, %select_n3A_452 : i32
          %ne3A_454 = arith.constant 0 : i32
          %ne3A_455 = arith.cmpi ne, %rem3A_453, %ne3A_454 : i32
          %lt3A_456 = arith.constant 0 : i32
          %lt3A_457 = arith.cmpi slt, %rem3A_453, %lt3A_456 : i32
          %lt3A_458 = arith.constant 0 : i32
          %lt3A_459 = arith.cmpi slt, %select_n3A_452, %lt3A_458 : i32
          %ne3A_460 = arith.xori %lt3A_457, %lt3A_459 : i1
          %and3A_461 = arith.andi %ne3A_460, %ne3A_455 : i1
          %add3A_462 = arith.addi %rem3A_453, %select_n3A_452 : i32
          %select_n3A_463 = arith.select %and3A_461, %add3A_462, %rem3A_453 : i32
          %mul3A_464 = arith.constant 2 : i32
          %mul3A_465 = arith.muli %select_n3A_463, %mul3A_464 : i32
          %add3A_466 = arith.constant 0 : i32
          %add3A_467 = arith.addi %mul3A_447, %add3A_466 : i32
          %add3A_468 = arith.constant 0 : i32
          %add3A_469 = arith.addi %mul3A_465, %add3A_468 : i32
          %dma_start3A_470 = arith.constant 0 : i32
          %dma_start3A_471 = arith.constant 0 : i32
          %dma_start3A_472 = tpu.memref_slice %arg10[%add3A_469, %dma_start3A_470, %dma_start3A_471] : memref<4x80x128xf32, #tpu.memory_space<vmem>> -> memref<1x80x128xf32, #tpu.memory_space<vmem>>
          %dma_start3A_473 = tpu.memref_squeeze %dma_start3A_472 : memref<1x80x128xf32, #tpu.memory_space<vmem>> -> memref<80x128xf32, #tpu.memory_space<vmem>>
          %dma_start3A_474 = arith.constant 0 : i32
          %dma_start3A_475 = tpu.memref_slice %arg8[%add3A_467, %dma_start3A_474] : memref<8x80xi32, #tpu.memory_space<vmem>> -> memref<1x80xi32, #tpu.memory_space<vmem>>
          %dma_start3A_476 = tpu.memref_squeeze %dma_start3A_475 : memref<1x80xi32, #tpu.memory_space<vmem>> -> memref<80xi32, #tpu.memory_space<vmem>>
          %dma_start3A_477 = arith.constant 0 : i32
          %dma_start3A_478 = arith.constant 0 : i32
          %dma_start3A_479 = tpu.memref_slice %arg2[%dma_start3A_477, %dma_start3A_478] : memref<10000x128xf32, #tpu.memory_space<hbm>> -> memref<10000x128xf32, #tpu.memory_space<hbm>>
          tpu.enqueue_indirect_dma source(%dma_start3A_479 : memref<10000x128xf32, #tpu.memory_space<hbm>>) target(%dma_start3A_473 : memref<80x128xf32, #tpu.memory_space<vmem>>) offsets(%dma_start3A_476 : memref<80xi32, #tpu.memory_space<vmem>>) semaphore(%arg14 : memref<!tpu.dma_semaphore, #tpu.memory_space<semaphore_mem>>)
          %add3A_480 = arith.constant 1 : i32
          %add3A_481 = arith.addi %mul3A_447, %add3A_480 : i32
          %add3A_482 = arith.constant 1 : i32
          %add3A_483 = arith.addi %mul3A_465, %add3A_482 : i32
          %dma_start3A_484 = arith.constant 0 : i32
          %dma_start3A_485 = arith.constant 0 : i32
          %dma_start3A_486 = tpu.memref_slice %arg10[%add3A_483, %dma_start3A_484, %dma_start3A_485] : memref<4x80x128xf32, #tpu.memory_space<vmem>> -> memref<1x80x128xf32, #tpu.memory_space<vmem>>
          %dma_start3A_487 = tpu.memref_squeeze %dma_start3A_486 : memref<1x80x128xf32, #tpu.memory_space<vmem>> -> memref<80x128xf32, #tpu.memory_space<vmem>>
          %dma_start3A_488 = arith.constant 0 : i32
          %dma_start3A_489 = tpu.memref_slice %arg8[%add3A_481, %dma_start3A_488] : memref<8x80xi32, #tpu.memory_space<vmem>> -> memref<1x80xi32, #tpu.memory_space<vmem>>
          %dma_start3A_490 = tpu.memref_squeeze %dma_start3A_489 : memref<1x80xi32, #tpu.memory_space<vmem>> -> memref<80xi32, #tpu.memory_space<vmem>>
          %dma_start3A_491 = arith.constant 0 : i32
          %dma_start3A_492 = arith.constant 0 : i32
          %dma_start3A_493 = tpu.memref_slice %arg2[%dma_start3A_491, %dma_start3A_492] : memref<10000x128xf32, #tpu.memory_space<hbm>> -> memref<10000x128xf32, #tpu.memory_space<hbm>>
          tpu.enqueue_indirect_dma source(%dma_start3A_493 : memref<10000x128xf32, #tpu.memory_space<hbm>>) target(%dma_start3A_487 : memref<80x128xf32, #tpu.memory_space<vmem>>) offsets(%dma_start3A_490 : memref<80xi32, #tpu.memory_space<vmem>>) semaphore(%arg14 : memref<!tpu.dma_semaphore, #tpu.memory_space<semaphore_mem>>)
        } else {
        }
        %add3A_361 = arith.constant 2 : i32
        %add3A_362 = arith.addi %scan3A_185, %add3A_361 : i32
        %lt3A_363 = arith.constant 62 : i32
        %lt3A_364 = arith.cmpi slt, %add3A_362, %lt3A_363 : i32
        %convert_element_type3A_365 = arith.extui %lt3A_364 : i1 to i32
        %cond3A_366 = arith.constant 0 : i32
        %cond3A_367 = arith.cmpi ne, %convert_element_type3A_365, %cond3A_366 : i32
        scf.if %cond3A_367 {
          %add3A_368 = arith.constant 2 : i32
          %add3A_369 = arith.addi %scan3A_185, %add3A_368 : i32
          %jit3A_370 = arith.constant 4 : i32
          %eq3A_371 = arith.constant 0 : i32
          %eq3A_372 = arith.cmpi eq, %jit3A_370, %eq3A_371 : i32
          %jit3A_373 = arith.constant 1 : i32
          %select_n3A_374 = arith.select %eq3A_372, %jit3A_373, %jit3A_370 : i32
          %rem3A_375 = arith.remsi %add3A_369, %select_n3A_374 : i32
          %ne3A_376 = arith.constant 0 : i32
          %ne3A_377 = arith.cmpi ne, %rem3A_375, %ne3A_376 : i32
          %lt3A_378 = arith.constant 0 : i32
          %lt3A_379 = arith.cmpi slt, %rem3A_375, %lt3A_378 : i32
          %lt3A_380 = arith.constant 0 : i32
          %lt3A_381 = arith.cmpi slt, %select_n3A_374, %lt3A_380 : i32
          %ne3A_382 = arith.xori %lt3A_379, %lt3A_381 : i1
          %and3A_383 = arith.andi %ne3A_382, %ne3A_377 : i1
          %add3A_384 = arith.addi %rem3A_375, %select_n3A_374 : i32
          %select_n3A_385 = arith.select %and3A_383, %add3A_384, %rem3A_375 : i32
          %mul3A_386 = arith.constant 2 : i32
          %mul3A_387 = arith.muli %select_n3A_385, %mul3A_386 : i32
          %mul3A_388 = arith.constant 2 : i32
          %mul3A_389 = arith.muli %add3A_369, %mul3A_388 : i32
          %add3A_390 = arith.constant 0 : i32
          %add3A_391 = arith.addi %mul3A_389, %add3A_390 : i32
          %mul3A_392 = arith.constant 80 : i32
          %mul3A_393 = arith.muli %add3A_391, %mul3A_392 : i32
          %add3A_394 = arith.addi %mul3A_2, %mul3A_393 : i32
          %add3A_395 = arith.constant 0 : i32
          %add3A_396 = arith.addi %mul3A_387, %add3A_395 : i32
          %dma_start3A_397 = arith.constant 0 : i32
          %dma_start3A_398 = tpu.memref_slice %arg8[%add3A_396, %dma_start3A_397] : memref<8x80xi32, #tpu.memory_space<vmem>> -> memref<1x80xi32, #tpu.memory_space<vmem>>
          %dma_start3A_399 = tpu.memref_squeeze %dma_start3A_398 : memref<1x80xi32, #tpu.memory_space<vmem>> -> memref<80xi32, #tpu.memory_space<vmem>>
          %dma_start3A_400 = tpu.memref_slice %arg3[%add3A_394] : memref<320000xi32, #tpu.memory_space<hbm>> -> memref<80xi32, #tpu.memory_space<hbm>>
          %dma_start3A_401 = arith.constant 0 : i32
          %dma_start3A_402 = tpu.memref_slice %arg8[%add3A_396, %dma_start3A_401] : memref<8x80xi32, #tpu.memory_space<vmem>> -> memref<1x80xi32, #tpu.memory_space<vmem>>
          %dma_start3A_403 = tpu.memref_squeeze %dma_start3A_402 : memref<1x80xi32, #tpu.memory_space<vmem>> -> memref<80xi32, #tpu.memory_space<vmem>>
          %dma_start3A_404 = tpu.memref_slice %arg3[%add3A_394] : memref<320000xi32, #tpu.memory_space<hbm>> -> memref<80xi32, #tpu.memory_space<hbm>>
          tpu.enqueue_dma source(%dma_start3A_404 : memref<80xi32, #tpu.memory_space<hbm>>) target(%dma_start3A_403 : memref<80xi32, #tpu.memory_space<vmem>>) target_semaphore(%arg11 : memref<!tpu.dma_semaphore, #tpu.memory_space<semaphore_mem>>)
          %add3A_405 = arith.constant 0 : i32
          %add3A_406 = arith.addi %mul3A_387, %add3A_405 : i32
          %dma_start3A_407 = arith.constant 0 : i32
          %dma_start3A_408 = tpu.memref_slice %arg9[%add3A_406, %dma_start3A_407] : memref<8x80xi32, #tpu.memory_space<vmem>> -> memref<1x80xi32, #tpu.memory_space<vmem>>
          %dma_start3A_409 = tpu.memref_squeeze %dma_start3A_408 : memref<1x80xi32, #tpu.memory_space<vmem>> -> memref<80xi32, #tpu.memory_space<vmem>>
          %dma_start3A_410 = tpu.memref_slice %arg4[%add3A_394] : memref<320000xi32, #tpu.memory_space<hbm>> -> memref<80xi32, #tpu.memory_space<hbm>>
          %dma_start3A_411 = arith.constant 0 : i32
          %dma_start3A_412 = tpu.memref_slice %arg9[%add3A_406, %dma_start3A_411] : memref<8x80xi32, #tpu.memory_space<vmem>> -> memref<1x80xi32, #tpu.memory_space<vmem>>
          %dma_start3A_413 = tpu.memref_squeeze %dma_start3A_412 : memref<1x80xi32, #tpu.memory_space<vmem>> -> memref<80xi32, #tpu.memory_space<vmem>>
          %dma_start3A_414 = tpu.memref_slice %arg4[%add3A_394] : memref<320000xi32, #tpu.memory_space<hbm>> -> memref<80xi32, #tpu.memory_space<hbm>>
          tpu.enqueue_dma source(%dma_start3A_414 : memref<80xi32, #tpu.memory_space<hbm>>) target(%dma_start3A_413 : memref<80xi32, #tpu.memory_space<vmem>>) target_semaphore(%arg11 : memref<!tpu.dma_semaphore, #tpu.memory_space<semaphore_mem>>)
          %mul3A_415 = arith.constant 2 : i32
          %mul3A_416 = arith.muli %add3A_369, %mul3A_415 : i32
          %add3A_417 = arith.constant 1 : i32
          %add3A_418 = arith.addi %mul3A_416, %add3A_417 : i32
          %mul3A_419 = arith.constant 80 : i32
          %mul3A_420 = arith.muli %add3A_418, %mul3A_419 : i32
          %add3A_421 = arith.addi %mul3A_2, %mul3A_420 : i32
          %add3A_422 = arith.constant 1 : i32
          %add3A_423 = arith.addi %mul3A_387, %add3A_422 : i32
          %dma_start3A_424 = arith.constant 0 : i32
          %dma_start3A_425 = tpu.memref_slice %arg8[%add3A_423, %dma_start3A_424] : memref<8x80xi32, #tpu.memory_space<vmem>> -> memref<1x80xi32, #tpu.memory_space<vmem>>
          %dma_start3A_426 = tpu.memref_squeeze %dma_start3A_425 : memref<1x80xi32, #tpu.memory_space<vmem>> -> memref<80xi32, #tpu.memory_space<vmem>>
          %dma_start3A_427 = tpu.memref_slice %arg3[%add3A_421] : memref<320000xi32, #tpu.memory_space<hbm>> -> memref<80xi32, #tpu.memory_space<hbm>>
          %dma_start3A_428 = arith.constant 0 : i32
          %dma_start3A_429 = tpu.memref_slice %arg8[%add3A_423, %dma_start3A_428] : memref<8x80xi32, #tpu.memory_space<vmem>> -> memref<1x80xi32, #tpu.memory_space<vmem>>
          %dma_start3A_430 = tpu.memref_squeeze %dma_start3A_429 : memref<1x80xi32, #tpu.memory_space<vmem>> -> memref<80xi32, #tpu.memory_space<vmem>>
          %dma_start3A_431 = tpu.memref_slice %arg3[%add3A_421] : memref<320000xi32, #tpu.memory_space<hbm>> -> memref<80xi32, #tpu.memory_space<hbm>>
          tpu.enqueue_dma source(%dma_start3A_431 : memref<80xi32, #tpu.memory_space<hbm>>) target(%dma_start3A_430 : memref<80xi32, #tpu.memory_space<vmem>>) target_semaphore(%arg11 : memref<!tpu.dma_semaphore, #tpu.memory_space<semaphore_mem>>)
          %add3A_432 = arith.constant 1 : i32
          %add3A_433 = arith.addi %mul3A_387, %add3A_432 : i32
          %dma_start3A_434 = arith.constant 0 : i32
          %dma_start3A_435 = tpu.memref_slice %arg9[%add3A_433, %dma_start3A_434] : memref<8x80xi32, #tpu.memory_space<vmem>> -> memref<1x80xi32, #tpu.memory_space<vmem>>
          %dma_start3A_436 = tpu.memref_squeeze %dma_start3A_435 : memref<1x80xi32, #tpu.memory_space<vmem>> -> memref<80xi32, #tpu.memory_space<vmem>>
          %dma_start3A_437 = tpu.memref_slice %arg4[%add3A_421] : memref<320000xi32, #tpu.memory_space<hbm>> -> memref<80xi32, #tpu.memory_space<hbm>>
          %dma_start3A_438 = arith.constant 0 : i32
          %dma_start3A_439 = tpu.memref_slice %arg9[%add3A_433, %dma_start3A_438] : memref<8x80xi32, #tpu.memory_space<vmem>> -> memref<1x80xi32, #tpu.memory_space<vmem>>
          %dma_start3A_440 = tpu.memref_squeeze %dma_start3A_439 : memref<1x80xi32, #tpu.memory_space<vmem>> -> memref<80xi32, #tpu.memory_space<vmem>>
          %dma_start3A_441 = tpu.memref_slice %arg4[%add3A_421] : memref<320000xi32, #tpu.memory_space<hbm>> -> memref<80xi32, #tpu.memory_space<hbm>>
          tpu.enqueue_dma source(%dma_start3A_441 : memref<80xi32, #tpu.memory_space<hbm>>) target(%dma_start3A_440 : memref<80xi32, #tpu.memory_space<vmem>>) target_semaphore(%arg11 : memref<!tpu.dma_semaphore, #tpu.memory_space<semaphore_mem>>)
        } else {
        }
      } else {
      }
      %jit3A_201 = arith.constant 2 : i32
      %eq3A_202 = arith.constant 0 : i32
      %eq3A_203 = arith.cmpi eq, %jit3A_201, %eq3A_202 : i32
      %jit3A_204 = arith.constant 1 : i32
      %select_n3A_205 = arith.select %eq3A_203, %jit3A_204, %jit3A_201 : i32
      %rem3A_206 = arith.remsi %scan3A_185, %select_n3A_205 : i32
      %ne3A_207 = arith.constant 0 : i32
      %ne3A_208 = arith.cmpi ne, %rem3A_206, %ne3A_207 : i32
      %lt3A_209 = arith.constant 0 : i32
      %lt3A_210 = arith.cmpi slt, %rem3A_206, %lt3A_209 : i32
      %lt3A_211 = arith.constant 0 : i32
      %lt3A_212 = arith.cmpi slt, %select_n3A_205, %lt3A_211 : i32
      %ne3A_213 = arith.xori %lt3A_210, %lt3A_212 : i1
      %and3A_214 = arith.andi %ne3A_213, %ne3A_208 : i1
      %add3A_215 = arith.addi %rem3A_206, %select_n3A_205 : i32
      %select_n3A_216 = arith.select %and3A_214, %add3A_215, %rem3A_206 : i32
      %eq3A_217 = arith.constant 1 : i32
      %eq3A_218 = arith.cmpi eq, %select_n3A_216, %eq3A_217 : i32
      %convert_element_type3A_219 = arith.extui %eq3A_218 : i1 to i32
      %cond3A_220 = arith.constant 0 : i32
      %cond3A_221 = arith.cmpi ne, %convert_element_type3A_219, %cond3A_220 : i32
      scf.if %cond3A_221 {
        %jit3A_222 = arith.constant 4 : i32
        %eq3A_223 = arith.constant 0 : i32
        %eq3A_224 = arith.cmpi eq, %jit3A_222, %eq3A_223 : i32
        %jit3A_225 = arith.constant 1 : i32
        %select_n3A_226 = arith.select %eq3A_224, %jit3A_225, %jit3A_222 : i32
        %rem3A_227 = arith.remsi %scan3A_185, %select_n3A_226 : i32
        %ne3A_228 = arith.constant 0 : i32
        %ne3A_229 = arith.cmpi ne, %rem3A_227, %ne3A_228 : i32
        %lt3A_230 = arith.constant 0 : i32
        %lt3A_231 = arith.cmpi slt, %rem3A_227, %lt3A_230 : i32
        %lt3A_232 = arith.constant 0 : i32
        %lt3A_233 = arith.cmpi slt, %select_n3A_226, %lt3A_232 : i32
        %ne3A_234 = arith.xori %lt3A_231, %lt3A_233 : i1
        %and3A_235 = arith.andi %ne3A_234, %ne3A_229 : i1
        %add3A_236 = arith.addi %rem3A_227, %select_n3A_226 : i32
        %select_n3A_237 = arith.select %and3A_235, %add3A_236, %rem3A_227 : i32
        %mul3A_238 = arith.constant 2 : i32
        %mul3A_239 = arith.muli %select_n3A_237, %mul3A_238 : i32
        %jit3A_240 = arith.constant 2 : i32
        %eq3A_241 = arith.constant 0 : i32
        %eq3A_242 = arith.cmpi eq, %jit3A_240, %eq3A_241 : i32
        %jit3A_243 = arith.constant 1 : i32
        %select_n3A_244 = arith.select %eq3A_242, %jit3A_243, %jit3A_240 : i32
        %rem3A_245 = arith.remsi %scan3A_185, %select_n3A_244 : i32
        %ne3A_246 = arith.constant 0 : i32
        %ne3A_247 = arith.cmpi ne, %rem3A_245, %ne3A_246 : i32
        %lt3A_248 = arith.constant 0 : i32
        %lt3A_249 = arith.cmpi slt, %rem3A_245, %lt3A_248 : i32
        %lt3A_250 = arith.constant 0 : i32
        %lt3A_251 = arith.cmpi slt, %select_n3A_244, %lt3A_250 : i32
        %ne3A_252 = arith.xori %lt3A_249, %lt3A_251 : i1
        %and3A_253 = arith.andi %ne3A_252, %ne3A_247 : i1
        %add3A_254 = arith.addi %rem3A_245, %select_n3A_244 : i32
        %select_n3A_255 = arith.select %and3A_253, %add3A_254, %rem3A_245 : i32
        %mul3A_256 = arith.constant 2 : i32
        %mul3A_257 = arith.muli %select_n3A_255, %mul3A_256 : i32
        %add3A_258 = arith.constant 0 : i32
        %add3A_259 = arith.addi %mul3A_239, %add3A_258 : i32
        %add3A_260 = arith.constant 0 : i32
        %add3A_261 = arith.addi %mul3A_257, %add3A_260 : i32
        %dma_wait3A_262 = arith.constant 0 : i32
        %dma_wait3A_263 = arith.constant 0 : i32
        %dma_wait3A_264 = tpu.memref_slice %arg10[%add3A_261, %dma_wait3A_262, %dma_wait3A_263] : memref<4x80x128xf32, #tpu.memory_space<vmem>> -> memref<1x80x128xf32, #tpu.memory_space<vmem>>
        %dma_wait3A_265 = tpu.memref_squeeze %dma_wait3A_264 : memref<1x80x128xf32, #tpu.memory_space<vmem>> -> memref<80x128xf32, #tpu.memory_space<vmem>>
        %dma_wait3A_266 = arith.constant 0 : i32
        %dma_wait3A_267 = tpu.memref_slice %arg8[%add3A_259, %dma_wait3A_266] : memref<8x80xi32, #tpu.memory_space<vmem>> -> memref<1x80xi32, #tpu.memory_space<vmem>>
        %dma_wait3A_268 = tpu.memref_squeeze %dma_wait3A_267 : memref<1x80xi32, #tpu.memory_space<vmem>> -> memref<80xi32, #tpu.memory_space<vmem>>
        %dma_wait3A_269 = arith.constant 0 : i32
        %dma_wait3A_270 = arith.constant 0 : i32
        %dma_wait3A_271 = tpu.memref_slice %arg2[%dma_wait3A_269, %dma_wait3A_270] : memref<10000x128xf32, #tpu.memory_space<hbm>> -> memref<10000x128xf32, #tpu.memory_space<hbm>>
        tpu.wait_indirect_dma semaphore(%arg14 : memref<!tpu.dma_semaphore, #tpu.memory_space<semaphore_mem>>) src(%dma_wait3A_271 : memref<10000x128xf32, #tpu.memory_space<hbm>>) dst(%dma_wait3A_265 : memref<80x128xf32, #tpu.memory_space<vmem>>)
        %add3A_272 = arith.constant 1 : i32
        %add3A_273 = arith.addi %mul3A_239, %add3A_272 : i32
        %add3A_274 = arith.constant 1 : i32
        %add3A_275 = arith.addi %mul3A_257, %add3A_274 : i32
        %dma_wait3A_276 = arith.constant 0 : i32
        %dma_wait3A_277 = arith.constant 0 : i32
        %dma_wait3A_278 = tpu.memref_slice %arg10[%add3A_275, %dma_wait3A_276, %dma_wait3A_277] : memref<4x80x128xf32, #tpu.memory_space<vmem>> -> memref<1x80x128xf32, #tpu.memory_space<vmem>>
        %dma_wait3A_279 = tpu.memref_squeeze %dma_wait3A_278 : memref<1x80x128xf32, #tpu.memory_space<vmem>> -> memref<80x128xf32, #tpu.memory_space<vmem>>
        %dma_wait3A_280 = arith.constant 0 : i32
        %dma_wait3A_281 = tpu.memref_slice %arg8[%add3A_273, %dma_wait3A_280] : memref<8x80xi32, #tpu.memory_space<vmem>> -> memref<1x80xi32, #tpu.memory_space<vmem>>
        %dma_wait3A_282 = tpu.memref_squeeze %dma_wait3A_281 : memref<1x80xi32, #tpu.memory_space<vmem>> -> memref<80xi32, #tpu.memory_space<vmem>>
        %dma_wait3A_283 = arith.constant 0 : i32
        %dma_wait3A_284 = arith.constant 0 : i32
        %dma_wait3A_285 = tpu.memref_slice %arg2[%dma_wait3A_283, %dma_wait3A_284] : memref<10000x128xf32, #tpu.memory_space<hbm>> -> memref<10000x128xf32, #tpu.memory_space<hbm>>
        tpu.wait_indirect_dma semaphore(%arg14 : memref<!tpu.dma_semaphore, #tpu.memory_space<semaphore_mem>>) src(%dma_wait3A_285 : memref<10000x128xf32, #tpu.memory_space<hbm>>) dst(%dma_wait3A_279 : memref<80x128xf32, #tpu.memory_space<vmem>>)
        %jit3A_286 = arith.constant 4 : i32
        %eq3A_287 = arith.constant 0 : i32
        %eq3A_288 = arith.cmpi eq, %jit3A_286, %eq3A_287 : i32
        %jit3A_289 = arith.constant 1 : i32
        %select_n3A_290 = arith.select %eq3A_288, %jit3A_289, %jit3A_286 : i32
        %rem3A_291 = arith.remsi %scan3A_185, %select_n3A_290 : i32
        %ne3A_292 = arith.constant 0 : i32
        %ne3A_293 = arith.cmpi ne, %rem3A_291, %ne3A_292 : i32
        %lt3A_294 = arith.constant 0 : i32
        %lt3A_295 = arith.cmpi slt, %rem3A_291, %lt3A_294 : i32
        %lt3A_296 = arith.constant 0 : i32
        %lt3A_297 = arith.cmpi slt, %select_n3A_290, %lt3A_296 : i32
        %ne3A_298 = arith.xori %lt3A_295, %lt3A_297 : i1
        %and3A_299 = arith.andi %ne3A_298, %ne3A_293 : i1
        %add3A_300 = arith.addi %rem3A_291, %select_n3A_290 : i32
        %select_n3A_301 = arith.select %and3A_299, %add3A_300, %rem3A_291 : i32
        %mul3A_302 = arith.constant 2 : i32
        %mul3A_303 = arith.muli %select_n3A_301, %mul3A_302 : i32
        %jit3A_304 = arith.constant 2 : i32
        %eq3A_305 = arith.constant 0 : i32
        %eq3A_306 = arith.cmpi eq, %jit3A_304, %eq3A_305 : i32
        %jit3A_307 = arith.constant 1 : i32
        %select_n3A_308 = arith.select %eq3A_306, %jit3A_307, %jit3A_304 : i32
        %rem3A_309 = arith.remsi %scan3A_185, %select_n3A_308 : i32
        %ne3A_310 = arith.constant 0 : i32
        %ne3A_311 = arith.cmpi ne, %rem3A_309, %ne3A_310 : i32
        %lt3A_312 = arith.constant 0 : i32
        %lt3A_313 = arith.cmpi slt, %rem3A_309, %lt3A_312 : i32
        %lt3A_314 = arith.constant 0 : i32
        %lt3A_315 = arith.cmpi slt, %select_n3A_308, %lt3A_314 : i32
        %ne3A_316 = arith.xori %lt3A_313, %lt3A_315 : i1
        %and3A_317 = arith.andi %ne3A_316, %ne3A_311 : i1
        %add3A_318 = arith.addi %rem3A_309, %select_n3A_308 : i32
        %select_n3A_319 = arith.select %and3A_317, %add3A_318, %rem3A_309 : i32
        %mul3A_320 = arith.constant 2 : i32
        %mul3A_321 = arith.muli %select_n3A_319, %mul3A_320 : i32
        %add3A_322 = arith.constant 0 : i32
        %add3A_323 = arith.addi %mul3A_321, %add3A_322 : i32
        %add3A_324 = arith.constant 0 : i32
        %add3A_325 = arith.addi %mul3A_303, %add3A_324 : i32
        %dma_start3A_326 = arith.constant 0 : i32
        %dma_start3A_327 = arith.constant 0 : i32
        %dma_start3A_328 = tpu.memref_slice %arg10[%add3A_323, %dma_start3A_326, %dma_start3A_327] : memref<4x80x128xf32, #tpu.memory_space<vmem>> -> memref<1x80x128xf32, #tpu.memory_space<vmem>>
        %dma_start3A_329 = tpu.memref_squeeze %dma_start3A_328 : memref<1x80x128xf32, #tpu.memory_space<vmem>> -> memref<80x128xf32, #tpu.memory_space<vmem>>
        %dma_start3A_330 = arith.constant 0 : i32
        %dma_start3A_331 = tpu.memref_slice %arg9[%add3A_325, %dma_start3A_330] : memref<8x80xi32, #tpu.memory_space<vmem>> -> memref<1x80xi32, #tpu.memory_space<vmem>>
        %dma_start3A_332 = tpu.memref_squeeze %dma_start3A_331 : memref<1x80xi32, #tpu.memory_space<vmem>> -> memref<80xi32, #tpu.memory_space<vmem>>
        %dma_start3A_333 = arith.constant 0 : i32
        %dma_start3A_334 = arith.constant 0 : i32
        %dma_start3A_335 = tpu.memref_slice %arg7[%dma_start3A_333, %dma_start3A_334] : memref<10000x128xf32, #tpu.memory_space<vmem_shared>> -> memref<10000x128xf32, #tpu.memory_space<vmem_shared>>
        tpu.enqueue_indirect_dma source(%dma_start3A_329 : memref<80x128xf32, #tpu.memory_space<vmem>>) target(%dma_start3A_335 : memref<10000x128xf32, #tpu.memory_space<vmem_shared>>) offsets(%dma_start3A_332 : memref<80xi32, #tpu.memory_space<vmem>>) semaphore(%arg16 : memref<!tpu.dma_semaphore, #tpu.memory_space<semaphore_mem>>) {add = true}
        %add3A_336 = arith.constant 1 : i32
        %add3A_337 = arith.addi %mul3A_321, %add3A_336 : i32
        %add3A_338 = arith.constant 1 : i32
        %add3A_339 = arith.addi %mul3A_303, %add3A_338 : i32
        %dma_start3A_340 = arith.constant 0 : i32
        %dma_start3A_341 = arith.constant 0 : i32
        %dma_start3A_342 = tpu.memref_slice %arg10[%add3A_337, %dma_start3A_340, %dma_start3A_341] : memref<4x80x128xf32, #tpu.memory_space<vmem>> -> memref<1x80x128xf32, #tpu.memory_space<vmem>>
        %dma_start3A_343 = tpu.memref_squeeze %dma_start3A_342 : memref<1x80x128xf32, #tpu.memory_space<vmem>> -> memref<80x128xf32, #tpu.memory_space<vmem>>
        %dma_start3A_344 = arith.constant 0 : i32
        %dma_start3A_345 = tpu.memref_slice %arg9[%add3A_339, %dma_start3A_344] : memref<8x80xi32, #tpu.memory_space<vmem>> -> memref<1x80xi32, #tpu.memory_space<vmem>>
        %dma_start3A_346 = tpu.memref_squeeze %dma_start3A_345 : memref<1x80xi32, #tpu.memory_space<vmem>> -> memref<80xi32, #tpu.memory_space<vmem>>
        %dma_start3A_347 = arith.constant 0 : i32
        %dma_start3A_348 = arith.constant 0 : i32
        %dma_start3A_349 = tpu.memref_slice %arg7[%dma_start3A_347, %dma_start3A_348] : memref<10000x128xf32, #tpu.memory_space<vmem_shared>> -> memref<10000x128xf32, #tpu.memory_space<vmem_shared>>
        tpu.enqueue_indirect_dma source(%dma_start3A_343 : memref<80x128xf32, #tpu.memory_space<vmem>>) target(%dma_start3A_349 : memref<10000x128xf32, #tpu.memory_space<vmem_shared>>) offsets(%dma_start3A_346 : memref<80xi32, #tpu.memory_space<vmem>>) semaphore(%arg16 : memref<!tpu.dma_semaphore, #tpu.memory_space<semaphore_mem>>) {add = true}
        %ge3A = arith.constant 1 : i32
        %ge3A_350 = arith.cmpi sge, %scan3A_185, %ge3A : i32
        %convert_element_type3A_351 = arith.extui %ge3A_350 : i1 to i32
        %cond3A_352 = arith.constant 0 : i32
        %cond3A_353 = arith.cmpi ne, %convert_element_type3A_351, %cond3A_352 : i32
        scf.if %cond3A_353 {
          %sub3A = arith.constant 1 : i32
          %sub3A_368 = arith.subi %scan3A_185, %sub3A : i32
          %jit3A_369 = arith.constant 4 : i32
          %eq3A_370 = arith.constant 0 : i32
          %eq3A_371 = arith.cmpi eq, %jit3A_369, %eq3A_370 : i32
          %jit3A_372 = arith.constant 1 : i32
          %select_n3A_373 = arith.select %eq3A_371, %jit3A_372, %jit3A_369 : i32
          %rem3A_374 = arith.remsi %sub3A_368, %select_n3A_373 : i32
          %ne3A_375 = arith.constant 0 : i32
          %ne3A_376 = arith.cmpi ne, %rem3A_374, %ne3A_375 : i32
          %lt3A_377 = arith.constant 0 : i32
          %lt3A_378 = arith.cmpi slt, %rem3A_374, %lt3A_377 : i32
          %lt3A_379 = arith.constant 0 : i32
          %lt3A_380 = arith.cmpi slt, %select_n3A_373, %lt3A_379 : i32
          %ne3A_381 = arith.xori %lt3A_378, %lt3A_380 : i1
          %and3A_382 = arith.andi %ne3A_381, %ne3A_376 : i1
          %add3A_383 = arith.addi %rem3A_374, %select_n3A_373 : i32
          %select_n3A_384 = arith.select %and3A_382, %add3A_383, %rem3A_374 : i32
          %mul3A_385 = arith.constant 2 : i32
          %mul3A_386 = arith.muli %select_n3A_384, %mul3A_385 : i32
          %jit3A_387 = arith.constant 2 : i32
          %eq3A_388 = arith.constant 0 : i32
          %eq3A_389 = arith.cmpi eq, %jit3A_387, %eq3A_388 : i32
          %jit3A_390 = arith.constant 1 : i32
          %select_n3A_391 = arith.select %eq3A_389, %jit3A_390, %jit3A_387 : i32
          %rem3A_392 = arith.remsi %sub3A_368, %select_n3A_391 : i32
          %ne3A_393 = arith.constant 0 : i32
          %ne3A_394 = arith.cmpi ne, %rem3A_392, %ne3A_393 : i32
          %lt3A_395 = arith.constant 0 : i32
          %lt3A_396 = arith.cmpi slt, %rem3A_392, %lt3A_395 : i32
          %lt3A_397 = arith.constant 0 : i32
          %lt3A_398 = arith.cmpi slt, %select_n3A_391, %lt3A_397 : i32
          %ne3A_399 = arith.xori %lt3A_396, %lt3A_398 : i1
          %and3A_400 = arith.andi %ne3A_399, %ne3A_394 : i1
          %add3A_401 = arith.addi %rem3A_392, %select_n3A_391 : i32
          %select_n3A_402 = arith.select %and3A_400, %add3A_401, %rem3A_392 : i32
          %mul3A_403 = arith.constant 2 : i32
          %mul3A_404 = arith.muli %select_n3A_402, %mul3A_403 : i32
          %add3A_405 = arith.constant 0 : i32
          %add3A_406 = arith.addi %mul3A_404, %add3A_405 : i32
          %add3A_407 = arith.constant 0 : i32
          %add3A_408 = arith.addi %mul3A_386, %add3A_407 : i32
          %dma_wait3A_409 = arith.constant 0 : i32
          %dma_wait3A_410 = arith.constant 0 : i32
          %dma_wait3A_411 = tpu.memref_slice %arg10[%add3A_406, %dma_wait3A_409, %dma_wait3A_410] : memref<4x80x128xf32, #tpu.memory_space<vmem>> -> memref<1x80x128xf32, #tpu.memory_space<vmem>>
          %dma_wait3A_412 = tpu.memref_squeeze %dma_wait3A_411 : memref<1x80x128xf32, #tpu.memory_space<vmem>> -> memref<80x128xf32, #tpu.memory_space<vmem>>
          %dma_wait3A_413 = arith.constant 0 : i32
          %dma_wait3A_414 = tpu.memref_slice %arg9[%add3A_408, %dma_wait3A_413] : memref<8x80xi32, #tpu.memory_space<vmem>> -> memref<1x80xi32, #tpu.memory_space<vmem>>
          %dma_wait3A_415 = tpu.memref_squeeze %dma_wait3A_414 : memref<1x80xi32, #tpu.memory_space<vmem>> -> memref<80xi32, #tpu.memory_space<vmem>>
          %dma_wait3A_416 = arith.constant 0 : i32
          %dma_wait3A_417 = arith.constant 0 : i32
          %dma_wait3A_418 = tpu.memref_slice %arg7[%dma_wait3A_416, %dma_wait3A_417] : memref<10000x128xf32, #tpu.memory_space<vmem_shared>> -> memref<10000x128xf32, #tpu.memory_space<vmem_shared>>
          tpu.wait_indirect_dma semaphore(%arg15 : memref<!tpu.dma_semaphore, #tpu.memory_space<semaphore_mem>>) src(%dma_wait3A_412 : memref<80x128xf32, #tpu.memory_space<vmem>>) dst(%dma_wait3A_418 : memref<10000x128xf32, #tpu.memory_space<vmem_shared>>)
          %add3A_419 = arith.constant 1 : i32
          %add3A_420 = arith.addi %mul3A_404, %add3A_419 : i32
          %add3A_421 = arith.constant 1 : i32
          %add3A_422 = arith.addi %mul3A_386, %add3A_421 : i32
          %dma_wait3A_423 = arith.constant 0 : i32
          %dma_wait3A_424 = arith.constant 0 : i32
          %dma_wait3A_425 = tpu.memref_slice %arg10[%add3A_420, %dma_wait3A_423, %dma_wait3A_424] : memref<4x80x128xf32, #tpu.memory_space<vmem>> -> memref<1x80x128xf32, #tpu.memory_space<vmem>>
          %dma_wait3A_426 = tpu.memref_squeeze %dma_wait3A_425 : memref<1x80x128xf32, #tpu.memory_space<vmem>> -> memref<80x128xf32, #tpu.memory_space<vmem>>
          %dma_wait3A_427 = arith.constant 0 : i32
          %dma_wait3A_428 = tpu.memref_slice %arg9[%add3A_422, %dma_wait3A_427] : memref<8x80xi32, #tpu.memory_space<vmem>> -> memref<1x80xi32, #tpu.memory_space<vmem>>
          %dma_wait3A_429 = tpu.memref_squeeze %dma_wait3A_428 : memref<1x80xi32, #tpu.memory_space<vmem>> -> memref<80xi32, #tpu.memory_space<vmem>>
          %dma_wait3A_430 = arith.constant 0 : i32
          %dma_wait3A_431 = arith.constant 0 : i32
          %dma_wait3A_432 = tpu.memref_slice %arg7[%dma_wait3A_430, %dma_wait3A_431] : memref<10000x128xf32, #tpu.memory_space<vmem_shared>> -> memref<10000x128xf32, #tpu.memory_space<vmem_shared>>
          tpu.wait_indirect_dma semaphore(%arg15 : memref<!tpu.dma_semaphore, #tpu.memory_space<semaphore_mem>>) src(%dma_wait3A_426 : memref<80x128xf32, #tpu.memory_space<vmem>>) dst(%dma_wait3A_432 : memref<10000x128xf32, #tpu.memory_space<vmem_shared>>)
        } else {
        }
        %add3A_354 = arith.constant 1 : i32
        %add3A_355 = arith.addi %scan3A_185, %add3A_354 : i32
        %lt3A_356 = arith.constant 62 : i32
        %lt3A_357 = arith.cmpi slt, %add3A_355, %lt3A_356 : i32
        %convert_element_type3A_358 = arith.extui %lt3A_357 : i1 to i32
        %cond3A_359 = arith.constant 0 : i32
        %cond3A_360 = arith.cmpi ne, %convert_element_type3A_358, %cond3A_359 : i32
        scf.if %cond3A_360 {
          %add3A_368 = arith.constant 1 : i32
          %add3A_369 = arith.addi %scan3A_185, %add3A_368 : i32
          %jit3A_370 = arith.constant 4 : i32
          %eq3A_371 = arith.constant 0 : i32
          %eq3A_372 = arith.cmpi eq, %jit3A_370, %eq3A_371 : i32
          %jit3A_373 = arith.constant 1 : i32
          %select_n3A_374 = arith.select %eq3A_372, %jit3A_373, %jit3A_370 : i32
          %rem3A_375 = arith.remsi %add3A_369, %select_n3A_374 : i32
          %ne3A_376 = arith.constant 0 : i32
          %ne3A_377 = arith.cmpi ne, %rem3A_375, %ne3A_376 : i32
          %lt3A_378 = arith.constant 0 : i32
          %lt3A_379 = arith.cmpi slt, %rem3A_375, %lt3A_378 : i32
          %lt3A_380 = arith.constant 0 : i32
          %lt3A_381 = arith.cmpi slt, %select_n3A_374, %lt3A_380 : i32
          %ne3A_382 = arith.xori %lt3A_379, %lt3A_381 : i1
          %and3A_383 = arith.andi %ne3A_382, %ne3A_377 : i1
          %add3A_384 = arith.addi %rem3A_375, %select_n3A_374 : i32
          %select_n3A_385 = arith.select %and3A_383, %add3A_384, %rem3A_375 : i32
          %mul3A_386 = arith.constant 2 : i32
          %mul3A_387 = arith.muli %select_n3A_385, %mul3A_386 : i32
          %add3A_388 = arith.constant 0 : i32
          %add3A_389 = arith.addi %mul3A_387, %add3A_388 : i32
          %dma_wait3A_390 = arith.constant 0 : i32
          %dma_wait3A_391 = tpu.memref_slice %arg8[%add3A_389, %dma_wait3A_390] : memref<8x80xi32, #tpu.memory_space<vmem>> -> memref<1x80xi32, #tpu.memory_space<vmem>>
          %dma_wait3A_392 = tpu.memref_squeeze %dma_wait3A_391 : memref<1x80xi32, #tpu.memory_space<vmem>> -> memref<80xi32, #tpu.memory_space<vmem>>
          %dma_wait3A_393 = tpu.memref_slice %arg3[%mul3A_2] : memref<320000xi32, #tpu.memory_space<hbm>> -> memref<80xi32, #tpu.memory_space<hbm>>
          %dma_wait3A_394 = arith.constant 0 : i32
          %dma_wait3A_395 = tpu.memref_slice %arg8[%add3A_389, %dma_wait3A_394] : memref<8x80xi32, #tpu.memory_space<vmem>> -> memref<1x80xi32, #tpu.memory_space<vmem>>
          %dma_wait3A_396 = tpu.memref_squeeze %dma_wait3A_395 : memref<1x80xi32, #tpu.memory_space<vmem>> -> memref<80xi32, #tpu.memory_space<vmem>>
          %dma_wait3A_397 = tpu.memref_slice %arg3[%mul3A_2] : memref<320000xi32, #tpu.memory_space<hbm>> -> memref<80xi32, #tpu.memory_space<hbm>>
          tpu.wait_dma2 semaphore(%arg11 : memref<!tpu.dma_semaphore, #tpu.memory_space<semaphore_mem>>) src(%dma_wait3A_397 : memref<80xi32, #tpu.memory_space<hbm>>) dst(%dma_wait3A_396 : memref<80xi32, #tpu.memory_space<vmem>>)
          %add3A_398 = arith.constant 0 : i32
          %add3A_399 = arith.addi %mul3A_387, %add3A_398 : i32
          %dma_wait3A_400 = arith.constant 0 : i32
          %dma_wait3A_401 = tpu.memref_slice %arg9[%add3A_399, %dma_wait3A_400] : memref<8x80xi32, #tpu.memory_space<vmem>> -> memref<1x80xi32, #tpu.memory_space<vmem>>
          %dma_wait3A_402 = tpu.memref_squeeze %dma_wait3A_401 : memref<1x80xi32, #tpu.memory_space<vmem>> -> memref<80xi32, #tpu.memory_space<vmem>>
          %dma_wait3A_403 = tpu.memref_slice %arg4[%mul3A_2] : memref<320000xi32, #tpu.memory_space<hbm>> -> memref<80xi32, #tpu.memory_space<hbm>>
          %dma_wait3A_404 = arith.constant 0 : i32
          %dma_wait3A_405 = tpu.memref_slice %arg9[%add3A_399, %dma_wait3A_404] : memref<8x80xi32, #tpu.memory_space<vmem>> -> memref<1x80xi32, #tpu.memory_space<vmem>>
          %dma_wait3A_406 = tpu.memref_squeeze %dma_wait3A_405 : memref<1x80xi32, #tpu.memory_space<vmem>> -> memref<80xi32, #tpu.memory_space<vmem>>
          %dma_wait3A_407 = tpu.memref_slice %arg4[%mul3A_2] : memref<320000xi32, #tpu.memory_space<hbm>> -> memref<80xi32, #tpu.memory_space<hbm>>
          tpu.wait_dma2 semaphore(%arg11 : memref<!tpu.dma_semaphore, #tpu.memory_space<semaphore_mem>>) src(%dma_wait3A_407 : memref<80xi32, #tpu.memory_space<hbm>>) dst(%dma_wait3A_406 : memref<80xi32, #tpu.memory_space<vmem>>)
          %add3A_408 = arith.constant 1 : i32
          %add3A_409 = arith.addi %mul3A_387, %add3A_408 : i32
          %dma_wait3A_410 = arith.constant 0 : i32
          %dma_wait3A_411 = tpu.memref_slice %arg8[%add3A_409, %dma_wait3A_410] : memref<8x80xi32, #tpu.memory_space<vmem>> -> memref<1x80xi32, #tpu.memory_space<vmem>>
          %dma_wait3A_412 = tpu.memref_squeeze %dma_wait3A_411 : memref<1x80xi32, #tpu.memory_space<vmem>> -> memref<80xi32, #tpu.memory_space<vmem>>
          %dma_wait3A_413 = tpu.memref_slice %arg3[%mul3A_2] : memref<320000xi32, #tpu.memory_space<hbm>> -> memref<80xi32, #tpu.memory_space<hbm>>
          %dma_wait3A_414 = arith.constant 0 : i32
          %dma_wait3A_415 = tpu.memref_slice %arg8[%add3A_409, %dma_wait3A_414] : memref<8x80xi32, #tpu.memory_space<vmem>> -> memref<1x80xi32, #tpu.memory_space<vmem>>
          %dma_wait3A_416 = tpu.memref_squeeze %dma_wait3A_415 : memref<1x80xi32, #tpu.memory_space<vmem>> -> memref<80xi32, #tpu.memory_space<vmem>>
          %dma_wait3A_417 = tpu.memref_slice %arg3[%mul3A_2] : memref<320000xi32, #tpu.memory_space<hbm>> -> memref<80xi32, #tpu.memory_space<hbm>>
          tpu.wait_dma2 semaphore(%arg11 : memref<!tpu.dma_semaphore, #tpu.memory_space<semaphore_mem>>) src(%dma_wait3A_417 : memref<80xi32, #tpu.memory_space<hbm>>) dst(%dma_wait3A_416 : memref<80xi32, #tpu.memory_space<vmem>>)
          %add3A_418 = arith.constant 1 : i32
          %add3A_419 = arith.addi %mul3A_387, %add3A_418 : i32
          %dma_wait3A_420 = arith.constant 0 : i32
          %dma_wait3A_421 = tpu.memref_slice %arg9[%add3A_419, %dma_wait3A_420] : memref<8x80xi32, #tpu.memory_space<vmem>> -> memref<1x80xi32, #tpu.memory_space<vmem>>
          %dma_wait3A_422 = tpu.memref_squeeze %dma_wait3A_421 : memref<1x80xi32, #tpu.memory_space<vmem>> -> memref<80xi32, #tpu.memory_space<vmem>>
          %dma_wait3A_423 = tpu.memref_slice %arg4[%mul3A_2] : memref<320000xi32, #tpu.memory_space<hbm>> -> memref<80xi32, #tpu.memory_space<hbm>>
          %dma_wait3A_424 = arith.constant 0 : i32
          %dma_wait3A_425 = tpu.memref_slice %arg9[%add3A_419, %dma_wait3A_424] : memref<8x80xi32, #tpu.memory_space<vmem>> -> memref<1x80xi32, #tpu.memory_space<vmem>>
          %dma_wait3A_426 = tpu.memref_squeeze %dma_wait3A_425 : memref<1x80xi32, #tpu.memory_space<vmem>> -> memref<80xi32, #tpu.memory_space<vmem>>
          %dma_wait3A_427 = tpu.memref_slice %arg4[%mul3A_2] : memref<320000xi32, #tpu.memory_space<hbm>> -> memref<80xi32, #tpu.memory_space<hbm>>
          tpu.wait_dma2 semaphore(%arg11 : memref<!tpu.dma_semaphore, #tpu.memory_space<semaphore_mem>>) src(%dma_wait3A_427 : memref<80xi32, #tpu.memory_space<hbm>>) dst(%dma_wait3A_426 : memref<80xi32, #tpu.memory_space<vmem>>)
          %add3A_428 = arith.constant 1 : i32
          %add3A_429 = arith.addi %scan3A_185, %add3A_428 : i32
          %jit3A_430 = arith.constant 4 : i32
          %eq3A_431 = arith.constant 0 : i32
          %eq3A_432 = arith.cmpi eq, %jit3A_430, %eq3A_431 : i32
          %jit3A_433 = arith.constant 1 : i32
          %select_n3A_434 = arith.select %eq3A_432, %jit3A_433, %jit3A_430 : i32
          %rem3A_435 = arith.remsi %add3A_429, %select_n3A_434 : i32
          %ne3A_436 = arith.constant 0 : i32
          %ne3A_437 = arith.cmpi ne, %rem3A_435, %ne3A_436 : i32
          %lt3A_438 = arith.constant 0 : i32
          %lt3A_439 = arith.cmpi slt, %rem3A_435, %lt3A_438 : i32
          %lt3A_440 = arith.constant 0 : i32
          %lt3A_441 = arith.cmpi slt, %select_n3A_434, %lt3A_440 : i32
          %ne3A_442 = arith.xori %lt3A_439, %lt3A_441 : i1
          %and3A_443 = arith.andi %ne3A_442, %ne3A_437 : i1
          %add3A_444 = arith.addi %rem3A_435, %select_n3A_434 : i32
          %select_n3A_445 = arith.select %and3A_443, %add3A_444, %rem3A_435 : i32
          %mul3A_446 = arith.constant 2 : i32
          %mul3A_447 = arith.muli %select_n3A_445, %mul3A_446 : i32
          %jit3A_448 = arith.constant 2 : i32
          %eq3A_449 = arith.constant 0 : i32
          %eq3A_450 = arith.cmpi eq, %jit3A_448, %eq3A_449 : i32
          %jit3A_451 = arith.constant 1 : i32
          %select_n3A_452 = arith.select %eq3A_450, %jit3A_451, %jit3A_448 : i32
          %rem3A_453 = arith.remsi %add3A_429, %select_n3A_452 : i32
          %ne3A_454 = arith.constant 0 : i32
          %ne3A_455 = arith.cmpi ne, %rem3A_453, %ne3A_454 : i32
          %lt3A_456 = arith.constant 0 : i32
          %lt3A_457 = arith.cmpi slt, %rem3A_453, %lt3A_456 : i32
          %lt3A_458 = arith.constant 0 : i32
          %lt3A_459 = arith.cmpi slt, %select_n3A_452, %lt3A_458 : i32
          %ne3A_460 = arith.xori %lt3A_457, %lt3A_459 : i1
          %and3A_461 = arith.andi %ne3A_460, %ne3A_455 : i1
          %add3A_462 = arith.addi %rem3A_453, %select_n3A_452 : i32
          %select_n3A_463 = arith.select %and3A_461, %add3A_462, %rem3A_453 : i32
          %mul3A_464 = arith.constant 2 : i32
          %mul3A_465 = arith.muli %select_n3A_463, %mul3A_464 : i32
          %add3A_466 = arith.constant 0 : i32
          %add3A_467 = arith.addi %mul3A_447, %add3A_466 : i32
          %add3A_468 = arith.constant 0 : i32
          %add3A_469 = arith.addi %mul3A_465, %add3A_468 : i32
          %dma_start3A_470 = arith.constant 0 : i32
          %dma_start3A_471 = arith.constant 0 : i32
          %dma_start3A_472 = tpu.memref_slice %arg10[%add3A_469, %dma_start3A_470, %dma_start3A_471] : memref<4x80x128xf32, #tpu.memory_space<vmem>> -> memref<1x80x128xf32, #tpu.memory_space<vmem>>
          %dma_start3A_473 = tpu.memref_squeeze %dma_start3A_472 : memref<1x80x128xf32, #tpu.memory_space<vmem>> -> memref<80x128xf32, #tpu.memory_space<vmem>>
          %dma_start3A_474 = arith.constant 0 : i32
          %dma_start3A_475 = tpu.memref_slice %arg8[%add3A_467, %dma_start3A_474] : memref<8x80xi32, #tpu.memory_space<vmem>> -> memref<1x80xi32, #tpu.memory_space<vmem>>
          %dma_start3A_476 = tpu.memref_squeeze %dma_start3A_475 : memref<1x80xi32, #tpu.memory_space<vmem>> -> memref<80xi32, #tpu.memory_space<vmem>>
          %dma_start3A_477 = arith.constant 0 : i32
          %dma_start3A_478 = arith.constant 0 : i32
          %dma_start3A_479 = tpu.memref_slice %arg2[%dma_start3A_477, %dma_start3A_478] : memref<10000x128xf32, #tpu.memory_space<hbm>> -> memref<10000x128xf32, #tpu.memory_space<hbm>>
          tpu.enqueue_indirect_dma source(%dma_start3A_479 : memref<10000x128xf32, #tpu.memory_space<hbm>>) target(%dma_start3A_473 : memref<80x128xf32, #tpu.memory_space<vmem>>) offsets(%dma_start3A_476 : memref<80xi32, #tpu.memory_space<vmem>>) semaphore(%arg13 : memref<!tpu.dma_semaphore, #tpu.memory_space<semaphore_mem>>)
          %add3A_480 = arith.constant 1 : i32
          %add3A_481 = arith.addi %mul3A_447, %add3A_480 : i32
          %add3A_482 = arith.constant 1 : i32
          %add3A_483 = arith.addi %mul3A_465, %add3A_482 : i32
          %dma_start3A_484 = arith.constant 0 : i32
          %dma_start3A_485 = arith.constant 0 : i32
          %dma_start3A_486 = tpu.memref_slice %arg10[%add3A_483, %dma_start3A_484, %dma_start3A_485] : memref<4x80x128xf32, #tpu.memory_space<vmem>> -> memref<1x80x128xf32, #tpu.memory_space<vmem>>
          %dma_start3A_487 = tpu.memref_squeeze %dma_start3A_486 : memref<1x80x128xf32, #tpu.memory_space<vmem>> -> memref<80x128xf32, #tpu.memory_space<vmem>>
          %dma_start3A_488 = arith.constant 0 : i32
          %dma_start3A_489 = tpu.memref_slice %arg8[%add3A_481, %dma_start3A_488] : memref<8x80xi32, #tpu.memory_space<vmem>> -> memref<1x80xi32, #tpu.memory_space<vmem>>
          %dma_start3A_490 = tpu.memref_squeeze %dma_start3A_489 : memref<1x80xi32, #tpu.memory_space<vmem>> -> memref<80xi32, #tpu.memory_space<vmem>>
          %dma_start3A_491 = arith.constant 0 : i32
          %dma_start3A_492 = arith.constant 0 : i32
          %dma_start3A_493 = tpu.memref_slice %arg2[%dma_start3A_491, %dma_start3A_492] : memref<10000x128xf32, #tpu.memory_space<hbm>> -> memref<10000x128xf32, #tpu.memory_space<hbm>>
          tpu.enqueue_indirect_dma source(%dma_start3A_493 : memref<10000x128xf32, #tpu.memory_space<hbm>>) target(%dma_start3A_487 : memref<80x128xf32, #tpu.memory_space<vmem>>) offsets(%dma_start3A_490 : memref<80xi32, #tpu.memory_space<vmem>>) semaphore(%arg13 : memref<!tpu.dma_semaphore, #tpu.memory_space<semaphore_mem>>)
        } else {
        }
        %add3A_361 = arith.constant 2 : i32
        %add3A_362 = arith.addi %scan3A_185, %add3A_361 : i32
        %lt3A_363 = arith.constant 62 : i32
        %lt3A_364 = arith.cmpi slt, %add3A_362, %lt3A_363 : i32
        %convert_element_type3A_365 = arith.extui %lt3A_364 : i1 to i32
        %cond3A_366 = arith.constant 0 : i32
        %cond3A_367 = arith.cmpi ne, %convert_element_type3A_365, %cond3A_366 : i32
        scf.if %cond3A_367 {
          %add3A_368 = arith.constant 2 : i32
          %add3A_369 = arith.addi %scan3A_185, %add3A_368 : i32
          %jit3A_370 = arith.constant 4 : i32
          %eq3A_371 = arith.constant 0 : i32
          %eq3A_372 = arith.cmpi eq, %jit3A_370, %eq3A_371 : i32
          %jit3A_373 = arith.constant 1 : i32
          %select_n3A_374 = arith.select %eq3A_372, %jit3A_373, %jit3A_370 : i32
          %rem3A_375 = arith.remsi %add3A_369, %select_n3A_374 : i32
          %ne3A_376 = arith.constant 0 : i32
          %ne3A_377 = arith.cmpi ne, %rem3A_375, %ne3A_376 : i32
          %lt3A_378 = arith.constant 0 : i32
          %lt3A_379 = arith.cmpi slt, %rem3A_375, %lt3A_378 : i32
          %lt3A_380 = arith.constant 0 : i32
          %lt3A_381 = arith.cmpi slt, %select_n3A_374, %lt3A_380 : i32
          %ne3A_382 = arith.xori %lt3A_379, %lt3A_381 : i1
          %and3A_383 = arith.andi %ne3A_382, %ne3A_377 : i1
          %add3A_384 = arith.addi %rem3A_375, %select_n3A_374 : i32
          %select_n3A_385 = arith.select %and3A_383, %add3A_384, %rem3A_375 : i32
          %mul3A_386 = arith.constant 2 : i32
          %mul3A_387 = arith.muli %select_n3A_385, %mul3A_386 : i32
          %mul3A_388 = arith.constant 2 : i32
          %mul3A_389 = arith.muli %add3A_369, %mul3A_388 : i32
          %add3A_390 = arith.constant 0 : i32
          %add3A_391 = arith.addi %mul3A_389, %add3A_390 : i32
          %mul3A_392 = arith.constant 80 : i32
          %mul3A_393 = arith.muli %add3A_391, %mul3A_392 : i32
          %add3A_394 = arith.addi %mul3A_2, %mul3A_393 : i32
          %add3A_395 = arith.constant 0 : i32
          %add3A_396 = arith.addi %mul3A_387, %add3A_395 : i32
          %dma_start3A_397 = arith.constant 0 : i32
          %dma_start3A_398 = tpu.memref_slice %arg8[%add3A_396, %dma_start3A_397] : memref<8x80xi32, #tpu.memory_space<vmem>> -> memref<1x80xi32, #tpu.memory_space<vmem>>
          %dma_start3A_399 = tpu.memref_squeeze %dma_start3A_398 : memref<1x80xi32, #tpu.memory_space<vmem>> -> memref<80xi32, #tpu.memory_space<vmem>>
          %dma_start3A_400 = tpu.memref_slice %arg3[%add3A_394] : memref<320000xi32, #tpu.memory_space<hbm>> -> memref<80xi32, #tpu.memory_space<hbm>>
          %dma_start3A_401 = arith.constant 0 : i32
          %dma_start3A_402 = tpu.memref_slice %arg8[%add3A_396, %dma_start3A_401] : memref<8x80xi32, #tpu.memory_space<vmem>> -> memref<1x80xi32, #tpu.memory_space<vmem>>
          %dma_start3A_403 = tpu.memref_squeeze %dma_start3A_402 : memref<1x80xi32, #tpu.memory_space<vmem>> -> memref<80xi32, #tpu.memory_space<vmem>>
          %dma_start3A_404 = tpu.memref_slice %arg3[%add3A_394] : memref<320000xi32, #tpu.memory_space<hbm>> -> memref<80xi32, #tpu.memory_space<hbm>>
          tpu.enqueue_dma source(%dma_start3A_404 : memref<80xi32, #tpu.memory_space<hbm>>) target(%dma_start3A_403 : memref<80xi32, #tpu.memory_space<vmem>>) target_semaphore(%arg12 : memref<!tpu.dma_semaphore, #tpu.memory_space<semaphore_mem>>)
          %add3A_405 = arith.constant 0 : i32
          %add3A_406 = arith.addi %mul3A_387, %add3A_405 : i32
          %dma_start3A_407 = arith.constant 0 : i32
          %dma_start3A_408 = tpu.memref_slice %arg9[%add3A_406, %dma_start3A_407] : memref<8x80xi32, #tpu.memory_space<vmem>> -> memref<1x80xi32, #tpu.memory_space<vmem>>
          %dma_start3A_409 = tpu.memref_squeeze %dma_start3A_408 : memref<1x80xi32, #tpu.memory_space<vmem>> -> memref<80xi32, #tpu.memory_space<vmem>>
          %dma_start3A_410 = tpu.memref_slice %arg4[%add3A_394] : memref<320000xi32, #tpu.memory_space<hbm>> -> memref<80xi32, #tpu.memory_space<hbm>>
          %dma_start3A_411 = arith.constant 0 : i32
          %dma_start3A_412 = tpu.memref_slice %arg9[%add3A_406, %dma_start3A_411] : memref<8x80xi32, #tpu.memory_space<vmem>> -> memref<1x80xi32, #tpu.memory_space<vmem>>
          %dma_start3A_413 = tpu.memref_squeeze %dma_start3A_412 : memref<1x80xi32, #tpu.memory_space<vmem>> -> memref<80xi32, #tpu.memory_space<vmem>>
          %dma_start3A_414 = tpu.memref_slice %arg4[%add3A_394] : memref<320000xi32, #tpu.memory_space<hbm>> -> memref<80xi32, #tpu.memory_space<hbm>>
          tpu.enqueue_dma source(%dma_start3A_414 : memref<80xi32, #tpu.memory_space<hbm>>) target(%dma_start3A_413 : memref<80xi32, #tpu.memory_space<vmem>>) target_semaphore(%arg12 : memref<!tpu.dma_semaphore, #tpu.memory_space<semaphore_mem>>)
          %mul3A_415 = arith.constant 2 : i32
          %mul3A_416 = arith.muli %add3A_369, %mul3A_415 : i32
          %add3A_417 = arith.constant 1 : i32
          %add3A_418 = arith.addi %mul3A_416, %add3A_417 : i32
          %mul3A_419 = arith.constant 80 : i32
          %mul3A_420 = arith.muli %add3A_418, %mul3A_419 : i32
          %add3A_421 = arith.addi %mul3A_2, %mul3A_420 : i32
          %add3A_422 = arith.constant 1 : i32
          %add3A_423 = arith.addi %mul3A_387, %add3A_422 : i32
          %dma_start3A_424 = arith.constant 0 : i32
          %dma_start3A_425 = tpu.memref_slice %arg8[%add3A_423, %dma_start3A_424] : memref<8x80xi32, #tpu.memory_space<vmem>> -> memref<1x80xi32, #tpu.memory_space<vmem>>
          %dma_start3A_426 = tpu.memref_squeeze %dma_start3A_425 : memref<1x80xi32, #tpu.memory_space<vmem>> -> memref<80xi32, #tpu.memory_space<vmem>>
          %dma_start3A_427 = tpu.memref_slice %arg3[%add3A_421] : memref<320000xi32, #tpu.memory_space<hbm>> -> memref<80xi32, #tpu.memory_space<hbm>>
          %dma_start3A_428 = arith.constant 0 : i32
          %dma_start3A_429 = tpu.memref_slice %arg8[%add3A_423, %dma_start3A_428] : memref<8x80xi32, #tpu.memory_space<vmem>> -> memref<1x80xi32, #tpu.memory_space<vmem>>
          %dma_start3A_430 = tpu.memref_squeeze %dma_start3A_429 : memref<1x80xi32, #tpu.memory_space<vmem>> -> memref<80xi32, #tpu.memory_space<vmem>>
          %dma_start3A_431 = tpu.memref_slice %arg3[%add3A_421] : memref<320000xi32, #tpu.memory_space<hbm>> -> memref<80xi32, #tpu.memory_space<hbm>>
          tpu.enqueue_dma source(%dma_start3A_431 : memref<80xi32, #tpu.memory_space<hbm>>) target(%dma_start3A_430 : memref<80xi32, #tpu.memory_space<vmem>>) target_semaphore(%arg12 : memref<!tpu.dma_semaphore, #tpu.memory_space<semaphore_mem>>)
          %add3A_432 = arith.constant 1 : i32
          %add3A_433 = arith.addi %mul3A_387, %add3A_432 : i32
          %dma_start3A_434 = arith.constant 0 : i32
          %dma_start3A_435 = tpu.memref_slice %arg9[%add3A_433, %dma_start3A_434] : memref<8x80xi32, #tpu.memory_space<vmem>> -> memref<1x80xi32, #tpu.memory_space<vmem>>
          %dma_start3A_436 = tpu.memref_squeeze %dma_start3A_435 : memref<1x80xi32, #tpu.memory_space<vmem>> -> memref<80xi32, #tpu.memory_space<vmem>>
          %dma_start3A_437 = tpu.memref_slice %arg4[%add3A_421] : memref<320000xi32, #tpu.memory_space<hbm>> -> memref<80xi32, #tpu.memory_space<hbm>>
          %dma_start3A_438 = arith.constant 0 : i32
          %dma_start3A_439 = tpu.memref_slice %arg9[%add3A_433, %dma_start3A_438] : memref<8x80xi32, #tpu.memory_space<vmem>> -> memref<1x80xi32, #tpu.memory_space<vmem>>
          %dma_start3A_440 = tpu.memref_squeeze %dma_start3A_439 : memref<1x80xi32, #tpu.memory_space<vmem>> -> memref<80xi32, #tpu.memory_space<vmem>>
          %dma_start3A_441 = tpu.memref_slice %arg4[%add3A_421] : memref<320000xi32, #tpu.memory_space<hbm>> -> memref<80xi32, #tpu.memory_space<hbm>>
          tpu.enqueue_dma source(%dma_start3A_441 : memref<80xi32, #tpu.memory_space<hbm>>) target(%dma_start3A_440 : memref<80xi32, #tpu.memory_space<vmem>>) target_semaphore(%arg12 : memref<!tpu.dma_semaphore, #tpu.memory_space<semaphore_mem>>)
        } else {
        }
      } else {
      }
    }
    %scan3A_147 = arith.constant 62 : i32
    %dma_wait3A_148 = arith.constant 2 : i32
    %dma_wait3A_149 = arith.constant 2 : i32
    %dma_wait3A_150 = arith.constant 0 : i32
    %dma_wait3A_151 = arith.constant 0 : i32
    %dma_wait3A_152 = tpu.memref_slice %arg10[%dma_wait3A_148, %dma_wait3A_150, %dma_wait3A_151] : memref<4x80x128xf32, #tpu.memory_space<vmem>> -> memref<1x80x128xf32, #tpu.memory_space<vmem>>
    %dma_wait3A_153 = tpu.memref_squeeze %dma_wait3A_152 : memref<1x80x128xf32, #tpu.memory_space<vmem>> -> memref<80x128xf32, #tpu.memory_space<vmem>>
    %dma_wait3A_154 = arith.constant 0 : i32
    %dma_wait3A_155 = tpu.memref_slice %arg9[%dma_wait3A_149, %dma_wait3A_154] : memref<8x80xi32, #tpu.memory_space<vmem>> -> memref<1x80xi32, #tpu.memory_space<vmem>>
    %dma_wait3A_156 = tpu.memref_squeeze %dma_wait3A_155 : memref<1x80xi32, #tpu.memory_space<vmem>> -> memref<80xi32, #tpu.memory_space<vmem>>
    %dma_wait3A_157 = arith.constant 0 : i32
    %dma_wait3A_158 = arith.constant 0 : i32
    %dma_wait3A_159 = tpu.memref_slice %arg7[%dma_wait3A_157, %dma_wait3A_158] : memref<10000x128xf32, #tpu.memory_space<vmem_shared>> -> memref<10000x128xf32, #tpu.memory_space<vmem_shared>>
    tpu.wait_indirect_dma semaphore(%arg16 : memref<!tpu.dma_semaphore, #tpu.memory_space<semaphore_mem>>) src(%dma_wait3A_153 : memref<80x128xf32, #tpu.memory_space<vmem>>) dst(%dma_wait3A_159 : memref<10000x128xf32, #tpu.memory_space<vmem_shared>>)
    %dma_wait3A_160 = arith.constant 3 : i32
    %dma_wait3A_161 = arith.constant 3 : i32
    %dma_wait3A_162 = arith.constant 0 : i32
    %dma_wait3A_163 = arith.constant 0 : i32
    %dma_wait3A_164 = tpu.memref_slice %arg10[%dma_wait3A_160, %dma_wait3A_162, %dma_wait3A_163] : memref<4x80x128xf32, #tpu.memory_space<vmem>> -> memref<1x80x128xf32, #tpu.memory_space<vmem>>
    %dma_wait3A_165 = tpu.memref_squeeze %dma_wait3A_164 : memref<1x80x128xf32, #tpu.memory_space<vmem>> -> memref<80x128xf32, #tpu.memory_space<vmem>>
    %dma_wait3A_166 = arith.constant 0 : i32
    %dma_wait3A_167 = tpu.memref_slice %arg9[%dma_wait3A_161, %dma_wait3A_166] : memref<8x80xi32, #tpu.memory_space<vmem>> -> memref<1x80xi32, #tpu.memory_space<vmem>>
    %dma_wait3A_168 = tpu.memref_squeeze %dma_wait3A_167 : memref<1x80xi32, #tpu.memory_space<vmem>> -> memref<80xi32, #tpu.memory_space<vmem>>
    %dma_wait3A_169 = arith.constant 0 : i32
    %dma_wait3A_170 = arith.constant 0 : i32
    %dma_wait3A_171 = tpu.memref_slice %arg7[%dma_wait3A_169, %dma_wait3A_170] : memref<10000x128xf32, #tpu.memory_space<vmem_shared>> -> memref<10000x128xf32, #tpu.memory_space<vmem_shared>>
    tpu.wait_indirect_dma semaphore(%arg16 : memref<!tpu.dma_semaphore, #tpu.memory_space<semaphore_mem>>) src(%dma_wait3A_165 : memref<80x128xf32, #tpu.memory_space<vmem>>) dst(%dma_wait3A_171 : memref<10000x128xf32, #tpu.memory_space<vmem_shared>>)
    %add3A_172 = arith.constant 9920 : i32
    %add3A_173 = arith.addi %mul3A_2, %add3A_172 : i32
    %run_scoped3A = arith.constant 0 : i32
    "tpu.region"() ({
      %run_scoped3A_185 = tpu.sem_alloc : memref<!tpu.dma_semaphore, #tpu.memory_space<semaphore_mem>>
      %dma_start3A_186 = arith.constant 0 : i32
      %dma_start3A_187 = tpu.memref_slice %arg8[%run_scoped3A, %dma_start3A_186] : memref<8x80xi32, #tpu.memory_space<vmem>> -> memref<1x80xi32, #tpu.memory_space<vmem>>
      %dma_start3A_188 = tpu.memref_squeeze %dma_start3A_187 : memref<1x80xi32, #tpu.memory_space<vmem>> -> memref<80xi32, #tpu.memory_space<vmem>>
      %dma_start3A_189 = tpu.memref_slice %arg3[%add3A_173] : memref<320000xi32, #tpu.memory_space<hbm>> -> memref<80xi32, #tpu.memory_space<hbm>>
      %dma_start3A_190 = arith.constant 0 : i32
      %dma_start3A_191 = tpu.memref_slice %arg8[%run_scoped3A, %dma_start3A_190] : memref<8x80xi32, #tpu.memory_space<vmem>> -> memref<1x80xi32, #tpu.memory_space<vmem>>
      %dma_start3A_192 = tpu.memref_squeeze %dma_start3A_191 : memref<1x80xi32, #tpu.memory_space<vmem>> -> memref<80xi32, #tpu.memory_space<vmem>>
      %dma_start3A_193 = tpu.memref_slice %arg3[%add3A_173] : memref<320000xi32, #tpu.memory_space<hbm>> -> memref<80xi32, #tpu.memory_space<hbm>>
      tpu.enqueue_dma source(%dma_start3A_193 : memref<80xi32, #tpu.memory_space<hbm>>) target(%dma_start3A_192 : memref<80xi32, #tpu.memory_space<vmem>>) target_semaphore(%run_scoped3A_185 : memref<!tpu.dma_semaphore, #tpu.memory_space<semaphore_mem>>)
      %dma_wait3A_194 = arith.constant 0 : i32
      %dma_wait3A_195 = tpu.memref_slice %arg8[%run_scoped3A, %dma_wait3A_194] : memref<8x80xi32, #tpu.memory_space<vmem>> -> memref<1x80xi32, #tpu.memory_space<vmem>>
      %dma_wait3A_196 = tpu.memref_squeeze %dma_wait3A_195 : memref<1x80xi32, #tpu.memory_space<vmem>> -> memref<80xi32, #tpu.memory_space<vmem>>
      %dma_wait3A_197 = tpu.memref_slice %arg3[%add3A_173] : memref<320000xi32, #tpu.memory_space<hbm>> -> memref<80xi32, #tpu.memory_space<hbm>>
      %dma_wait3A_198 = arith.constant 0 : i32
      %dma_wait3A_199 = tpu.memref_slice %arg8[%run_scoped3A, %dma_wait3A_198] : memref<8x80xi32, #tpu.memory_space<vmem>> -> memref<1x80xi32, #tpu.memory_space<vmem>>
      %dma_wait3A_200 = tpu.memref_squeeze %dma_wait3A_199 : memref<1x80xi32, #tpu.memory_space<vmem>> -> memref<80xi32, #tpu.memory_space<vmem>>
      %dma_wait3A_201 = tpu.memref_slice %arg3[%add3A_173] : memref<320000xi32, #tpu.memory_space<hbm>> -> memref<80xi32, #tpu.memory_space<hbm>>
      tpu.wait_dma2 semaphore(%run_scoped3A_185 : memref<!tpu.dma_semaphore, #tpu.memory_space<semaphore_mem>>) src(%dma_wait3A_201 : memref<80xi32, #tpu.memory_space<hbm>>) dst(%dma_wait3A_200 : memref<80xi32, #tpu.memory_space<vmem>>)
      tpu.yield
    }) : () -> ()
    %run_scoped3A_174 = arith.constant 0 : i32
    "tpu.region"() ({
      %run_scoped3A_185 = tpu.sem_alloc : memref<!tpu.dma_semaphore, #tpu.memory_space<semaphore_mem>>
      %dma_start3A_186 = arith.constant 0 : i32
      %dma_start3A_187 = tpu.memref_slice %arg9[%run_scoped3A_174, %dma_start3A_186] : memref<8x80xi32, #tpu.memory_space<vmem>> -> memref<1x80xi32, #tpu.memory_space<vmem>>
      %dma_start3A_188 = tpu.memref_squeeze %dma_start3A_187 : memref<1x80xi32, #tpu.memory_space<vmem>> -> memref<80xi32, #tpu.memory_space<vmem>>
      %dma_start3A_189 = tpu.memref_slice %arg4[%add3A_173] : memref<320000xi32, #tpu.memory_space<hbm>> -> memref<80xi32, #tpu.memory_space<hbm>>
      %dma_start3A_190 = arith.constant 0 : i32
      %dma_start3A_191 = tpu.memref_slice %arg9[%run_scoped3A_174, %dma_start3A_190] : memref<8x80xi32, #tpu.memory_space<vmem>> -> memref<1x80xi32, #tpu.memory_space<vmem>>
      %dma_start3A_192 = tpu.memref_squeeze %dma_start3A_191 : memref<1x80xi32, #tpu.memory_space<vmem>> -> memref<80xi32, #tpu.memory_space<vmem>>
      %dma_start3A_193 = tpu.memref_slice %arg4[%add3A_173] : memref<320000xi32, #tpu.memory_space<hbm>> -> memref<80xi32, #tpu.memory_space<hbm>>
      tpu.enqueue_dma source(%dma_start3A_193 : memref<80xi32, #tpu.memory_space<hbm>>) target(%dma_start3A_192 : memref<80xi32, #tpu.memory_space<vmem>>) target_semaphore(%run_scoped3A_185 : memref<!tpu.dma_semaphore, #tpu.memory_space<semaphore_mem>>)
      %dma_wait3A_194 = arith.constant 0 : i32
      %dma_wait3A_195 = tpu.memref_slice %arg9[%run_scoped3A_174, %dma_wait3A_194] : memref<8x80xi32, #tpu.memory_space<vmem>> -> memref<1x80xi32, #tpu.memory_space<vmem>>
      %dma_wait3A_196 = tpu.memref_squeeze %dma_wait3A_195 : memref<1x80xi32, #tpu.memory_space<vmem>> -> memref<80xi32, #tpu.memory_space<vmem>>
      %dma_wait3A_197 = tpu.memref_slice %arg4[%add3A_173] : memref<320000xi32, #tpu.memory_space<hbm>> -> memref<80xi32, #tpu.memory_space<hbm>>
      %dma_wait3A_198 = arith.constant 0 : i32
      %dma_wait3A_199 = tpu.memref_slice %arg9[%run_scoped3A_174, %dma_wait3A_198] : memref<8x80xi32, #tpu.memory_space<vmem>> -> memref<1x80xi32, #tpu.memory_space<vmem>>
      %dma_wait3A_200 = tpu.memref_squeeze %dma_wait3A_199 : memref<1x80xi32, #tpu.memory_space<vmem>> -> memref<80xi32, #tpu.memory_space<vmem>>
      %dma_wait3A_201 = tpu.memref_slice %arg4[%add3A_173] : memref<320000xi32, #tpu.memory_space<hbm>> -> memref<80xi32, #tpu.memory_space<hbm>>
      tpu.wait_dma2 semaphore(%run_scoped3A_185 : memref<!tpu.dma_semaphore, #tpu.memory_space<semaphore_mem>>) src(%dma_wait3A_201 : memref<80xi32, #tpu.memory_space<hbm>>) dst(%dma_wait3A_200 : memref<80xi32, #tpu.memory_space<vmem>>)
      tpu.yield
    }) : () -> ()
    %run_scoped3A_175 = arith.constant 0 : i32
    %run_scoped3A_176 = arith.constant 0 : i32
    "tpu.region"() ({
      %run_scoped3A_185 = tpu.sem_alloc : memref<!tpu.dma_semaphore, #tpu.memory_space<semaphore_mem>>
      %dma_start3A_186 = arith.constant 0 : i32
      %dma_start3A_187 = arith.constant 0 : i32
      %dma_start3A_188 = tpu.memref_slice %arg10[%run_scoped3A_176, %dma_start3A_186, %dma_start3A_187] : memref<4x80x128xf32, #tpu.memory_space<vmem>> -> memref<1x80x128xf32, #tpu.memory_space<vmem>>
      %dma_start3A_189 = tpu.memref_squeeze %dma_start3A_188 : memref<1x80x128xf32, #tpu.memory_space<vmem>> -> memref<80x128xf32, #tpu.memory_space<vmem>>
      %dma_start3A_190 = arith.constant 0 : i32
      %dma_start3A_191 = tpu.memref_slice %arg8[%run_scoped3A_175, %dma_start3A_190] : memref<8x80xi32, #tpu.memory_space<vmem>> -> memref<1x80xi32, #tpu.memory_space<vmem>>
      %dma_start3A_192 = tpu.memref_squeeze %dma_start3A_191 : memref<1x80xi32, #tpu.memory_space<vmem>> -> memref<80xi32, #tpu.memory_space<vmem>>
      %dma_start3A_193 = arith.constant 0 : i32
      %dma_start3A_194 = arith.constant 0 : i32
      %dma_start3A_195 = tpu.memref_slice %arg2[%dma_start3A_193, %dma_start3A_194] : memref<10000x128xf32, #tpu.memory_space<hbm>> -> memref<10000x128xf32, #tpu.memory_space<hbm>>
      tpu.enqueue_indirect_dma source(%dma_start3A_195 : memref<10000x128xf32, #tpu.memory_space<hbm>>) target(%dma_start3A_189 : memref<80x128xf32, #tpu.memory_space<vmem>>) offsets(%dma_start3A_192 : memref<80xi32, #tpu.memory_space<vmem>>) semaphore(%run_scoped3A_185 : memref<!tpu.dma_semaphore, #tpu.memory_space<semaphore_mem>>)
      %dma_wait3A_196 = arith.constant 0 : i32
      %dma_wait3A_197 = arith.constant 0 : i32
      %dma_wait3A_198 = tpu.memref_slice %arg10[%run_scoped3A_176, %dma_wait3A_196, %dma_wait3A_197] : memref<4x80x128xf32, #tpu.memory_space<vmem>> -> memref<1x80x128xf32, #tpu.memory_space<vmem>>
      %dma_wait3A_199 = tpu.memref_squeeze %dma_wait3A_198 : memref<1x80x128xf32, #tpu.memory_space<vmem>> -> memref<80x128xf32, #tpu.memory_space<vmem>>
      %dma_wait3A_200 = arith.constant 0 : i32
      %dma_wait3A_201 = tpu.memref_slice %arg8[%run_scoped3A_175, %dma_wait3A_200] : memref<8x80xi32, #tpu.memory_space<vmem>> -> memref<1x80xi32, #tpu.memory_space<vmem>>
      %dma_wait3A_202 = tpu.memref_squeeze %dma_wait3A_201 : memref<1x80xi32, #tpu.memory_space<vmem>> -> memref<80xi32, #tpu.memory_space<vmem>>
      %dma_wait3A_203 = arith.constant 0 : i32
      %dma_wait3A_204 = arith.constant 0 : i32
      %dma_wait3A_205 = tpu.memref_slice %arg2[%dma_wait3A_203, %dma_wait3A_204] : memref<10000x128xf32, #tpu.memory_space<hbm>> -> memref<10000x128xf32, #tpu.memory_space<hbm>>
      tpu.wait_indirect_dma semaphore(%run_scoped3A_185 : memref<!tpu.dma_semaphore, #tpu.memory_space<semaphore_mem>>) src(%dma_wait3A_205 : memref<10000x128xf32, #tpu.memory_space<hbm>>) dst(%dma_wait3A_199 : memref<80x128xf32, #tpu.memory_space<vmem>>)
      tpu.yield
    }) : () -> ()
    %run_scoped3A_177 = arith.constant 0 : i32
    %run_scoped3A_178 = arith.constant 0 : i32
    "tpu.region"() ({
      %run_scoped3A_185 = tpu.sem_alloc : memref<!tpu.dma_semaphore, #tpu.memory_space<semaphore_mem>>
      %dma_start3A_186 = arith.constant 0 : i32
      %dma_start3A_187 = arith.constant 0 : i32
      %dma_start3A_188 = tpu.memref_slice %arg10[%run_scoped3A_177, %dma_start3A_186, %dma_start3A_187] : memref<4x80x128xf32, #tpu.memory_space<vmem>> -> memref<1x80x128xf32, #tpu.memory_space<vmem>>
      %dma_start3A_189 = tpu.memref_squeeze %dma_start3A_188 : memref<1x80x128xf32, #tpu.memory_space<vmem>> -> memref<80x128xf32, #tpu.memory_space<vmem>>
      %dma_start3A_190 = arith.constant 0 : i32
      %dma_start3A_191 = tpu.memref_slice %arg9[%run_scoped3A_178, %dma_start3A_190] : memref<8x80xi32, #tpu.memory_space<vmem>> -> memref<1x80xi32, #tpu.memory_space<vmem>>
      %dma_start3A_192 = tpu.memref_squeeze %dma_start3A_191 : memref<1x80xi32, #tpu.memory_space<vmem>> -> memref<80xi32, #tpu.memory_space<vmem>>
      %dma_start3A_193 = arith.constant 0 : i32
      %dma_start3A_194 = arith.constant 0 : i32
      %dma_start3A_195 = tpu.memref_slice %arg7[%dma_start3A_193, %dma_start3A_194] : memref<10000x128xf32, #tpu.memory_space<vmem_shared>> -> memref<10000x128xf32, #tpu.memory_space<vmem_shared>>
      tpu.enqueue_indirect_dma source(%dma_start3A_189 : memref<80x128xf32, #tpu.memory_space<vmem>>) target(%dma_start3A_195 : memref<10000x128xf32, #tpu.memory_space<vmem_shared>>) offsets(%dma_start3A_192 : memref<80xi32, #tpu.memory_space<vmem>>) semaphore(%run_scoped3A_185 : memref<!tpu.dma_semaphore, #tpu.memory_space<semaphore_mem>>) {add = true}
      %dma_wait3A_196 = arith.constant 0 : i32
      %dma_wait3A_197 = arith.constant 0 : i32
      %dma_wait3A_198 = tpu.memref_slice %arg10[%run_scoped3A_177, %dma_wait3A_196, %dma_wait3A_197] : memref<4x80x128xf32, #tpu.memory_space<vmem>> -> memref<1x80x128xf32, #tpu.memory_space<vmem>>
      %dma_wait3A_199 = tpu.memref_squeeze %dma_wait3A_198 : memref<1x80x128xf32, #tpu.memory_space<vmem>> -> memref<80x128xf32, #tpu.memory_space<vmem>>
      %dma_wait3A_200 = arith.constant 0 : i32
      %dma_wait3A_201 = tpu.memref_slice %arg9[%run_scoped3A_178, %dma_wait3A_200] : memref<8x80xi32, #tpu.memory_space<vmem>> -> memref<1x80xi32, #tpu.memory_space<vmem>>
      %dma_wait3A_202 = tpu.memref_squeeze %dma_wait3A_201 : memref<1x80xi32, #tpu.memory_space<vmem>> -> memref<80xi32, #tpu.memory_space<vmem>>
      %dma_wait3A_203 = arith.constant 0 : i32
      %dma_wait3A_204 = arith.constant 0 : i32
      %dma_wait3A_205 = tpu.memref_slice %arg7[%dma_wait3A_203, %dma_wait3A_204] : memref<10000x128xf32, #tpu.memory_space<vmem_shared>> -> memref<10000x128xf32, #tpu.memory_space<vmem_shared>>
      tpu.wait_indirect_dma semaphore(%run_scoped3A_185 : memref<!tpu.dma_semaphore, #tpu.memory_space<semaphore_mem>>) src(%dma_wait3A_199 : memref<80x128xf32, #tpu.memory_space<vmem>>) dst(%dma_wait3A_205 : memref<10000x128xf32, #tpu.memory_space<vmem_shared>>)
      tpu.yield
    }) : () -> ()
    %barrier3A_179 = arith.constant 0 : index
    tpu.barrier barrier_id(%barrier3A_179)
    %lt3A_180 = arith.constant 10 : i32
    %lt3A_181 = arith.cmpi slt, %arg1, %lt3A_180 : i32
    %convert_element_type3A_182 = arith.extui %lt3A_181 : i1 to i32
    %cond3A_183 = arith.constant 0 : i32
    %cond3A_184 = arith.cmpi ne, %convert_element_type3A_182, %cond3A_183 : i32
    scf.if %cond3A_184 {
      %mul3A_185 = arith.constant 1000 : i32
      %mul3A_186 = arith.muli %arg1, %mul3A_185 : i32
      %multiple_of3A = tpu.assume_multiple %mul3A_186, 8 : i32
      "tpu.region"() ({
        %run_scoped3A_187 = tpu.sem_alloc : memref<!tpu.dma_semaphore, #tpu.memory_space<semaphore_mem>>
        %dma_start3A_188 = arith.constant 0 : i32
        %dma_start3A_189 = tpu.memref_slice %arg6[%arg0, %multiple_of3A, %dma_start3A_188] : memref<2x10000x128xf32, #tpu.memory_space<hbm>> -> memref<1x1000x128xf32, #tpu.memory_space<hbm>>
        %dma_start3A_190 = tpu.memref_squeeze %dma_start3A_189 : memref<1x1000x128xf32, #tpu.memory_space<hbm>> -> memref<1000x128xf32, #tpu.memory_space<hbm>>
        %dma_start3A_191 = arith.constant 0 : i32
        %dma_start3A_192 = tpu.memref_slice %arg7[%multiple_of3A, %dma_start3A_191] : memref<10000x128xf32, #tpu.memory_space<vmem_shared>> -> memref<1000x128xf32, #tpu.memory_space<vmem_shared>>
        tpu.enqueue_dma source(%dma_start3A_192 : memref<1000x128xf32, #tpu.memory_space<vmem_shared>>) target(%dma_start3A_190 : memref<1000x128xf32, #tpu.memory_space<hbm>>) target_semaphore(%run_scoped3A_187 : memref<!tpu.dma_semaphore, #tpu.memory_space<semaphore_mem>>)
        %dma_wait3A_193 = arith.constant 0 : i32
        %dma_wait3A_194 = tpu.memref_slice %arg6[%arg0, %multiple_of3A, %dma_wait3A_193] : memref<2x10000x128xf32, #tpu.memory_space<hbm>> -> memref<1x1000x128xf32, #tpu.memory_space<hbm>>
        %dma_wait3A_195 = tpu.memref_squeeze %dma_wait3A_194 : memref<1x1000x128xf32, #tpu.memory_space<hbm>> -> memref<1000x128xf32, #tpu.memory_space<hbm>>
        %dma_wait3A_196 = arith.constant 0 : i32
        %dma_wait3A_197 = tpu.memref_slice %arg7[%multiple_of3A, %dma_wait3A_196] : memref<10000x128xf32, #tpu.memory_space<vmem_shared>> -> memref<1000x128xf32, #tpu.memory_space<vmem_shared>>
        tpu.wait_dma2 semaphore(%run_scoped3A_187 : memref<!tpu.dma_semaphore, #tpu.memory_space<semaphore_mem>>) src(%dma_wait3A_197 : memref<1000x128xf32, #tpu.memory_space<vmem_shared>>) dst(%dma_wait3A_195 : memref<1000x128xf32, #tpu.memory_space<hbm>>)
        tpu.yield
      }) : () -> ()
    } else {
    }
    return
  }
}

module attributes {stable_mosaic.version = 14 : i64} {
  func.func @body(%arg0: i32, %arg1: memref<1000x128xf32, #tpu.memory_space<vmem>>, %arg2: memref<128x128xf32, #tpu.memory_space<vmem>>, %arg3: memref<1x128xf32, #tpu.memory_space<vmem>>, %arg4: memref<1000x128xf32, #tpu.memory_space<vmem>>) attributes {dimension_semantics = [#tpu.dimension_semantics<arbitrary>], iteration_bounds = array<i64: 10>, scalar_prefetch = 0 : i64, scratch_operands = 0 : i64, tpu.core_type = #tpu.core_type<tc>, window_params = [{transform_indices = @transform_0, window_bounds = array<i64: 1000, 128>}, {pipeline_mode = #tpu.pipeline_mode<synchronous>, transform_indices = @transform_1, window_bounds = array<i64: 128, 128>}, {pipeline_mode = #tpu.pipeline_mode<synchronous>, transform_indices = @transform_2, window_bounds = array<i64: 1, 128>}, {transform_indices = @transform_3, window_bounds = array<i64: 1000, 128>}]} {
    %get3A = arith.constant 0 : index
    %get3A_0 = arith.constant 0 : index
    %get3A_1 = vector.load %arg1[%get3A, %get3A_0] : memref<1000x128xf32, #tpu.memory_space<vmem>>, vector<1000x128xf32>
    %get3A_2 = arith.constant 0 : index
    %get3A_3 = arith.constant 0 : index
    %get3A_4 = vector.load %arg2[%get3A_2, %get3A_3] : memref<128x128xf32, #tpu.memory_space<vmem>>, vector<128x128xf32>
    %dot_general3A = arith.constant dense<0.000000e+00> : vector<1000x128xf32>
    %dot_general3A_5 = tpu.matmul %get3A_1, %get3A_4, %dot_general3A {dimension_numbers = #tpu.dot_dimension_numbers<[1], [0], [0], [1], [0, 0, 1, 1], [], []>, transpose_lhs_hint = false} : vector<1000x128xf32>, vector<128x128xf32>, vector<1000x128xf32> -> vector<1000x128xf32>
    %get3A_6 = arith.constant 0 : index
    %get3A_7 = arith.constant 0 : index
    %get3A_8 = vector.load %arg3[%get3A_6, %get3A_7] : memref<1x128xf32, #tpu.memory_space<vmem>>, vector<1x128xf32>
    %add3A = vector.broadcast %get3A_8 : vector<1x128xf32> to vector<1000x128xf32>
    %add3A_9 = arith.addf %dot_general3A_5, %add3A : vector<1000x128xf32>
    %swap3A = arith.constant 0 : index
    %swap3A_10 = arith.constant 0 : index
    %swap3A_11 = vector.load %arg4[%swap3A, %swap3A_10] : memref<1000x128xf32, #tpu.memory_space<vmem>>, vector<1000x128xf32>
    tpu.vector_store %arg4[%swap3A, %swap3A_10], %add3A_9 {strides = array<i32>} : memref<1000x128xf32, #tpu.memory_space<vmem>>, vector<1000x128xf32>,
    return
  }
  func.func @transform_0(%arg0: i32) -> (i32, i32) {
    %c0_i32 = arith.constant 0 : i32
    %c0_i32_0 = arith.constant 0 : i32
    return %arg0, %c0_i32 : i32, i32
  }
  func.func @transform_1(%arg0: i32) -> (i32, i32) {
    %c0_i32 = arith.constant 0 : i32
    %c0_i32_0 = arith.constant 0 : i32
    %c0_i32_1 = arith.constant 0 : i32
    return %c0_i32, %c0_i32_0 : i32, i32
  }
  func.func @transform_2(%arg0: i32) -> (i32, i32) {
    %c0_i32 = arith.constant 0 : i32
    %c0_i32_0 = arith.constant 0 : i32
    %c0_i32_1 = arith.constant 0 : i32
    return %c0_i32, %c0_i32_0 : i32, i32
  }
  func.func @transform_3(%arg0: i32) -> (i32, i32) {
    %c0_i32 = arith.constant 0 : i32
    %c0_i32_0 = arith.constant 0 : i32
    return %arg0, %c0_i32 : i32, i32
  }
}

module attributes {stable_mosaic.version = 14 : i64} {
  func.func @body(%arg0: i32, %arg1: memref<1x1000x128xf32, #tpu.memory_space<vmem>>, %arg2: memref<1x1000x128xf32, #tpu.memory_space<vmem>>, %arg3: memref<1000x128xf32, #tpu.memory_space<vmem>>, %arg4: memref<128x128xf32, #tpu.memory_space<vmem>>, %arg5: memref<1000x128xf32, #tpu.memory_space<vmem>>) attributes {dimension_semantics = [#tpu.dimension_semantics<arbitrary>], iteration_bounds = array<i64: 10>, scalar_prefetch = 0 : i64, scratch_operands = 0 : i64, tpu.core_type = #tpu.core_type<tc>, window_params = [{transform_indices = @transform_0, window_bounds = array<i64: 1, 1000, 128>}, {transform_indices = @transform_1, window_bounds = array<i64: 1, 1000, 128>}, {transform_indices = @transform_2, window_bounds = array<i64: 1000, 128>}, {pipeline_mode = #tpu.pipeline_mode<synchronous>, transform_indices = @transform_3, window_bounds = array<i64: 128, 128>}, {transform_indices = @transform_4, window_bounds = array<i64: 1000, 128>}]} {
    %get3A = arith.constant 0 : index
    %get3A_0 = arith.constant 0 : index
    %get3A_1 = arith.constant 0 : index
    %get3A_2 = vector.load %arg1[%get3A, %get3A_0, %get3A_1] : memref<1x1000x128xf32, #tpu.memory_space<vmem>>, vector<1x1000x128xf32>
    %get3A_3 = vector.shape_cast %get3A_2 : vector<1x1000x128xf32> to vector<1000x128xf32>
    %get3A_4 = arith.constant 0 : index
    %get3A_5 = arith.constant 0 : index
    %get3A_6 = arith.constant 0 : index
    %get3A_7 = vector.load %arg2[%get3A_4, %get3A_5, %get3A_6] : memref<1x1000x128xf32, #tpu.memory_space<vmem>>, vector<1x1000x128xf32>
    %get3A_8 = vector.shape_cast %get3A_7 : vector<1x1000x128xf32> to vector<1000x128xf32>
    %add3A = arith.addf %get3A_3, %get3A_8 : vector<1000x128xf32>
    %get3A_9 = arith.constant 0 : index
    %get3A_10 = arith.constant 0 : index
    %get3A_11 = vector.load %arg4[%get3A_9, %get3A_10] : memref<128x128xf32, #tpu.memory_space<vmem>>, vector<128x128xf32>
    %dot_general3A = arith.constant dense<0.000000e+00> : vector<1000x128xf32>
    %dot_general3A_12 = tpu.matmul %add3A, %get3A_11, %dot_general3A {dimension_numbers = #tpu.dot_dimension_numbers<[1], [0], [0], [1], [0, 0, 1, 1], [], []>, transpose_lhs_hint = false} : vector<1000x128xf32>, vector<128x128xf32>, vector<1000x128xf32> -> vector<1000x128xf32>
    %get3A_13 = arith.constant 0 : index
    %get3A_14 = arith.constant 0 : index
    %get3A_15 = vector.load %arg3[%get3A_13, %get3A_14] : memref<1000x128xf32, #tpu.memory_space<vmem>>, vector<1000x128xf32>
    %add3A_16 = arith.addf %dot_general3A_12, %get3A_15 : vector<1000x128xf32>
    %max3A = arith.constant 0.000000e+00 : f32
    %max3A_17 = vector.broadcast %max3A : f32 to vector<1000x128xf32>
    %max3A_18 = arith.maximumf %add3A_16, %max3A_17 : vector<1000x128xf32>
    %swap3A = arith.constant 0 : index
    %swap3A_19 = arith.constant 0 : index
    %swap3A_20 = vector.load %arg5[%swap3A, %swap3A_19] : memref<1000x128xf32, #tpu.memory_space<vmem>>, vector<1000x128xf32>
    tpu.vector_store %arg5[%swap3A, %swap3A_19], %max3A_18 {strides = array<i32>} : memref<1000x128xf32, #tpu.memory_space<vmem>>, vector<1000x128xf32>,
    return
  }
  func.func @transform_0(%arg0: i32) -> (i32, i32, i32) {
    %c0_i32 = arith.constant 0 : i32
    %c0_i32_0 = arith.constant 0 : i32
    %c0_i32_1 = arith.constant 0 : i32
    return %c0_i32, %arg0, %c0_i32_0 : i32, i32, i32
  }
  func.func @transform_1(%arg0: i32) -> (i32, i32, i32) {
    %c1_i32 = arith.constant 1 : i32
    %c0_i32 = arith.constant 0 : i32
    %c0_i32_0 = arith.constant 0 : i32
    return %c1_i32, %arg0, %c0_i32 : i32, i32, i32
  }
  func.func @transform_2(%arg0: i32) -> (i32, i32) {
    %c0_i32 = arith.constant 0 : i32
    %c0_i32_0 = arith.constant 0 : i32
    return %arg0, %c0_i32 : i32, i32
  }
  func.func @transform_3(%arg0: i32) -> (i32, i32) {
    %c0_i32 = arith.constant 0 : i32
    %c0_i32_0 = arith.constant 0 : i32
    %c0_i32_1 = arith.constant 0 : i32
    return %c0_i32, %c0_i32_0 : i32, i32
  }
  func.func @transform_4(%arg0: i32) -> (i32, i32) {
    %c0_i32 = arith.constant 0 : i32
    %c0_i32_0 = arith.constant 0 : i32
    return %arg0, %c0_i32 : i32, i32
  }
}

module attributes {stable_mosaic.version = 14 : i64} {
  func.func @body(%arg0: i32, %arg1: memref<1x1000x128xf32, #tpu.memory_space<vmem>>, %arg2: memref<1x1000x128xf32, #tpu.memory_space<vmem>>, %arg3: memref<1000x128xf32, #tpu.memory_space<vmem>>, %arg4: memref<128x128xf32, #tpu.memory_space<vmem>>, %arg5: memref<1x1x1000xi32, #tpu.memory_space<vmem>>, %arg6: memref<128x128xf32, #tpu.memory_space<vmem>>, %arg7: memref<1x128xf32, #tpu.memory_space<vmem>>, %arg8: memref<512x128xf32, #tpu.memory_space<vmem>>, %arg9: memref<512x128xf32, #tpu.memory_space<vmem>>, %arg10: memref<512x8xf32, #tpu.memory_space<vmem>>) attributes {dimension_semantics = [#tpu.dimension_semantics<arbitrary>], iteration_bounds = array<i64: 10>, scalar_prefetch = 0 : i64, scratch_operands = 2 : i64, tpu.core_type = #tpu.core_type<tc>, window_params = [{transform_indices = @transform_0, window_bounds = array<i64: 1, 1000, 128>}, {transform_indices = @transform_1, window_bounds = array<i64: 1, 1000, 128>}, {transform_indices = @transform_2, window_bounds = array<i64: 1000, 128>}, {pipeline_mode = #tpu.pipeline_mode<synchronous>, transform_indices = @transform_3, window_bounds = array<i64: 128, 128>}, {transform_indices = @transform_4, window_bounds = array<i64: 1, 1, 1000>}, {pipeline_mode = #tpu.pipeline_mode<synchronous>, transform_indices = @transform_5, window_bounds = array<i64: 128, 128>}, {pipeline_mode = #tpu.pipeline_mode<synchronous>, transform_indices = @transform_6, window_bounds = array<i64: 1, 128>}, {pipeline_mode = #tpu.pipeline_mode<synchronous>, transform_indices = @transform_7, window_bounds = array<i64: 512, 128>}]} {
    %eq3A = arith.constant 0 : i32
    %eq3A_0 = arith.cmpi eq, %arg0, %eq3A : i32
    %convert_element_type3A = arith.extui %eq3A_0 : i1 to i32
    %cond3A = arith.constant 0 : i32
    %cond3A_1 = arith.cmpi ne, %convert_element_type3A, %cond3A : i32
    scf.if %cond3A_1 {
      %broadcast_in_dim3A_51 = arith.constant 0.000000e+00 : f32
      %broadcast_in_dim3A_52 = vector.broadcast %broadcast_in_dim3A_51 : f32 to vector<512x128xf32>
      %swap3A_53 = arith.constant 0 : index
      %swap3A_54 = arith.constant 0 : index
      %swap3A_55 = vector.load %arg9[%swap3A_53, %swap3A_54] : memref<512x128xf32, #tpu.memory_space<vmem>>, vector<512x128xf32>
      tpu.vector_store %arg9[%swap3A_53, %swap3A_54], %broadcast_in_dim3A_52 {strides = array<i32>} : memref<512x128xf32, #tpu.memory_space<vmem>>, vector<512x128xf32>,
      %broadcast_in_dim3A_56 = arith.constant 0.000000e+00 : f32
      %broadcast_in_dim3A_57 = vector.broadcast %broadcast_in_dim3A_56 : f32 to vector<512x8xf32>
      %swap3A_58 = arith.constant 0 : index
      %swap3A_59 = arith.constant 0 : index
      %swap3A_60 = vector.load %arg10[%swap3A_58, %swap3A_59] : memref<512x8xf32, #tpu.memory_space<vmem>>, vector<512x8xf32>
      tpu.vector_store %arg10[%swap3A_58, %swap3A_59], %broadcast_in_dim3A_57 {strides = array<i32>} : memref<512x8xf32, #tpu.memory_space<vmem>>, vector<512x8xf32>,
    } else {
    }
    %get3A = arith.constant 0 : index
    %get3A_2 = arith.constant 0 : index
    %get3A_3 = arith.constant 0 : index
    %get3A_4 = vector.load %arg1[%get3A, %get3A_2, %get3A_3] : memref<1x1000x128xf32, #tpu.memory_space<vmem>>, vector<1x1000x128xf32>
    %get3A_5 = vector.shape_cast %get3A_4 : vector<1x1000x128xf32> to vector<1000x128xf32>
    %get3A_6 = arith.constant 0 : index
    %get3A_7 = arith.constant 0 : index
    %get3A_8 = arith.constant 0 : index
    %get3A_9 = vector.load %arg2[%get3A_6, %get3A_7, %get3A_8] : memref<1x1000x128xf32, #tpu.memory_space<vmem>>, vector<1x1000x128xf32>
    %get3A_10 = vector.shape_cast %get3A_9 : vector<1x1000x128xf32> to vector<1000x128xf32>
    %add3A = arith.addf %get3A_5, %get3A_10 : vector<1000x128xf32>
    %get3A_11 = arith.constant 0 : index
    %get3A_12 = arith.constant 0 : index
    %get3A_13 = vector.load %arg4[%get3A_11, %get3A_12] : memref<128x128xf32, #tpu.memory_space<vmem>>, vector<128x128xf32>
    %dot_general3A = arith.constant dense<0.000000e+00> : vector<1000x128xf32>
    %dot_general3A_14 = tpu.matmul %add3A, %get3A_13, %dot_general3A {dimension_numbers = #tpu.dot_dimension_numbers<[1], [0], [0], [1], [0, 0, 1, 1], [], []>, transpose_lhs_hint = false} : vector<1000x128xf32>, vector<128x128xf32>, vector<1000x128xf32> -> vector<1000x128xf32>
    %get3A_15 = arith.constant 0 : index
    %get3A_16 = arith.constant 0 : index
    %get3A_17 = vector.load %arg3[%get3A_15, %get3A_16] : memref<1000x128xf32, #tpu.memory_space<vmem>>, vector<1000x128xf32>
    %add3A_18 = arith.addf %dot_general3A_14, %get3A_17 : vector<1000x128xf32>
    %get3A_19 = arith.constant 0 : index
    %get3A_20 = arith.constant 0 : index
    %get3A_21 = arith.constant 0 : index
    %get3A_22 = vector.load %arg5[%get3A_19, %get3A_20, %get3A_21] : memref<1x1x1000xi32, #tpu.memory_space<vmem>>, vector<1x1x1000xi32>
    %get3A_23 = vector.shape_cast %get3A_22 : vector<1x1x1000xi32> to vector<1x1000xi32>
    %iota3A = tpu.iota {dimensions = array<i32: 0>} : vector<512x1000xi32>
    %eq3A_24 = vector.broadcast %get3A_23 : vector<1x1000xi32> to vector<512x1000xi32>
    %eq3A_25 = arith.cmpi eq, %iota3A, %eq3A_24 : vector<512x1000xi32>
    %convert_element_type3A_26 = arith.extui %eq3A_25 : vector<512x1000xi1> to vector<512x1000xi32>
    %convert_element_type3A_27 = arith.sitofp %convert_element_type3A_26 : vector<512x1000xi32> to vector<512x1000xf32>
    %get3A_28 = arith.constant 0 : index
    %get3A_29 = arith.constant 0 : index
    %get3A_30 = vector.load %arg9[%get3A_28, %get3A_29] : memref<512x128xf32, #tpu.memory_space<vmem>>, vector<512x128xf32>
    %dot_general3A_31 = arith.constant dense<0.000000e+00> : vector<512x128xf32>
    %dot_general3A_32 = tpu.matmul %convert_element_type3A_27, %add3A_18, %dot_general3A_31 {dimension_numbers = #tpu.dot_dimension_numbers<[1], [0], [0], [1], [0, 0, 1, 1], [], []>, transpose_lhs_hint = false} : vector<512x1000xf32>, vector<1000x128xf32>, vector<512x128xf32> -> vector<512x128xf32>
    %add3A_33 = arith.addf %get3A_30, %dot_general3A_32 : vector<512x128xf32>
    %swap3A = arith.constant 0 : index
    %swap3A_34 = arith.constant 0 : index
    %swap3A_35 = vector.load %arg9[%swap3A, %swap3A_34] : memref<512x128xf32, #tpu.memory_space<vmem>>, vector<512x128xf32>
    tpu.vector_store %arg9[%swap3A, %swap3A_34], %add3A_33 {strides = array<i32>} : memref<512x128xf32, #tpu.memory_space<vmem>>, vector<512x128xf32>,
    %get3A_36 = arith.constant 0 : index
    %get3A_37 = arith.constant 0 : index
    %get3A_38 = vector.load %arg10[%get3A_36, %get3A_37] : memref<512x8xf32, #tpu.memory_space<vmem>>, vector<512x8xf32>
    %broadcast_in_dim3A = arith.constant 1.000000e+00 : f32
    %broadcast_in_dim3A_39 = vector.broadcast %broadcast_in_dim3A : f32 to vector<1000x8xf32>
    %dot_general3A_40 = arith.constant dense<0.000000e+00> : vector<512x8xf32>
    %dot_general3A_41 = tpu.matmul %convert_element_type3A_27, %broadcast_in_dim3A_39, %dot_general3A_40 {dimension_numbers = #tpu.dot_dimension_numbers<[1], [0], [0], [1], [0, 0, 1, 1], [], []>, transpose_lhs_hint = false} : vector<512x1000xf32>, vector<1000x8xf32>, vector<512x8xf32> -> vector<512x8xf32>
    %add3A_42 = arith.addf %get3A_38, %dot_general3A_41 : vector<512x8xf32>
    %swap3A_43 = arith.constant 0 : index
    %swap3A_44 = arith.constant 0 : index
    %swap3A_45 = vector.load %arg10[%swap3A_43, %swap3A_44] : memref<512x8xf32, #tpu.memory_space<vmem>>, vector<512x8xf32>
    tpu.vector_store %arg10[%swap3A_43, %swap3A_44], %add3A_42 {strides = array<i32>} : memref<512x8xf32, #tpu.memory_space<vmem>>, vector<512x8xf32>,
    %eq3A_46 = arith.constant 9 : i32
    %eq3A_47 = arith.cmpi eq, %arg0, %eq3A_46 : i32
    %convert_element_type3A_48 = arith.extui %eq3A_47 : i1 to i32
    %cond3A_49 = arith.constant 0 : i32
    %cond3A_50 = arith.cmpi ne, %convert_element_type3A_48, %cond3A_49 : i32
    scf.if %cond3A_50 {
      %get3A_51 = arith.constant 0 : index
      %get3A_52 = arith.constant 0 : index
      %get3A_53 = vector.load %arg9[%get3A_51, %get3A_52] : memref<512x128xf32, #tpu.memory_space<vmem>>, vector<512x128xf32>
      %get3A_54 = arith.constant 0 : index
      %get3A_55 = arith.constant 0 : index
      %get3A_56 = vector.load %arg10[%get3A_54, %get3A_55] : memref<512x8xf32, #tpu.memory_space<vmem>>, vector<512x8xf32>
      %slice3A = vector.extract_strided_slice %get3A_56 {offsets = [0, 0], sizes = [512, 1], strides = [1, 1]} : vector<512x8xf32> to vector<512x1xf32>
      %max3A = arith.constant 1.000000e+00 : f32
      %max3A_57 = vector.broadcast %max3A : f32 to vector<512x1xf32>
      %max3A_58 = arith.maximumf %slice3A, %max3A_57 : vector<512x1xf32>
      %div3A = vector.broadcast %max3A_58 : vector<512x1xf32> to vector<512x128xf32>
      %div3A_59 = arith.divf %get3A_53, %div3A : vector<512x128xf32>
      %get3A_60 = arith.constant 0 : index
      %get3A_61 = arith.constant 0 : index
      %get3A_62 = vector.load %arg6[%get3A_60, %get3A_61] : memref<128x128xf32, #tpu.memory_space<vmem>>, vector<128x128xf32>
      %dot_general3A_63 = arith.constant dense<0.000000e+00> : vector<512x128xf32>
      %dot_general3A_64 = tpu.matmul %div3A_59, %get3A_62, %dot_general3A_63 {dimension_numbers = #tpu.dot_dimension_numbers<[1], [0], [0], [1], [0, 0, 1, 1], [], []>, transpose_lhs_hint = false} : vector<512x128xf32>, vector<128x128xf32>, vector<512x128xf32> -> vector<512x128xf32>
      %get3A_65 = arith.constant 0 : index
      %get3A_66 = arith.constant 0 : index
      %get3A_67 = vector.load %arg7[%get3A_65, %get3A_66] : memref<1x128xf32, #tpu.memory_space<vmem>>, vector<1x128xf32>
      %add3A_68 = vector.broadcast %get3A_67 : vector<1x128xf32> to vector<512x128xf32>
      %add3A_69 = arith.addf %dot_general3A_64, %add3A_68 : vector<512x128xf32>
      %swap3A_70 = arith.constant 0 : index
      %swap3A_71 = arith.constant 0 : index
      %swap3A_72 = vector.load %arg8[%swap3A_70, %swap3A_71] : memref<512x128xf32, #tpu.memory_space<vmem>>, vector<512x128xf32>
      tpu.vector_store %arg8[%swap3A_70, %swap3A_71], %add3A_69 {strides = array<i32>} : memref<512x128xf32, #tpu.memory_space<vmem>>, vector<512x128xf32>,
    } else {
    }
    return
  }
  func.func @transform_0(%arg0: i32) -> (i32, i32, i32) {
    %c0_i32 = arith.constant 0 : i32
    %c0_i32_0 = arith.constant 0 : i32
    %c0_i32_1 = arith.constant 0 : i32
    return %c0_i32, %arg0, %c0_i32_0 : i32, i32, i32
  }
  func.func @transform_1(%arg0: i32) -> (i32, i32, i32) {
    %c1_i32 = arith.constant 1 : i32
    %c0_i32 = arith.constant 0 : i32
    %c0_i32_0 = arith.constant 0 : i32
    return %c1_i32, %arg0, %c0_i32 : i32, i32, i32
  }
  func.func @transform_2(%arg0: i32) -> (i32, i32) {
    %c0_i32 = arith.constant 0 : i32
    %c0_i32_0 = arith.constant 0 : i32
    return %arg0, %c0_i32 : i32, i32
  }
  func.func @transform_3(%arg0: i32) -> (i32, i32) {
    %c0_i32 = arith.constant 0 : i32
    %c0_i32_0 = arith.constant 0 : i32
    %c0_i32_1 = arith.constant 0 : i32
    return %c0_i32, %c0_i32_0 : i32, i32
  }
  func.func @transform_4(%arg0: i32) -> (i32, i32, i32) {
    %c0_i32 = arith.constant 0 : i32
    %c0_i32_0 = arith.constant 0 : i32
    %c0_i32_1 = arith.constant 0 : i32
    return %arg0, %c0_i32, %c0_i32_0 : i32, i32, i32
  }
  func.func @transform_5(%arg0: i32) -> (i32, i32) {
    %c0_i32 = arith.constant 0 : i32
    %c0_i32_0 = arith.constant 0 : i32
    %c0_i32_1 = arith.constant 0 : i32
    return %c0_i32, %c0_i32_0 : i32, i32
  }
  func.func @transform_6(%arg0: i32) -> (i32, i32) {
    %c0_i32 = arith.constant 0 : i32
    %c0_i32_0 = arith.constant 0 : i32
    %c0_i32_1 = arith.constant 0 : i32
    return %c0_i32, %c0_i32_0 : i32, i32
  }
  func.func @transform_7(%arg0: i32) -> (i32, i32) {
    %c0_i32 = arith.constant 0 : i32
    %c0_i32_0 = arith.constant 0 : i32
    %c0_i32_1 = arith.constant 0 : i32
    return %c0_i32, %c0_i32_0 : i32, i32
  }
}

</mosaic_0001>

<sc_bundles>
// kernel: kernel.11.cloned.1.call-start
scs
__scs_entry_jumppad:
0x0: {  	(pc) =	sbr.rel $0x88, $3  }
0x1: {  	(tag) =	ssettag $0x0;
	lr =	simm.s32 $0x1  }
0x2: {  	[smem:$0x3F93] =	sst lr;
	_ =	strace $0xD0000000  }
0x3: {  	_ = 	snop  }
0x4: {  	_ = 	snop  }
0x5: {  	_ = 	snop  }
0x6: {  	_ = 	snop  }
0x7: {  	_ = 	snop  }
__scs_overlays_trampoline_lowered:
0x8: {  	[smem:$0x3FA2] =	sst s0  }
0x9: {  	[smem:$0x3FA3] =	sst s1  }
0xa: {  	[smem:$0x3FA4] =	sst s2  }
0xb: {  	[smem:$0x3FA5] =	sst s3  }
0xc: {  	[smem:$0x3FA6] =	sst s4  }
0xd: {  	[smem:$0x3FA7] =	sst s5  }
0xe: {  	[smem:$0x3FA8] =	sst s6  }
0xf: {  	[smem:$0x3FA9] =	sst s7  }
0x10: {  	[smem:$0x3FAA] =	sst s8  }
0x11: {  	[smem:$0x3FAB] =	sst s9;
	s0 =	simm.s32 @!p0 $0x0  }
0x12: {  	s1 =	sld [smem:$0x3F91];
	s0 =	simm.s32 @p0 $0x1  }
0x13: {  	[smem:$0x3FAC] =	sst s0;
	s0 =	simm.s32 @!p1 $0x0  }
0x14: {  	s2 =	sld [smem:$0x3F90];
	s0 =	simm.s32 @p1 $0x1  }
0x15: {  	[smem:$0x3FAD] =	sst s0;
	s0 =	simm.s32 @!p2 $0x0  }
0x16: {  	s3 =	sld [smem:$0x3FDB];
	s0 =	simm.s32 @p2 $0x1  }
0x17: {  	s4 =	simm.s32 $0x1BF5;
	[smem:$0x3FAF] =	sst s0  }
0x18: {  	s0 =	sld [smem:$0x3F92];
	_ =	swait.ge [sflag:s4], $0x0  }
0x19: {  	s7 =	sld [smem:$0x3F93]  }
0x1a: {  	s8 =	sadd.s32 $0xFFFFE003, lr  }
0x1b: {  	s9 =	sadd.s32 $0xFFFFFEF7, lr;
	s5 =	simm.s32 $0xFFFFFFFF;
	p2 =	slt.u32 s8, $0xFFFFF086  }
0x1c: {  	p1 =	slt.u32 s9, $0xF7A;
	s5 =	simm.s32 @!p2 $0x0  }
0x1d: {  	s5 =	simm.s32 @p1 $0x1;
	p0 =	seq.s32 s7, s2  }
0x1e: {  	s7 =	smul.u32 @!p0 $0xF7A, s2;
	p2 =	seq.s32 @!p0 s5, $0x0  }
0x1f: {  	s9 =	smul.u32 $0xF7A, s1;
	s8 =	simm.s32 @!p0 $0x1BF5;
	p2 =	por !p2, p0  }
0x20: {  	[sflag:s8] =	ssyncset.s32 @!p0 $0xFFFFF086;
	s6 =	sadd.s32 @!p0 s3, s7;
	s7 =	simm.s32 @!p0 $0x108  }
0x21: {  	s3 =	sadd.s32 s3, s9;
	s6 =	sadd.s32 @!p0 $0x88, s6;
	s7 =	simm.s32 @p2 $0x1082  }
0x22: {  	[simem:s7], [sflag:s8] =	dma.local @!p0 [hbm:s6], $0xF7A  }
0x23: {  	s9 =	sor.u32 $0xD0000000, s2;
	s6 =	simm.s32 $0x108;
	_ =	swait.ge @!p0 [sflag:s8], $0x0  }
0x24: {  	s3 =	sadd.s32 $0x88, s3;
	s6 =	simm.s32 @!p1 $0x1082;
	[sflag:s4] =	ssyncset.s32 $0xFFFFF086  }
0x25: {  	[simem:s6], [sflag:s4] =	dma.local [hbm:s3], $0xF7A  }
0x26: {  	[smem:$0x3F93] =	sst s1;
	(tag) =	ssettag s2;
	_ =	strace s9  }
0x27: {  	s1 =	sld [smem:$0x3FA3]  }
0x28: {  	s2 =	sld [smem:$0x3FA4]  }
0x29: {  	s4 =	sld [smem:$0x3FA6]  }
0x2a: {  	p0 =	seq.s32 s5, $0x0;
	s5 =	sld [smem:$0x3FA7]  }
0x2b: {  	s6 =	sld [smem:$0x3FA8]  }
0x2c: {  	s7 =	sld [smem:$0x3FA9]  }
0x2d: {  	s3 =	simm.s32 $0x108;
	s8 =	sld [smem:$0x3FAA]  }
0x2e: {  	s3 =	simm.s32 @!p0 $0x1082;
	s9 =	sld [smem:$0x3FAB]  }
0x2f: {  	lr =	sadd.s32 s0, s3;
	s0 =	sld [smem:$0x3FA2]  }
0x30: {  	s3 =	sld [smem:$0x3FA5]  }
0x31: {  	[smem:$0x3FAE] =	sst s10  }
0x32: {  	s10 =	sld [smem:$0x3FAC];
	_ =	sdelay $0x3  }
0x33: {  	p0 =	seq.s32 s10, $0x1;
	s10 =	sld [smem:$0x3FAE];
	_ =	sdelay $0x3  }
0x34: {  	[smem:$0x3FAE] =	sst s10  }
0x35: {  	s10 =	sld [smem:$0x3FAD];
	_ =	sdelay $0x3  }
0x36: {  	p1 =	seq.s32 s10, $0x1;
	s10 =	sld [smem:$0x3FAE];
	_ =	sdelay $0x3  }
0x37: {  	[smem:$0x3FAE] =	sst s10  }
0x38: {  	s10 =	sld [smem:$0x3FAF]  }
0x39: {  	_ = 	snop;
	(pc) =	sbr.ind lr, $3  }
0x3a: {  	_ = 	snop  }
0x3b: {  	_ = 	snop  }
0x3c: {  	p2 =	seq.s32 s10, $0x1;
	s10 =	sld [smem:$0x3FAE]  }
0x3d: {  	_ =	shalt  }
0x3e: {  	_ =	shalt  }
0x3f: {  	_ =	shalt  }
0x40: {  	_ =	shalt  }
0x41: {  	_ =	shalt  }
0x42: {  	_ =	shalt  }
0x43: {  	_ =	shalt  }
0x44: {  	_ =	shalt  }
0x45: {  	_ =	shalt  }
0x46: {  	_ =	shalt  }
0x47: {  	_ =	shalt  }
0x48: {  	_ =	shalt  }
0x49: {  	_ =	shalt  }
0x4a: {  	_ =	shalt  }
0x4b: {  	_ =	shalt  }
0x4c: {  	_ =	shalt  }
0x4d: {  	_ =	shalt  }
0x4e: {  	_ =	shalt  }
0x4f: {  	_ =	shalt  }
0x50: {  	_ =	shalt  }
0x51: {  	_ =	shalt  }
0x52: {  	_ =	shalt  }
0x53: {  	_ =	shalt  }
0x54: {  	_ =	shalt  }
0x55: {  	_ =	shalt  }
0x56: {  	_ =	shalt  }
0x57: {  	_ =	shalt  }
0x58: {  	_ =	shalt  }
0x59: {  	_ =	shalt  }
0x5a: {  	_ =	shalt  }
0x5b: {  	_ =	shalt  }
0x5c: {  	_ =	shalt  }
0x5d: {  	_ =	shalt  }
0x5e: {  	_ =	shalt  }
0x5f: {  	_ =	shalt  }
0x60: {  	_ =	shalt  }
0x61: {  	_ =	shalt  }
0x62: {  	_ =	shalt  }
0x63: {  	_ =	shalt  }
0x64: {  	_ =	shalt  }
0x65: {  	_ =	shalt  }
0x66: {  	_ =	shalt  }
0x67: {  	_ =	shalt  }
0x68: {  	_ =	shalt  }
0x69: {  	_ =	shalt  }
0x6a: {  	_ =	shalt  }
0x6b: {  	_ =	shalt  }
0x6c: {  	_ =	shalt  }
0x6d: {  	_ =	shalt  }
0x6e: {  	_ =	shalt  }
0x6f: {  	_ =	shalt  }
0x70: {  	_ =	shalt  }
0x71: {  	_ =	shalt  }
0x72: {  	_ =	shalt  }
0x73: {  	_ =	shalt  }
0x74: {  	_ =	shalt  }
0x75: {  	_ =	shalt  }
0x76: {  	_ =	shalt  }
0x77: {  	_ =	shalt  }
0x78: {  	_ =	shalt  }
0x79: {  	_ =	shalt  }
0x7a: {  	_ =	shalt  }
0x7b: {  	_ =	shalt  }
0x7c: {  	_ =	shalt  }
0x7d: {  	_ =	shalt  }
0x7e: {  	_ =	shalt  }
0x7f: {  	_ =	shalt  }
0x80: {  	_ =	shalt  }
0x81: {  	_ =	shalt  }
0x82: {  	_ =	shalt  }
0x83: {  	_ =	shalt  }
0x84: {  	_ =	shalt  }
0x85: {  	_ =	shalt  }
0x86: {  	_ =	shalt  }
0x87: {  	_ =	shalt  }
.Lfunc_end0:
.L_simem_size_0:
called_computation_lowered:
.L_overlay_start_0:
0x88: {  	s2 =	sld [smem:$0x3FD9]  }
0x89: {  	s3 =	sld [smem:$0x3FFE];
	_ =	sdelay $0x1  }
0x8a: {  	s1 =	srdreg.scid  }
0x8b: {  	s0 =	sand.u32 $0x1, s1  }
0x8c: {  	s17 =	sshll.u32 s0, $0xA;
	s2 =	sadd.s32 s3, s2  }
0x8d: {  	s2 =	sadd.s32 s2, s17  }
0x8e: {  	[smem:$0x3FBA] =	sst s2  }
0x8f: {  	_ = 	snop  }
0x90: {  	s2 =	sld [smem:$0x3FC9];
	(tm) =	ssettm $0x1  }
0x91: {  	s18 =	sld [smem:$0x3FFB];
	_ =	sdelay $0x3  }
0x92: {  	_ =	strace s18  }
0x93: {  	s3 =	sld [smem:$0x3FFC];
	_ =	sdelay $0x3  }
0x94: {  	_ =	strace s3  }
0x95: {  	s3 =	sld [smem:$0x3FFD];
	_ =	sdelay $0x3  }
0x96: {  	_ =	strace s3  }
0x97: {  	_ =	strace $0x8FFFFFFF  }
0x98: {  	s19 =	sld [smem:$0x3FDB];
	_ =	sdelay $0x1  }
0x99: {  	s4 =	simm.s32 $_scs_section_size  }
0x9a: {  	s5 =	simm.s32 $_size__tile_overlayer_lowered;
	s6 =	simm.s32 $_tile_overlayer_lowered  }
0x9b: {  	s22 =	simm.s32 $0x1BFF;
	s21 =	sshll.u32 s6, $0x1;
	s3 =	sadd.s32 s4, s19  }
0x9c: {  	s7 =	simm.s32 $0x0;
	s20 =	sshll.u32 s5, $0x1;
	s5 =	sadd.s32 s21, s3  }
0x9d: {  	[timem:s7], [sflag:s22] =	dma.local [hbm:s5], s20  }
0x9e: {  	_ =	swait.ge [sflag:s22], s20  }
0x9f: {  	s4 =	ssub.s32 $0x0, s20;
	[sflag:s22] =	ssyncset.done $0x0  }
0xa0: {  	[sflag:s22] =	ssyncadd.s32 s4;
	_ =	sdelay $0x1  }
0xa1: {  	s23 =	simm.s32 $0x1B8B  }
0xa2: {  	_ =	swait.ge [sflag:s23], $0x1  }
0xa3: {  	[sflag:s23] =	ssyncset.done $0x0  }
0xa4: {  	s25 =	simm.s32 $0x1B8E;
	s24 =	sld [smem:$0x3FFE];
	[sflag:s23] =	ssyncadd.s32 $0xFFFFFFFF  }
0xa5: {  	s26 =	simm.s32 $execute0_lowered;
	[smem:$0x3FD2] =	sst s25  }
0xa6: {  	s5 =	sshll.u32 s26, $0x1;
	_ =	strace $0x80000046;
	[dreg:$0x1] =	wrdreg $0xFFFFFFFF  }
0xa7: {  	s28 =	simm.s32 $_size_execute0_lowered;
	s3 =	sadd.s32 s3, s5;
	[dreg:$0x0] =	wrdreg $0x0  }
0xa8: {  	s5 =	sshll.u32 s28, $0x1;
	[dreg:$0x2] =	wrdreg s3  }
0xa9: {  	[dreg:$0x3] =	wrdreg s5  }
0xaa: {  	[dreg:$0x4] =	wrdreg $0xC0  }
0xab: {  	_ =	task [dreg:s7], $0x5FFFF  }
0xac: {  	[dreg:$0x1] =	wrdreg $0xFFFFFFFF  }
0xad: {  	[dreg:$0x0] =	wrdreg $0x60  }
0xae: {  	[dreg:$0x2] =	wrdreg s2  }
0xaf: {  	[dreg:$0x3] =	wrdreg s24  }
0xb0: {  	[dreg:$0x4] =	wrdreg $0x0  }
0xb1: {  	[dreg:$0x5] =	wrdreg $0x9  }
0xb2: {  	_ =	task.clear_ibuf [dreg:s7], $0x6FFFF;
	_ =	strace $0x90000046  }
0xb3: {  	s29 =	simm.s32 $0x9;
	_ =	strace $0x80000048  }
0xb4: {  	_ =	swait.ge [sflag:s29], $0x1  }
0xb5: {  	[sflag:s29] =	ssyncadd.s32 $0xFFFFFFFF  }
0xb6: {  	_ =	strace $0x90000048  }
0xb7: {  	_ =	sfence  }
0xb8: {  	s30 =	sld [smem:$0x0];
	_ =	sdelay $0x2  }
0xb9: {  	s31 =	sshll.u32 s1, $0xD;
	s1 =	sshrl.u32 s1, $0x2  }
0xba: {  	s3 =	sand.u32 $0x4000, s31;
	s1 =	sadd.s32 s1, s30  }
0xbb: {  	s0 =	sor.u32 s3, s0;
	s1 =	sshll.u32 s1, $0x11  }
0xbc: {  	s0 =	sor.u32 s1, s0  }
0xbd: {  	s0 =	sadd.s32 $0x8F2B, s0  }
0xbe: {  	[sflag:s0] =	ssyncadd.remote.s32 $0x1  }
0xbf: {  	_ =	sfence.sel $0xFFFF  }
0xc0: {  	[dreg:$0x0] =	wrdreg $0xFFFFFFFF;
	(pc) =	sbr.abs _section_cstart, $3  }
0xc1: {  	[dreg:$0x1] =	wrdreg $0xFFFFFFFF  }
0xc2: {  	_ =	task.clear_ibuf [dreg:s7], $0x2FFFF;
	_ =	strace $0x9FFFFFFF  }
0xc3: {  	(tm) =	ssettm $0x7FFFFFFF  }
tec
execute0_lowered:
.L_overlay_start_1:
0x0: {  	(tag) =	ssettag $0x1  }
0x1: {  	s1 =	rddreg [dreg:$0x0]  }
0x2: {  	s0 =	rddreg [dreg:$0x1]  }
0x3: {  	s2 =	rddreg [dreg:$0x2];
	s4 =	simm.s32 $0x0;
	s3 =	srdreg.scid  }
0x4: {  	s12 =	stileid.u32;
	s29 =	simm.s32 $0x6;
	s30 =	simm.s32 $0x7  }
0x5: {  	s31 =	simm.s32 $0x4;
	[smem:$0x7FF] =	sst s4;
	s3 =	sand.u32 $0x1, s3  }
0x6: {  	s6 =	smul.u32 $0x1F400, s12;
	s8 =	sadd.s32 $0xCA00, s0;
	s9 =	sadd.s32 $0x2C00, s0  }
0x7: {  	s10 =	sadd.s32 $0x16800, s0;
	s22 =	smul.u32 $0x2710, s12;
	p0 =	sgt.u32 s12, $0x9  }
0x8: {  	s28 =	simm.s32 $0x5;
	s5 =	smul.u32 $0x138800, s3;
	_ =	strace $0x80000047  }
0x9: {  	s7 =	sshll.u32 s3, $0x4;
	s11 =	ssub.s32 $0x2, s3;
	s3 =	smul.u32 $0x27100, s3  }
0xa: {  	[dreg:$0x4] =	wrdreg s10;
	s7 =	sor.u32 s12, s7;
	s13 =	sshrl.u32 s11, $0x1  }
0xb: {  	s5 =	sadd.s32 s6, s5;
	s7 =	smul.u32 $0x2710, s7;
	s3 =	sadd.s32 s22, s3  }
0xc: {  	s5 =	sshrl.u32 s5, $0x3;
	s25 =	sadd.s32 $0x190, s3;
	s3 =	sadd.s32 $0x140, s3  }
0xd: {  	s0 =	sadd.s32 s5, s0;
	s5 =	ssub.s32 s11, s13;
	s14 =	sshrl.u32 s7, $0x3  }
0xe: {  	s11 =	smul.u32 $0x7D000, s12;
	s26 =	sshrl.u32 s25, $0x3;
	s7 =	sadd.s32 s8, s14  }
0xf: {  	s3 =	sshrl.u32 s3, $0x3;
	s15 =	sadd.s32 s9, s14;
	[dreg:$0x5] =	wrdreg s7  }
0x10: {  	s16 =	sadd.s32 $0xA, s14;
	s0 =	sadd.s32 $0x1A800, s0;
	[dreg:$0x6] =	wrdreg s15  }
0x11: {  	s18 =	sadd.s32 $0x14, s14;
	s5 =	smax.u32 s5, $0x1;
	[dreg:$0x10] =	wrdreg s0  }
0x12: {  	s21 =	sadd.s32 $0x1E, s14;
	s17 =	sadd.s32 s8, s16;
	[dreg:$0x11] =	wrdreg s5  }
0x13: {  	s6 =	sadd.s32 $0x4D8, s14;
	s7 =	sadd.s32 s9, s16;
	[dreg:$0x7] =	wrdreg s17  }
0x14: {  	s22 =	sadd.s32 s3, s8;
	s19 =	sadd.s32 s8, s18;
	[dreg:$0x8] =	wrdreg s7  }
0x15: {  	s20 =	sadd.s32 s9, s18;
	s13 =	sadd.s32 s8, s21;
	[dreg:$0x9] =	wrdreg s19  }
0x16: {  	s23 =	sshrl.u32 s11, $0x2;
	s24 =	sadd.s32 s8, s6;
	[dreg:$0xa] =	wrdreg s20  }
0x17: {  	s6 =	sadd.s32 s9, s6;
	s0 =	simm.s32 $0x1;
	[dreg:$0xb] =	wrdreg s13  }
.Ltmp0:
0x18: {  	s5 =	simm.s32 $0x0;
	[dreg:$0xe] =	wrdreg s24;
	(pc) =	sbr.rel .LBB2_1-.Ltmp0, $4  }
0x19: {  	s7 =	sadd.s32 s9, s21;
	[dreg:$0xf] =	wrdreg s6;
	s19 =	sadd.s32 s26, s9  }
0x1a: {  	s20 =	sadd.s32 s26, s8;
	s21 =	sadd.s32 s3, s9;
	s24 =	simm.s32 $0x13C80  }
0x1b: {  	s3 =	simm.s32 $0x50;
	[dreg:$0xc] =	wrdreg s7;
	s7 =	sadd.s32 s23, s2  }
0x1c: {  	s26 =	simm.s32 $0x14080;
	s23 =	simm.s32 $0x13880;
	[dreg:$0xd] =	wrdreg s7  }
.LBB2_6:
0x1d: {  	_ =	swait.ge [sflag:s29], $0x2800  }
0x1e: {  	[sflag:s29] =	ssyncset.done $0x0  }
0x1f: {  	[sflag:s29] =	ssyncadd.s32 $0xFFFFD800  }
0x20: {  	_ =	swait.ge [sflag:s29], $0x2800  }
0x21: {  	[sflag:s29] =	ssyncset.done $0x0  }
0x22: {  	s8 =	rddreg [dreg:$0xe];
	[sflag:s29] =	ssyncadd.s32 $0xFFFFD800  }
0x23: {  	[tilespmem:s23], [sflag:$0x7] =	stream.linear.gather [hbm4b:s8+s4], $0x50, $0x38;
	[tilespmem:$0x1E080] =	vst v63  }
0x24: {  	_ =	swait.ge [sflag:s30], $0x50  }
0x25: {  	[sflag:s30] =	ssyncset.done $0x0  }
0x26: {  	s18 =	rddreg [dreg:$0xf];
	[sflag:s30] =	ssyncadd.s32 $0xFFFFFFB0  }
0x27: {  	[tilespmem:s24], [sflag:$0x7] =	stream.linear.gather [hbm4b:s18+s4], $0x50, $0x38;
	[tilespmem:$0x1E080] =	vst v63  }
0x28: {  	_ =	swait.ge [sflag:s30], $0x50  }
0x29: {  	[sflag:s30] =	ssyncset.done $0x0  }
0x2a: {  	[sflag:s30] =	ssyncadd.s32 $0xFFFFFFB0  }
0x2b: {  	[tilespmem:s26], [sflag:$0x7] =	stream.indirect.gather [hbm4b:s1+s3], $0x80, s23, s3, $0xb8;
	[tilespmem:$0x1E080] =	vst v63  }
0x2c: {  	_ =	swait.ge [sflag:s30], $0x2800  }
0x2d: {  	[sflag:s30] =	ssyncset.done $0x0  }
0x2e: {  	[sflag:s30] =	ssyncadd.s32 $0xFFFFD800  }
0x2f: {  	[spmem:s2] =	stream.indirect.scatter.add.f32 [tilespmem:s26], [sflag:$0x7], $0x80, s24, s3, $0xb8;
	[tilespmem:$0x1E080] =	vst v63  }
0x30: {  	_ =	swait.ge [sflag:s30], $0x2800  }
0x31: {  	[sflag:s30] =	ssyncset.done $0x0  }
0x32: {  	[sflag:s30] =	ssyncadd.s32 $0xFFFFD800  }
0x33: {  	[bflag:$0x0] =	sbarrier.arrive $0xFFFF  }
0x34: {  	s8 =	rddreg [dreg:$0x10]  }
0x35: {  	[hbm:s8], [sflag:s6] =	dma.local @!p0 [spmem:s7], $0x3E80  }
0x36: {  	s6 =	simm.s32 @!p0 $0x7  }
0x37: {  	_ =	swait.ge @!p0 [sflag:s6], $0x3E80  }
0x38: {  	s5 =	sadd.s32 $0x1, s5;
	s25 =	rddreg [dreg:$0x11]  }
0x39: {  	p1 =	sne.s32 s5, s25  }
.Ltmp1:
0x3a: {  	_ = 	snop;
	(pc) =	sbr.rel @!p1 .LBB2_7-.Ltmp1, $3  }
0x3b: {  	_ =	sdelay $0x1  }
0x3c: {  	[sflag:s6] =	ssyncset.done @!p0 $0x0  }
0x3d: {  	[sflag:s6] =	ssyncadd.s32 @!p0 $0xFFFFC180  }
.LBB2_1:
0x3e: {  	s6 =	rddreg [dreg:$0x5]  }
0x3f: {  	s7 =	rddreg [dreg:$0x6]  }
0x40: {  	s8 =	rddreg [dreg:$0x7]  }
0x41: {  	[tilespmem:s23], [sflag:$0x1] =	stream.linear.gather [hbm4b:s6+s4], $0x50, $0x38;
	[tilespmem:$0x1E080] =	vst v63  }
0x42: {  	s10 =	rddreg [dreg:$0x8]  }
0x43: {  	[tilespmem:s24], [sflag:$0x1] =	stream.linear.gather [hbm4b:s7+s4], $0x50, $0x38;
	[tilespmem:$0x1E080] =	vst v63  }
0x44: {  	s9 =	simm.s32 $0x13900;
	s11 =	rddreg [dreg:$0x9]  }
0x45: {  	[tilespmem:s9], [sflag:$0x1] =	stream.linear.gather [hbm4b:s8+s4], $0x50, $0x38;
	[tilespmem:$0x1E080] =	vst v63  }
0x46: {  	s13 =	rddreg [dreg:$0xa];
	s7 =	simm.s32 $0x13D00  }
0x47: {  	[tilespmem:s7], [sflag:$0x1] =	stream.linear.gather [hbm4b:s10+s4], $0x50, $0x38;
	[tilespmem:$0x1E080] =	vst v63  }
0x48: {  	s12 =	simm.s32 $0x13980;
	s14 =	simm.s32 $0x13D80;
	s15 =	rddreg [dreg:$0xb]  }
0x49: {  	[tilespmem:s12], [sflag:$0x2] =	stream.linear.gather [hbm4b:s11+s4], $0x50, $0x38;
	[tilespmem:$0x1E080] =	vst v63  }
0x4a: {  	s16 =	simm.s32 $0x13A00;
	s17 =	rddreg [dreg:$0xc];
	s6 =	stileid.u32  }
0x4b: {  	[tilespmem:s14], [sflag:$0x2] =	stream.linear.gather [hbm4b:s13+s4], $0x50, $0x38;
	[tilespmem:$0x1E080] =	vst v63  }
0x4c: {  	s18 =	simm.s32 $0x13E00;
	s6 =	sshll.u32 @!p0 s6, $0x6;
	s7 =	rddreg [dreg:$0xd]  }
0x4d: {  	[tilespmem:s16], [sflag:$0x2] =	stream.linear.gather [hbm4b:s15+s4], $0x50, $0x38;
	[tilespmem:$0x1E080] =	vst v63  }
0x4e: {  	s6 =	sor.u32 @!p0 $0x1C07, s6;
	s8 =	rddreg [dreg:$0x4];
	s7 =	sshrl.u32 @!p0 s7, $0x3  }
0x4f: {  	[tilespmem:s18], [sflag:$0x2] =	stream.linear.gather [hbm4b:s17+s4], $0x50, $0x38;
	[tilespmem:$0x1E080] =	vst v63  }
0x50: {  	[spmem:s7], [sflag:s6] =	dma.local @!p0 [hbm:s8], $0x3E80  }
0x51: {  	s8 =	simm.s32 @!p0 $0x7  }
0x52: {  	_ =	swait.ge @!p0 [sflag:s8], $0x3E80  }
0x53: {  	[sflag:s8] =	ssyncset.done @!p0 $0x0  }
0x54: {  	[sflag:s8] =	ssyncadd.s32 @!p0 $0xFFFFC180  }
0x55: {  	_ =	swait.ge [sflag:s0], $0x50  }
0x56: {  	[sflag:s0] =	ssyncset.done $0x0  }
0x57: {  	[sflag:s0] =	ssyncadd.s32 $0xFFFFFFB0  }
0x58: {  	_ =	swait.ge [sflag:s0], $0x50  }
0x59: {  	[sflag:s0] =	ssyncset.done $0x0  }
0x5a: {  	[sflag:s0] =	ssyncadd.s32 $0xFFFFFFB0  }
0x5b: {  	_ =	swait.ge [sflag:s0], $0x50  }
0x5c: {  	[sflag:s0] =	ssyncset.done $0x0  }
0x5d: {  	[sflag:s0] =	ssyncadd.s32 $0xFFFFFFB0  }
0x5e: {  	_ =	swait.ge [sflag:s0], $0x50  }
0x5f: {  	[sflag:s0] =	ssyncset.done $0x0  }
0x60: {  	[sflag:s0] =	ssyncadd.s32 $0xFFFFFFB0  }
0x61: {  	[tilespmem:s26], [sflag:$0x3] =	stream.indirect.gather [hbm4b:s1+s3], $0x80, s23, s3, $0xb8;
	[tilespmem:$0x1E080] =	vst v63  }
.Ltmp2:
0x62: {  	_ = 	snop;
	(pc) =	sbr.rel .LBB2_2-.Ltmp2, $4  }
0x63: {  	s25 =	simm.s32 $0x16880  }
0x64: {  	[tilespmem:s25], [sflag:$0x3] =	stream.indirect.gather [hbm4b:s1+s3], $0x80, s9, s3, $0xb8;
	[tilespmem:$0x1E080] =	vst v63  }
0x65: {  	s10 =	simm.s32 $0x2;
	s11 =	simm.s32 $0x0;
	[bflag:$0x0] =	sbarrier.arrive $0xFFFF  }
0x66: {  	s12 =	simm.s32 $0x0;
	s8 =	simm.s32 $0x200;
	s9 =	simm.s32 $0x400  }
.LBB2_5:
0x67: {  	s11 =	sadd.s32 $0x14, s11  }
0x68: {  	p1 =	sne.s32 s11, $0x4D8  }
.Ltmp3:
0x69: {  	_ = 	snop;
	(pc) =	sbr.rel @!p1 .LBB2_6-.Ltmp3, $3  }
0x6a: {  	_ =	sdelay $0x1  }
0x6b: {  	s12 =	sadd.s32 $0x1, s12  }
0x6c: {  	s8 =	sadd.s32 $0x100, s8;
	s9 =	sadd.s32 $0x400, s9;
	s10 =	sadd.s32 $0x2, s10  }
.LBB2_2:
0x6d: {  	s14 =	sand.u32 $0x1, s12  }
0x6e: {  	p1 =	seq.s32 s14, $0x1  }
0x6f: {  	s15 =	simm.s32 @!p1 $0x3  }
0x70: {  	_ =	swait.ge @!p1 [sflag:s15], $0x2800  }
0x71: {  	s13 =	smul.u32 $0x14000, s14;
	[sflag:s15] =	ssyncset.done @!p1 $0x0  }
0x72: {  	s16 =	sadd.s32 @!p1 $0xFFFFFC00, s9;
	s25 =	simm.s32 @!p1 $0x50;
	[sflag:s15] =	ssyncadd.s32 @!p1 $0xFFFFD800  }
0x73: {  	p2 =	seq.s32 @!p1 s11, $0x0;
	s16 =	sand.u32 @!p1 $0x800, s16;
	_ =	swait.ge @!p1 [sflag:s15], $0x2800  }
0x74: {  	s17 =	sshrl.u32 @!p1 s13, $0x2;
	s16 =	sshrl.u32 @!p1 s16, $0x2;
	[sflag:s15] =	ssyncset.done @!p1 $0x0  }
0x75: {  	s18 =	sadd.s32 @!p1 $0x14080, s17;
	[sflag:s15] =	ssyncadd.s32 @!p1 $0xFFFFD800;
	s15 =	sor.u32 @!p1 $0x13C80, s16  }
0x76: {  	[spmem:s2] =	stream.indirect.scatter.add.f32 @!p1 [tilespmem:s18], [sflag:$0x5], $0x80, s15, s25, $0xb8;
	[tilespmem:$0x1E080] =	vst v63  }
0x77: {  	p2 =	por p2, p1;
	s15 =	sadd.s32 @!p1 $0x16880, s17;
	s17 =	sor.u32 @!p1 $0x13D00, s16  }
0x78: {  	[spmem:s2] =	stream.indirect.scatter.add.f32 @!p1 [tilespmem:s15], [sflag:$0x5], $0x80, s17, s25, $0xb8;
	[tilespmem:$0x1E080] =	vst v63  }
0x79: {  	s15 =	simm.s32 @!p2 $0x6  }
0x7a: {  	_ =	swait.ge @!p2 [sflag:s15], $0x2800  }
0x7b: {  	[sflag:s15] =	ssyncset.done @!p2 $0x0  }
0x7c: {  	[sflag:s15] =	ssyncadd.s32 @!p2 $0xFFFFD800  }
0x7d: {  	_ =	swait.ge @!p2 [sflag:s15], $0x2800  }
0x7e: {  	[sflag:s15] =	ssyncset.done @!p2 $0x0  }
0x7f: {  	[sflag:s15] =	ssyncadd.s32 @!p2 $0xFFFFD800;
	s15 =	simm.s32 @!p1 $0x2  }
0x80: {  	_ =	swait.ge @!p1 [sflag:s15], $0x50  }
0x81: {  	[sflag:s15] =	ssyncset.done @!p1 $0x0  }
0x82: {  	[sflag:s15] =	ssyncadd.s32 @!p1 $0xFFFFFFB0  }
0x83: {  	_ =	swait.ge @!p1 [sflag:s15], $0x50  }
0x84: {  	[sflag:s15] =	ssyncset.done @!p1 $0x0  }
0x85: {  	[sflag:s15] =	ssyncadd.s32 @!p1 $0xFFFFFFB0  }
0x86: {  	_ =	swait.ge @!p1 [sflag:s15], $0x50  }
0x87: {  	[sflag:s15] =	ssyncset.done @!p1 $0x0  }
0x88: {  	[sflag:s15] =	ssyncadd.s32 @!p1 $0xFFFFFFB0  }
0x89: {  	_ =	swait.ge @!p1 [sflag:s15], $0x50  }
0x8a: {  	s17 =	sadd.s32 @!p1 $0x13980, s16;
	[sflag:s15] =	ssyncset.done @!p1 $0x0  }
0x8b: {  	p2 =	sgt.u32 @!p1 s12, $0x3B;
	[sflag:s15] =	ssyncadd.s32 @!p1 $0xFFFFFFB0;
	s15 =	simm.s32 @!p1 $0x19080  }
0x8c: {  	[tilespmem:s15], [sflag:$0x4] =	stream.indirect.gather @!p1 [hbm4b:s1+s25], $0x80, s17, s25, $0xb8;
	[tilespmem:$0x1E080] =	vst v63  }
0x8d: {  	p2 =	por p2, p1;
	s15 =	sadd.s32 @!p1 $0x13A00, s16;
	s16 =	simm.s32 @!p1 $0x1B880  }
0x8e: {  	[tilespmem:s16], [sflag:$0x4] =	stream.indirect.gather @!p1 [hbm4b:s1+s25], $0x80, s15, s25, $0xb8;
	[tilespmem:$0x1E080] =	vst v63  }
0x8f: {  	s15 =	sand.u32 @!p2 $0x200, s8  }
0x90: {  	s18 =	simm.s32 @!p2 $0x0;
	s17 =	sadd.s32 @!p2 s11, s22;
	s16 =	sor.u32 @!p2 $0x13880, s15  }
0x91: {  	[tilespmem:s16], [sflag:$0x1] =	stream.linear.gather @!p2 [hbm4b:s17+s18], $0x50, $0x38;
	[tilespmem:$0x1E080] =	vst v63  }
0x92: {  	s16 =	sor.u32 @!p2 $0x13C80, s15;
	s17 =	sadd.s32 @!p2 s11, s21  }
0x93: {  	[tilespmem:s16], [sflag:$0x1] =	stream.linear.gather @!p2 [hbm4b:s17+s18], $0x50, $0x38;
	[tilespmem:$0x1E080] =	vst v63  }
0x94: {  	s16 =	sor.u32 @!p2 $0x13900, s15;
	s17 =	sadd.s32 @!p2 s11, s20  }
0x95: {  	[tilespmem:s16], [sflag:$0x1] =	stream.linear.gather @!p2 [hbm4b:s17+s18], $0x50, $0x38;
	[tilespmem:$0x1E080] =	vst v63  }
0x96: {  	s15 =	sor.u32 @!p2 $0x13D00, s15;
	s16 =	sadd.s32 @!p2 s11, s19  }
0x97: {  	[tilespmem:s15], [sflag:$0x1] =	stream.linear.gather @!p2 [hbm4b:s16+s18], $0x50, $0x38;
	[tilespmem:$0x1E080] =	vst v63  }
0x98: {  	p2 =	seq.s32 @!p1 s14, $0x0  }
0x99: {  	p1 =	por p1, !p2  }
.Ltmp4:
0x9a: {  	_ = 	snop;
	(pc) =	sbr.rel @!p1 .LBB2_5-.Ltmp4, $1  }
0x9b: {  	_ =	sdelay $0x3  }
0x9c: {  	_ =	swait.ge [sflag:s31], $0x2800  }
0x9d: {  	[sflag:s31] =	ssyncset.done $0x0  }
0x9e: {  	s14 =	sadd.s32 $0xFFFFFC00, s9;
	[sflag:s31] =	ssyncadd.s32 $0xFFFFD800  }
0x9f: {  	s14 =	sand.u32 $0xC00, s14;
	_ =	swait.ge [sflag:s31], $0x2800  }
0xa0: {  	s13 =	sshrl.u32 s13, $0x2;
	s14 =	sshrl.u32 s14, $0x2;
	[sflag:s31] =	ssyncset.done $0x0  }
0xa1: {  	s15 =	sadd.s32 $0x14080, s13;
	s16 =	sor.u32 $0x13C80, s14;
	[sflag:s31] =	ssyncadd.s32 $0xFFFFD800  }
0xa2: {  	[spmem:s2] =	stream.indirect.scatter.add.f32 [tilespmem:s15], [sflag:$0x6], $0x80, s16, s3, $0xb8;
	[tilespmem:$0x1E080] =	vst v63  }
0xa3: {  	s13 =	sadd.s32 $0x16880, s13;
	s14 =	sadd.s32 $0x13D00, s14  }
0xa4: {  	[spmem:s2] =	stream.indirect.scatter.add.f32 [tilespmem:s13], [sflag:$0x6], $0x80, s14, s3, $0xb8;
	[tilespmem:$0x1E080] =	vst v63  }
0xa5: {  	p1 =	seq.s32 s11, $0x4C4;
	_ =	swait.ge [sflag:s28], $0x2800  }
.Ltmp5:
0xa6: {  	[sflag:s28] =	ssyncset.done $0x0;
	(pc) =	sbr.rel @p1 .LBB2_6-.Ltmp5, $4  }
0xa7: {  	[sflag:s28] =	ssyncadd.s32 $0xFFFFD800  }
0xa8: {  	_ =	swait.ge [sflag:s28], $0x2800  }
0xa9: {  	[sflag:s28] =	ssyncset.done $0x0  }
0xaa: {  	[sflag:s28] =	ssyncadd.s32 $0xFFFFD800  }
0xab: {  	_ =	swait.ge [sflag:s0], $0x50  }
0xac: {  	[sflag:s0] =	ssyncset.done $0x0  }
0xad: {  	[sflag:s0] =	ssyncadd.s32 $0xFFFFFFB0  }
0xae: {  	_ =	swait.ge [sflag:s0], $0x50  }
0xaf: {  	[sflag:s0] =	ssyncset.done $0x0  }
0xb0: {  	[sflag:s0] =	ssyncadd.s32 $0xFFFFFFB0  }
0xb1: {  	_ =	swait.ge [sflag:s0], $0x50  }
0xb2: {  	s13 =	sand.u32 $0x2, s10;
	[sflag:s0] =	ssyncset.done $0x0  }
0xb3: {  	s13 =	smul.u32 $0xA000, s13;
	[sflag:s0] =	ssyncadd.s32 $0xFFFFFFB0  }
0xb4: {  	s14 =	sshrl.u32 s9, $0x2;
	_ =	swait.ge [sflag:s0], $0x50  }
0xb5: {  	s14 =	sand.u32 $0x300, s14;
	s13 =	sshrl.u32 s13, $0x2;
	[sflag:s0] =	ssyncset.done $0x0  }
0xb6: {  	s15 =	sor.u32 $0x13880, s14;
	s16 =	sadd.s32 $0x14080, s13;
	[sflag:s0] =	ssyncadd.s32 $0xFFFFFFB0  }
0xb7: {  	[tilespmem:s16], [sflag:$0x3] =	stream.indirect.gather [hbm4b:s1+s3], $0x80, s15, s3, $0xb8;
	[tilespmem:$0x1E080] =	vst v63  }
0xb8: {  	p1 =	sgt.u32 s12, $0x3B;
	s14 =	sadd.s32 $0x13900, s14;
	s13 =	sadd.s32 $0x16880, s13  }
0xb9: {  	[tilespmem:s13], [sflag:$0x3] =	stream.indirect.gather [hbm4b:s1+s3], $0x80, s14, s3, $0xb8;
	[tilespmem:$0x1E080] =	vst v63  }
0xba: {  	s13 =	sand.u32 @!p1 $0x300, s8  }
0xbb: {  	s15 =	sadd.s32 @!p1 s11, s22;
	s16 =	simm.s32 @!p1 $0x0;
	s14 =	sor.u32 @!p1 $0x13880, s13  }
0xbc: {  	[tilespmem:s14], [sflag:$0x2] =	stream.linear.gather @!p1 [hbm4b:s15+s16], $0x50, $0x38;
	[tilespmem:$0x1E080] =	vst v63  }
0xbd: {  	s14 =	sor.u32 @!p1 $0x13C80, s13;
	s15 =	sadd.s32 @!p1 s11, s21  }
0xbe: {  	[tilespmem:s14], [sflag:$0x2] =	stream.linear.gather @!p1 [hbm4b:s15+s16], $0x50, $0x38;
	[tilespmem:$0x1E080] =	vst v63  }
.Ltmp6:
0xbf: {  	_ = 	snop;
	(pc) =	sbr.rel .LBB2_5-.Ltmp6, $4  }
0xc0: {  	s14 =	sadd.s32 @!p1 $0x13900, s13;
	s15 =	sadd.s32 @!p1 s11, s20  }
0xc1: {  	[tilespmem:s14], [sflag:$0x2] =	stream.linear.gather @!p1 [hbm4b:s15+s16], $0x50, $0x38;
	[tilespmem:$0x1E080] =	vst v63  }
0xc2: {  	s13 =	sadd.s32 @!p1 $0x13D00, s13;
	s14 =	sadd.s32 @!p1 s11, s19  }
0xc3: {  	[tilespmem:s13], [sflag:$0x2] =	stream.linear.gather @!p1 [hbm4b:s14+s16], $0x50, $0x38;
	[tilespmem:$0x1E080] =	vst v63  }
.LBB2_7:
0xc4: {  	_ =	sfence.sel $0x180000  }
0xc5: {  	[bflag:$0x0] =	sbarrier.arrive $0xFFFF  }
0xc6: {  	_ =	strace $0x90000047  }
0xc7: {  	s0 =	stileid.u32;
	[bflag:$0x2] =	sbarrier.arrive $0xFFFF  }
0xc8: {  	p0 =	sne.s32 s0, $0x0;
	s0 =	rddreg [dreg:$0x3]  }
0xc9: {  	s0 =	sadd.s32 @!p0 $0x100000, s0  }
0xca: {  	[sflag:s0] =	ssyncadd.tile.s32 @!p0 $0x1;
	_ =	shalt  }
.Lfunc_end2:
_tile_overlayer_lowered:
.L_overlay_start_2:
0xcb: {  	(tag) =	ssettag $0x2  }
0xcc: {  	s0 =	rddreg [dreg:$0x0];
	s2 =	stileid.u32  }
0xcd: {  	s1 =	rddreg [dreg:$0x1];
	p0 =	sne.s32 s2, $0x0  }
0xce: {  	s3 =	rddreg [dreg:$0x2];
	[bflag:$0x3] =	sbarrier.arrive $0xFFFF;
	s2 =	simm.s32 @!p0 $0x1C07  }
0xcf: {  	[timem:s3], [sflag:s2] =	dma.local @!p0 [hbm:s0], s1  }
0xd0: {  	s0 =	simm.s32 @!p0 $0x7  }
0xd1: {  	_ =	swait.ge @!p0 [sflag:s0], s1  }
0xd2: {  	s1 =	ssub.s32 @!p0 $0x0, s1;
	[sflag:s0] =	ssyncset.done @!p0 $0x0  }
0xd3: {  	[sflag:s0] =	ssyncadd.s32 @!p0 s1  }
0xd4: {  	[bflag:$0x3] =	sbarrier.arrive $0xFFFF  }
0xd5: {  	_ =	shalt  }

// kernel: kernel.14.cloned.1.call-start
scs
__scs_entry_jumppad:
0x0: {  	(pc) =	sbr.rel $0x88, $3  }
0x1: {  	(tag) =	ssettag $0x0;
	lr =	simm.s32 $0x1  }
0x2: {  	[smem:$0x3F93] =	sst lr;
	_ =	strace $0xD0000000  }
0x3: {  	_ = 	snop  }
0x4: {  	_ = 	snop  }
0x5: {  	_ = 	snop  }
0x6: {  	_ = 	snop  }
0x7: {  	_ = 	snop  }
__scs_overlays_trampoline_lowered:
0x8: {  	[smem:$0x3FA2] =	sst s0  }
0x9: {  	[smem:$0x3FA3] =	sst s1  }
0xa: {  	[smem:$0x3FA4] =	sst s2  }
0xb: {  	[smem:$0x3FA5] =	sst s3  }
0xc: {  	[smem:$0x3FA6] =	sst s4  }
0xd: {  	[smem:$0x3FA7] =	sst s5  }
0xe: {  	[smem:$0x3FA8] =	sst s6  }
0xf: {  	[smem:$0x3FA9] =	sst s7  }
0x10: {  	[smem:$0x3FAA] =	sst s8  }
0x11: {  	[smem:$0x3FAB] =	sst s9;
	s0 =	simm.s32 @!p0 $0x0  }
0x12: {  	s1 =	sld [smem:$0x3F91];
	s0 =	simm.s32 @p0 $0x1  }
0x13: {  	[smem:$0x3FAC] =	sst s0;
	s0 =	simm.s32 @!p1 $0x0  }
0x14: {  	s2 =	sld [smem:$0x3F90];
	s0 =	simm.s32 @p1 $0x1  }
0x15: {  	[smem:$0x3FAD] =	sst s0;
	s0 =	simm.s32 @!p2 $0x0  }
0x16: {  	s3 =	sld [smem:$0x3FDB];
	s0 =	simm.s32 @p2 $0x1  }
0x17: {  	s4 =	simm.s32 $0x1BF5;
	[smem:$0x3FAF] =	sst s0  }
0x18: {  	s0 =	sld [smem:$0x3F92];
	_ =	swait.ge [sflag:s4], $0x0  }
0x19: {  	s7 =	sld [smem:$0x3F93]  }
0x1a: {  	s8 =	sadd.s32 $0xFFFFE003, lr  }
0x1b: {  	s9 =	sadd.s32 $0xFFFFFEF7, lr;
	s5 =	simm.s32 $0xFFFFFFFF;
	p2 =	slt.u32 s8, $0xFFFFF086  }
0x1c: {  	p1 =	slt.u32 s9, $0xF7A;
	s5 =	simm.s32 @!p2 $0x0  }
0x1d: {  	s5 =	simm.s32 @p1 $0x1;
	p0 =	seq.s32 s7, s2  }
0x1e: {  	s7 =	smul.u32 @!p0 $0xF7A, s2;
	p2 =	seq.s32 @!p0 s5, $0x0  }
0x1f: {  	s9 =	smul.u32 $0xF7A, s1;
	s8 =	simm.s32 @!p0 $0x1BF5;
	p2 =	por !p2, p0  }
0x20: {  	[sflag:s8] =	ssyncset.s32 @!p0 $0xFFFFF086;
	s6 =	sadd.s32 @!p0 s3, s7;
	s7 =	simm.s32 @!p0 $0x108  }
0x21: {  	s3 =	sadd.s32 s3, s9;
	s6 =	sadd.s32 @!p0 $0x88, s6;
	s7 =	simm.s32 @p2 $0x1082  }
0x22: {  	[simem:s7], [sflag:s8] =	dma.local @!p0 [hbm:s6], $0xF7A  }
0x23: {  	s9 =	sor.u32 $0xD0000000, s2;
	s6 =	simm.s32 $0x108;
	_ =	swait.ge @!p0 [sflag:s8], $0x0  }
0x24: {  	s3 =	sadd.s32 $0x88, s3;
	s6 =	simm.s32 @!p1 $0x1082;
	[sflag:s4] =	ssyncset.s32 $0xFFFFF086  }
0x25: {  	[simem:s6], [sflag:s4] =	dma.local [hbm:s3], $0xF7A  }
0x26: {  	[smem:$0x3F93] =	sst s1;
	(tag) =	ssettag s2;
	_ =	strace s9  }
0x27: {  	s1 =	sld [smem:$0x3FA3]  }
0x28: {  	s2 =	sld [smem:$0x3FA4]  }
0x29: {  	s4 =	sld [smem:$0x3FA6]  }
0x2a: {  	p0 =	seq.s32 s5, $0x0;
	s5 =	sld [smem:$0x3FA7]  }
0x2b: {  	s6 =	sld [smem:$0x3FA8]  }
0x2c: {  	s7 =	sld [smem:$0x3FA9]  }
0x2d: {  	s3 =	simm.s32 $0x108;
	s8 =	sld [smem:$0x3FAA]  }
0x2e: {  	s3 =	simm.s32 @!p0 $0x1082;
	s9 =	sld [smem:$0x3FAB]  }
0x2f: {  	lr =	sadd.s32 s0, s3;
	s0 =	sld [smem:$0x3FA2]  }
0x30: {  	s3 =	sld [smem:$0x3FA5]  }
0x31: {  	[smem:$0x3FAE] =	sst s10  }
0x32: {  	s10 =	sld [smem:$0x3FAC];
	_ =	sdelay $0x3  }
0x33: {  	p0 =	seq.s32 s10, $0x1;
	s10 =	sld [smem:$0x3FAE];
	_ =	sdelay $0x3  }
0x34: {  	[smem:$0x3FAE] =	sst s10  }
0x35: {  	s10 =	sld [smem:$0x3FAD];
	_ =	sdelay $0x3  }
0x36: {  	p1 =	seq.s32 s10, $0x1;
	s10 =	sld [smem:$0x3FAE];
	_ =	sdelay $0x3  }
0x37: {  	[smem:$0x3FAE] =	sst s10  }
0x38: {  	s10 =	sld [smem:$0x3FAF]  }
0x39: {  	_ = 	snop;
	(pc) =	sbr.ind lr, $3  }
0x3a: {  	_ = 	snop  }
0x3b: {  	_ = 	snop  }
0x3c: {  	p2 =	seq.s32 s10, $0x1;
	s10 =	sld [smem:$0x3FAE]  }
0x3d: {  	_ =	shalt  }
0x3e: {  	_ =	shalt  }
0x3f: {  	_ =	shalt  }
0x40: {  	_ =	shalt  }
0x41: {  	_ =	shalt  }
0x42: {  	_ =	shalt  }
0x43: {  	_ =	shalt  }
0x44: {  	_ =	shalt  }
0x45: {  	_ =	shalt  }
0x46: {  	_ =	shalt  }
0x47: {  	_ =	shalt  }
0x48: {  	_ =	shalt  }
0x49: {  	_ =	shalt  }
0x4a: {  	_ =	shalt  }
0x4b: {  	_ =	shalt  }
0x4c: {  	_ =	shalt  }
0x4d: {  	_ =	shalt  }
0x4e: {  	_ =	shalt  }
0x4f: {  	_ =	shalt  }
0x50: {  	_ =	shalt  }
0x51: {  	_ =	shalt  }
0x52: {  	_ =	shalt  }
0x53: {  	_ =	shalt  }
0x54: {  	_ =	shalt  }
0x55: {  	_ =	shalt  }
0x56: {  	_ =	shalt  }
0x57: {  	_ =	shalt  }
0x58: {  	_ =	shalt  }
0x59: {  	_ =	shalt  }
0x5a: {  	_ =	shalt  }
0x5b: {  	_ =	shalt  }
0x5c: {  	_ =	shalt  }
0x5d: {  	_ =	shalt  }
0x5e: {  	_ =	shalt  }
0x5f: {  	_ =	shalt  }
0x60: {  	_ =	shalt  }
0x61: {  	_ =	shalt  }
0x62: {  	_ =	shalt  }
0x63: {  	_ =	shalt  }
0x64: {  	_ =	shalt  }
0x65: {  	_ =	shalt  }
0x66: {  	_ =	shalt  }
0x67: {  	_ =	shalt  }
0x68: {  	_ =	shalt  }
0x69: {  	_ =	shalt  }
0x6a: {  	_ =	shalt  }
0x6b: {  	_ =	shalt  }
0x6c: {  	_ =	shalt  }
0x6d: {  	_ =	shalt  }
0x6e: {  	_ =	shalt  }
0x6f: {  	_ =	shalt  }
0x70: {  	_ =	shalt  }
0x71: {  	_ =	shalt  }
0x72: {  	_ =	shalt  }
0x73: {  	_ =	shalt  }
0x74: {  	_ =	shalt  }
0x75: {  	_ =	shalt  }
0x76: {  	_ =	shalt  }
0x77: {  	_ =	shalt  }
0x78: {  	_ =	shalt  }
0x79: {  	_ =	shalt  }
0x7a: {  	_ =	shalt  }
0x7b: {  	_ =	shalt  }
0x7c: {  	_ =	shalt  }
0x7d: {  	_ =	shalt  }
0x7e: {  	_ =	shalt  }
0x7f: {  	_ =	shalt  }
0x80: {  	_ =	shalt  }
0x81: {  	_ =	shalt  }
0x82: {  	_ =	shalt  }
0x83: {  	_ =	shalt  }
0x84: {  	_ =	shalt  }
0x85: {  	_ =	shalt  }
0x86: {  	_ =	shalt  }
0x87: {  	_ =	shalt  }
.Lfunc_end0:
.L_simem_size_0:
called_computation.1_lowered:
.L_overlay_start_0:
0x88: {  	s2 =	sld [smem:$0x3FD9]  }
0x89: {  	s3 =	sld [smem:$0x3FFE];
	_ =	sdelay $0x1  }
0x8a: {  	s1 =	srdreg.scid  }
0x8b: {  	s0 =	sand.u32 $0x1, s1  }
0x8c: {  	s16 =	sshll.u32 s0, $0xA;
	s2 =	sadd.s32 s3, s2  }
0x8d: {  	s2 =	sadd.s32 s2, s16  }
0x8e: {  	[smem:$0x3FBA] =	sst s2  }
0x8f: {  	_ = 	snop  }
0x90: {  	(tm) =	ssettm $0x1  }
0x91: {  	s17 =	sld [smem:$0x3FFB];
	_ =	sdelay $0x3  }
0x92: {  	_ =	strace s17  }
0x93: {  	s2 =	sld [smem:$0x3FFC];
	_ =	sdelay $0x3  }
0x94: {  	_ =	strace s2  }
0x95: {  	s2 =	sld [smem:$0x3FFD];
	_ =	sdelay $0x3  }
0x96: {  	_ =	strace s2  }
0x97: {  	_ =	strace $0x8FFFFFFF  }
0x98: {  	s18 =	sld [smem:$0x3FDB];
	_ =	sdelay $0x1  }
0x99: {  	s19 =	simm.s32 $_scs_section_size  }
0x9a: {  	s4 =	simm.s32 $_size__tile_overlayer_lowered;
	s5 =	simm.s32 $_tile_overlayer_lowered  }
0x9b: {  	s22 =	simm.s32 $0x1BFF;
	s21 =	sshll.u32 s5, $0x1;
	s2 =	sadd.s32 s19, s18  }
0x9c: {  	s6 =	simm.s32 $0x0;
	s20 =	sshll.u32 s4, $0x1;
	s4 =	sadd.s32 s21, s2  }
0x9d: {  	[timem:s6], [sflag:s22] =	dma.local [hbm:s4], s20  }
0x9e: {  	_ =	swait.ge [sflag:s22], s20  }
0x9f: {  	s3 =	ssub.s32 $0x0, s20;
	[sflag:s22] =	ssyncset.done $0x0  }
0xa0: {  	[sflag:s22] =	ssyncadd.s32 s3;
	_ =	sdelay $0x1  }
0xa1: {  	s23 =	simm.s32 $0x1B8B  }
0xa2: {  	_ =	swait.ge [sflag:s23], $0x1  }
0xa3: {  	[sflag:s23] =	ssyncset.done $0x0  }
0xa4: {  	s25 =	simm.s32 $0x1B8E;
	s24 =	sld [smem:$0x3FFE];
	[sflag:s23] =	ssyncadd.s32 $0xFFFFFFFF  }
0xa5: {  	s26 =	simm.s32 $execute0_lowered;
	[smem:$0x3FD2] =	sst s25  }
0xa6: {  	s4 =	sshll.u32 s26, $0x1;
	_ =	strace $0x80000049;
	[dreg:$0x1] =	wrdreg $0xFFFFFFFF  }
0xa7: {  	s28 =	simm.s32 $_size_execute0_lowered;
	s2 =	sadd.s32 s2, s4;
	[dreg:$0x0] =	wrdreg $0x0  }
0xa8: {  	s4 =	sshll.u32 s28, $0x1;
	[dreg:$0x2] =	wrdreg s2  }
0xa9: {  	[dreg:$0x3] =	wrdreg s4  }
0xaa: {  	[dreg:$0x4] =	wrdreg $0xC0  }
0xab: {  	_ =	task [dreg:s6], $0x5FFFF  }
0xac: {  	[dreg:$0x1] =	wrdreg $0xFFFFFFFF  }
0xad: {  	[dreg:$0x0] =	wrdreg $0x60  }
0xae: {  	[dreg:$0x2] =	wrdreg s24  }
0xaf: {  	[dreg:$0x3] =	wrdreg $0x0  }
0xb0: {  	[dreg:$0x4] =	wrdreg $0x9  }
0xb1: {  	_ =	task.clear_ibuf [dreg:s6], $0x5FFFF;
	_ =	strace $0x90000049  }
0xb2: {  	s29 =	simm.s32 $0x9;
	_ =	strace $0x8000004B  }
0xb3: {  	_ =	swait.ge [sflag:s29], $0x1  }
0xb4: {  	[sflag:s29] =	ssyncadd.s32 $0xFFFFFFFF  }
0xb5: {  	_ =	strace $0x9000004B  }
0xb6: {  	_ =	sfence  }
0xb7: {  	s30 =	sld [smem:$0x0];
	_ =	sdelay $0x2  }
0xb8: {  	s31 =	sshll.u32 s1, $0xD;
	s1 =	sshrl.u32 s1, $0x2  }
0xb9: {  	s3 =	sand.u32 $0x4000, s31;
	s1 =	sadd.s32 s1, s30  }
0xba: {  	s0 =	sor.u32 s3, s0;
	s1 =	sshll.u32 s1, $0x11  }
0xbb: {  	s0 =	sor.u32 s1, s0  }
0xbc: {  	s0 =	sadd.s32 $0x8F2B, s0  }
0xbd: {  	[sflag:s0] =	ssyncadd.remote.s32 $0x1  }
0xbe: {  	_ =	sfence.sel $0xFFFF  }
0xbf: {  	[dreg:$0x0] =	wrdreg $0xFFFFFFFF;
	(pc) =	sbr.abs _section_cstart, $3  }
0xc0: {  	[dreg:$0x1] =	wrdreg $0xFFFFFFFF  }
0xc1: {  	_ =	task.clear_ibuf [dreg:s6], $0x2FFFF;
	_ =	strace $0x9FFFFFFF  }
0xc2: {  	(tm) =	ssettm $0x7FFFFFFF  }
0xc3: {  	_ =	shalt  }
tec
execute0_lowered:
.L_overlay_start_1:
0x0: {  	(tag) =	ssettag $0x1  }
0x1: {  	s0 =	rddreg [dreg:$0x0]  }
0x2: {  	s1 =	rddreg [dreg:$0x1]  }
0x3: {  	s2 =	simm.s32 $0x0;
	s3 =	srdreg.scid;
	s12 =	stileid.u32  }
0x4: {  	s29 =	simm.s32 $0x6;
	s30 =	simm.s32 $0x7;
	s31 =	simm.s32 $0x4  }
0x5: {  	[smem:$0x7FF] =	sst s2;
	s3 =	sand.u32 $0x1, s3;
	s4 =	sadd.s32 $0x1A800, s0  }
0x6: {  	s6 =	smul.u32 $0x1F400, s12;
	s8 =	sadd.s32 $0xCA00, s0;
	s9 =	sadd.s32 $0x2C00, s0  }
0x7: {  	s10 =	sadd.s32 $0x16800, s0;
	s22 =	smul.u32 $0x2710, s12;
	p0 =	sgt.u32 s12, $0x9  }
0x8: {  	s28 =	simm.s32 $0x5;
	_ =	strace $0x8000004A;
	s5 =	smul.u32 $0x138800, s3  }
0x9: {  	s7 =	sshll.u32 s3, $0x4;
	s11 =	ssub.s32 $0x2, s3;
	s3 =	smul.u32 $0x27100, s3  }
0xa: {  	[dreg:$0x3] =	wrdreg s10;
	s7 =	sor.u32 s12, s7;
	s13 =	sshrl.u32 s11, $0x1  }
0xb: {  	s5 =	sadd.s32 s6, s5;
	s7 =	smul.u32 $0x2710, s7;
	s3 =	sadd.s32 s22, s3  }
0xc: {  	s5 =	sshrl.u32 s5, $0x3;
	s25 =	sadd.s32 $0x190, s3;
	s3 =	sadd.s32 $0x140, s3  }
0xd: {  	s0 =	sadd.s32 s5, s0;
	s5 =	ssub.s32 s11, s13;
	s14 =	sshrl.u32 s7, $0x3  }
0xe: {  	s11 =	smul.u32 $0x7D000, s12;
	s26 =	sshrl.u32 s25, $0x3;
	s7 =	sadd.s32 s8, s14  }
0xf: {  	s3 =	sshrl.u32 s3, $0x3;
	s15 =	sadd.s32 s9, s14;
	[dreg:$0x4] =	wrdreg s7  }
0x10: {  	s16 =	sadd.s32 $0xA, s14;
	s0 =	sadd.s32 $0x41A00, s0;
	[dreg:$0x5] =	wrdreg s15  }
0x11: {  	s18 =	sadd.s32 $0x14, s14;
	s5 =	smax.u32 s5, $0x1;
	[dreg:$0xf] =	wrdreg s0  }
0x12: {  	s21 =	sadd.s32 $0x1E, s14;
	s17 =	sadd.s32 s8, s16;
	[dreg:$0x10] =	wrdreg s5  }
0x13: {  	s6 =	sadd.s32 $0x4D8, s14;
	s7 =	sadd.s32 s9, s16;
	[dreg:$0x6] =	wrdreg s17  }
0x14: {  	s22 =	sadd.s32 s3, s8;
	s19 =	sadd.s32 s8, s18;
	[dreg:$0x7] =	wrdreg s7  }
0x15: {  	s20 =	sadd.s32 s9, s18;
	s13 =	sadd.s32 s8, s21;
	[dreg:$0x8] =	wrdreg s19  }
0x16: {  	s23 =	sshrl.u32 s11, $0x2;
	s24 =	sadd.s32 s8, s6;
	[dreg:$0x9] =	wrdreg s20  }
0x17: {  	s6 =	sadd.s32 s9, s6;
	s0 =	simm.s32 $0x1;
	[dreg:$0xa] =	wrdreg s13  }
.Ltmp0:
0x18: {  	s5 =	simm.s32 $0x0;
	[dreg:$0xd] =	wrdreg s24;
	(pc) =	sbr.rel .LBB2_1-.Ltmp0, $4  }
0x19: {  	s7 =	sadd.s32 s9, s21;
	[dreg:$0xe] =	wrdreg s6;
	s19 =	sadd.s32 s26, s9  }
0x1a: {  	s20 =	sadd.s32 s26, s8;
	s21 =	sadd.s32 s3, s9;
	s24 =	simm.s32 $0x13C80  }
0x1b: {  	s3 =	simm.s32 $0x50;
	[dreg:$0xb] =	wrdreg s7;
	s7 =	sadd.s32 s23, s1  }
0x1c: {  	s26 =	simm.s32 $0x14080;
	s23 =	simm.s32 $0x13880;
	[dreg:$0xc] =	wrdreg s7  }
.LBB2_6:
0x1d: {  	_ =	swait.ge [sflag:s29], $0x2800  }
0x1e: {  	[sflag:s29] =	ssyncset.done $0x0  }
0x1f: {  	[sflag:s29] =	ssyncadd.s32 $0xFFFFD800  }
0x20: {  	_ =	swait.ge [sflag:s29], $0x2800  }
0x21: {  	[sflag:s29] =	ssyncset.done $0x0  }
0x22: {  	s8 =	rddreg [dreg:$0xd];
	[sflag:s29] =	ssyncadd.s32 $0xFFFFD800  }
0x23: {  	[tilespmem:s23], [sflag:$0x7] =	stream.linear.gather [hbm4b:s8+s2], $0x50, $0x38;
	[tilespmem:$0x1E080] =	vst v63  }
0x24: {  	_ =	swait.ge [sflag:s30], $0x50  }
0x25: {  	[sflag:s30] =	ssyncset.done $0x0  }
0x26: {  	s18 =	rddreg [dreg:$0xe];
	[sflag:s30] =	ssyncadd.s32 $0xFFFFFFB0  }
0x27: {  	[tilespmem:s24], [sflag:$0x7] =	stream.linear.gather [hbm4b:s18+s2], $0x50, $0x38;
	[tilespmem:$0x1E080] =	vst v63  }
0x28: {  	_ =	swait.ge [sflag:s30], $0x50  }
0x29: {  	[sflag:s30] =	ssyncset.done $0x0  }
0x2a: {  	[sflag:s30] =	ssyncadd.s32 $0xFFFFFFB0  }
0x2b: {  	[tilespmem:s26], [sflag:$0x7] =	stream.indirect.gather [hbm4b:s4+s3], $0x80, s23, s3, $0xb8;
	[tilespmem:$0x1E080] =	vst v63  }
0x2c: {  	_ =	swait.ge [sflag:s30], $0x2800  }
0x2d: {  	[sflag:s30] =	ssyncset.done $0x0  }
0x2e: {  	[sflag:s30] =	ssyncadd.s32 $0xFFFFD800  }
0x2f: {  	[spmem:s1] =	stream.indirect.scatter.add.f32 [tilespmem:s26], [sflag:$0x7], $0x80, s24, s3, $0xb8;
	[tilespmem:$0x1E080] =	vst v63  }
0x30: {  	_ =	swait.ge [sflag:s30], $0x2800  }
0x31: {  	[sflag:s30] =	ssyncset.done $0x0  }
0x32: {  	[sflag:s30] =	ssyncadd.s32 $0xFFFFD800  }
0x33: {  	[bflag:$0x0] =	sbarrier.arrive $0xFFFF  }
0x34: {  	s8 =	rddreg [dreg:$0xf]  }
0x35: {  	[hbm:s8], [sflag:s6] =	dma.local @!p0 [spmem:s7], $0x3E80  }
0x36: {  	s6 =	simm.s32 @!p0 $0x7  }
0x37: {  	_ =	swait.ge @!p0 [sflag:s6], $0x3E80  }
0x38: {  	s5 =	sadd.s32 $0x1, s5;
	s25 =	rddreg [dreg:$0x10]  }
0x39: {  	p1 =	sne.s32 s5, s25  }
.Ltmp1:
0x3a: {  	_ = 	snop;
	(pc) =	sbr.rel @!p1 .LBB2_7-.Ltmp1, $3  }
0x3b: {  	_ =	sdelay $0x1  }
0x3c: {  	[sflag:s6] =	ssyncset.done @!p0 $0x0  }
0x3d: {  	[sflag:s6] =	ssyncadd.s32 @!p0 $0xFFFFC180  }
.LBB2_1:
0x3e: {  	s6 =	rddreg [dreg:$0x4]  }
0x3f: {  	s7 =	rddreg [dreg:$0x5]  }
0x40: {  	s8 =	rddreg [dreg:$0x6]  }
0x41: {  	[tilespmem:s23], [sflag:$0x1] =	stream.linear.gather [hbm4b:s6+s2], $0x50, $0x38;
	[tilespmem:$0x1E080] =	vst v63  }
0x42: {  	s10 =	rddreg [dreg:$0x7]  }
0x43: {  	[tilespmem:s24], [sflag:$0x1] =	stream.linear.gather [hbm4b:s7+s2], $0x50, $0x38;
	[tilespmem:$0x1E080] =	vst v63  }
0x44: {  	s9 =	simm.s32 $0x13900;
	s11 =	rddreg [dreg:$0x8]  }
0x45: {  	[tilespmem:s9], [sflag:$0x1] =	stream.linear.gather [hbm4b:s8+s2], $0x50, $0x38;
	[tilespmem:$0x1E080] =	vst v63  }
0x46: {  	s13 =	rddreg [dreg:$0x9];
	s7 =	simm.s32 $0x13D00  }
0x47: {  	[tilespmem:s7], [sflag:$0x1] =	stream.linear.gather [hbm4b:s10+s2], $0x50, $0x38;
	[tilespmem:$0x1E080] =	vst v63  }
0x48: {  	s12 =	simm.s32 $0x13980;
	s14 =	simm.s32 $0x13D80;
	s15 =	rddreg [dreg:$0xa]  }
0x49: {  	[tilespmem:s12], [sflag:$0x2] =	stream.linear.gather [hbm4b:s11+s2], $0x50, $0x38;
	[tilespmem:$0x1E080] =	vst v63  }
0x4a: {  	s16 =	simm.s32 $0x13A00;
	s17 =	rddreg [dreg:$0xb];
	s6 =	stileid.u32  }
0x4b: {  	[tilespmem:s14], [sflag:$0x2] =	stream.linear.gather [hbm4b:s13+s2], $0x50, $0x38;
	[tilespmem:$0x1E080] =	vst v63  }
0x4c: {  	s18 =	simm.s32 $0x13E00;
	s6 =	sshll.u32 @!p0 s6, $0x6;
	s7 =	rddreg [dreg:$0xc]  }
0x4d: {  	[tilespmem:s16], [sflag:$0x2] =	stream.linear.gather [hbm4b:s15+s2], $0x50, $0x38;
	[tilespmem:$0x1E080] =	vst v63  }
0x4e: {  	s6 =	sor.u32 @!p0 $0x1C07, s6;
	s8 =	rddreg [dreg:$0x3];
	s7 =	sshrl.u32 @!p0 s7, $0x3  }
0x4f: {  	[tilespmem:s18], [sflag:$0x2] =	stream.linear.gather [hbm4b:s17+s2], $0x50, $0x38;
	[tilespmem:$0x1E080] =	vst v63  }
0x50: {  	[spmem:s7], [sflag:s6] =	dma.local @!p0 [hbm:s8], $0x3E80  }
0x51: {  	s8 =	simm.s32 @!p0 $0x7  }
0x52: {  	_ =	swait.ge @!p0 [sflag:s8], $0x3E80  }
0x53: {  	[sflag:s8] =	ssyncset.done @!p0 $0x0  }
0x54: {  	[sflag:s8] =	ssyncadd.s32 @!p0 $0xFFFFC180  }
0x55: {  	_ =	swait.ge [sflag:s0], $0x50  }
0x56: {  	[sflag:s0] =	ssyncset.done $0x0  }
0x57: {  	[sflag:s0] =	ssyncadd.s32 $0xFFFFFFB0  }
0x58: {  	_ =	swait.ge [sflag:s0], $0x50  }
0x59: {  	[sflag:s0] =	ssyncset.done $0x0  }
0x5a: {  	[sflag:s0] =	ssyncadd.s32 $0xFFFFFFB0  }
0x5b: {  	_ =	swait.ge [sflag:s0], $0x50  }
0x5c: {  	[sflag:s0] =	ssyncset.done $0x0  }
0x5d: {  	[sflag:s0] =	ssyncadd.s32 $0xFFFFFFB0  }
0x5e: {  	_ =	swait.ge [sflag:s0], $0x50  }
0x5f: {  	[sflag:s0] =	ssyncset.done $0x0  }
0x60: {  	[sflag:s0] =	ssyncadd.s32 $0xFFFFFFB0  }
0x61: {  	[tilespmem:s26], [sflag:$0x3] =	stream.indirect.gather [hbm4b:s4+s3], $0x80, s23, s3, $0xb8;
	[tilespmem:$0x1E080] =	vst v63  }
.Ltmp2:
0x62: {  	_ = 	snop;
	(pc) =	sbr.rel .LBB2_2-.Ltmp2, $4  }
0x63: {  	s25 =	simm.s32 $0x16880  }
0x64: {  	[tilespmem:s25], [sflag:$0x3] =	stream.indirect.gather [hbm4b:s4+s3], $0x80, s9, s3, $0xb8;
	[tilespmem:$0x1E080] =	vst v63  }
0x65: {  	s10 =	simm.s32 $0x2;
	s11 =	simm.s32 $0x0;
	[bflag:$0x0] =	sbarrier.arrive $0xFFFF  }
0x66: {  	s12 =	simm.s32 $0x0;
	s8 =	simm.s32 $0x200;
	s9 =	simm.s32 $0x400  }
.LBB2_5:
0x67: {  	s11 =	sadd.s32 $0x14, s11  }
0x68: {  	p1 =	sne.s32 s11, $0x4D8  }
.Ltmp3:
0x69: {  	_ = 	snop;
	(pc) =	sbr.rel @!p1 .LBB2_6-.Ltmp3, $3  }
0x6a: {  	_ =	sdelay $0x1  }
0x6b: {  	s12 =	sadd.s32 $0x1, s12  }
0x6c: {  	s8 =	sadd.s32 $0x100, s8;
	s9 =	sadd.s32 $0x400, s9;
	s10 =	sadd.s32 $0x2, s10  }
.LBB2_2:
0x6d: {  	s14 =	sand.u32 $0x1, s12  }
0x6e: {  	p1 =	seq.s32 s14, $0x1  }
0x6f: {  	s15 =	simm.s32 @!p1 $0x3  }
0x70: {  	_ =	swait.ge @!p1 [sflag:s15], $0x2800  }
0x71: {  	s13 =	smul.u32 $0x14000, s14;
	[sflag:s15] =	ssyncset.done @!p1 $0x0  }
0x72: {  	s16 =	sadd.s32 @!p1 $0xFFFFFC00, s9;
	s25 =	simm.s32 @!p1 $0x50;
	[sflag:s15] =	ssyncadd.s32 @!p1 $0xFFFFD800  }
0x73: {  	p2 =	seq.s32 @!p1 s11, $0x0;
	s16 =	sand.u32 @!p1 $0x800, s16;
	_ =	swait.ge @!p1 [sflag:s15], $0x2800  }
0x74: {  	s17 =	sshrl.u32 @!p1 s13, $0x2;
	s16 =	sshrl.u32 @!p1 s16, $0x2;
	[sflag:s15] =	ssyncset.done @!p1 $0x0  }
0x75: {  	s18 =	sadd.s32 @!p1 $0x14080, s17;
	[sflag:s15] =	ssyncadd.s32 @!p1 $0xFFFFD800;
	s15 =	sor.u32 @!p1 $0x13C80, s16  }
0x76: {  	[spmem:s1] =	stream.indirect.scatter.add.f32 @!p1 [tilespmem:s18], [sflag:$0x5], $0x80, s15, s25, $0xb8;
	[tilespmem:$0x1E080] =	vst v63  }
0x77: {  	p2 =	por p2, p1;
	s15 =	sadd.s32 @!p1 $0x16880, s17;
	s17 =	sor.u32 @!p1 $0x13D00, s16  }
0x78: {  	[spmem:s1] =	stream.indirect.scatter.add.f32 @!p1 [tilespmem:s15], [sflag:$0x5], $0x80, s17, s25, $0xb8;
	[tilespmem:$0x1E080] =	vst v63  }
0x79: {  	s15 =	simm.s32 @!p2 $0x6  }
0x7a: {  	_ =	swait.ge @!p2 [sflag:s15], $0x2800  }
0x7b: {  	[sflag:s15] =	ssyncset.done @!p2 $0x0  }
0x7c: {  	[sflag:s15] =	ssyncadd.s32 @!p2 $0xFFFFD800  }
0x7d: {  	_ =	swait.ge @!p2 [sflag:s15], $0x2800  }
0x7e: {  	[sflag:s15] =	ssyncset.done @!p2 $0x0  }
0x7f: {  	[sflag:s15] =	ssyncadd.s32 @!p2 $0xFFFFD800;
	s15 =	simm.s32 @!p1 $0x2  }
0x80: {  	_ =	swait.ge @!p1 [sflag:s15], $0x50  }
0x81: {  	[sflag:s15] =	ssyncset.done @!p1 $0x0  }
0x82: {  	[sflag:s15] =	ssyncadd.s32 @!p1 $0xFFFFFFB0  }
0x83: {  	_ =	swait.ge @!p1 [sflag:s15], $0x50  }
0x84: {  	[sflag:s15] =	ssyncset.done @!p1 $0x0  }
0x85: {  	[sflag:s15] =	ssyncadd.s32 @!p1 $0xFFFFFFB0  }
0x86: {  	_ =	swait.ge @!p1 [sflag:s15], $0x50  }
0x87: {  	[sflag:s15] =	ssyncset.done @!p1 $0x0  }
0x88: {  	[sflag:s15] =	ssyncadd.s32 @!p1 $0xFFFFFFB0  }
0x89: {  	_ =	swait.ge @!p1 [sflag:s15], $0x50  }
0x8a: {  	s17 =	sadd.s32 @!p1 $0x13980, s16;
	[sflag:s15] =	ssyncset.done @!p1 $0x0  }
0x8b: {  	p2 =	sgt.u32 @!p1 s12, $0x3B;
	[sflag:s15] =	ssyncadd.s32 @!p1 $0xFFFFFFB0;
	s15 =	simm.s32 @!p1 $0x19080  }
0x8c: {  	[tilespmem:s15], [sflag:$0x4] =	stream.indirect.gather @!p1 [hbm4b:s4+s25], $0x80, s17, s25, $0xb8;
	[tilespmem:$0x1E080] =	vst v63  }
0x8d: {  	p2 =	por p2, p1;
	s15 =	sadd.s32 @!p1 $0x13A00, s16;
	s16 =	simm.s32 @!p1 $0x1B880  }
0x8e: {  	[tilespmem:s16], [sflag:$0x4] =	stream.indirect.gather @!p1 [hbm4b:s4+s25], $0x80, s15, s25, $0xb8;
	[tilespmem:$0x1E080] =	vst v63  }
0x8f: {  	s15 =	sand.u32 @!p2 $0x200, s8  }
0x90: {  	s18 =	simm.s32 @!p2 $0x0;
	s17 =	sadd.s32 @!p2 s11, s22;
	s16 =	sor.u32 @!p2 $0x13880, s15  }
0x91: {  	[tilespmem:s16], [sflag:$0x1] =	stream.linear.gather @!p2 [hbm4b:s17+s18], $0x50, $0x38;
	[tilespmem:$0x1E080] =	vst v63  }
0x92: {  	s16 =	sor.u32 @!p2 $0x13C80, s15;
	s17 =	sadd.s32 @!p2 s11, s21  }
0x93: {  	[tilespmem:s16], [sflag:$0x1] =	stream.linear.gather @!p2 [hbm4b:s17+s18], $0x50, $0x38;
	[tilespmem:$0x1E080] =	vst v63  }
0x94: {  	s16 =	sor.u32 @!p2 $0x13900, s15;
	s17 =	sadd.s32 @!p2 s11, s20  }
0x95: {  	[tilespmem:s16], [sflag:$0x1] =	stream.linear.gather @!p2 [hbm4b:s17+s18], $0x50, $0x38;
	[tilespmem:$0x1E080] =	vst v63  }
0x96: {  	s15 =	sor.u32 @!p2 $0x13D00, s15;
	s16 =	sadd.s32 @!p2 s11, s19  }
0x97: {  	[tilespmem:s15], [sflag:$0x1] =	stream.linear.gather @!p2 [hbm4b:s16+s18], $0x50, $0x38;
	[tilespmem:$0x1E080] =	vst v63  }
0x98: {  	p2 =	seq.s32 @!p1 s14, $0x0  }
0x99: {  	p1 =	por p1, !p2  }
.Ltmp4:
0x9a: {  	_ = 	snop;
	(pc) =	sbr.rel @!p1 .LBB2_5-.Ltmp4, $1  }
0x9b: {  	_ =	sdelay $0x3  }
0x9c: {  	_ =	swait.ge [sflag:s31], $0x2800  }
0x9d: {  	[sflag:s31] =	ssyncset.done $0x0  }
0x9e: {  	s14 =	sadd.s32 $0xFFFFFC00, s9;
	[sflag:s31] =	ssyncadd.s32 $0xFFFFD800  }
0x9f: {  	s14 =	sand.u32 $0xC00, s14;
	_ =	swait.ge [sflag:s31], $0x2800  }
0xa0: {  	s13 =	sshrl.u32 s13, $0x2;
	s14 =	sshrl.u32 s14, $0x2;
	[sflag:s31] =	ssyncset.done $0x0  }
0xa1: {  	s15 =	sadd.s32 $0x14080, s13;
	s16 =	sor.u32 $0x13C80, s14;
	[sflag:s31] =	ssyncadd.s32 $0xFFFFD800  }
0xa2: {  	[spmem:s1] =	stream.indirect.scatter.add.f32 [tilespmem:s15], [sflag:$0x6], $0x80, s16, s3, $0xb8;
	[tilespmem:$0x1E080] =	vst v63  }
0xa3: {  	s13 =	sadd.s32 $0x16880, s13;
	s14 =	sadd.s32 $0x13D00, s14  }
0xa4: {  	[spmem:s1] =	stream.indirect.scatter.add.f32 [tilespmem:s13], [sflag:$0x6], $0x80, s14, s3, $0xb8;
	[tilespmem:$0x1E080] =	vst v63  }
0xa5: {  	p1 =	seq.s32 s11, $0x4C4;
	_ =	swait.ge [sflag:s28], $0x2800  }
.Ltmp5:
0xa6: {  	[sflag:s28] =	ssyncset.done $0x0;
	(pc) =	sbr.rel @p1 .LBB2_6-.Ltmp5, $4  }
0xa7: {  	[sflag:s28] =	ssyncadd.s32 $0xFFFFD800  }
0xa8: {  	_ =	swait.ge [sflag:s28], $0x2800  }
0xa9: {  	[sflag:s28] =	ssyncset.done $0x0  }
0xaa: {  	[sflag:s28] =	ssyncadd.s32 $0xFFFFD800  }
0xab: {  	_ =	swait.ge [sflag:s0], $0x50  }
0xac: {  	[sflag:s0] =	ssyncset.done $0x0  }
0xad: {  	[sflag:s0] =	ssyncadd.s32 $0xFFFFFFB0  }
0xae: {  	_ =	swait.ge [sflag:s0], $0x50  }
0xaf: {  	[sflag:s0] =	ssyncset.done $0x0  }
0xb0: {  	[sflag:s0] =	ssyncadd.s32 $0xFFFFFFB0  }
0xb1: {  	_ =	swait.ge [sflag:s0], $0x50  }
0xb2: {  	s13 =	sand.u32 $0x2, s10;
	[sflag:s0] =	ssyncset.done $0x0  }
0xb3: {  	s13 =	smul.u32 $0xA000, s13;
	[sflag:s0] =	ssyncadd.s32 $0xFFFFFFB0  }
0xb4: {  	s14 =	sshrl.u32 s9, $0x2;
	_ =	swait.ge [sflag:s0], $0x50  }
0xb5: {  	s14 =	sand.u32 $0x300, s14;
	s13 =	sshrl.u32 s13, $0x2;
	[sflag:s0] =	ssyncset.done $0x0  }
0xb6: {  	s15 =	sor.u32 $0x13880, s14;
	s16 =	sadd.s32 $0x14080, s13;
	[sflag:s0] =	ssyncadd.s32 $0xFFFFFFB0  }
0xb7: {  	[tilespmem:s16], [sflag:$0x3] =	stream.indirect.gather [hbm4b:s4+s3], $0x80, s15, s3, $0xb8;
	[tilespmem:$0x1E080] =	vst v63  }
0xb8: {  	p1 =	sgt.u32 s12, $0x3B;
	s14 =	sadd.s32 $0x13900, s14;
	s13 =	sadd.s32 $0x16880, s13  }
0xb9: {  	[tilespmem:s13], [sflag:$0x3] =	stream.indirect.gather [hbm4b:s4+s3], $0x80, s14, s3, $0xb8;
	[tilespmem:$0x1E080] =	vst v63  }
0xba: {  	s13 =	sand.u32 @!p1 $0x300, s8  }
0xbb: {  	s15 =	sadd.s32 @!p1 s11, s22;
	s16 =	simm.s32 @!p1 $0x0;
	s14 =	sor.u32 @!p1 $0x13880, s13  }
0xbc: {  	[tilespmem:s14], [sflag:$0x2] =	stream.linear.gather @!p1 [hbm4b:s15+s16], $0x50, $0x38;
	[tilespmem:$0x1E080] =	vst v63  }
0xbd: {  	s14 =	sor.u32 @!p1 $0x13C80, s13;
	s15 =	sadd.s32 @!p1 s11, s21  }
0xbe: {  	[tilespmem:s14], [sflag:$0x2] =	stream.linear.gather @!p1 [hbm4b:s15+s16], $0x50, $0x38;
	[tilespmem:$0x1E080] =	vst v63  }
.Ltmp6:
0xbf: {  	_ = 	snop;
	(pc) =	sbr.rel .LBB2_5-.Ltmp6, $4  }
0xc0: {  	s14 =	sadd.s32 @!p1 $0x13900, s13;
	s15 =	sadd.s32 @!p1 s11, s20  }
0xc1: {  	[tilespmem:s14], [sflag:$0x2] =	stream.linear.gather @!p1 [hbm4b:s15+s16], $0x50, $0x38;
	[tilespmem:$0x1E080] =	vst v63  }
0xc2: {  	s13 =	sadd.s32 @!p1 $0x13D00, s13;
	s14 =	sadd.s32 @!p1 s11, s19  }
0xc3: {  	[tilespmem:s13], [sflag:$0x2] =	stream.linear.gather @!p1 [hbm4b:s14+s16], $0x50, $0x38;
	[tilespmem:$0x1E080] =	vst v63  }
.LBB2_7:
0xc4: {  	_ =	sfence.sel $0x180000  }
0xc5: {  	[bflag:$0x0] =	sbarrier.arrive $0xFFFF  }
0xc6: {  	_ =	strace $0x9000004A  }
0xc7: {  	s0 =	stileid.u32;
	[bflag:$0x2] =	sbarrier.arrive $0xFFFF  }
0xc8: {  	p0 =	sne.s32 s0, $0x0;
	s0 =	rddreg [dreg:$0x2]  }
0xc9: {  	s0 =	sadd.s32 @!p0 $0x100000, s0  }
0xca: {  	[sflag:s0] =	ssyncadd.tile.s32 @!p0 $0x1;
	_ =	shalt  }
.Lfunc_end2:
_tile_overlayer_lowered:
.L_overlay_start_2:
0xcb: {  	(tag) =	ssettag $0x2  }
0xcc: {  	s0 =	rddreg [dreg:$0x0];
	s2 =	stileid.u32  }
0xcd: {  	s1 =	rddreg [dreg:$0x1];
	p0 =	sne.s32 s2, $0x0  }
0xce: {  	s3 =	rddreg [dreg:$0x2];
	[bflag:$0x3] =	sbarrier.arrive $0xFFFF;
	s2 =	simm.s32 @!p0 $0x1C07  }
0xcf: {  	[timem:s3], [sflag:s2] =	dma.local @!p0 [hbm:s0], s1  }
0xd0: {  	s0 =	simm.s32 @!p0 $0x7  }
0xd1: {  	_ =	swait.ge @!p0 [sflag:s0], s1  }
0xd2: {  	s1 =	ssub.s32 @!p0 $0x0, s1;
	[sflag:s0] =	ssyncset.done @!p0 $0x0  }
0xd3: {  	[sflag:s0] =	ssyncadd.s32 @!p0 s1  }
0xd4: {  	[bflag:$0x3] =	sbarrier.arrive $0xFFFF  }
0xd5: {  	_ =	shalt  }

// kernel: kernel.17.cloned.1.call-start
scs
__scs_entry_jumppad:
0x0: {  	(pc) =	sbr.rel $0x88, $3  }
0x1: {  	(tag) =	ssettag $0x0;
	lr =	simm.s32 $0x1  }
0x2: {  	[smem:$0x3F93] =	sst lr;
	_ =	strace $0xD0000000  }
0x3: {  	_ = 	snop  }
0x4: {  	_ = 	snop  }
0x5: {  	_ = 	snop  }
0x6: {  	_ = 	snop  }
0x7: {  	_ = 	snop  }
__scs_overlays_trampoline_lowered:
0x8: {  	[smem:$0x3FA2] =	sst s0  }
0x9: {  	[smem:$0x3FA3] =	sst s1  }
0xa: {  	[smem:$0x3FA4] =	sst s2  }
0xb: {  	[smem:$0x3FA5] =	sst s3  }
0xc: {  	[smem:$0x3FA6] =	sst s4  }
0xd: {  	[smem:$0x3FA7] =	sst s5  }
0xe: {  	[smem:$0x3FA8] =	sst s6  }
0xf: {  	[smem:$0x3FA9] =	sst s7  }
0x10: {  	[smem:$0x3FAA] =	sst s8  }
0x11: {  	[smem:$0x3FAB] =	sst s9;
	s0 =	simm.s32 @!p0 $0x0  }
0x12: {  	s1 =	sld [smem:$0x3F91];
	s0 =	simm.s32 @p0 $0x1  }
0x13: {  	[smem:$0x3FAC] =	sst s0;
	s0 =	simm.s32 @!p1 $0x0  }
0x14: {  	s2 =	sld [smem:$0x3F90];
	s0 =	simm.s32 @p1 $0x1  }
0x15: {  	[smem:$0x3FAD] =	sst s0;
	s0 =	simm.s32 @!p2 $0x0  }
0x16: {  	s3 =	sld [smem:$0x3FDB];
	s0 =	simm.s32 @p2 $0x1  }
0x17: {  	s4 =	simm.s32 $0x1BF5;
	[smem:$0x3FAF] =	sst s0  }
0x18: {  	s0 =	sld [smem:$0x3F92];
	_ =	swait.ge [sflag:s4], $0x0  }
0x19: {  	s7 =	sld [smem:$0x3F93]  }
0x1a: {  	s8 =	sadd.s32 $0xFFFFE003, lr  }
0x1b: {  	s9 =	sadd.s32 $0xFFFFFEF7, lr;
	s5 =	simm.s32 $0xFFFFFFFF;
	p2 =	slt.u32 s8, $0xFFFFF086  }
0x1c: {  	p1 =	slt.u32 s9, $0xF7A;
	s5 =	simm.s32 @!p2 $0x0  }
0x1d: {  	s5 =	simm.s32 @p1 $0x1;
	p0 =	seq.s32 s7, s2  }
0x1e: {  	s7 =	smul.u32 @!p0 $0xF7A, s2;
	p2 =	seq.s32 @!p0 s5, $0x0  }
0x1f: {  	s9 =	smul.u32 $0xF7A, s1;
	s8 =	simm.s32 @!p0 $0x1BF5;
	p2 =	por !p2, p0  }
0x20: {  	[sflag:s8] =	ssyncset.s32 @!p0 $0xFFFFF086;
	s6 =	sadd.s32 @!p0 s3, s7;
	s7 =	simm.s32 @!p0 $0x108  }
0x21: {  	s3 =	sadd.s32 s3, s9;
	s6 =	sadd.s32 @!p0 $0x88, s6;
	s7 =	simm.s32 @p2 $0x1082  }
0x22: {  	[simem:s7], [sflag:s8] =	dma.local @!p0 [hbm:s6], $0xF7A  }
0x23: {  	s9 =	sor.u32 $0xD0000000, s2;
	s6 =	simm.s32 $0x108;
	_ =	swait.ge @!p0 [sflag:s8], $0x0  }
0x24: {  	s3 =	sadd.s32 $0x88, s3;
	s6 =	simm.s32 @!p1 $0x1082;
	[sflag:s4] =	ssyncset.s32 $0xFFFFF086  }
0x25: {  	[simem:s6], [sflag:s4] =	dma.local [hbm:s3], $0xF7A  }
0x26: {  	[smem:$0x3F93] =	sst s1;
	(tag) =	ssettag s2;
	_ =	strace s9  }
0x27: {  	s1 =	sld [smem:$0x3FA3]  }
0x28: {  	s2 =	sld [smem:$0x3FA4]  }
0x29: {  	s4 =	sld [smem:$0x3FA6]  }
0x2a: {  	p0 =	seq.s32 s5, $0x0;
	s5 =	sld [smem:$0x3FA7]  }
0x2b: {  	s6 =	sld [smem:$0x3FA8]  }
0x2c: {  	s7 =	sld [smem:$0x3FA9]  }
0x2d: {  	s3 =	simm.s32 $0x108;
	s8 =	sld [smem:$0x3FAA]  }
0x2e: {  	s3 =	simm.s32 @!p0 $0x1082;
	s9 =	sld [smem:$0x3FAB]  }
0x2f: {  	lr =	sadd.s32 s0, s3;
	s0 =	sld [smem:$0x3FA2]  }
0x30: {  	s3 =	sld [smem:$0x3FA5]  }
0x31: {  	[smem:$0x3FAE] =	sst s10  }
0x32: {  	s10 =	sld [smem:$0x3FAC];
	_ =	sdelay $0x3  }
0x33: {  	p0 =	seq.s32 s10, $0x1;
	s10 =	sld [smem:$0x3FAE];
	_ =	sdelay $0x3  }
0x34: {  	[smem:$0x3FAE] =	sst s10  }
0x35: {  	s10 =	sld [smem:$0x3FAD];
	_ =	sdelay $0x3  }
0x36: {  	p1 =	seq.s32 s10, $0x1;
	s10 =	sld [smem:$0x3FAE];
	_ =	sdelay $0x3  }
0x37: {  	[smem:$0x3FAE] =	sst s10  }
0x38: {  	s10 =	sld [smem:$0x3FAF]  }
0x39: {  	_ = 	snop;
	(pc) =	sbr.ind lr, $3  }
0x3a: {  	_ = 	snop  }
0x3b: {  	_ = 	snop  }
0x3c: {  	p2 =	seq.s32 s10, $0x1;
	s10 =	sld [smem:$0x3FAE]  }
0x3d: {  	_ =	shalt  }
0x3e: {  	_ =	shalt  }
0x3f: {  	_ =	shalt  }
0x40: {  	_ =	shalt  }
0x41: {  	_ =	shalt  }
0x42: {  	_ =	shalt  }
0x43: {  	_ =	shalt  }
0x44: {  	_ =	shalt  }
0x45: {  	_ =	shalt  }
0x46: {  	_ =	shalt  }
0x47: {  	_ =	shalt  }
0x48: {  	_ =	shalt  }
0x49: {  	_ =	shalt  }
0x4a: {  	_ =	shalt  }
0x4b: {  	_ =	shalt  }
0x4c: {  	_ =	shalt  }
0x4d: {  	_ =	shalt  }
0x4e: {  	_ =	shalt  }
0x4f: {  	_ =	shalt  }
0x50: {  	_ =	shalt  }
0x51: {  	_ =	shalt  }
0x52: {  	_ =	shalt  }
0x53: {  	_ =	shalt  }
0x54: {  	_ =	shalt  }
0x55: {  	_ =	shalt  }
0x56: {  	_ =	shalt  }
0x57: {  	_ =	shalt  }
0x58: {  	_ =	shalt  }
0x59: {  	_ =	shalt  }
0x5a: {  	_ =	shalt  }
0x5b: {  	_ =	shalt  }
0x5c: {  	_ =	shalt  }
0x5d: {  	_ =	shalt  }
0x5e: {  	_ =	shalt  }
0x5f: {  	_ =	shalt  }
0x60: {  	_ =	shalt  }
0x61: {  	_ =	shalt  }
0x62: {  	_ =	shalt  }
0x63: {  	_ =	shalt  }
0x64: {  	_ =	shalt  }
0x65: {  	_ =	shalt  }
0x66: {  	_ =	shalt  }
0x67: {  	_ =	shalt  }
0x68: {  	_ =	shalt  }
0x69: {  	_ =	shalt  }
0x6a: {  	_ =	shalt  }
0x6b: {  	_ =	shalt  }
0x6c: {  	_ =	shalt  }
0x6d: {  	_ =	shalt  }
0x6e: {  	_ =	shalt  }
0x6f: {  	_ =	shalt  }
0x70: {  	_ =	shalt  }
0x71: {  	_ =	shalt  }
0x72: {  	_ =	shalt  }
0x73: {  	_ =	shalt  }
0x74: {  	_ =	shalt  }
0x75: {  	_ =	shalt  }
0x76: {  	_ =	shalt  }
0x77: {  	_ =	shalt  }
0x78: {  	_ =	shalt  }
0x79: {  	_ =	shalt  }
0x7a: {  	_ =	shalt  }
0x7b: {  	_ =	shalt  }
0x7c: {  	_ =	shalt  }
0x7d: {  	_ =	shalt  }
0x7e: {  	_ =	shalt  }
0x7f: {  	_ =	shalt  }
0x80: {  	_ =	shalt  }
0x81: {  	_ =	shalt  }
0x82: {  	_ =	shalt  }
0x83: {  	_ =	shalt  }
0x84: {  	_ =	shalt  }
0x85: {  	_ =	shalt  }
0x86: {  	_ =	shalt  }
0x87: {  	_ =	shalt  }
.Lfunc_end0:
.L_simem_size_0:
called_computation.2_lowered:
.L_overlay_start_0:
0x88: {  	s2 =	sld [smem:$0x3FD9]  }
0x89: {  	s3 =	sld [smem:$0x3FFE];
	_ =	sdelay $0x1  }
0x8a: {  	s1 =	srdreg.scid  }
0x8b: {  	s0 =	sand.u32 $0x1, s1  }
0x8c: {  	s16 =	sshll.u32 s0, $0xA;
	s2 =	sadd.s32 s3, s2  }
0x8d: {  	s2 =	sadd.s32 s2, s16  }
0x8e: {  	[smem:$0x3FBA] =	sst s2  }
0x8f: {  	_ = 	snop  }
0x90: {  	(tm) =	ssettm $0x1  }
0x91: {  	s17 =	sld [smem:$0x3FFB];
	_ =	sdelay $0x3  }
0x92: {  	_ =	strace s17  }
0x93: {  	s2 =	sld [smem:$0x3FFC];
	_ =	sdelay $0x3  }
0x94: {  	_ =	strace s2  }
0x95: {  	s2 =	sld [smem:$0x3FFD];
	_ =	sdelay $0x3  }
0x96: {  	_ =	strace s2  }
0x97: {  	_ =	strace $0x8FFFFFFF  }
0x98: {  	s18 =	sld [smem:$0x3FDB];
	_ =	sdelay $0x1  }
0x99: {  	s19 =	simm.s32 $_scs_section_size  }
0x9a: {  	s4 =	simm.s32 $_size__tile_overlayer_lowered;
	s5 =	simm.s32 $_tile_overlayer_lowered  }
0x9b: {  	s22 =	simm.s32 $0x1BFF;
	s21 =	sshll.u32 s5, $0x1;
	s2 =	sadd.s32 s19, s18  }
0x9c: {  	s6 =	simm.s32 $0x0;
	s20 =	sshll.u32 s4, $0x1;
	s4 =	sadd.s32 s21, s2  }
0x9d: {  	[timem:s6], [sflag:s22] =	dma.local [hbm:s4], s20  }
0x9e: {  	_ =	swait.ge [sflag:s22], s20  }
0x9f: {  	s3 =	ssub.s32 $0x0, s20;
	[sflag:s22] =	ssyncset.done $0x0  }
0xa0: {  	[sflag:s22] =	ssyncadd.s32 s3;
	_ =	sdelay $0x1  }
0xa1: {  	s23 =	simm.s32 $0x1B8B  }
0xa2: {  	_ =	swait.ge [sflag:s23], $0x1  }
0xa3: {  	[sflag:s23] =	ssyncset.done $0x0  }
0xa4: {  	s25 =	simm.s32 $0x1B8E;
	s24 =	sld [smem:$0x3FFE];
	[sflag:s23] =	ssyncadd.s32 $0xFFFFFFFF  }
0xa5: {  	s26 =	simm.s32 $execute0_lowered;
	[smem:$0x3FD2] =	sst s25  }
0xa6: {  	s4 =	sshll.u32 s26, $0x1;
	_ =	strace $0x8000004C;
	[dreg:$0x1] =	wrdreg $0xFFFFFFFF  }
0xa7: {  	s28 =	simm.s32 $_size_execute0_lowered;
	s2 =	sadd.s32 s2, s4;
	[dreg:$0x0] =	wrdreg $0x0  }
0xa8: {  	s4 =	sshll.u32 s28, $0x1;
	[dreg:$0x2] =	wrdreg s2  }
0xa9: {  	[dreg:$0x3] =	wrdreg s4  }
0xaa: {  	[dreg:$0x4] =	wrdreg $0xC0  }
0xab: {  	_ =	task [dreg:s6], $0x5FFFF  }
0xac: {  	[dreg:$0x1] =	wrdreg $0xFFFFFFFF  }
0xad: {  	[dreg:$0x0] =	wrdreg $0x60  }
0xae: {  	[dreg:$0x2] =	wrdreg s24  }
0xaf: {  	[dreg:$0x3] =	wrdreg $0x0  }
0xb0: {  	[dreg:$0x4] =	wrdreg $0x9  }
0xb1: {  	_ =	task.clear_ibuf [dreg:s6], $0x5FFFF;
	_ =	strace $0x9000004C  }
0xb2: {  	s29 =	simm.s32 $0x9;
	_ =	strace $0x8000004E  }
0xb3: {  	_ =	swait.ge [sflag:s29], $0x1  }
0xb4: {  	[sflag:s29] =	ssyncadd.s32 $0xFFFFFFFF  }
0xb5: {  	_ =	strace $0x9000004E  }
0xb6: {  	_ =	sfence  }
0xb7: {  	s30 =	sld [smem:$0x0];
	_ =	sdelay $0x2  }
0xb8: {  	s31 =	sshll.u32 s1, $0xD;
	s1 =	sshrl.u32 s1, $0x2  }
0xb9: {  	s3 =	sand.u32 $0x4000, s31;
	s1 =	sadd.s32 s1, s30  }
0xba: {  	s0 =	sor.u32 s3, s0;
	s1 =	sshll.u32 s1, $0x11  }
0xbb: {  	s0 =	sor.u32 s1, s0  }
0xbc: {  	s0 =	sadd.s32 $0x8F2B, s0  }
0xbd: {  	[sflag:s0] =	ssyncadd.remote.s32 $0x1  }
0xbe: {  	_ =	sfence.sel $0xFFFF  }
0xbf: {  	[dreg:$0x0] =	wrdreg $0xFFFFFFFF;
	(pc) =	sbr.abs _section_cstart, $3  }
0xc0: {  	[dreg:$0x1] =	wrdreg $0xFFFFFFFF  }
0xc1: {  	_ =	task.clear_ibuf [dreg:s6], $0x2FFFF;
	_ =	strace $0x9FFFFFFF  }
0xc2: {  	(tm) =	ssettm $0x7FFFFFFF  }
0xc3: {  	_ =	shalt  }
tec
execute0_lowered:
.L_overlay_start_1:
0x0: {  	(tag) =	ssettag $0x1  }
0x1: {  	s0 =	rddreg [dreg:$0x0]  }
0x2: {  	s1 =	rddreg [dreg:$0x1]  }
0x3: {  	s2 =	simm.s32 $0x0;
	s3 =	srdreg.scid;
	s12 =	stileid.u32  }
0x4: {  	s29 =	simm.s32 $0x6;
	s30 =	simm.s32 $0x7;
	s31 =	simm.s32 $0x4  }
0x5: {  	[smem:$0x7FF] =	sst s2;
	s3 =	sand.u32 $0x1, s3;
	s4 =	sadd.s32 $0x1A800, s0  }
0x6: {  	s6 =	smul.u32 $0x1F400, s12;
	s8 =	sadd.s32 $0xCA00, s0;
	s9 =	sadd.s32 $0x2C00, s0  }
0x7: {  	s10 =	sadd.s32 $0x16800, s0;
	s22 =	smul.u32 $0x2710, s12;
	p0 =	sgt.u32 s12, $0x9  }
0x8: {  	s28 =	simm.s32 $0x5;
	_ =	strace $0x8000004D;
	s5 =	smul.u32 $0x138800, s3  }
0x9: {  	s7 =	sshll.u32 s3, $0x4;
	s11 =	ssub.s32 $0x2, s3;
	s3 =	smul.u32 $0x27100, s3  }
0xa: {  	[dreg:$0x3] =	wrdreg s10;
	s7 =	sor.u32 s12, s7;
	s13 =	sshrl.u32 s11, $0x1  }
0xb: {  	s5 =	sadd.s32 s6, s5;
	s7 =	smul.u32 $0x2710, s7;
	s3 =	sadd.s32 s22, s3  }
0xc: {  	s5 =	sshrl.u32 s5, $0x3;
	s25 =	sadd.s32 $0x190, s3;
	s3 =	sadd.s32 $0x140, s3  }
0xd: {  	s0 =	sadd.s32 s5, s0;
	s5 =	ssub.s32 s11, s13;
	s14 =	sshrl.u32 s7, $0x3  }
0xe: {  	s11 =	smul.u32 $0x7D000, s12;
	s26 =	sshrl.u32 s25, $0x3;
	s7 =	sadd.s32 s8, s14  }
0xf: {  	s3 =	sshrl.u32 s3, $0x3;
	s15 =	sadd.s32 s9, s14;
	[dreg:$0x4] =	wrdreg s7  }
0x10: {  	s16 =	sadd.s32 $0xA, s14;
	s0 =	sadd.s32 $0x41A00, s0;
	[dreg:$0x5] =	wrdreg s15  }
0x11: {  	s18 =	sadd.s32 $0x14, s14;
	s5 =	smax.u32 s5, $0x1;
	[dreg:$0xf] =	wrdreg s0  }
0x12: {  	s21 =	sadd.s32 $0x1E, s14;
	s17 =	sadd.s32 s8, s16;
	[dreg:$0x10] =	wrdreg s5  }
0x13: {  	s6 =	sadd.s32 $0x4D8, s14;
	s7 =	sadd.s32 s9, s16;
	[dreg:$0x6] =	wrdreg s17  }
0x14: {  	s22 =	sadd.s32 s3, s8;
	s19 =	sadd.s32 s8, s18;
	[dreg:$0x7] =	wrdreg s7  }
0x15: {  	s20 =	sadd.s32 s9, s18;
	s13 =	sadd.s32 s8, s21;
	[dreg:$0x8] =	wrdreg s19  }
0x16: {  	s23 =	sshrl.u32 s11, $0x2;
	s24 =	sadd.s32 s8, s6;
	[dreg:$0x9] =	wrdreg s20  }
0x17: {  	s6 =	sadd.s32 s9, s6;
	s0 =	simm.s32 $0x1;
	[dreg:$0xa] =	wrdreg s13  }
.Ltmp0:
0x18: {  	s5 =	simm.s32 $0x0;
	[dreg:$0xd] =	wrdreg s24;
	(pc) =	sbr.rel .LBB2_1-.Ltmp0, $4  }
0x19: {  	s7 =	sadd.s32 s9, s21;
	[dreg:$0xe] =	wrdreg s6;
	s19 =	sadd.s32 s26, s9  }
0x1a: {  	s20 =	sadd.s32 s26, s8;
	s21 =	sadd.s32 s3, s9;
	s24 =	simm.s32 $0x13C80  }
0x1b: {  	s3 =	simm.s32 $0x50;
	[dreg:$0xb] =	wrdreg s7;
	s7 =	sadd.s32 s23, s1  }
0x1c: {  	s26 =	simm.s32 $0x14080;
	s23 =	simm.s32 $0x13880;
	[dreg:$0xc] =	wrdreg s7  }
.LBB2_6:
0x1d: {  	_ =	swait.ge [sflag:s29], $0x2800  }
0x1e: {  	[sflag:s29] =	ssyncset.done $0x0  }
0x1f: {  	[sflag:s29] =	ssyncadd.s32 $0xFFFFD800  }
0x20: {  	_ =	swait.ge [sflag:s29], $0x2800  }
0x21: {  	[sflag:s29] =	ssyncset.done $0x0  }
0x22: {  	s8 =	rddreg [dreg:$0xd];
	[sflag:s29] =	ssyncadd.s32 $0xFFFFD800  }
0x23: {  	[tilespmem:s23], [sflag:$0x7] =	stream.linear.gather [hbm4b:s8+s2], $0x50, $0x38;
	[tilespmem:$0x1E080] =	vst v63  }
0x24: {  	_ =	swait.ge [sflag:s30], $0x50  }
0x25: {  	[sflag:s30] =	ssyncset.done $0x0  }
0x26: {  	s18 =	rddreg [dreg:$0xe];
	[sflag:s30] =	ssyncadd.s32 $0xFFFFFFB0  }
0x27: {  	[tilespmem:s24], [sflag:$0x7] =	stream.linear.gather [hbm4b:s18+s2], $0x50, $0x38;
	[tilespmem:$0x1E080] =	vst v63  }
0x28: {  	_ =	swait.ge [sflag:s30], $0x50  }
0x29: {  	[sflag:s30] =	ssyncset.done $0x0  }
0x2a: {  	[sflag:s30] =	ssyncadd.s32 $0xFFFFFFB0  }
0x2b: {  	[tilespmem:s26], [sflag:$0x7] =	stream.indirect.gather [hbm4b:s4+s3], $0x80, s23, s3, $0xb8;
	[tilespmem:$0x1E080] =	vst v63  }
0x2c: {  	_ =	swait.ge [sflag:s30], $0x2800  }
0x2d: {  	[sflag:s30] =	ssyncset.done $0x0  }
0x2e: {  	[sflag:s30] =	ssyncadd.s32 $0xFFFFD800  }
0x2f: {  	[spmem:s1] =	stream.indirect.scatter.add.f32 [tilespmem:s26], [sflag:$0x7], $0x80, s24, s3, $0xb8;
	[tilespmem:$0x1E080] =	vst v63  }
0x30: {  	_ =	swait.ge [sflag:s30], $0x2800  }
0x31: {  	[sflag:s30] =	ssyncset.done $0x0  }
0x32: {  	[sflag:s30] =	ssyncadd.s32 $0xFFFFD800  }
0x33: {  	[bflag:$0x0] =	sbarrier.arrive $0xFFFF  }
0x34: {  	s8 =	rddreg [dreg:$0xf]  }
0x35: {  	[hbm:s8], [sflag:s6] =	dma.local @!p0 [spmem:s7], $0x3E80  }
0x36: {  	s6 =	simm.s32 @!p0 $0x7  }
0x37: {  	_ =	swait.ge @!p0 [sflag:s6], $0x3E80  }
0x38: {  	s5 =	sadd.s32 $0x1, s5;
	s25 =	rddreg [dreg:$0x10]  }
0x39: {  	p1 =	sne.s32 s5, s25  }
.Ltmp1:
0x3a: {  	_ = 	snop;
	(pc) =	sbr.rel @!p1 .LBB2_7-.Ltmp1, $3  }
0x3b: {  	_ =	sdelay $0x1  }
0x3c: {  	[sflag:s6] =	ssyncset.done @!p0 $0x0  }
0x3d: {  	[sflag:s6] =	ssyncadd.s32 @!p0 $0xFFFFC180  }
.LBB2_1:
0x3e: {  	s6 =	rddreg [dreg:$0x4]  }
0x3f: {  	s7 =	rddreg [dreg:$0x5]  }
0x40: {  	s8 =	rddreg [dreg:$0x6]  }
0x41: {  	[tilespmem:s23], [sflag:$0x1] =	stream.linear.gather [hbm4b:s6+s2], $0x50, $0x38;
	[tilespmem:$0x1E080] =	vst v63  }
0x42: {  	s10 =	rddreg [dreg:$0x7]  }
0x43: {  	[tilespmem:s24], [sflag:$0x1] =	stream.linear.gather [hbm4b:s7+s2], $0x50, $0x38;
	[tilespmem:$0x1E080] =	vst v63  }
0x44: {  	s9 =	simm.s32 $0x13900;
	s11 =	rddreg [dreg:$0x8]  }
0x45: {  	[tilespmem:s9], [sflag:$0x1] =	stream.linear.gather [hbm4b:s8+s2], $0x50, $0x38;
	[tilespmem:$0x1E080] =	vst v63  }
0x46: {  	s13 =	rddreg [dreg:$0x9];
	s7 =	simm.s32 $0x13D00  }
0x47: {  	[tilespmem:s7], [sflag:$0x1] =	stream.linear.gather [hbm4b:s10+s2], $0x50, $0x38;
	[tilespmem:$0x1E080] =	vst v63  }
0x48: {  	s12 =	simm.s32 $0x13980;
	s14 =	simm.s32 $0x13D80;
	s15 =	rddreg [dreg:$0xa]  }
0x49: {  	[tilespmem:s12], [sflag:$0x2] =	stream.linear.gather [hbm4b:s11+s2], $0x50, $0x38;
	[tilespmem:$0x1E080] =	vst v63  }
0x4a: {  	s16 =	simm.s32 $0x13A00;
	s17 =	rddreg [dreg:$0xb];
	s6 =	stileid.u32  }
0x4b: {  	[tilespmem:s14], [sflag:$0x2] =	stream.linear.gather [hbm4b:s13+s2], $0x50, $0x38;
	[tilespmem:$0x1E080] =	vst v63  }
0x4c: {  	s18 =	simm.s32 $0x13E00;
	s6 =	sshll.u32 @!p0 s6, $0x6;
	s7 =	rddreg [dreg:$0xc]  }
0x4d: {  	[tilespmem:s16], [sflag:$0x2] =	stream.linear.gather [hbm4b:s15+s2], $0x50, $0x38;
	[tilespmem:$0x1E080] =	vst v63  }
0x4e: {  	s6 =	sor.u32 @!p0 $0x1C07, s6;
	s8 =	rddreg [dreg:$0x3];
	s7 =	sshrl.u32 @!p0 s7, $0x3  }
0x4f: {  	[tilespmem:s18], [sflag:$0x2] =	stream.linear.gather [hbm4b:s17+s2], $0x50, $0x38;
	[tilespmem:$0x1E080] =	vst v63  }
0x50: {  	[spmem:s7], [sflag:s6] =	dma.local @!p0 [hbm:s8], $0x3E80  }
0x51: {  	s8 =	simm.s32 @!p0 $0x7  }
0x52: {  	_ =	swait.ge @!p0 [sflag:s8], $0x3E80  }
0x53: {  	[sflag:s8] =	ssyncset.done @!p0 $0x0  }
0x54: {  	[sflag:s8] =	ssyncadd.s32 @!p0 $0xFFFFC180  }
0x55: {  	_ =	swait.ge [sflag:s0], $0x50  }
0x56: {  	[sflag:s0] =	ssyncset.done $0x0  }
0x57: {  	[sflag:s0] =	ssyncadd.s32 $0xFFFFFFB0  }
0x58: {  	_ =	swait.ge [sflag:s0], $0x50  }
0x59: {  	[sflag:s0] =	ssyncset.done $0x0  }
0x5a: {  	[sflag:s0] =	ssyncadd.s32 $0xFFFFFFB0  }
0x5b: {  	_ =	swait.ge [sflag:s0], $0x50  }
0x5c: {  	[sflag:s0] =	ssyncset.done $0x0  }
0x5d: {  	[sflag:s0] =	ssyncadd.s32 $0xFFFFFFB0  }
0x5e: {  	_ =	swait.ge [sflag:s0], $0x50  }
0x5f: {  	[sflag:s0] =	ssyncset.done $0x0  }
0x60: {  	[sflag:s0] =	ssyncadd.s32 $0xFFFFFFB0  }
0x61: {  	[tilespmem:s26], [sflag:$0x3] =	stream.indirect.gather [hbm4b:s4+s3], $0x80, s23, s3, $0xb8;
	[tilespmem:$0x1E080] =	vst v63  }
.Ltmp2:
0x62: {  	_ = 	snop;
	(pc) =	sbr.rel .LBB2_2-.Ltmp2, $4  }
0x63: {  	s25 =	simm.s32 $0x16880  }
0x64: {  	[tilespmem:s25], [sflag:$0x3] =	stream.indirect.gather [hbm4b:s4+s3], $0x80, s9, s3, $0xb8;
	[tilespmem:$0x1E080] =	vst v63  }
0x65: {  	s10 =	simm.s32 $0x2;
	s11 =	simm.s32 $0x0;
	[bflag:$0x0] =	sbarrier.arrive $0xFFFF  }
0x66: {  	s12 =	simm.s32 $0x0;
	s8 =	simm.s32 $0x200;
	s9 =	simm.s32 $0x400  }
.LBB2_5:
0x67: {  	s11 =	sadd.s32 $0x14, s11  }
0x68: {  	p1 =	sne.s32 s11, $0x4D8  }
.Ltmp3:
0x69: {  	_ = 	snop;
	(pc) =	sbr.rel @!p1 .LBB2_6-.Ltmp3, $3  }
0x6a: {  	_ =	sdelay $0x1  }
0x6b: {  	s12 =	sadd.s32 $0x1, s12  }
0x6c: {  	s8 =	sadd.s32 $0x100, s8;
	s9 =	sadd.s32 $0x400, s9;
	s10 =	sadd.s32 $0x2, s10  }
.LBB2_2:
0x6d: {  	s14 =	sand.u32 $0x1, s12  }
0x6e: {  	p1 =	seq.s32 s14, $0x1  }
0x6f: {  	s15 =	simm.s32 @!p1 $0x3  }
0x70: {  	_ =	swait.ge @!p1 [sflag:s15], $0x2800  }
0x71: {  	s13 =	smul.u32 $0x14000, s14;
	[sflag:s15] =	ssyncset.done @!p1 $0x0  }
0x72: {  	s16 =	sadd.s32 @!p1 $0xFFFFFC00, s9;
	s25 =	simm.s32 @!p1 $0x50;
	[sflag:s15] =	ssyncadd.s32 @!p1 $0xFFFFD800  }
0x73: {  	p2 =	seq.s32 @!p1 s11, $0x0;
	s16 =	sand.u32 @!p1 $0x800, s16;
	_ =	swait.ge @!p1 [sflag:s15], $0x2800  }
0x74: {  	s17 =	sshrl.u32 @!p1 s13, $0x2;
	s16 =	sshrl.u32 @!p1 s16, $0x2;
	[sflag:s15] =	ssyncset.done @!p1 $0x0  }
0x75: {  	s18 =	sadd.s32 @!p1 $0x14080, s17;
	[sflag:s15] =	ssyncadd.s32 @!p1 $0xFFFFD800;
	s15 =	sor.u32 @!p1 $0x13C80, s16  }
0x76: {  	[spmem:s1] =	stream.indirect.scatter.add.f32 @!p1 [tilespmem:s18], [sflag:$0x5], $0x80, s15, s25, $0xb8;
	[tilespmem:$0x1E080] =	vst v63  }
0x77: {  	p2 =	por p2, p1;
	s15 =	sadd.s32 @!p1 $0x16880, s17;
	s17 =	sor.u32 @!p1 $0x13D00, s16  }
0x78: {  	[spmem:s1] =	stream.indirect.scatter.add.f32 @!p1 [tilespmem:s15], [sflag:$0x5], $0x80, s17, s25, $0xb8;
	[tilespmem:$0x1E080] =	vst v63  }
0x79: {  	s15 =	simm.s32 @!p2 $0x6  }
0x7a: {  	_ =	swait.ge @!p2 [sflag:s15], $0x2800  }
0x7b: {  	[sflag:s15] =	ssyncset.done @!p2 $0x0  }
0x7c: {  	[sflag:s15] =	ssyncadd.s32 @!p2 $0xFFFFD800  }
0x7d: {  	_ =	swait.ge @!p2 [sflag:s15], $0x2800  }
0x7e: {  	[sflag:s15] =	ssyncset.done @!p2 $0x0  }
0x7f: {  	[sflag:s15] =	ssyncadd.s32 @!p2 $0xFFFFD800;
	s15 =	simm.s32 @!p1 $0x2  }
0x80: {  	_ =	swait.ge @!p1 [sflag:s15], $0x50  }
0x81: {  	[sflag:s15] =	ssyncset.done @!p1 $0x0  }
0x82: {  	[sflag:s15] =	ssyncadd.s32 @!p1 $0xFFFFFFB0  }
0x83: {  	_ =	swait.ge @!p1 [sflag:s15], $0x50  }
0x84: {  	[sflag:s15] =	ssyncset.done @!p1 $0x0  }
0x85: {  	[sflag:s15] =	ssyncadd.s32 @!p1 $0xFFFFFFB0  }
0x86: {  	_ =	swait.ge @!p1 [sflag:s15], $0x50  }
0x87: {  	[sflag:s15] =	ssyncset.done @!p1 $0x0  }
0x88: {  	[sflag:s15] =	ssyncadd.s32 @!p1 $0xFFFFFFB0  }
0x89: {  	_ =	swait.ge @!p1 [sflag:s15], $0x50  }
0x8a: {  	s17 =	sadd.s32 @!p1 $0x13980, s16;
	[sflag:s15] =	ssyncset.done @!p1 $0x0  }
0x8b: {  	p2 =	sgt.u32 @!p1 s12, $0x3B;
	[sflag:s15] =	ssyncadd.s32 @!p1 $0xFFFFFFB0;
	s15 =	simm.s32 @!p1 $0x19080  }
0x8c: {  	[tilespmem:s15], [sflag:$0x4] =	stream.indirect.gather @!p1 [hbm4b:s4+s25], $0x80, s17, s25, $0xb8;
	[tilespmem:$0x1E080] =	vst v63  }
0x8d: {  	p2 =	por p2, p1;
	s15 =	sadd.s32 @!p1 $0x13A00, s16;
	s16 =	simm.s32 @!p1 $0x1B880  }
0x8e: {  	[tilespmem:s16], [sflag:$0x4] =	stream.indirect.gather @!p1 [hbm4b:s4+s25], $0x80, s15, s25, $0xb8;
	[tilespmem:$0x1E080] =	vst v63  }
0x8f: {  	s15 =	sand.u32 @!p2 $0x200, s8  }
0x90: {  	s18 =	simm.s32 @!p2 $0x0;
	s17 =	sadd.s32 @!p2 s11, s22;
	s16 =	sor.u32 @!p2 $0x13880, s15  }
0x91: {  	[tilespmem:s16], [sflag:$0x1] =	stream.linear.gather @!p2 [hbm4b:s17+s18], $0x50, $0x38;
	[tilespmem:$0x1E080] =	vst v63  }
0x92: {  	s16 =	sor.u32 @!p2 $0x13C80, s15;
	s17 =	sadd.s32 @!p2 s11, s21  }
0x93: {  	[tilespmem:s16], [sflag:$0x1] =	stream.linear.gather @!p2 [hbm4b:s17+s18], $0x50, $0x38;
	[tilespmem:$0x1E080] =	vst v63  }
0x94: {  	s16 =	sor.u32 @!p2 $0x13900, s15;
	s17 =	sadd.s32 @!p2 s11, s20  }
0x95: {  	[tilespmem:s16], [sflag:$0x1] =	stream.linear.gather @!p2 [hbm4b:s17+s18], $0x50, $0x38;
	[tilespmem:$0x1E080] =	vst v63  }
0x96: {  	s15 =	sor.u32 @!p2 $0x13D00, s15;
	s16 =	sadd.s32 @!p2 s11, s19  }
0x97: {  	[tilespmem:s15], [sflag:$0x1] =	stream.linear.gather @!p2 [hbm4b:s16+s18], $0x50, $0x38;
	[tilespmem:$0x1E080] =	vst v63  }
0x98: {  	p2 =	seq.s32 @!p1 s14, $0x0  }
0x99: {  	p1 =	por p1, !p2  }
.Ltmp4:
0x9a: {  	_ = 	snop;
	(pc) =	sbr.rel @!p1 .LBB2_5-.Ltmp4, $1  }
0x9b: {  	_ =	sdelay $0x3  }
0x9c: {  	_ =	swait.ge [sflag:s31], $0x2800  }
0x9d: {  	[sflag:s31] =	ssyncset.done $0x0  }
0x9e: {  	s14 =	sadd.s32 $0xFFFFFC00, s9;
	[sflag:s31] =	ssyncadd.s32 $0xFFFFD800  }
0x9f: {  	s14 =	sand.u32 $0xC00, s14;
	_ =	swait.ge [sflag:s31], $0x2800  }
0xa0: {  	s13 =	sshrl.u32 s13, $0x2;
	s14 =	sshrl.u32 s14, $0x2;
	[sflag:s31] =	ssyncset.done $0x0  }
0xa1: {  	s15 =	sadd.s32 $0x14080, s13;
	s16 =	sor.u32 $0x13C80, s14;
	[sflag:s31] =	ssyncadd.s32 $0xFFFFD800  }
0xa2: {  	[spmem:s1] =	stream.indirect.scatter.add.f32 [tilespmem:s15], [sflag:$0x6], $0x80, s16, s3, $0xb8;
	[tilespmem:$0x1E080] =	vst v63  }
0xa3: {  	s13 =	sadd.s32 $0x16880, s13;
	s14 =	sadd.s32 $0x13D00, s14  }
0xa4: {  	[spmem:s1] =	stream.indirect.scatter.add.f32 [tilespmem:s13], [sflag:$0x6], $0x80, s14, s3, $0xb8;
	[tilespmem:$0x1E080] =	vst v63  }
0xa5: {  	p1 =	seq.s32 s11, $0x4C4;
	_ =	swait.ge [sflag:s28], $0x2800  }
.Ltmp5:
0xa6: {  	[sflag:s28] =	ssyncset.done $0x0;
	(pc) =	sbr.rel @p1 .LBB2_6-.Ltmp5, $4  }
0xa7: {  	[sflag:s28] =	ssyncadd.s32 $0xFFFFD800  }
0xa8: {  	_ =	swait.ge [sflag:s28], $0x2800  }
0xa9: {  	[sflag:s28] =	ssyncset.done $0x0  }
0xaa: {  	[sflag:s28] =	ssyncadd.s32 $0xFFFFD800  }
0xab: {  	_ =	swait.ge [sflag:s0], $0x50  }
0xac: {  	[sflag:s0] =	ssyncset.done $0x0  }
0xad: {  	[sflag:s0] =	ssyncadd.s32 $0xFFFFFFB0  }
0xae: {  	_ =	swait.ge [sflag:s0], $0x50  }
0xaf: {  	[sflag:s0] =	ssyncset.done $0x0  }
0xb0: {  	[sflag:s0] =	ssyncadd.s32 $0xFFFFFFB0  }
0xb1: {  	_ =	swait.ge [sflag:s0], $0x50  }
0xb2: {  	s13 =	sand.u32 $0x2, s10;
	[sflag:s0] =	ssyncset.done $0x0  }
0xb3: {  	s13 =	smul.u32 $0xA000, s13;
	[sflag:s0] =	ssyncadd.s32 $0xFFFFFFB0  }
0xb4: {  	s14 =	sshrl.u32 s9, $0x2;
	_ =	swait.ge [sflag:s0], $0x50  }
0xb5: {  	s14 =	sand.u32 $0x300, s14;
	s13 =	sshrl.u32 s13, $0x2;
	[sflag:s0] =	ssyncset.done $0x0  }
0xb6: {  	s15 =	sor.u32 $0x13880, s14;
	s16 =	sadd.s32 $0x14080, s13;
	[sflag:s0] =	ssyncadd.s32 $0xFFFFFFB0  }
0xb7: {  	[tilespmem:s16], [sflag:$0x3] =	stream.indirect.gather [hbm4b:s4+s3], $0x80, s15, s3, $0xb8;
	[tilespmem:$0x1E080] =	vst v63  }
0xb8: {  	p1 =	sgt.u32 s12, $0x3B;
	s14 =	sadd.s32 $0x13900, s14;
	s13 =	sadd.s32 $0x16880, s13  }
0xb9: {  	[tilespmem:s13], [sflag:$0x3] =	stream.indirect.gather [hbm4b:s4+s3], $0x80, s14, s3, $0xb8;
	[tilespmem:$0x1E080] =	vst v63  }
0xba: {  	s13 =	sand.u32 @!p1 $0x300, s8  }
0xbb: {  	s15 =	sadd.s32 @!p1 s11, s22;
	s16 =	simm.s32 @!p1 $0x0;
	s14 =	sor.u32 @!p1 $0x13880, s13  }
0xbc: {  	[tilespmem:s14], [sflag:$0x2] =	stream.linear.gather @!p1 [hbm4b:s15+s16], $0x50, $0x38;
	[tilespmem:$0x1E080] =	vst v63  }
0xbd: {  	s14 =	sor.u32 @!p1 $0x13C80, s13;
	s15 =	sadd.s32 @!p1 s11, s21  }
0xbe: {  	[tilespmem:s14], [sflag:$0x2] =	stream.linear.gather @!p1 [hbm4b:s15+s16], $0x50, $0x38;
	[tilespmem:$0x1E080] =	vst v63  }
.Ltmp6:
0xbf: {  	_ = 	snop;
	(pc) =	sbr.rel .LBB2_5-.Ltmp6, $4  }
0xc0: {  	s14 =	sadd.s32 @!p1 $0x13900, s13;
	s15 =	sadd.s32 @!p1 s11, s20  }
0xc1: {  	[tilespmem:s14], [sflag:$0x2] =	stream.linear.gather @!p1 [hbm4b:s15+s16], $0x50, $0x38;
	[tilespmem:$0x1E080] =	vst v63  }
0xc2: {  	s13 =	sadd.s32 @!p1 $0x13D00, s13;
	s14 =	sadd.s32 @!p1 s11, s19  }
0xc3: {  	[tilespmem:s13], [sflag:$0x2] =	stream.linear.gather @!p1 [hbm4b:s14+s16], $0x50, $0x38;
	[tilespmem:$0x1E080] =	vst v63  }
.LBB2_7:
0xc4: {  	_ =	sfence.sel $0x180000  }
0xc5: {  	[bflag:$0x0] =	sbarrier.arrive $0xFFFF  }
0xc6: {  	_ =	strace $0x9000004D  }
0xc7: {  	s0 =	stileid.u32;
	[bflag:$0x2] =	sbarrier.arrive $0xFFFF  }
0xc8: {  	p0 =	sne.s32 s0, $0x0;
	s0 =	rddreg [dreg:$0x2]  }
0xc9: {  	s0 =	sadd.s32 @!p0 $0x100000, s0  }
0xca: {  	[sflag:s0] =	ssyncadd.tile.s32 @!p0 $0x1;
	_ =	shalt  }
.Lfunc_end2:
_tile_overlayer_lowered:
.L_overlay_start_2:
0xcb: {  	(tag) =	ssettag $0x2  }
0xcc: {  	s0 =	rddreg [dreg:$0x0];
	s2 =	stileid.u32  }
0xcd: {  	s1 =	rddreg [dreg:$0x1];
	p0 =	sne.s32 s2, $0x0  }
0xce: {  	s3 =	rddreg [dreg:$0x2];
	[bflag:$0x3] =	sbarrier.arrive $0xFFFF;
	s2 =	simm.s32 @!p0 $0x1C07  }
0xcf: {  	[timem:s3], [sflag:s2] =	dma.local @!p0 [hbm:s0], s1  }
0xd0: {  	s0 =	simm.s32 @!p0 $0x7  }
0xd1: {  	_ =	swait.ge @!p0 [sflag:s0], s1  }
0xd2: {  	s1 =	ssub.s32 @!p0 $0x0, s1;
	[sflag:s0] =	ssyncset.done @!p0 $0x0  }
0xd3: {  	[sflag:s0] =	ssyncadd.s32 @!p0 s1  }
0xd4: {  	[bflag:$0x3] =	sbarrier.arrive $0xFFFF  }
0xd5: {  	_ =	shalt  }

</sc_bundles>
